<compile_context>
chip_gen: v7x
topology: tpu7x:2x2x1
jax: 0.10.2.dev20260603
libtpu: 0.0.44.dev20260713+nightly
codegen_flags: <defaults>
</compile_context>

<pallas_src>
import functools

import jax
import jax.numpy as jnp
from jax import lax
from jax.experimental import pallas as pl
from jax.experimental.pallas import tpu as pltpu
from jax.experimental.pallas import tpu_sc as plsc

H, W, D = 64, 128, 128
NROW = H * W
NBLK = 64
RPB = NROW // NBLK
NGRID = 8
GRB = NROW // NGRID
NCH = 3
NS = 16
NVOX = H * W * D


def _stats_body(y1_ref, y2_ref, y3_ref, s1_ref, s2_ref, s3_ref,
                rowcnt_ref, mom_ref, blk_ref, code_ref):
    b = pl.program_id(0)

    @pl.when(b == 0)
    def _():
        for ch in range(NCH):
            for q in range(8):
                mom_ref[ch, q] = 0.0

    ri = lax.broadcasted_iota(jnp.int32, (GRB,), 0)
    jr = (ri & (W - 1)).astype(jnp.float32)
    ir = (lax.shift_right_logical(ri, 7) + b * (GRB // W)).astype(jnp.float32)
    kv = lax.broadcasted_iota(jnp.int32, (D,), 0).astype(jnp.float32)
    ys = [y1_ref[...], y2_ref[...], y3_ref[...]]
    ss = [s1_ref[...], s2_ref[...], s3_ref[...]]
    code = (ys[0] + 2.0 * ys[1] + 4.0 * ys[2]).astype(jnp.int32)
    code_ref[...] = code.astype(jnp.int8)
    for ch in range(NCH):
        yb = ys[ch]
        sb = ss[ch]
        rs = jnp.sum(yb, axis=1)
        rss = jnp.sum(sb, axis=1)
        rowcnt_ref[ch, :] = rs.astype(jnp.int32)
        cy = jnp.float32(0.0)
        for q in range(GRB // RPB):
            cyp = jnp.sum(rs[q * RPB:(q + 1) * RPB])
            blk_ref[ch, (GRB // RPB) * b + q] = cyp.astype(jnp.int32)
            cy = cy + cyp
        mom_ref[ch, 0] += cy
        mom_ref[ch, 1] += jnp.sum(ir * rs)
        mom_ref[ch, 2] += jnp.sum(jr * rs)
        mom_ref[ch, 3] += jnp.sum(jnp.sum(yb, axis=0) * kv)
        mom_ref[ch, 4] += jnp.sum(rss)
        mom_ref[ch, 5] += jnp.sum(ir * rss)
        mom_ref[ch, 6] += jnp.sum(jr * rss)
        mom_ref[ch, 7] += jnp.sum(jnp.sum(sb, axis=0) * kv)


def _chan_spec(ch):
    return pl.BlockSpec((GRB, D), lambda b, c=ch: ((c + 1) * (NROW // GRB) + b, 0))


def _run_stats(y2d, s2d):
    return pl.pallas_call(
        _stats_body,
        grid=(NGRID,),
        in_specs=[_chan_spec(0), _chan_spec(1), _chan_spec(2),
                  _chan_spec(0), _chan_spec(1), _chan_spec(2)],
        out_specs=[
            pl.BlockSpec((NCH, GRB), lambda b: (0, b)),
            pl.BlockSpec(memory_space=pltpu.SMEM),
            pl.BlockSpec(memory_space=pltpu.SMEM),
            pl.BlockSpec((GRB, D), lambda b: (b, 0)),
        ],
        out_shape=[
            jax.ShapeDtypeStruct((NCH, NROW), jnp.int32),
            jax.ShapeDtypeStruct((NCH, 8), jnp.float32),
            jax.ShapeDtypeStruct((NCH, NBLK), jnp.int32),
            jax.ShapeDtypeStruct((NROW, D), jnp.int8),
        ],
        compiler_params=pltpu.CompilerParams(
            dimension_semantics=("arbitrary",)),
    )(y2d, y2d, y2d, s2d, s2d, s2d)


def _sample_body(rowcnt_hbm, blkcnt_hbm, tgt_hbm, y_hbm, f_hbm,
                 rows_out, cols_out, fv_out,
                 rc_v, bc_v, tg_v, idx_v, yrows_v, frow_v, st_v, sti_v, sem):
    cid = lax.axis_index("c")
    sid = lax.axis_index("s")
    wid = sid * 2 + cid

    @pl.when(wid < NCH)
    def _():
        ch = wid
        pltpu.sync_copy(rowcnt_hbm.at[pl.ds(ch * NROW, NROW)], rc_v)
        pltpu.sync_copy(blkcnt_hbm.at[pl.ds(ch * NBLK, NBLK)], bc_v)
        pltpu.sync_copy(tgt_hbm.at[pl.ds(ch * NS, NS)], tg_v)
        lanes = lax.iota(jnp.int32, 16)
        t = tg_v[...]

        z16 = jnp.zeros((16,), jnp.int32)

        def blk_body(b, carry):
            cum, blk, cb = carry
            v = plsc.load_gather(bc_v, [jnp.broadcast_to(b, (16,))])
            newcum = cum + v
            hit = (newcum >= t) & (cum < t)
            blk = jnp.where(hit, b, blk)
            cb = jnp.where(hit, cum, cb)
            return newcum, blk, cb

        _, blk, cb = lax.fori_loop(0, NBLK, blk_body, (z16, z16, z16))

        rowbase = blk * RPB

        def row_body(r, carry):
            cum, row, rstart = carry
            v = plsc.load_gather(rc_v, [rowbase + r])
            newcum = cum + v
            hit = (newcum >= t) & (cum < t)
            row = jnp.where(hit, rowbase + r, row)
            rstart = jnp.where(hit, cum, rstart)
            return newcum, row, rstart

        _, row, rstart = lax.fori_loop(0, RPB, row_body, (cb, z16, z16))
        t_local = t - rstart

        idx_v[...] = row + (ch + 1) * NROW
        pltpu.async_copy(y_hbm.at[idx_v], yrows_v, sem).wait()

        def col_body(c, carry):
            cum2, col = carry
            cs = jnp.broadcast_to(c, (16,))
            vals = plsc.load_gather(yrows_v, [lanes, cs])
            isnz = vals > 0.5
            cnew = cum2 + isnz.astype(jnp.int32)
            col = jnp.where(isnz & (cnew == t_local), cs, col)
            return cnew, col

        _, col = lax.fori_loop(0, D, col_body, (z16, z16))

        sti_v[...] = row
        pltpu.sync_copy(sti_v, rows_out.at[pl.ds(ch * NS, NS)])
        sti_v[...] = col
        pltpu.sync_copy(sti_v, cols_out.at[pl.ds(ch * NS, NS)])

        for comp in range(3):
            idx_v[...] = row + comp * NROW
            pltpu.async_copy(f_hbm.at[idx_v], frow_v, sem).wait()
            st_v[...] = plsc.load_gather(frow_v, [lanes, col])
            pltpu.sync_copy(st_v, fv_out.at[pl.ds((ch * 3 + comp) * NS, NS)])


def _run_sample(rowcnt_i, blkcnt_i, targets, y2d, f2d):
    mesh = plsc.VectorSubcoreMesh(core_axis_name="c", subcore_axis_name="s")
    fn = pl.kernel(
        _sample_body,
        out_type=[
            jax.ShapeDtypeStruct((NCH * NS,), jnp.int32),
            jax.ShapeDtypeStruct((NCH * NS,), jnp.int32),
            jax.ShapeDtypeStruct((NCH * 3 * NS,), jnp.float32),
        ],
        mesh=mesh,
        compiler_params=pltpu.CompilerParams(needs_layout_passes=False),
        scratch_types=[
            pltpu.VMEM((NROW,), jnp.int32),
            pltpu.VMEM((NBLK,), jnp.int32),
            pltpu.VMEM((NS,), jnp.int32),
            pltpu.VMEM((NS,), jnp.int32),
            pltpu.VMEM((NS, D), jnp.float32),
            pltpu.VMEM((NS, D), jnp.float32),
            pltpu.VMEM((NS,), jnp.float32),
            pltpu.VMEM((NS,), jnp.int32),
            pltpu.SemaphoreType.DMA,
        ],
    )
    return fn(rowcnt_i, blkcnt_i, targets, y2d, f2d)


def _kabsch_prologue(mom_ref, rows_ref, cols_ref, fv_ref, aw_ref):
    one = jnp.float32(1.0)
    zero = jnp.float32(0.0)
    for ch in range(NCH):
        cnt_y = mom_ref[ch, 0]
        cnt_s = mom_ref[ch, 4]
        vw = jnp.where((cnt_y > 100.0) & (cnt_s > 100.0), one, zero)
        ty = jnp.where(cnt_y > 0.0, cnt_y, one)
        ts = jnp.where(cnt_s > 0.0, cnt_s, one)
        ycm = [mom_ref[ch, 1 + p] / ty for p in range(3)]
        scm = [mom_ref[ch, 5 + p] / ts for p in range(3)]
        rowv = rows_ref[pl.ds(ch * NS, NS)]
        colv = cols_ref[pl.ds(ch * NS, NS)]
        src = [lax.shift_right_logical(rowv, 7).astype(jnp.float32),
               (rowv & (W - 1)).astype(jnp.float32),
               colv.astype(jnp.float32)]
        X = [src[p] - ycm[p] for p in range(3)]
        Y = [src[p] + fv_ref[pl.ds((ch * 3 + p) * NS, NS)] - scm[p]
             for p in range(3)]
        S = [[jnp.sum(X[p] * Y[q]) for q in range(3)] for p in range(3)]
        detS = (S[0][0] * (S[1][1] * S[2][2] - S[1][2] * S[2][1])
                - S[0][1] * (S[1][0] * S[2][2] - S[1][2] * S[2][0])
                + S[0][2] * (S[1][0] * S[2][1] - S[1][1] * S[2][0]))
        d = jnp.where(detS >= 0.0, one, -one)
        K = [[S[0][a] * S[0][b] + S[1][a] * S[1][b] + S[2][a] * S[2][b]
              for b in range(3)] for a in range(3)]
        V = [[one if i == j else zero for j in range(3)] for i in range(3)]
        for _ in range(6):
            for (p, q) in ((0, 1), (0, 2), (1, 2)):
                apq = K[p][q]
                app = K[p][p]
                aqq = K[q][q]
                apq_s = jnp.where(jnp.abs(apq) > 1e-30, apq,
                                  jnp.float32(1e-30))
                tau = (aqq - app) / (2.0 * apq_s)
                tt = jnp.sign(tau) / (jnp.abs(tau)
                                      + jnp.sqrt(1.0 + tau * tau))
                c = 1.0 / jnp.sqrt(1.0 + tt * tt)
                s = tt * c
                r = 3 - p - q
                akp = K[r][p]
                akq = K[r][q]
                K[r][p] = K[p][r] = c * akp - s * akq
                K[r][q] = K[q][r] = s * akp + c * akq
                K[p][p] = app - tt * apq
                K[q][q] = aqq + tt * apq
                K[p][q] = K[q][p] = zero
                for i in range(3):
                    vip = V[i][p]
                    viq = V[i][q]
                    V[i][p] = c * vip - s * viq
                    V[i][q] = s * vip + c * viq
        lam = [jnp.maximum(K[p][p], 0.0) for p in range(3)]
        inv = [jnp.sqrt(lam[p]) / (lam[p] + jnp.float32(1e-30))
               for p in range(3)]
        U = [[(S[i][0] * V[0][p] + S[i][1] * V[1][p] + S[i][2] * V[2][p])
              * inv[p] for p in range(3)] for i in range(3)]
        vm = [jnp.where(lam[0] <= lam[1],
                        jnp.where(lam[0] <= lam[2], V[i][0], V[i][2]),
                        jnp.where(lam[1] <= lam[2], V[i][1], V[i][2]))
              for i in range(3)]
        um = [jnp.where(lam[0] <= lam[1],
                        jnp.where(lam[0] <= lam[2], U[i][0], U[i][2]),
                        jnp.where(lam[1] <= lam[2], U[i][1], U[i][2]))
              for i in range(3)]
        R = [[(V[i][0] * U[j][0] + V[i][1] * U[j][1] + V[i][2] * U[j][2])
              - (one - d) * vm[i] * um[j] for j in range(3)]
             for i in range(3)]
        for p in range(3):
            tp = scm[p] - (R[p][0] * ycm[0] + R[p][1] * ycm[1]
                           + R[p][2] * ycm[2])
            for q in range(3):
                rr = R[p][q] - (one if p == q else zero)
                aw_ref[ch, 4 * p + q] = rr * vw
            aw_ref[ch, 4 * p + 3] = tp * vw
        aw_ref[ch, 12] = vw


def _loss_body(code_ref, f_ref, mom_ref, rows_ref, cols_ref, fv_ref,
               out_ref, aw_ref):
    b = pl.program_id(0)

    @pl.when(b == 0)
    def _():
        out_ref[0, 0] = 0.0
        _kabsch_prologue(mom_ref, rows_ref, cols_ref, fv_ref, aw_ref)

    ri = lax.broadcasted_iota(jnp.int32, (GRB, 1), 0)
    jcol = (ri & (W - 1)).astype(jnp.float32)
    icol = (lax.shift_right_logical(ri, 7)
            + b * (GRB // W)).astype(jnp.float32)
    krow = lax.broadcasted_iota(jnp.int32, (1, D), 1).astype(jnp.float32)
    code = code_ref[...].astype(jnp.int32)
    msk = jnp.zeros((GRB, D), jnp.float32)
    v = [jnp.zeros((GRB, D), jnp.float32) for _ in range(3)]
    for ch in range(NCH):
        yb = (lax.shift_right_logical(code, ch) & 1).astype(jnp.float32)
        msk = msk + yb * aw_ref[ch, 12]
        for p in range(3):
            rowpart = (aw_ref[ch, 4 * p + 0] * icol
                       + aw_ref[ch, 4 * p + 1] * jcol
                       + aw_ref[ch, 4 * p + 3])
            m = rowpart + aw_ref[ch, 4 * p + 2] * krow
            v[p] = v[p] + yb * m
    s2 = jnp.zeros((GRB, D), jnp.float32)
    for p in range(3):
        r = v[p] - msk * f_ref[p]
        s2 = s2 + r * r
    out_ref[0, 0] += jnp.sum(jnp.sqrt(s2))


def _run_loss(code, f3, mom, rows, cols, fv):
    return pl.pallas_call(
        _loss_body,
        grid=(NGRID,),
        in_specs=[
            pl.BlockSpec((GRB, D), lambda b: (b, 0)),
            pl.BlockSpec((3, GRB, D), lambda b: (0, b, 0)),
            pl.BlockSpec(memory_space=pltpu.SMEM),
            pl.BlockSpec((NCH * NS,), lambda b: (0,)),
            pl.BlockSpec((NCH * NS,), lambda b: (0,)),
            pl.BlockSpec((NCH * 3 * NS,), lambda b: (0,)),
        ],
        out_specs=pl.BlockSpec(memory_space=pltpu.SMEM),
        out_shape=jax.ShapeDtypeStruct((1, 1), jnp.float32),
        scratch_shapes=[pltpu.SMEM((NCH, 16), jnp.float32)],
        compiler_params=pltpu.CompilerParams(
            dimension_semantics=("arbitrary",)),
    )(code, f3, mom, rows, cols, fv)


def _sample_targets(valid, cnt_y):
    count = cnt_y.astype(jnp.int32)
    rank = jnp.cumsum(valid.astype(jnp.int32)) - 1
    key = jax.random.key(42)
    keys = jax.vmap(lambda r: jax.random.fold_in(key, r))(rank)
    idx = jax.vmap(
        lambda k, m: jax.random.randint(k, (NS,), 0, m)
    )(keys, jnp.maximum(count, 1))
    return (idx + 1).astype(jnp.int32)


def kernel(y_source_oh, source_oh, flow, neg_flow):
    y2d = y_source_oh.reshape(4 * NROW, D)
    s2d = source_oh.reshape(4 * NROW, D)
    f3 = flow.reshape(3, NROW, D)
    f2d = flow.reshape(3 * NROW, D)

    rowcnt, mom, blk, code = _run_stats(y2d, s2d)

    valid = (mom[:, 0] > 100.0) & (mom[:, 4] > 100.0)
    targets = _sample_targets(valid, mom[:, 0])

    rows, cols, fv = _run_sample(rowcnt.reshape(NCH * NROW),
                                 blk.reshape(NCH * NBLK),
                                 targets.reshape(NCH * NS), y2d, f2d)
    total = _run_loss(code, f3, mom, rows, cols, fv)
    return (total[0, 0] / NVOX).astype(jnp.float32)

# --- scband reference (transcript-rebuilt; emitter-appended) ---
"""Pipeline reference for scband-rigid-field-loss-42262478192841 (READ-ONLY COPY).

The authoritative reference and input builder live on the scoring server;
editing this copy changes nothing except your own understanding.
"""

import jax, jax.numpy as jnp
import numpy as np

IMAGE_SIZE = (64, 128, 128)
NUM_SAMPLES = 16


def _ref_grid():
    H, W, D = IMAGE_SIZE
    g = np.stack(np.meshgrid(np.arange(H), np.arange(W), np.arange(D), indexing='ij'), 0).astype(np.float32)
    return g


def _safe_norm(x, axis):
    s = jnp.sum(x * x, axis=axis)
    return jnp.where(s > 0, jnp.sqrt(jnp.where(s > 0, s, 1.0)), 0.0)


def _compute_nograd(y_oh, s_oh, flow):
    # Everything here is inside torch.no_grad() in the original module.
    H, W, D = IMAGE_SIZE
    y = y_oh[:, 1:]  # drop background (include_background=False)
    s = s_oh[:, 1:]
    valid = (jnp.sum(y, axis=(0, 2, 3, 4)) > 100) & (jnp.sum(s, axis=(0, 2, 3, 4)) > 100)
    gr = jnp.asarray(_ref_grid())
    grid4 = jnp.concatenate([gr, jnp.ones_like(gr[:1])], 0)  # (4,H,W,D)
    n = y.shape[1]

    def mass_center(oh):
        m = oh[0]  # (n,H,W,D)
        tot = jnp.sum(m, axis=(1, 2, 3))
        tot = jnp.where(tot > 0, tot, 1.0)
        cms = jnp.sum(gr[:, None] * m[None], axis=(2, 3, 4)) / tot[None]
        return cms  # (3,n)

    y_cm = mass_center(y)
    s_cm = mass_center(s)
    key = jax.random.key(42)
    rank = jnp.cumsum(valid.astype(jnp.int32)) - 1
    mats = []
    for ch in range(n):
        m = y[0, ch]
        flat = (m == 1).reshape(-1)
        c = jnp.cumsum(flat.astype(jnp.int32))
        count = c[-1]
        kch = jax.random.fold_in(key, rank[ch])
        idx = jax.random.randint(kch, (NUM_SAMPLES,), 0, jnp.maximum(count, 1))
        flat_pos = jnp.searchsorted(c, idx + 1)  # flat index of the idx-th nonzero, C order
        sel0 = flat_pos // (W * D)
        rem = flat_pos % (W * D)
        sel1 = rem // D
        sel2 = rem % D
        src = jnp.stack([sel0, sel1, sel2], 0).astype(jnp.float32)  # (3,S)
        # sample_displacement_flow at integer voxel coords == direct gather (align_corners trilinear is exact)
        sf = flow[0][:, sel0, sel1, sel2]  # (3,S)
        des = src + sf
        # Kabsch / ARAP svd_rot: R,t mapping y_source pts -> source pts
        X = src - y_cm[:, ch:ch + 1]
        Y = des - s_cm[:, ch:ch + 1]
        S = X @ Y.T
        U, _, Vt = jnp.linalg.svd(S)
        V = Vt.T
        d = jnp.linalg.det(V @ U.T)
        diag_vals = jnp.array([1.0, 1.0, 0.0], jnp.float32).at[2].set(d.astype(jnp.float32))
        R = (V @ jnp.diag(diag_vals) @ U.T).astype(jnp.float32)
        t = s_cm[:, ch:ch + 1] - R @ y_cm[:, ch:ch + 1]
        T = jnp.eye(4, dtype=jnp.float32)
        T = T.at[:3, :3].set(R)
        T = T.at[:3, 3].set(t[:, 0])
        mats.append(jnp.where(valid[ch], T[:3], jnp.zeros((3, 4), jnp.float32)))
    Tm = jnp.stack(mats, 0)  # (n,3,4)
    rigid = jnp.einsum('qijk,bpq->bpijk', grid4, Tm)  # (n,3,H,W,D)
    rigid = rigid - gr[None]
    y_mask = y[0][:, None] * valid.astype(jnp.float32)[:, None, None, None, None]  # (n,1,H,W,D)
    rigid = jnp.sum(rigid * y_mask, axis=0, keepdims=True)  # (1,3,H,W,D)
    mask = jnp.sum(y_mask, axis=0, keepdims=True)  # (1,1,H,W,D)
    return rigid, mask


def setup_inputs(seed: int = 0):
    key = jax.random.key(seed)
    k1, k2, k3, k4 = jax.random.split(key, 4)
    H, W, D = IMAGE_SIZE
    y_source_oh = jax.random.randint(k1, (1, 4, H, W, D), 0, 2).astype(jnp.float32)
    source_oh = jax.random.randint(k2, (1, 4, H, W, D), 0, 2).astype(jnp.float32)
    flow = jax.random.normal(k3, (1, 3, H, W, D), dtype=jnp.float32)
    neg_flow = jax.random.normal(k4, (1, 3, H, W, D), dtype=jnp.float32)
    return {'y_source_oh': y_source_oh, 'source_oh': source_oh, 'flow': flow, 'neg_flow': neg_flow}


def reference(y_source_oh, source_oh, flow, neg_flow):
    rigid, mask = _compute_nograd(y_source_oh, source_oh, flow)
    fm = mask * flow
    return jnp.mean(_safe_norm(rigid - fm, axis=1))

if __name__ == "__main__":
    import jax
    _d = setup_inputs()
    print(jax.jit(kernel)(*tuple(_d.values())))

</pallas_src>

<mosaic_0001>
#map = affine_map<(d0, d1) -> (0)>
#map1 = affine_map<(d0, d1) -> (0, 0)>
module attributes {stable_mosaic.version = 14 : i64} {
  func.func @_sample_body(%arg0: i32, %arg1: i32, %arg2: memref<24576xi32, #tpu.memory_space<hbm>>, %arg3: memref<192xi32, #tpu.memory_space<hbm>>, %arg4: memref<48xi32, #tpu.memory_space<hbm>>, %arg5: memref<32768x128xf32, #tpu.memory_space<hbm>>, %arg6: memref<24576x128xf32, #tpu.memory_space<hbm>>, %arg7: memref<48xi32, #tpu.memory_space<hbm>>, %arg8: memref<48xi32, #tpu.memory_space<hbm>>, %arg9: memref<144xf32, #tpu.memory_space<hbm>>, %arg10: memref<8192xi32, #tpu.memory_space<vmem>>, %arg11: memref<64xi32, #tpu.memory_space<vmem>>, %arg12: memref<16xi32, #tpu.memory_space<vmem>>, %arg13: memref<16xi32, #tpu.memory_space<vmem>>, %arg14: memref<16x128xf32, #tpu.memory_space<vmem>>, %arg15: memref<16x128xf32, #tpu.memory_space<vmem>>, %arg16: memref<16xf32, #tpu.memory_space<vmem>>, %arg17: memref<16xi32, #tpu.memory_space<vmem>>, %arg18: memref<!tpu.dma_semaphore, #tpu.memory_space<semaphore_mem>>) attributes {dimension_semantics = [#tpu.dimension_semantics<core_parallel>, #tpu.dimension_semantics<subcore_parallel>], iteration_bounds = array<i64: 2, 16>, scalar_prefetch = 0 : i64, scratch_operands = 9 : i64, tpu.core_type = #tpu.core_type<sc_vector_subcore>, window_params = [{transform_indices = #map}, {transform_indices = #map}, {transform_indices = #map}, {transform_indices = #map1}, {transform_indices = #map1}, {transform_indices = #map}, {transform_indices = #map}, {transform_indices = #map}]} {
    %mul3A = arith.constant 2 : i32
    %mul3A_0 = arith.muli %arg1, %mul3A : i32
    %add3A = arith.addi %mul3A_0, %arg0 : i32
    %lt3A = arith.constant 3 : i32
    %lt3A_1 = arith.cmpi slt, %add3A, %lt3A : i32
    %convert_element_type3A = arith.extui %lt3A_1 : i1 to i32
    %cond3A = arith.constant 0 : i32
    %cond3A_2 = arith.cmpi ne, %convert_element_type3A, %cond3A : i32
    scf.if %cond3A_2 {
      %mul3A_3 = arith.constant 8192 : i32
      %mul3A_4 = arith.muli %add3A, %mul3A_3 : i32
      "tpu.region"() ({
        %run_scoped3A = tpu.sem_alloc : memref<!tpu.dma_semaphore, #tpu.memory_space<semaphore_mem>>
        %dma_start3A_109 = tpu.memref_slice %arg2[%mul3A_4] : memref<24576xi32, #tpu.memory_space<hbm>> -> memref<8192xi32, #tpu.memory_space<hbm>>
        %dma_start3A_110 = tpu.memref_slice %arg2[%mul3A_4] : memref<24576xi32, #tpu.memory_space<hbm>> -> memref<8192xi32, #tpu.memory_space<hbm>>
        tpu.enqueue_dma source(%dma_start3A_110 : memref<8192xi32, #tpu.memory_space<hbm>>) target(%arg10 : memref<8192xi32, #tpu.memory_space<vmem>>) target_semaphore(%run_scoped3A : memref<!tpu.dma_semaphore, #tpu.memory_space<semaphore_mem>>)
        %dma_wait3A_111 = tpu.memref_slice %arg2[%mul3A_4] : memref<24576xi32, #tpu.memory_space<hbm>> -> memref<8192xi32, #tpu.memory_space<hbm>>
        %dma_wait3A_112 = tpu.memref_slice %arg2[%mul3A_4] : memref<24576xi32, #tpu.memory_space<hbm>> -> memref<8192xi32, #tpu.memory_space<hbm>>
        tpu.wait_dma2 semaphore(%run_scoped3A : memref<!tpu.dma_semaphore, #tpu.memory_space<semaphore_mem>>) src(%dma_wait3A_112 : memref<8192xi32, #tpu.memory_space<hbm>>) dst(%arg10 : memref<8192xi32, #tpu.memory_space<vmem>>)
        tpu.yield
      }) : () -> ()
      %mul3A_5 = arith.constant 64 : i32
      %mul3A_6 = arith.muli %add3A, %mul3A_5 : i32
      "tpu.region"() ({
        %run_scoped3A = tpu.sem_alloc : memref<!tpu.dma_semaphore, #tpu.memory_space<semaphore_mem>>
        %dma_start3A_109 = tpu.memref_slice %arg3[%mul3A_6] : memref<192xi32, #tpu.memory_space<hbm>> -> memref<64xi32, #tpu.memory_space<hbm>>
        %dma_start3A_110 = tpu.memref_slice %arg3[%mul3A_6] : memref<192xi32, #tpu.memory_space<hbm>> -> memref<64xi32, #tpu.memory_space<hbm>>
        tpu.enqueue_dma source(%dma_start3A_110 : memref<64xi32, #tpu.memory_space<hbm>>) target(%arg11 : memref<64xi32, #tpu.memory_space<vmem>>) target_semaphore(%run_scoped3A : memref<!tpu.dma_semaphore, #tpu.memory_space<semaphore_mem>>)
        %dma_wait3A_111 = tpu.memref_slice %arg3[%mul3A_6] : memref<192xi32, #tpu.memory_space<hbm>> -> memref<64xi32, #tpu.memory_space<hbm>>
        %dma_wait3A_112 = tpu.memref_slice %arg3[%mul3A_6] : memref<192xi32, #tpu.memory_space<hbm>> -> memref<64xi32, #tpu.memory_space<hbm>>
        tpu.wait_dma2 semaphore(%run_scoped3A : memref<!tpu.dma_semaphore, #tpu.memory_space<semaphore_mem>>) src(%dma_wait3A_112 : memref<64xi32, #tpu.memory_space<hbm>>) dst(%arg11 : memref<64xi32, #tpu.memory_space<vmem>>)
        tpu.yield
      }) : () -> ()
      %mul3A_7 = arith.constant 16 : i32
      %mul3A_8 = arith.muli %add3A, %mul3A_7 : i32
      "tpu.region"() ({
        %run_scoped3A = tpu.sem_alloc : memref<!tpu.dma_semaphore, #tpu.memory_space<semaphore_mem>>
        %dma_start3A_109 = tpu.memref_slice %arg4[%mul3A_8] : memref<48xi32, #tpu.memory_space<hbm>> -> memref<16xi32, #tpu.memory_space<hbm>>
        %dma_start3A_110 = tpu.memref_slice %arg4[%mul3A_8] : memref<48xi32, #tpu.memory_space<hbm>> -> memref<16xi32, #tpu.memory_space<hbm>>
        tpu.enqueue_dma source(%dma_start3A_110 : memref<16xi32, #tpu.memory_space<hbm>>) target(%arg12 : memref<16xi32, #tpu.memory_space<vmem>>) target_semaphore(%run_scoped3A : memref<!tpu.dma_semaphore, #tpu.memory_space<semaphore_mem>>)
        %dma_wait3A_111 = tpu.memref_slice %arg4[%mul3A_8] : memref<48xi32, #tpu.memory_space<hbm>> -> memref<16xi32, #tpu.memory_space<hbm>>
        %dma_wait3A_112 = tpu.memref_slice %arg4[%mul3A_8] : memref<48xi32, #tpu.memory_space<hbm>> -> memref<16xi32, #tpu.memory_space<hbm>>
        tpu.wait_dma2 semaphore(%run_scoped3A : memref<!tpu.dma_semaphore, #tpu.memory_space<semaphore_mem>>) src(%dma_wait3A_112 : memref<16xi32, #tpu.memory_space<hbm>>) dst(%arg12 : memref<16xi32, #tpu.memory_space<vmem>>)
        tpu.yield
      }) : () -> ()
      %iota3A = tpu.iota {dimensions = array<i32: 0>} : vector<16xi32>
      %get3A = arith.constant 0 : index
      %get3A_9 = tpu.vector_load %arg12[%get3A] {strides = array<i32>} : memref<16xi32, #tpu.memory_space<vmem>>, vector<16xi32>,
      %broadcast_in_dim3A = arith.constant 0 : i32
      %broadcast_in_dim3A_10 = vector.broadcast %broadcast_in_dim3A : i32 to vector<16xi32>
      %scan3A = arith.constant 0 : i32
      %scan3A_11 = arith.constant 64 : i32
      %scan3A_12 = arith.addi %scan3A, %scan3A_11 : i32
      %scan3A_13 = arith.constant 1 : i32
      %scan3A_14:3 = scf.for %scan3A_109 = %scan3A to %scan3A_12 step %scan3A_13 iter_args(%scan3A_110 = %broadcast_in_dim3A_10, %scan3A_111 = %broadcast_in_dim3A_10, %scan3A_112 = %broadcast_in_dim3A_10) -> (vector<16xi32>, vector<16xi32>, vector<16xi32>)  : i32 {
        %broadcast_in_dim3A_113 = vector.broadcast %scan3A_109 : i32 to vector<16xi32>
        %gather3A_114 = tpu.vector_load_idx %arg11[%broadcast_in_dim3A_113] : memref<64xi32, #tpu.memory_space<vmem>>[vector<16xi32>], vector<16xi32>,
        %add3A_115 = arith.addi %scan3A_110, %gather3A_114 : vector<16xi32>
        %ge3A = arith.cmpi sge, %add3A_115, %get3A_9 : vector<16xi32>
        %lt3A_116 = arith.cmpi slt, %scan3A_110, %get3A_9 : vector<16xi32>
        %and3A = arith.andi %ge3A, %lt3A_116 : vector<16xi1>
        %broadcast_in_dim3A_117 = vector.broadcast %scan3A_109 : i32 to vector<16xi32>
        %select_n3A = arith.select %and3A, %broadcast_in_dim3A_117, %scan3A_111 : vector<16xi1>, vector<16xi32>
        %select_n3A_118 = arith.select %and3A, %scan3A_110, %scan3A_112 : vector<16xi1>, vector<16xi32>
        scf.yield %add3A_115, %select_n3A, %select_n3A_118 : vector<16xi32>, vector<16xi32>, vector<16xi32>
      }
      %scan3A_15 = arith.constant 64 : i32
      %mul3A_16 = arith.constant 128 : i32
      %mul3A_17 = vector.broadcast %mul3A_16 : i32 to vector<16xi32>
      %mul3A_18 = arith.muli %scan3A_14#1, %mul3A_17 : vector<16xi32>
      %scan3A_19 = arith.constant 0 : i32
      %scan3A_20 = arith.constant 128 : i32
      %scan3A_21 = arith.addi %scan3A_19, %scan3A_20 : i32
      %scan3A_22 = arith.constant 1 : i32
      %scan3A_23:3 = scf.for %scan3A_109 = %scan3A_19 to %scan3A_21 step %scan3A_22 iter_args(%scan3A_110 = %scan3A_14#2, %scan3A_111 = %broadcast_in_dim3A_10, %scan3A_112 = %broadcast_in_dim3A_10) -> (vector<16xi32>, vector<16xi32>, vector<16xi32>)  : i32 {
        %add3A_113 = vector.broadcast %scan3A_109 : i32 to vector<16xi32>
        %add3A_114 = arith.addi %mul3A_18, %add3A_113 : vector<16xi32>
        %gather3A_115 = tpu.vector_load_idx %arg10[%add3A_114] : memref<8192xi32, #tpu.memory_space<vmem>>[vector<16xi32>], vector<16xi32>,
        %add3A_116 = arith.addi %scan3A_110, %gather3A_115 : vector<16xi32>
        %ge3A = arith.cmpi sge, %add3A_116, %get3A_9 : vector<16xi32>
        %lt3A_117 = arith.cmpi slt, %scan3A_110, %get3A_9 : vector<16xi32>
        %and3A = arith.andi %ge3A, %lt3A_117 : vector<16xi1>
        %add3A_118 = vector.broadcast %scan3A_109 : i32 to vector<16xi32>
        %add3A_119 = arith.addi %mul3A_18, %add3A_118 : vector<16xi32>
        %select_n3A = arith.select %and3A, %add3A_119, %scan3A_111 : vector<16xi1>, vector<16xi32>
        %select_n3A_120 = arith.select %and3A, %scan3A_110, %scan3A_112 : vector<16xi1>, vector<16xi32>
        scf.yield %add3A_116, %select_n3A, %select_n3A_120 : vector<16xi32>, vector<16xi32>, vector<16xi32>
      }
      %scan3A_24 = arith.constant 128 : i32
      %sub3A = arith.subi %get3A_9, %scan3A_23#2 : vector<16xi32>
      %add3A_25 = arith.constant 1 : i32
      %add3A_26 = arith.addi %add3A, %add3A_25 : i32
      %mul3A_27 = arith.constant 8192 : i32
      %mul3A_28 = arith.muli %add3A_26, %mul3A_27 : i32
      %add3A_29 = vector.broadcast %mul3A_28 : i32 to vector<16xi32>
      %add3A_30 = arith.addi %scan3A_23#1, %add3A_29 : vector<16xi32>
      %swap3A = arith.constant 0 : index
      %swap3A_31 = tpu.vector_load %arg13[%swap3A] {strides = array<i32>} : memref<16xi32, #tpu.memory_space<vmem>>, vector<16xi32>,
      tpu.vector_store %arg13[%swap3A], %add3A_30 {strides = array<i32>} : memref<16xi32, #tpu.memory_space<vmem>>, vector<16xi32>,
      %dma_start3A = arith.constant 0 : i32
      %dma_start3A_32 = arith.constant 0 : i32
      %dma_start3A_33 = tpu.memref_slice %arg5[%dma_start3A, %dma_start3A_32] : memref<32768x128xf32, #tpu.memory_space<hbm>> -> memref<32768x128xf32, #tpu.memory_space<hbm>>
      tpu.enqueue_indirect_dma source(%dma_start3A_33 : memref<32768x128xf32, #tpu.memory_space<hbm>>) target(%arg14 : memref<16x128xf32, #tpu.memory_space<vmem>>) offsets(%arg13 : memref<16xi32, #tpu.memory_space<vmem>>) semaphore(%arg18 : memref<!tpu.dma_semaphore, #tpu.memory_space<semaphore_mem>>)
      %dma_wait3A = arith.constant 0 : i32
      %dma_wait3A_34 = arith.constant 0 : i32
      %dma_wait3A_35 = tpu.memref_slice %arg5[%dma_wait3A, %dma_wait3A_34] : memref<32768x128xf32, #tpu.memory_space<hbm>> -> memref<32768x128xf32, #tpu.memory_space<hbm>>
      tpu.wait_indirect_dma semaphore(%arg18 : memref<!tpu.dma_semaphore, #tpu.memory_space<semaphore_mem>>) src(%dma_wait3A_35 : memref<32768x128xf32, #tpu.memory_space<hbm>>) dst(%arg14 : memref<16x128xf32, #tpu.memory_space<vmem>>)
      %scan3A_36 = arith.constant 0 : i32
      %scan3A_37 = arith.constant 128 : i32
      %scan3A_38 = arith.addi %scan3A_36, %scan3A_37 : i32
      %scan3A_39 = arith.constant 1 : i32
      %scan3A_40:2 = scf.for %scan3A_109 = %scan3A_36 to %scan3A_38 step %scan3A_39 iter_args(%scan3A_110 = %broadcast_in_dim3A_10, %scan3A_111 = %broadcast_in_dim3A_10) -> (vector<16xi32>, vector<16xi32>)  : i32 {
        %broadcast_in_dim3A_112 = vector.broadcast %scan3A_109 : i32 to vector<16xi32>
        %gather3A_113 = tpu.vector_load_idx %arg14[%iota3A, %broadcast_in_dim3A_112] : memref<16x128xf32, #tpu.memory_space<vmem>>[vector<16xi32>, vector<16xi32>], vector<16xf32>,
        %gt3A = arith.constant 5.000000e-01 : f32
        %gt3A_114 = vector.broadcast %gt3A : f32 to vector<16xf32>
        %gt3A_115 = arith.cmpf ogt, %gather3A_113, %gt3A_114 : vector<16xf32>
        %convert_element_type3A_116 = arith.extui %gt3A_115 : vector<16xi1> to vector<16xi32>
        %add3A_117 = arith.addi %scan3A_110, %convert_element_type3A_116 : vector<16xi32>
        %eq3A = arith.cmpi eq, %add3A_117, %sub3A : vector<16xi32>
        %and3A = arith.andi %gt3A_115, %eq3A : vector<16xi1>
        %select_n3A = arith.select %and3A, %broadcast_in_dim3A_112, %scan3A_111 : vector<16xi1>, vector<16xi32>
        scf.yield %add3A_117, %select_n3A : vector<16xi32>, vector<16xi32>
      }
      %scan3A_41 = arith.constant 128 : i32
      %swap3A_42 = arith.constant 0 : index
      %swap3A_43 = tpu.vector_load %arg17[%swap3A_42] {strides = array<i32>} : memref<16xi32, #tpu.memory_space<vmem>>, vector<16xi32>,
      tpu.vector_store %arg17[%swap3A_42], %scan3A_23#1 {strides = array<i32>} : memref<16xi32, #tpu.memory_space<vmem>>, vector<16xi32>,
      %mul3A_44 = arith.constant 16 : i32
      %mul3A_45 = arith.muli %add3A, %mul3A_44 : i32
      "tpu.region"() ({
        %run_scoped3A = tpu.sem_alloc : memref<!tpu.dma_semaphore, #tpu.memory_space<semaphore_mem>>
        %dma_start3A_109 = tpu.memref_slice %arg7[%mul3A_45] : memref<48xi32, #tpu.memory_space<hbm>> -> memref<16xi32, #tpu.memory_space<hbm>>
        %dma_start3A_110 = tpu.memref_slice %arg7[%mul3A_45] : memref<48xi32, #tpu.memory_space<hbm>> -> memref<16xi32, #tpu.memory_space<hbm>>
        tpu.enqueue_dma source(%arg17 : memref<16xi32, #tpu.memory_space<vmem>>) target(%dma_start3A_110 : memref<16xi32, #tpu.memory_space<hbm>>) target_semaphore(%run_scoped3A : memref<!tpu.dma_semaphore, #tpu.memory_space<semaphore_mem>>)
        %dma_wait3A_111 = tpu.memref_slice %arg7[%mul3A_45] : memref<48xi32, #tpu.memory_space<hbm>> -> memref<16xi32, #tpu.memory_space<hbm>>
        %dma_wait3A_112 = tpu.memref_slice %arg7[%mul3A_45] : memref<48xi32, #tpu.memory_space<hbm>> -> memref<16xi32, #tpu.memory_space<hbm>>
        tpu.wait_dma2 semaphore(%run_scoped3A : memref<!tpu.dma_semaphore, #tpu.memory_space<semaphore_mem>>) src(%arg17 : memref<16xi32, #tpu.memory_space<vmem>>) dst(%dma_wait3A_112 : memref<16xi32, #tpu.memory_space<hbm>>)
        tpu.yield
      }) : () -> ()
      %swap3A_46 = arith.constant 0 : index
      %swap3A_47 = tpu.vector_load %arg17[%swap3A_46] {strides = array<i32>} : memref<16xi32, #tpu.memory_space<vmem>>, vector<16xi32>,
      tpu.vector_store %arg17[%swap3A_46], %scan3A_40#1 {strides = array<i32>} : memref<16xi32, #tpu.memory_space<vmem>>, vector<16xi32>,
      %mul3A_48 = arith.constant 16 : i32
      %mul3A_49 = arith.muli %add3A, %mul3A_48 : i32
      "tpu.region"() ({
        %run_scoped3A = tpu.sem_alloc : memref<!tpu.dma_semaphore, #tpu.memory_space<semaphore_mem>>
        %dma_start3A_109 = tpu.memref_slice %arg8[%mul3A_49] : memref<48xi32, #tpu.memory_space<hbm>> -> memref<16xi32, #tpu.memory_space<hbm>>
        %dma_start3A_110 = tpu.memref_slice %arg8[%mul3A_49] : memref<48xi32, #tpu.memory_space<hbm>> -> memref<16xi32, #tpu.memory_space<hbm>>
        tpu.enqueue_dma source(%arg17 : memref<16xi32, #tpu.memory_space<vmem>>) target(%dma_start3A_110 : memref<16xi32, #tpu.memory_space<hbm>>) target_semaphore(%run_scoped3A : memref<!tpu.dma_semaphore, #tpu.memory_space<semaphore_mem>>)
        %dma_wait3A_111 = tpu.memref_slice %arg8[%mul3A_49] : memref<48xi32, #tpu.memory_space<hbm>> -> memref<16xi32, #tpu.memory_space<hbm>>
        %dma_wait3A_112 = tpu.memref_slice %arg8[%mul3A_49] : memref<48xi32, #tpu.memory_space<hbm>> -> memref<16xi32, #tpu.memory_space<hbm>>
        tpu.wait_dma2 semaphore(%run_scoped3A : memref<!tpu.dma_semaphore, #tpu.memory_space<semaphore_mem>>) src(%arg17 : memref<16xi32, #tpu.memory_space<vmem>>) dst(%dma_wait3A_112 : memref<16xi32, #tpu.memory_space<hbm>>)
        tpu.yield
      }) : () -> ()
      %add3A_50 = arith.constant 0 : i32
      %add3A_51 = vector.broadcast %add3A_50 : i32 to vector<16xi32>
      %add3A_52 = arith.addi %scan3A_23#1, %add3A_51 : vector<16xi32>
      %swap3A_53 = arith.constant 0 : index
      %swap3A_54 = tpu.vector_load %arg13[%swap3A_53] {strides = array<i32>} : memref<16xi32, #tpu.memory_space<vmem>>, vector<16xi32>,
      tpu.vector_store %arg13[%swap3A_53], %add3A_52 {strides = array<i32>} : memref<16xi32, #tpu.memory_space<vmem>>, vector<16xi32>,
      %dma_start3A_55 = arith.constant 0 : i32
      %dma_start3A_56 = arith.constant 0 : i32
      %dma_start3A_57 = tpu.memref_slice %arg6[%dma_start3A_55, %dma_start3A_56] : memref<24576x128xf32, #tpu.memory_space<hbm>> -> memref<24576x128xf32, #tpu.memory_space<hbm>>
      tpu.enqueue_indirect_dma source(%dma_start3A_57 : memref<24576x128xf32, #tpu.memory_space<hbm>>) target(%arg15 : memref<16x128xf32, #tpu.memory_space<vmem>>) offsets(%arg13 : memref<16xi32, #tpu.memory_space<vmem>>) semaphore(%arg18 : memref<!tpu.dma_semaphore, #tpu.memory_space<semaphore_mem>>)
      %dma_wait3A_58 = arith.constant 0 : i32
      %dma_wait3A_59 = arith.constant 0 : i32
      %dma_wait3A_60 = tpu.memref_slice %arg6[%dma_wait3A_58, %dma_wait3A_59] : memref<24576x128xf32, #tpu.memory_space<hbm>> -> memref<24576x128xf32, #tpu.memory_space<hbm>>
      tpu.wait_indirect_dma semaphore(%arg18 : memref<!tpu.dma_semaphore, #tpu.memory_space<semaphore_mem>>) src(%dma_wait3A_60 : memref<24576x128xf32, #tpu.memory_space<hbm>>) dst(%arg15 : memref<16x128xf32, #tpu.memory_space<vmem>>)
      %gather3A = tpu.vector_load_idx %arg15[%iota3A, %scan3A_40#1] : memref<16x128xf32, #tpu.memory_space<vmem>>[vector<16xi32>, vector<16xi32>], vector<16xf32>,
      %swap3A_61 = arith.constant 0 : index
      %swap3A_62 = tpu.vector_load %arg16[%swap3A_61] {strides = array<i32>} : memref<16xf32, #tpu.memory_space<vmem>>, vector<16xf32>,
      tpu.vector_store %arg16[%swap3A_61], %gather3A {strides = array<i32>} : memref<16xf32, #tpu.memory_space<vmem>>, vector<16xf32>,
      %mul3A_63 = arith.constant 3 : i32
      %mul3A_64 = arith.muli %add3A, %mul3A_63 : i32
      %add3A_65 = arith.constant 0 : i32
      %add3A_66 = arith.addi %mul3A_64, %add3A_65 : i32
      %mul3A_67 = arith.constant 16 : i32
      %mul3A_68 = arith.muli %add3A_66, %mul3A_67 : i32
      "tpu.region"() ({
        %run_scoped3A = tpu.sem_alloc : memref<!tpu.dma_semaphore, #tpu.memory_space<semaphore_mem>>
        %dma_start3A_109 = tpu.memref_slice %arg9[%mul3A_68] : memref<144xf32, #tpu.memory_space<hbm>> -> memref<16xf32, #tpu.memory_space<hbm>>
        %dma_start3A_110 = tpu.memref_slice %arg9[%mul3A_68] : memref<144xf32, #tpu.memory_space<hbm>> -> memref<16xf32, #tpu.memory_space<hbm>>
        tpu.enqueue_dma source(%arg16 : memref<16xf32, #tpu.memory_space<vmem>>) target(%dma_start3A_110 : memref<16xf32, #tpu.memory_space<hbm>>) target_semaphore(%run_scoped3A : memref<!tpu.dma_semaphore, #tpu.memory_space<semaphore_mem>>)
        %dma_wait3A_111 = tpu.memref_slice %arg9[%mul3A_68] : memref<144xf32, #tpu.memory_space<hbm>> -> memref<16xf32, #tpu.memory_space<hbm>>
        %dma_wait3A_112 = tpu.memref_slice %arg9[%mul3A_68] : memref<144xf32, #tpu.memory_space<hbm>> -> memref<16xf32, #tpu.memory_space<hbm>>
        tpu.wait_dma2 semaphore(%run_scoped3A : memref<!tpu.dma_semaphore, #tpu.memory_space<semaphore_mem>>) src(%arg16 : memref<16xf32, #tpu.memory_space<vmem>>) dst(%dma_wait3A_112 : memref<16xf32, #tpu.memory_space<hbm>>)
        tpu.yield
      }) : () -> ()
      %add3A_69 = arith.constant 8192 : i32
      %add3A_70 = vector.broadcast %add3A_69 : i32 to vector<16xi32>
      %add3A_71 = arith.addi %scan3A_23#1, %add3A_70 : vector<16xi32>
      %swap3A_72 = arith.constant 0 : index
      %swap3A_73 = tpu.vector_load %arg13[%swap3A_72] {strides = array<i32>} : memref<16xi32, #tpu.memory_space<vmem>>, vector<16xi32>,
      tpu.vector_store %arg13[%swap3A_72], %add3A_71 {strides = array<i32>} : memref<16xi32, #tpu.memory_space<vmem>>, vector<16xi32>,
      %dma_start3A_74 = arith.constant 0 : i32
      %dma_start3A_75 = arith.constant 0 : i32
      %dma_start3A_76 = tpu.memref_slice %arg6[%dma_start3A_74, %dma_start3A_75] : memref<24576x128xf32, #tpu.memory_space<hbm>> -> memref<24576x128xf32, #tpu.memory_space<hbm>>
      tpu.enqueue_indirect_dma source(%dma_start3A_76 : memref<24576x128xf32, #tpu.memory_space<hbm>>) target(%arg15 : memref<16x128xf32, #tpu.memory_space<vmem>>) offsets(%arg13 : memref<16xi32, #tpu.memory_space<vmem>>) semaphore(%arg18 : memref<!tpu.dma_semaphore, #tpu.memory_space<semaphore_mem>>)
      %dma_wait3A_77 = arith.constant 0 : i32
      %dma_wait3A_78 = arith.constant 0 : i32
      %dma_wait3A_79 = tpu.memref_slice %arg6[%dma_wait3A_77, %dma_wait3A_78] : memref<24576x128xf32, #tpu.memory_space<hbm>> -> memref<24576x128xf32, #tpu.memory_space<hbm>>
      tpu.wait_indirect_dma semaphore(%arg18 : memref<!tpu.dma_semaphore, #tpu.memory_space<semaphore_mem>>) src(%dma_wait3A_79 : memref<24576x128xf32, #tpu.memory_space<hbm>>) dst(%arg15 : memref<16x128xf32, #tpu.memory_space<vmem>>)
      %gather3A_80 = tpu.vector_load_idx %arg15[%iota3A, %scan3A_40#1] : memref<16x128xf32, #tpu.memory_space<vmem>>[vector<16xi32>, vector<16xi32>], vector<16xf32>,
      %swap3A_81 = arith.constant 0 : index
      %swap3A_82 = tpu.vector_load %arg16[%swap3A_81] {strides = array<i32>} : memref<16xf32, #tpu.memory_space<vmem>>, vector<16xf32>,
      tpu.vector_store %arg16[%swap3A_81], %gather3A_80 {strides = array<i32>} : memref<16xf32, #tpu.memory_space<vmem>>, vector<16xf32>,
      %mul3A_83 = arith.constant 3 : i32
      %mul3A_84 = arith.muli %add3A, %mul3A_83 : i32
      %add3A_85 = arith.constant 1 : i32
      %add3A_86 = arith.addi %mul3A_84, %add3A_85 : i32
      %mul3A_87 = arith.constant 16 : i32
      %mul3A_88 = arith.muli %add3A_86, %mul3A_87 : i32
      "tpu.region"() ({
        %run_scoped3A = tpu.sem_alloc : memref<!tpu.dma_semaphore, #tpu.memory_space<semaphore_mem>>
        %dma_start3A_109 = tpu.memref_slice %arg9[%mul3A_88] : memref<144xf32, #tpu.memory_space<hbm>> -> memref<16xf32, #tpu.memory_space<hbm>>
        %dma_start3A_110 = tpu.memref_slice %arg9[%mul3A_88] : memref<144xf32, #tpu.memory_space<hbm>> -> memref<16xf32, #tpu.memory_space<hbm>>
        tpu.enqueue_dma source(%arg16 : memref<16xf32, #tpu.memory_space<vmem>>) target(%dma_start3A_110 : memref<16xf32, #tpu.memory_space<hbm>>) target_semaphore(%run_scoped3A : memref<!tpu.dma_semaphore, #tpu.memory_space<semaphore_mem>>)
        %dma_wait3A_111 = tpu.memref_slice %arg9[%mul3A_88] : memref<144xf32, #tpu.memory_space<hbm>> -> memref<16xf32, #tpu.memory_space<hbm>>
        %dma_wait3A_112 = tpu.memref_slice %arg9[%mul3A_88] : memref<144xf32, #tpu.memory_space<hbm>> -> memref<16xf32, #tpu.memory_space<hbm>>
        tpu.wait_dma2 semaphore(%run_scoped3A : memref<!tpu.dma_semaphore, #tpu.memory_space<semaphore_mem>>) src(%arg16 : memref<16xf32, #tpu.memory_space<vmem>>) dst(%dma_wait3A_112 : memref<16xf32, #tpu.memory_space<hbm>>)
        tpu.yield
      }) : () -> ()
      %add3A_89 = arith.constant 16384 : i32
      %add3A_90 = vector.broadcast %add3A_89 : i32 to vector<16xi32>
      %add3A_91 = arith.addi %scan3A_23#1, %add3A_90 : vector<16xi32>
      %swap3A_92 = arith.constant 0 : index
      %swap3A_93 = tpu.vector_load %arg13[%swap3A_92] {strides = array<i32>} : memref<16xi32, #tpu.memory_space<vmem>>, vector<16xi32>,
      tpu.vector_store %arg13[%swap3A_92], %add3A_91 {strides = array<i32>} : memref<16xi32, #tpu.memory_space<vmem>>, vector<16xi32>,
      %dma_start3A_94 = arith.constant 0 : i32
      %dma_start3A_95 = arith.constant 0 : i32
      %dma_start3A_96 = tpu.memref_slice %arg6[%dma_start3A_94, %dma_start3A_95] : memref<24576x128xf32, #tpu.memory_space<hbm>> -> memref<24576x128xf32, #tpu.memory_space<hbm>>
      tpu.enqueue_indirect_dma source(%dma_start3A_96 : memref<24576x128xf32, #tpu.memory_space<hbm>>) target(%arg15 : memref<16x128xf32, #tpu.memory_space<vmem>>) offsets(%arg13 : memref<16xi32, #tpu.memory_space<vmem>>) semaphore(%arg18 : memref<!tpu.dma_semaphore, #tpu.memory_space<semaphore_mem>>)
      %dma_wait3A_97 = arith.constant 0 : i32
      %dma_wait3A_98 = arith.constant 0 : i32
      %dma_wait3A_99 = tpu.memref_slice %arg6[%dma_wait3A_97, %dma_wait3A_98] : memref<24576x128xf32, #tpu.memory_space<hbm>> -> memref<24576x128xf32, #tpu.memory_space<hbm>>
      tpu.wait_indirect_dma semaphore(%arg18 : memref<!tpu.dma_semaphore, #tpu.memory_space<semaphore_mem>>) src(%dma_wait3A_99 : memref<24576x128xf32, #tpu.memory_space<hbm>>) dst(%arg15 : memref<16x128xf32, #tpu.memory_space<vmem>>)
      %gather3A_100 = tpu.vector_load_idx %arg15[%iota3A, %scan3A_40#1] : memref<16x128xf32, #tpu.memory_space<vmem>>[vector<16xi32>, vector<16xi32>], vector<16xf32>,
      %swap3A_101 = arith.constant 0 : index
      %swap3A_102 = tpu.vector_load %arg16[%swap3A_101] {strides = array<i32>} : memref<16xf32, #tpu.memory_space<vmem>>, vector<16xf32>,
      tpu.vector_store %arg16[%swap3A_101], %gather3A_100 {strides = array<i32>} : memref<16xf32, #tpu.memory_space<vmem>>, vector<16xf32>,
      %mul3A_103 = arith.constant 3 : i32
      %mul3A_104 = arith.muli %add3A, %mul3A_103 : i32
      %add3A_105 = arith.constant 2 : i32
      %add3A_106 = arith.addi %mul3A_104, %add3A_105 : i32
      %mul3A_107 = arith.constant 16 : i32
      %mul3A_108 = arith.muli %add3A_106, %mul3A_107 : i32
      "tpu.region"() ({
        %run_scoped3A = tpu.sem_alloc : memref<!tpu.dma_semaphore, #tpu.memory_space<semaphore_mem>>
        %dma_start3A_109 = tpu.memref_slice %arg9[%mul3A_108] : memref<144xf32, #tpu.memory_space<hbm>> -> memref<16xf32, #tpu.memory_space<hbm>>
        %dma_start3A_110 = tpu.memref_slice %arg9[%mul3A_108] : memref<144xf32, #tpu.memory_space<hbm>> -> memref<16xf32, #tpu.memory_space<hbm>>
        tpu.enqueue_dma source(%arg16 : memref<16xf32, #tpu.memory_space<vmem>>) target(%dma_start3A_110 : memref<16xf32, #tpu.memory_space<hbm>>) target_semaphore(%run_scoped3A : memref<!tpu.dma_semaphore, #tpu.memory_space<semaphore_mem>>)
        %dma_wait3A_111 = tpu.memref_slice %arg9[%mul3A_108] : memref<144xf32, #tpu.memory_space<hbm>> -> memref<16xf32, #tpu.memory_space<hbm>>
        %dma_wait3A_112 = tpu.memref_slice %arg9[%mul3A_108] : memref<144xf32, #tpu.memory_space<hbm>> -> memref<16xf32, #tpu.memory_space<hbm>>
        tpu.wait_dma2 semaphore(%run_scoped3A : memref<!tpu.dma_semaphore, #tpu.memory_space<semaphore_mem>>) src(%arg16 : memref<16xf32, #tpu.memory_space<vmem>>) dst(%dma_wait3A_112 : memref<16xf32, #tpu.memory_space<hbm>>)
        tpu.yield
      }) : () -> ()
    } else {
    }
    return
  }
}

module attributes {stable_mosaic.version = 14 : i64} {
  func.func @_stats_body(%arg0: i32, %arg1: memref<1024x128xf32, #tpu.memory_space<vmem>>, %arg2: memref<1024x128xf32, #tpu.memory_space<vmem>>, %arg3: memref<1024x128xf32, #tpu.memory_space<vmem>>, %arg4: memref<1024x128xf32, #tpu.memory_space<vmem>>, %arg5: memref<1024x128xf32, #tpu.memory_space<vmem>>, %arg6: memref<1024x128xf32, #tpu.memory_space<vmem>>, %arg7: memref<3x1024xi32, #tpu.memory_space<vmem>>, %arg8: memref<3x8xf32, #tpu.memory_space<smem>>, %arg9: memref<3x64xi32, #tpu.memory_space<smem>>, %arg10: memref<1024x128xi8, #tpu.memory_space<vmem>>) attributes {dimension_semantics = [#tpu.dimension_semantics<arbitrary>], iteration_bounds = array<i64: 8>, scalar_prefetch = 0 : i64, scratch_operands = 0 : i64, tpu.core_type = #tpu.core_type<tc>, window_params = [{transform_indices = @transform_0, window_bounds = array<i64: 1024, 128>}, {transform_indices = @transform_1, window_bounds = array<i64: 1024, 128>}, {transform_indices = @transform_2, window_bounds = array<i64: 1024, 128>}, {transform_indices = @transform_3, window_bounds = array<i64: 1024, 128>}, {transform_indices = @transform_4, window_bounds = array<i64: 1024, 128>}, {transform_indices = @transform_5, window_bounds = array<i64: 1024, 128>}, {transform_indices = @transform_6, window_bounds = array<i64: 3, 1024>}, {transform_indices = @transform_7, window_bounds = array<i64: 3, 8>}, {transform_indices = @transform_8, window_bounds = array<i64: 3, 64>}, {transform_indices = @transform_9, window_bounds = array<i64: 1024, 128>}]} {
    %eq3A = arith.constant 0 : i32
    %eq3A_0 = arith.cmpi eq, %arg0, %eq3A : i32
    %convert_element_type3A = arith.extui %eq3A_0 : i1 to i32
    %cond3A = arith.constant 0 : i32
    %cond3A_1 = arith.cmpi ne, %convert_element_type3A, %cond3A : i32
    scf.if %cond3A_1 {
      %swap3A_737 = arith.constant 0.000000e+00 : f32
      %swap3A_738 = arith.constant 0 : index
      %swap3A_739 = arith.constant 0 : index
      %swap3A_740 = memref.load %arg8[%swap3A_738, %swap3A_739] : memref<3x8xf32, #tpu.memory_space<smem>>
      memref.store %swap3A_737, %arg8[%swap3A_738, %swap3A_739] : memref<3x8xf32, #tpu.memory_space<smem>>
      %swap3A_741 = arith.constant 0.000000e+00 : f32
      %swap3A_742 = arith.constant 0 : index
      %swap3A_743 = arith.constant 1 : index
      %swap3A_744 = memref.load %arg8[%swap3A_742, %swap3A_743] : memref<3x8xf32, #tpu.memory_space<smem>>
      memref.store %swap3A_741, %arg8[%swap3A_742, %swap3A_743] : memref<3x8xf32, #tpu.memory_space<smem>>
      %swap3A_745 = arith.constant 0.000000e+00 : f32
      %swap3A_746 = arith.constant 0 : index
      %swap3A_747 = arith.constant 2 : index
      %swap3A_748 = memref.load %arg8[%swap3A_746, %swap3A_747] : memref<3x8xf32, #tpu.memory_space<smem>>
      memref.store %swap3A_745, %arg8[%swap3A_746, %swap3A_747] : memref<3x8xf32, #tpu.memory_space<smem>>
      %swap3A_749 = arith.constant 0.000000e+00 : f32
      %swap3A_750 = arith.constant 0 : index
      %swap3A_751 = arith.constant 3 : index
      %swap3A_752 = memref.load %arg8[%swap3A_750, %swap3A_751] : memref<3x8xf32, #tpu.memory_space<smem>>
      memref.store %swap3A_749, %arg8[%swap3A_750, %swap3A_751] : memref<3x8xf32, #tpu.memory_space<smem>>
      %swap3A_753 = arith.constant 0.000000e+00 : f32
      %swap3A_754 = arith.constant 0 : index
      %swap3A_755 = arith.constant 4 : index
      %swap3A_756 = memref.load %arg8[%swap3A_754, %swap3A_755] : memref<3x8xf32, #tpu.memory_space<smem>>
      memref.store %swap3A_753, %arg8[%swap3A_754, %swap3A_755] : memref<3x8xf32, #tpu.memory_space<smem>>
      %swap3A_757 = arith.constant 0.000000e+00 : f32
      %swap3A_758 = arith.constant 0 : index
      %swap3A_759 = arith.constant 5 : index
      %swap3A_760 = memref.load %arg8[%swap3A_758, %swap3A_759] : memref<3x8xf32, #tpu.memory_space<smem>>
      memref.store %swap3A_757, %arg8[%swap3A_758, %swap3A_759] : memref<3x8xf32, #tpu.memory_space<smem>>
      %swap3A_761 = arith.constant 0.000000e+00 : f32
      %swap3A_762 = arith.constant 0 : index
      %swap3A_763 = arith.constant 6 : index
      %swap3A_764 = memref.load %arg8[%swap3A_762, %swap3A_763] : memref<3x8xf32, #tpu.memory_space<smem>>
      memref.store %swap3A_761, %arg8[%swap3A_762, %swap3A_763] : memref<3x8xf32, #tpu.memory_space<smem>>
      %swap3A_765 = arith.constant 0.000000e+00 : f32
      %swap3A_766 = arith.constant 0 : index
      %swap3A_767 = arith.constant 7 : index
      %swap3A_768 = memref.load %arg8[%swap3A_766, %swap3A_767] : memref<3x8xf32, #tpu.memory_space<smem>>
      memref.store %swap3A_765, %arg8[%swap3A_766, %swap3A_767] : memref<3x8xf32, #tpu.memory_space<smem>>
      %swap3A_769 = arith.constant 0.000000e+00 : f32
      %swap3A_770 = arith.constant 1 : index
      %swap3A_771 = arith.constant 0 : index
      %swap3A_772 = memref.load %arg8[%swap3A_770, %swap3A_771] : memref<3x8xf32, #tpu.memory_space<smem>>
      memref.store %swap3A_769, %arg8[%swap3A_770, %swap3A_771] : memref<3x8xf32, #tpu.memory_space<smem>>
      %swap3A_773 = arith.constant 0.000000e+00 : f32
      %swap3A_774 = arith.constant 1 : index
      %swap3A_775 = arith.constant 1 : index
      %swap3A_776 = memref.load %arg8[%swap3A_774, %swap3A_775] : memref<3x8xf32, #tpu.memory_space<smem>>
      memref.store %swap3A_773, %arg8[%swap3A_774, %swap3A_775] : memref<3x8xf32, #tpu.memory_space<smem>>
      %swap3A_777 = arith.constant 0.000000e+00 : f32
      %swap3A_778 = arith.constant 1 : index
      %swap3A_779 = arith.constant 2 : index
      %swap3A_780 = memref.load %arg8[%swap3A_778, %swap3A_779] : memref<3x8xf32, #tpu.memory_space<smem>>
      memref.store %swap3A_777, %arg8[%swap3A_778, %swap3A_779] : memref<3x8xf32, #tpu.memory_space<smem>>
      %swap3A_781 = arith.constant 0.000000e+00 : f32
      %swap3A_782 = arith.constant 1 : index
      %swap3A_783 = arith.constant 3 : index
      %swap3A_784 = memref.load %arg8[%swap3A_782, %swap3A_783] : memref<3x8xf32, #tpu.memory_space<smem>>
      memref.store %swap3A_781, %arg8[%swap3A_782, %swap3A_783] : memref<3x8xf32, #tpu.memory_space<smem>>
      %swap3A_785 = arith.constant 0.000000e+00 : f32
      %swap3A_786 = arith.constant 1 : index
      %swap3A_787 = arith.constant 4 : index
      %swap3A_788 = memref.load %arg8[%swap3A_786, %swap3A_787] : memref<3x8xf32, #tpu.memory_space<smem>>
      memref.store %swap3A_785, %arg8[%swap3A_786, %swap3A_787] : memref<3x8xf32, #tpu.memory_space<smem>>
      %swap3A_789 = arith.constant 0.000000e+00 : f32
      %swap3A_790 = arith.constant 1 : index
      %swap3A_791 = arith.constant 5 : index
      %swap3A_792 = memref.load %arg8[%swap3A_790, %swap3A_791] : memref<3x8xf32, #tpu.memory_space<smem>>
      memref.store %swap3A_789, %arg8[%swap3A_790, %swap3A_791] : memref<3x8xf32, #tpu.memory_space<smem>>
      %swap3A_793 = arith.constant 0.000000e+00 : f32
      %swap3A_794 = arith.constant 1 : index
      %swap3A_795 = arith.constant 6 : index
      %swap3A_796 = memref.load %arg8[%swap3A_794, %swap3A_795] : memref<3x8xf32, #tpu.memory_space<smem>>
      memref.store %swap3A_793, %arg8[%swap3A_794, %swap3A_795] : memref<3x8xf32, #tpu.memory_space<smem>>
      %swap3A_797 = arith.constant 0.000000e+00 : f32
      %swap3A_798 = arith.constant 1 : index
      %swap3A_799 = arith.constant 7 : index
      %swap3A_800 = memref.load %arg8[%swap3A_798, %swap3A_799] : memref<3x8xf32, #tpu.memory_space<smem>>
      memref.store %swap3A_797, %arg8[%swap3A_798, %swap3A_799] : memref<3x8xf32, #tpu.memory_space<smem>>
      %swap3A_801 = arith.constant 0.000000e+00 : f32
      %swap3A_802 = arith.constant 2 : index
      %swap3A_803 = arith.constant 0 : index
      %swap3A_804 = memref.load %arg8[%swap3A_802, %swap3A_803] : memref<3x8xf32, #tpu.memory_space<smem>>
      memref.store %swap3A_801, %arg8[%swap3A_802, %swap3A_803] : memref<3x8xf32, #tpu.memory_space<smem>>
      %swap3A_805 = arith.constant 0.000000e+00 : f32
      %swap3A_806 = arith.constant 2 : index
      %swap3A_807 = arith.constant 1 : index
      %swap3A_808 = memref.load %arg8[%swap3A_806, %swap3A_807] : memref<3x8xf32, #tpu.memory_space<smem>>
      memref.store %swap3A_805, %arg8[%swap3A_806, %swap3A_807] : memref<3x8xf32, #tpu.memory_space<smem>>
      %swap3A_809 = arith.constant 0.000000e+00 : f32
      %swap3A_810 = arith.constant 2 : index
      %swap3A_811 = arith.constant 2 : index
      %swap3A_812 = memref.load %arg8[%swap3A_810, %swap3A_811] : memref<3x8xf32, #tpu.memory_space<smem>>
      memref.store %swap3A_809, %arg8[%swap3A_810, %swap3A_811] : memref<3x8xf32, #tpu.memory_space<smem>>
      %swap3A_813 = arith.constant 0.000000e+00 : f32
      %swap3A_814 = arith.constant 2 : index
      %swap3A_815 = arith.constant 3 : index
      %swap3A_816 = memref.load %arg8[%swap3A_814, %swap3A_815] : memref<3x8xf32, #tpu.memory_space<smem>>
      memref.store %swap3A_813, %arg8[%swap3A_814, %swap3A_815] : memref<3x8xf32, #tpu.memory_space<smem>>
      %swap3A_817 = arith.constant 0.000000e+00 : f32
      %swap3A_818 = arith.constant 2 : index
      %swap3A_819 = arith.constant 4 : index
      %swap3A_820 = memref.load %arg8[%swap3A_818, %swap3A_819] : memref<3x8xf32, #tpu.memory_space<smem>>
      memref.store %swap3A_817, %arg8[%swap3A_818, %swap3A_819] : memref<3x8xf32, #tpu.memory_space<smem>>
      %swap3A_821 = arith.constant 0.000000e+00 : f32
      %swap3A_822 = arith.constant 2 : index
      %swap3A_823 = arith.constant 5 : index
      %swap3A_824 = memref.load %arg8[%swap3A_822, %swap3A_823] : memref<3x8xf32, #tpu.memory_space<smem>>
      memref.store %swap3A_821, %arg8[%swap3A_822, %swap3A_823] : memref<3x8xf32, #tpu.memory_space<smem>>
      %swap3A_825 = arith.constant 0.000000e+00 : f32
      %swap3A_826 = arith.constant 2 : index
      %swap3A_827 = arith.constant 6 : index
      %swap3A_828 = memref.load %arg8[%swap3A_826, %swap3A_827] : memref<3x8xf32, #tpu.memory_space<smem>>
      memref.store %swap3A_825, %arg8[%swap3A_826, %swap3A_827] : memref<3x8xf32, #tpu.memory_space<smem>>
      %swap3A_829 = arith.constant 0.000000e+00 : f32
      %swap3A_830 = arith.constant 2 : index
      %swap3A_831 = arith.constant 7 : index
      %swap3A_832 = memref.load %arg8[%swap3A_830, %swap3A_831] : memref<3x8xf32, #tpu.memory_space<smem>>
      memref.store %swap3A_829, %arg8[%swap3A_830, %swap3A_831] : memref<3x8xf32, #tpu.memory_space<smem>>
    } else {
    }
    %iota3A = tpu.iota {dimensions = array<i32: 1>} : vector<1x1024xi32>
    %iota3A_2 = vector.shape_cast %iota3A : vector<1x1024xi32> to vector<1024xi32>
    %and3A = arith.constant 127 : i32
    %and3A_3 = vector.broadcast %and3A : i32 to vector<1024xi32>
    %and3A_4 = arith.andi %iota3A_2, %and3A_3 : vector<1024xi32>
    %convert_element_type3A_5 = arith.sitofp %and3A_4 : vector<1024xi32> to vector<1024xf32>
    %shift_right_logical3A = arith.constant 7 : i32
    %shift_right_logical3A_6 = vector.broadcast %shift_right_logical3A : i32 to vector<1024xi32>
    %shift_right_logical3A_7 = arith.shrui %iota3A_2, %shift_right_logical3A_6 : vector<1024xi32>
    %mul3A = arith.constant 8 : i32
    %mul3A_8 = arith.muli %arg0, %mul3A : i32
    %add3A = vector.broadcast %mul3A_8 : i32 to vector<1024xi32>
    %add3A_9 = arith.addi %shift_right_logical3A_7, %add3A : vector<1024xi32>
    %convert_element_type3A_10 = arith.sitofp %add3A_9 : vector<1024xi32> to vector<1024xf32>
    %iota3A_11 = tpu.iota {dimensions = array<i32: 1>} : vector<1x128xi32>
    %iota3A_12 = vector.shape_cast %iota3A_11 : vector<1x128xi32> to vector<128xi32>
    %convert_element_type3A_13 = arith.sitofp %iota3A_12 : vector<128xi32> to vector<128xf32>
    %get3A = arith.constant 0 : index
    %get3A_14 = arith.constant 0 : index
    %get3A_15 = vector.load %arg1[%get3A, %get3A_14] : memref<1024x128xf32, #tpu.memory_space<vmem>>, vector<1024x128xf32>
    %get3A_16 = arith.constant 0 : index
    %get3A_17 = arith.constant 0 : index
    %get3A_18 = vector.load %arg2[%get3A_16, %get3A_17] : memref<1024x128xf32, #tpu.memory_space<vmem>>, vector<1024x128xf32>
    %get3A_19 = arith.constant 0 : index
    %get3A_20 = arith.constant 0 : index
    %get3A_21 = vector.load %arg3[%get3A_19, %get3A_20] : memref<1024x128xf32, #tpu.memory_space<vmem>>, vector<1024x128xf32>
    %get3A_22 = arith.constant 0 : index
    %get3A_23 = arith.constant 0 : index
    %get3A_24 = vector.load %arg4[%get3A_22, %get3A_23] : memref<1024x128xf32, #tpu.memory_space<vmem>>, vector<1024x128xf32>
    %get3A_25 = arith.constant 0 : index
    %get3A_26 = arith.constant 0 : index
    %get3A_27 = vector.load %arg5[%get3A_25, %get3A_26] : memref<1024x128xf32, #tpu.memory_space<vmem>>, vector<1024x128xf32>
    %get3A_28 = arith.constant 0 : index
    %get3A_29 = arith.constant 0 : index
    %get3A_30 = vector.load %arg6[%get3A_28, %get3A_29] : memref<1024x128xf32, #tpu.memory_space<vmem>>, vector<1024x128xf32>
    %mul3A_31 = arith.constant 2.000000e+00 : f32
    %mul3A_32 = vector.broadcast %mul3A_31 : f32 to vector<1024x128xf32>
    %mul3A_33 = arith.mulf %mul3A_32, %get3A_18 : vector<1024x128xf32>
    %add3A_34 = arith.addf %get3A_15, %mul3A_33 : vector<1024x128xf32>
    %mul3A_35 = arith.constant 4.000000e+00 : f32
    %mul3A_36 = vector.broadcast %mul3A_35 : f32 to vector<1024x128xf32>
    %mul3A_37 = arith.mulf %mul3A_36, %get3A_21 : vector<1024x128xf32>
    %add3A_38 = arith.addf %add3A_34, %mul3A_37 : vector<1024x128xf32>
    %convert_element_type3A_39 = arith.fptosi %add3A_38 : vector<1024x128xf32> to vector<1024x128xi32>
    %convert_element_type3A_40 = arith.trunci %convert_element_type3A_39 : vector<1024x128xi32> to vector<1024x128xi8>
    %swap3A = arith.constant 0 : index
    %swap3A_41 = arith.constant 0 : index
    %swap3A_42 = vector.load %arg10[%swap3A, %swap3A_41] : memref<1024x128xi8, #tpu.memory_space<vmem>>, vector<1024x128xi8>
    tpu.vector_store %arg10[%swap3A, %swap3A_41], %convert_element_type3A_40 {strides = array<i32>} : memref<1024x128xi8, #tpu.memory_space<vmem>>, vector<1024x128xi8>,
    %reduce_sum3A = arith.constant dense<0.000000e+00> : vector<1024xf32>
    %reduce_sum3A_43 = vector.multi_reduction <add>, %get3A_15, %reduce_sum3A [1] : vector<1024x128xf32> to vector<1024xf32>
    %reduce_sum3A_44 = arith.constant dense<0.000000e+00> : vector<1024xf32>
    %reduce_sum3A_45 = vector.multi_reduction <add>, %get3A_24, %reduce_sum3A_44 [1] : vector<1024x128xf32> to vector<1024xf32>
    %convert_element_type3A_46 = arith.fptosi %reduce_sum3A_43 : vector<1024xf32> to vector<1024xi32>
    %swap3A_47 = arith.constant 0 : index
    %swap3A_48 = arith.constant 0 : index
    %swap3A_49 = vector.load %arg7[%swap3A_47, %swap3A_48] : memref<3x1024xi32, #tpu.memory_space<vmem>>, vector<1x1024xi32>
    %swap3A_50 = vector.shape_cast %swap3A_49 : vector<1x1024xi32> to vector<1024xi32>
    %swap3A_51 = vector.shape_cast %convert_element_type3A_46 : vector<1024xi32> to vector<1x1024xi32>
    tpu.vector_store %arg7[%swap3A_47, %swap3A_48], %swap3A_51 {strides = array<i32>} : memref<3x1024xi32, #tpu.memory_space<vmem>>, vector<1x1024xi32>,
    %slice3A = vector.extract_strided_slice %reduce_sum3A_43 {offsets = [0], sizes = [128], strides = [1]} : vector<1024xf32> to vector<128xf32>
    %reduce_sum3A_52 = vector.shape_cast %slice3A : vector<128xf32> to vector<1x128xf32>
    %reduce_sum3A_53 = arith.constant dense<0.000000e+00> : vector<1xf32>
    %reduce_sum3A_54 = vector.multi_reduction <add>, %reduce_sum3A_52, %reduce_sum3A_53 [1] : vector<1x128xf32> to vector<1xf32>
    %reduce_sum3A_55 = vector.shape_cast %reduce_sum3A_54 : vector<1xf32> to vector<1x1xf32>
    %reduce_sum3A_56 = vector.extract %reduce_sum3A_55[0, 0] : f32 from vector<1x1xf32>
    %convert_element_type3A_57 = arith.fptosi %reduce_sum3A_56 : f32 to i32
    %mul3A_58 = arith.constant 8 : i32
    %mul3A_59 = arith.muli %mul3A_58, %arg0 : i32
    %add3A_60 = arith.constant 0 : i32
    %add3A_61 = arith.addi %mul3A_59, %add3A_60 : i32
    %swap3A_62 = arith.constant 0 : index
    %swap3A_63 = arith.index_cast %add3A_61 : i32 to index
    %swap3A_64 = memref.load %arg9[%swap3A_62, %swap3A_63] : memref<3x64xi32, #tpu.memory_space<smem>>
    memref.store %convert_element_type3A_57, %arg9[%swap3A_62, %swap3A_63] : memref<3x64xi32, #tpu.memory_space<smem>>
    %add3A_65 = arith.constant 0.000000e+00 : f32
    %add3A_66 = arith.addf %add3A_65, %reduce_sum3A_56 : f32
    %slice3A_67 = vector.extract_strided_slice %reduce_sum3A_43 {offsets = [128], sizes = [128], strides = [1]} : vector<1024xf32> to vector<128xf32>
    %reduce_sum3A_68 = vector.shape_cast %slice3A_67 : vector<128xf32> to vector<1x128xf32>
    %reduce_sum3A_69 = arith.constant dense<0.000000e+00> : vector<1xf32>
    %reduce_sum3A_70 = vector.multi_reduction <add>, %reduce_sum3A_68, %reduce_sum3A_69 [1] : vector<1x128xf32> to vector<1xf32>
    %reduce_sum3A_71 = vector.shape_cast %reduce_sum3A_70 : vector<1xf32> to vector<1x1xf32>
    %reduce_sum3A_72 = vector.extract %reduce_sum3A_71[0, 0] : f32 from vector<1x1xf32>
    %convert_element_type3A_73 = arith.fptosi %reduce_sum3A_72 : f32 to i32
    %mul3A_74 = arith.constant 8 : i32
    %mul3A_75 = arith.muli %mul3A_74, %arg0 : i32
    %add3A_76 = arith.constant 1 : i32
    %add3A_77 = arith.addi %mul3A_75, %add3A_76 : i32
    %swap3A_78 = arith.constant 0 : index
    %swap3A_79 = arith.index_cast %add3A_77 : i32 to index
    %swap3A_80 = memref.load %arg9[%swap3A_78, %swap3A_79] : memref<3x64xi32, #tpu.memory_space<smem>>
    memref.store %convert_element_type3A_73, %arg9[%swap3A_78, %swap3A_79] : memref<3x64xi32, #tpu.memory_space<smem>>
    %add3A_81 = arith.addf %add3A_66, %reduce_sum3A_72 : f32
    %slice3A_82 = vector.extract_strided_slice %reduce_sum3A_43 {offsets = [256], sizes = [128], strides = [1]} : vector<1024xf32> to vector<128xf32>
    %reduce_sum3A_83 = vector.shape_cast %slice3A_82 : vector<128xf32> to vector<1x128xf32>
    %reduce_sum3A_84 = arith.constant dense<0.000000e+00> : vector<1xf32>
    %reduce_sum3A_85 = vector.multi_reduction <add>, %reduce_sum3A_83, %reduce_sum3A_84 [1] : vector<1x128xf32> to vector<1xf32>
    %reduce_sum3A_86 = vector.shape_cast %reduce_sum3A_85 : vector<1xf32> to vector<1x1xf32>
    %reduce_sum3A_87 = vector.extract %reduce_sum3A_86[0, 0] : f32 from vector<1x1xf32>
    %convert_element_type3A_88 = arith.fptosi %reduce_sum3A_87 : f32 to i32
    %mul3A_89 = arith.constant 8 : i32
    %mul3A_90 = arith.muli %mul3A_89, %arg0 : i32
    %add3A_91 = arith.constant 2 : i32
    %add3A_92 = arith.addi %mul3A_90, %add3A_91 : i32
    %swap3A_93 = arith.constant 0 : index
    %swap3A_94 = arith.index_cast %add3A_92 : i32 to index
    %swap3A_95 = memref.load %arg9[%swap3A_93, %swap3A_94] : memref<3x64xi32, #tpu.memory_space<smem>>
    memref.store %convert_element_type3A_88, %arg9[%swap3A_93, %swap3A_94] : memref<3x64xi32, #tpu.memory_space<smem>>
    %add3A_96 = arith.addf %add3A_81, %reduce_sum3A_87 : f32
    %slice3A_97 = vector.extract_strided_slice %reduce_sum3A_43 {offsets = [384], sizes = [128], strides = [1]} : vector<1024xf32> to vector<128xf32>
    %reduce_sum3A_98 = vector.shape_cast %slice3A_97 : vector<128xf32> to vector<1x128xf32>
    %reduce_sum3A_99 = arith.constant dense<0.000000e+00> : vector<1xf32>
    %reduce_sum3A_100 = vector.multi_reduction <add>, %reduce_sum3A_98, %reduce_sum3A_99 [1] : vector<1x128xf32> to vector<1xf32>
    %reduce_sum3A_101 = vector.shape_cast %reduce_sum3A_100 : vector<1xf32> to vector<1x1xf32>
    %reduce_sum3A_102 = vector.extract %reduce_sum3A_101[0, 0] : f32 from vector<1x1xf32>
    %convert_element_type3A_103 = arith.fptosi %reduce_sum3A_102 : f32 to i32
    %mul3A_104 = arith.constant 8 : i32
    %mul3A_105 = arith.muli %mul3A_104, %arg0 : i32
    %add3A_106 = arith.constant 3 : i32
    %add3A_107 = arith.addi %mul3A_105, %add3A_106 : i32
    %swap3A_108 = arith.constant 0 : index
    %swap3A_109 = arith.index_cast %add3A_107 : i32 to index
    %swap3A_110 = memref.load %arg9[%swap3A_108, %swap3A_109] : memref<3x64xi32, #tpu.memory_space<smem>>
    memref.store %convert_element_type3A_103, %arg9[%swap3A_108, %swap3A_109] : memref<3x64xi32, #tpu.memory_space<smem>>
    %add3A_111 = arith.addf %add3A_96, %reduce_sum3A_102 : f32
    %slice3A_112 = vector.extract_strided_slice %reduce_sum3A_43 {offsets = [512], sizes = [128], strides = [1]} : vector<1024xf32> to vector<128xf32>
    %reduce_sum3A_113 = vector.shape_cast %slice3A_112 : vector<128xf32> to vector<1x128xf32>
    %reduce_sum3A_114 = arith.constant dense<0.000000e+00> : vector<1xf32>
    %reduce_sum3A_115 = vector.multi_reduction <add>, %reduce_sum3A_113, %reduce_sum3A_114 [1] : vector<1x128xf32> to vector<1xf32>
    %reduce_sum3A_116 = vector.shape_cast %reduce_sum3A_115 : vector<1xf32> to vector<1x1xf32>
    %reduce_sum3A_117 = vector.extract %reduce_sum3A_116[0, 0] : f32 from vector<1x1xf32>
    %convert_element_type3A_118 = arith.fptosi %reduce_sum3A_117 : f32 to i32
    %mul3A_119 = arith.constant 8 : i32
    %mul3A_120 = arith.muli %mul3A_119, %arg0 : i32
    %add3A_121 = arith.constant 4 : i32
    %add3A_122 = arith.addi %mul3A_120, %add3A_121 : i32
    %swap3A_123 = arith.constant 0 : index
    %swap3A_124 = arith.index_cast %add3A_122 : i32 to index
    %swap3A_125 = memref.load %arg9[%swap3A_123, %swap3A_124] : memref<3x64xi32, #tpu.memory_space<smem>>
    memref.store %convert_element_type3A_118, %arg9[%swap3A_123, %swap3A_124] : memref<3x64xi32, #tpu.memory_space<smem>>
    %add3A_126 = arith.addf %add3A_111, %reduce_sum3A_117 : f32
    %slice3A_127 = vector.extract_strided_slice %reduce_sum3A_43 {offsets = [640], sizes = [128], strides = [1]} : vector<1024xf32> to vector<128xf32>
    %reduce_sum3A_128 = vector.shape_cast %slice3A_127 : vector<128xf32> to vector<1x128xf32>
    %reduce_sum3A_129 = arith.constant dense<0.000000e+00> : vector<1xf32>
    %reduce_sum3A_130 = vector.multi_reduction <add>, %reduce_sum3A_128, %reduce_sum3A_129 [1] : vector<1x128xf32> to vector<1xf32>
    %reduce_sum3A_131 = vector.shape_cast %reduce_sum3A_130 : vector<1xf32> to vector<1x1xf32>
    %reduce_sum3A_132 = vector.extract %reduce_sum3A_131[0, 0] : f32 from vector<1x1xf32>
    %convert_element_type3A_133 = arith.fptosi %reduce_sum3A_132 : f32 to i32
    %mul3A_134 = arith.constant 8 : i32
    %mul3A_135 = arith.muli %mul3A_134, %arg0 : i32
    %add3A_136 = arith.constant 5 : i32
    %add3A_137 = arith.addi %mul3A_135, %add3A_136 : i32
    %swap3A_138 = arith.constant 0 : index
    %swap3A_139 = arith.index_cast %add3A_137 : i32 to index
    %swap3A_140 = memref.load %arg9[%swap3A_138, %swap3A_139] : memref<3x64xi32, #tpu.memory_space<smem>>
    memref.store %convert_element_type3A_133, %arg9[%swap3A_138, %swap3A_139] : memref<3x64xi32, #tpu.memory_space<smem>>
    %add3A_141 = arith.addf %add3A_126, %reduce_sum3A_132 : f32
    %slice3A_142 = vector.extract_strided_slice %reduce_sum3A_43 {offsets = [768], sizes = [128], strides = [1]} : vector<1024xf32> to vector<128xf32>
    %reduce_sum3A_143 = vector.shape_cast %slice3A_142 : vector<128xf32> to vector<1x128xf32>
    %reduce_sum3A_144 = arith.constant dense<0.000000e+00> : vector<1xf32>
    %reduce_sum3A_145 = vector.multi_reduction <add>, %reduce_sum3A_143, %reduce_sum3A_144 [1] : vector<1x128xf32> to vector<1xf32>
    %reduce_sum3A_146 = vector.shape_cast %reduce_sum3A_145 : vector<1xf32> to vector<1x1xf32>
    %reduce_sum3A_147 = vector.extract %reduce_sum3A_146[0, 0] : f32 from vector<1x1xf32>
    %convert_element_type3A_148 = arith.fptosi %reduce_sum3A_147 : f32 to i32
    %mul3A_149 = arith.constant 8 : i32
    %mul3A_150 = arith.muli %mul3A_149, %arg0 : i32
    %add3A_151 = arith.constant 6 : i32
    %add3A_152 = arith.addi %mul3A_150, %add3A_151 : i32
    %swap3A_153 = arith.constant 0 : index
    %swap3A_154 = arith.index_cast %add3A_152 : i32 to index
    %swap3A_155 = memref.load %arg9[%swap3A_153, %swap3A_154] : memref<3x64xi32, #tpu.memory_space<smem>>
    memref.store %convert_element_type3A_148, %arg9[%swap3A_153, %swap3A_154] : memref<3x64xi32, #tpu.memory_space<smem>>
    %add3A_156 = arith.addf %add3A_141, %reduce_sum3A_147 : f32
    %slice3A_157 = vector.extract_strided_slice %reduce_sum3A_43 {offsets = [896], sizes = [128], strides = [1]} : vector<1024xf32> to vector<128xf32>
    %reduce_sum3A_158 = vector.shape_cast %slice3A_157 : vector<128xf32> to vector<1x128xf32>
    %reduce_sum3A_159 = arith.constant dense<0.000000e+00> : vector<1xf32>
    %reduce_sum3A_160 = vector.multi_reduction <add>, %reduce_sum3A_158, %reduce_sum3A_159 [1] : vector<1x128xf32> to vector<1xf32>
    %reduce_sum3A_161 = vector.shape_cast %reduce_sum3A_160 : vector<1xf32> to vector<1x1xf32>
    %reduce_sum3A_162 = vector.extract %reduce_sum3A_161[0, 0] : f32 from vector<1x1xf32>
    %convert_element_type3A_163 = arith.fptosi %reduce_sum3A_162 : f32 to i32
    %mul3A_164 = arith.constant 8 : i32
    %mul3A_165 = arith.muli %mul3A_164, %arg0 : i32
    %add3A_166 = arith.constant 7 : i32
    %add3A_167 = arith.addi %mul3A_165, %add3A_166 : i32
    %swap3A_168 = arith.constant 0 : index
    %swap3A_169 = arith.index_cast %add3A_167 : i32 to index
    %swap3A_170 = memref.load %arg9[%swap3A_168, %swap3A_169] : memref<3x64xi32, #tpu.memory_space<smem>>
    memref.store %convert_element_type3A_163, %arg9[%swap3A_168, %swap3A_169] : memref<3x64xi32, #tpu.memory_space<smem>>
    %add3A_171 = arith.addf %add3A_156, %reduce_sum3A_162 : f32
    %get3A_172 = arith.constant 0 : index
    %get3A_173 = arith.constant 0 : index
    %get3A_174 = memref.load %arg8[%get3A_172, %get3A_173] : memref<3x8xf32, #tpu.memory_space<smem>>
    %add3A_175 = arith.addf %get3A_174, %add3A_171 : f32
    %swap3A_176 = arith.constant 0 : index
    %swap3A_177 = arith.constant 0 : index
    %swap3A_178 = memref.load %arg8[%swap3A_176, %swap3A_177] : memref<3x8xf32, #tpu.memory_space<smem>>
    memref.store %add3A_175, %arg8[%swap3A_176, %swap3A_177] : memref<3x8xf32, #tpu.memory_space<smem>>
    %get3A_179 = arith.constant 0 : index
    %get3A_180 = arith.constant 1 : index
    %get3A_181 = memref.load %arg8[%get3A_179, %get3A_180] : memref<3x8xf32, #tpu.memory_space<smem>>
    %mul3A_182 = arith.mulf %convert_element_type3A_10, %reduce_sum3A_43 : vector<1024xf32>
    %reduce_sum3A_183 = vector.shape_cast %mul3A_182 : vector<1024xf32> to vector<1x1024xf32>
    %reduce_sum3A_184 = arith.constant dense<0.000000e+00> : vector<1xf32>
    %reduce_sum3A_185 = vector.multi_reduction <add>, %reduce_sum3A_183, %reduce_sum3A_184 [1] : vector<1x1024xf32> to vector<1xf32>
    %reduce_sum3A_186 = vector.shape_cast %reduce_sum3A_185 : vector<1xf32> to vector<1x1xf32>
    %reduce_sum3A_187 = vector.extract %reduce_sum3A_186[0, 0] : f32 from vector<1x1xf32>
    %add3A_188 = arith.addf %get3A_181, %reduce_sum3A_187 : f32
    %swap3A_189 = arith.constant 0 : index
    %swap3A_190 = arith.constant 1 : index
    %swap3A_191 = memref.load %arg8[%swap3A_189, %swap3A_190] : memref<3x8xf32, #tpu.memory_space<smem>>
    memref.store %add3A_188, %arg8[%swap3A_189, %swap3A_190] : memref<3x8xf32, #tpu.memory_space<smem>>
    %get3A_192 = arith.constant 0 : index
    %get3A_193 = arith.constant 2 : index
    %get3A_194 = memref.load %arg8[%get3A_192, %get3A_193] : memref<3x8xf32, #tpu.memory_space<smem>>
    %mul3A_195 = arith.mulf %convert_element_type3A_5, %reduce_sum3A_43 : vector<1024xf32>
    %reduce_sum3A_196 = vector.shape_cast %mul3A_195 : vector<1024xf32> to vector<1x1024xf32>
    %reduce_sum3A_197 = arith.constant dense<0.000000e+00> : vector<1xf32>
    %reduce_sum3A_198 = vector.multi_reduction <add>, %reduce_sum3A_196, %reduce_sum3A_197 [1] : vector<1x1024xf32> to vector<1xf32>
    %reduce_sum3A_199 = vector.shape_cast %reduce_sum3A_198 : vector<1xf32> to vector<1x1xf32>
    %reduce_sum3A_200 = vector.extract %reduce_sum3A_199[0, 0] : f32 from vector<1x1xf32>
    %add3A_201 = arith.addf %get3A_194, %reduce_sum3A_200 : f32
    %swap3A_202 = arith.constant 0 : index
    %swap3A_203 = arith.constant 2 : index
    %swap3A_204 = memref.load %arg8[%swap3A_202, %swap3A_203] : memref<3x8xf32, #tpu.memory_space<smem>>
    memref.store %add3A_201, %arg8[%swap3A_202, %swap3A_203] : memref<3x8xf32, #tpu.memory_space<smem>>
    %get3A_205 = arith.constant 0 : index
    %get3A_206 = arith.constant 3 : index
    %get3A_207 = memref.load %arg8[%get3A_205, %get3A_206] : memref<3x8xf32, #tpu.memory_space<smem>>
    %reduce_sum3A_208 = arith.constant dense<0.000000e+00> : vector<128xf32>
    %reduce_sum3A_209 = vector.multi_reduction <add>, %get3A_15, %reduce_sum3A_208 [0] : vector<1024x128xf32> to vector<128xf32>
    %mul3A_210 = arith.mulf %reduce_sum3A_209, %convert_element_type3A_13 : vector<128xf32>
    %reduce_sum3A_211 = vector.shape_cast %mul3A_210 : vector<128xf32> to vector<1x128xf32>
    %reduce_sum3A_212 = arith.constant dense<0.000000e+00> : vector<1xf32>
    %reduce_sum3A_213 = vector.multi_reduction <add>, %reduce_sum3A_211, %reduce_sum3A_212 [1] : vector<1x128xf32> to vector<1xf32>
    %reduce_sum3A_214 = vector.shape_cast %reduce_sum3A_213 : vector<1xf32> to vector<1x1xf32>
    %reduce_sum3A_215 = vector.extract %reduce_sum3A_214[0, 0] : f32 from vector<1x1xf32>
    %add3A_216 = arith.addf %get3A_207, %reduce_sum3A_215 : f32
    %swap3A_217 = arith.constant 0 : index
    %swap3A_218 = arith.constant 3 : index
    %swap3A_219 = memref.load %arg8[%swap3A_217, %swap3A_218] : memref<3x8xf32, #tpu.memory_space<smem>>
    memref.store %add3A_216, %arg8[%swap3A_217, %swap3A_218] : memref<3x8xf32, #tpu.memory_space<smem>>
    %get3A_220 = arith.constant 0 : index
    %get3A_221 = arith.constant 4 : index
    %get3A_222 = memref.load %arg8[%get3A_220, %get3A_221] : memref<3x8xf32, #tpu.memory_space<smem>>
    %reduce_sum3A_223 = vector.shape_cast %reduce_sum3A_45 : vector<1024xf32> to vector<1x1024xf32>
    %reduce_sum3A_224 = arith.constant dense<0.000000e+00> : vector<1xf32>
    %reduce_sum3A_225 = vector.multi_reduction <add>, %reduce_sum3A_223, %reduce_sum3A_224 [1] : vector<1x1024xf32> to vector<1xf32>
    %reduce_sum3A_226 = vector.shape_cast %reduce_sum3A_225 : vector<1xf32> to vector<1x1xf32>
    %reduce_sum3A_227 = vector.extract %reduce_sum3A_226[0, 0] : f32 from vector<1x1xf32>
    %add3A_228 = arith.addf %get3A_222, %reduce_sum3A_227 : f32
    %swap3A_229 = arith.constant 0 : index
    %swap3A_230 = arith.constant 4 : index
    %swap3A_231 = memref.load %arg8[%swap3A_229, %swap3A_230] : memref<3x8xf32, #tpu.memory_space<smem>>
    memref.store %add3A_228, %arg8[%swap3A_229, %swap3A_230] : memref<3x8xf32, #tpu.memory_space<smem>>
    %get3A_232 = arith.constant 0 : index
    %get3A_233 = arith.constant 5 : index
    %get3A_234 = memref.load %arg8[%get3A_232, %get3A_233] : memref<3x8xf32, #tpu.memory_space<smem>>
    %mul3A_235 = arith.mulf %convert_element_type3A_10, %reduce_sum3A_45 : vector<1024xf32>
    %reduce_sum3A_236 = vector.shape_cast %mul3A_235 : vector<1024xf32> to vector<1x1024xf32>
    %reduce_sum3A_237 = arith.constant dense<0.000000e+00> : vector<1xf32>
    %reduce_sum3A_238 = vector.multi_reduction <add>, %reduce_sum3A_236, %reduce_sum3A_237 [1] : vector<1x1024xf32> to vector<1xf32>
    %reduce_sum3A_239 = vector.shape_cast %reduce_sum3A_238 : vector<1xf32> to vector<1x1xf32>
    %reduce_sum3A_240 = vector.extract %reduce_sum3A_239[0, 0] : f32 from vector<1x1xf32>
    %add3A_241 = arith.addf %get3A_234, %reduce_sum3A_240 : f32
    %swap3A_242 = arith.constant 0 : index
    %swap3A_243 = arith.constant 5 : index
    %swap3A_244 = memref.load %arg8[%swap3A_242, %swap3A_243] : memref<3x8xf32, #tpu.memory_space<smem>>
    memref.store %add3A_241, %arg8[%swap3A_242, %swap3A_243] : memref<3x8xf32, #tpu.memory_space<smem>>
    %get3A_245 = arith.constant 0 : index
    %get3A_246 = arith.constant 6 : index
    %get3A_247 = memref.load %arg8[%get3A_245, %get3A_246] : memref<3x8xf32, #tpu.memory_space<smem>>
    %mul3A_248 = arith.mulf %convert_element_type3A_5, %reduce_sum3A_45 : vector<1024xf32>
    %reduce_sum3A_249 = vector.shape_cast %mul3A_248 : vector<1024xf32> to vector<1x1024xf32>
    %reduce_sum3A_250 = arith.constant dense<0.000000e+00> : vector<1xf32>
    %reduce_sum3A_251 = vector.multi_reduction <add>, %reduce_sum3A_249, %reduce_sum3A_250 [1] : vector<1x1024xf32> to vector<1xf32>
    %reduce_sum3A_252 = vector.shape_cast %reduce_sum3A_251 : vector<1xf32> to vector<1x1xf32>
    %reduce_sum3A_253 = vector.extract %reduce_sum3A_252[0, 0] : f32 from vector<1x1xf32>
    %add3A_254 = arith.addf %get3A_247, %reduce_sum3A_253 : f32
    %swap3A_255 = arith.constant 0 : index
    %swap3A_256 = arith.constant 6 : index
    %swap3A_257 = memref.load %arg8[%swap3A_255, %swap3A_256] : memref<3x8xf32, #tpu.memory_space<smem>>
    memref.store %add3A_254, %arg8[%swap3A_255, %swap3A_256] : memref<3x8xf32, #tpu.memory_space<smem>>
    %get3A_258 = arith.constant 0 : index
    %get3A_259 = arith.constant 7 : index
    %get3A_260 = memref.load %arg8[%get3A_258, %get3A_259] : memref<3x8xf32, #tpu.memory_space<smem>>
    %reduce_sum3A_261 = arith.constant dense<0.000000e+00> : vector<128xf32>
    %reduce_sum3A_262 = vector.multi_reduction <add>, %get3A_24, %reduce_sum3A_261 [0] : vector<1024x128xf32> to vector<128xf32>
    %mul3A_263 = arith.mulf %reduce_sum3A_262, %convert_element_type3A_13 : vector<128xf32>
    %reduce_sum3A_264 = vector.shape_cast %mul3A_263 : vector<128xf32> to vector<1x128xf32>
    %reduce_sum3A_265 = arith.constant dense<0.000000e+00> : vector<1xf32>
    %reduce_sum3A_266 = vector.multi_reduction <add>, %reduce_sum3A_264, %reduce_sum3A_265 [1] : vector<1x128xf32> to vector<1xf32>
    %reduce_sum3A_267 = vector.shape_cast %reduce_sum3A_266 : vector<1xf32> to vector<1x1xf32>
    %reduce_sum3A_268 = vector.extract %reduce_sum3A_267[0, 0] : f32 from vector<1x1xf32>
    %add3A_269 = arith.addf %get3A_260, %reduce_sum3A_268 : f32
    %swap3A_270 = arith.constant 0 : index
    %swap3A_271 = arith.constant 7 : index
    %swap3A_272 = memref.load %arg8[%swap3A_270, %swap3A_271] : memref<3x8xf32, #tpu.memory_space<smem>>
    memref.store %add3A_269, %arg8[%swap3A_270, %swap3A_271] : memref<3x8xf32, #tpu.memory_space<smem>>
    %reduce_sum3A_273 = arith.constant dense<0.000000e+00> : vector<1024xf32>
    %reduce_sum3A_274 = vector.multi_reduction <add>, %get3A_18, %reduce_sum3A_273 [1] : vector<1024x128xf32> to vector<1024xf32>
    %reduce_sum3A_275 = arith.constant dense<0.000000e+00> : vector<1024xf32>
    %reduce_sum3A_276 = vector.multi_reduction <add>, %get3A_27, %reduce_sum3A_275 [1] : vector<1024x128xf32> to vector<1024xf32>
    %convert_element_type3A_277 = arith.fptosi %reduce_sum3A_274 : vector<1024xf32> to vector<1024xi32>
    %swap3A_278 = arith.constant 1 : index
    %swap3A_279 = arith.constant 0 : index
    %swap3A_280 = vector.load %arg7[%swap3A_278, %swap3A_279] : memref<3x1024xi32, #tpu.memory_space<vmem>>, vector<1x1024xi32>
    %swap3A_281 = vector.shape_cast %swap3A_280 : vector<1x1024xi32> to vector<1024xi32>
    %swap3A_282 = vector.shape_cast %convert_element_type3A_277 : vector<1024xi32> to vector<1x1024xi32>
    tpu.vector_store %arg7[%swap3A_278, %swap3A_279], %swap3A_282 {strides = array<i32>} : memref<3x1024xi32, #tpu.memory_space<vmem>>, vector<1x1024xi32>,
    %slice3A_283 = vector.extract_strided_slice %reduce_sum3A_274 {offsets = [0], sizes = [128], strides = [1]} : vector<1024xf32> to vector<128xf32>
    %reduce_sum3A_284 = vector.shape_cast %slice3A_283 : vector<128xf32> to vector<1x128xf32>
    %reduce_sum3A_285 = arith.constant dense<0.000000e+00> : vector<1xf32>
    %reduce_sum3A_286 = vector.multi_reduction <add>, %reduce_sum3A_284, %reduce_sum3A_285 [1] : vector<1x128xf32> to vector<1xf32>
    %reduce_sum3A_287 = vector.shape_cast %reduce_sum3A_286 : vector<1xf32> to vector<1x1xf32>
    %reduce_sum3A_288 = vector.extract %reduce_sum3A_287[0, 0] : f32 from vector<1x1xf32>
    %convert_element_type3A_289 = arith.fptosi %reduce_sum3A_288 : f32 to i32
    %mul3A_290 = arith.constant 8 : i32
    %mul3A_291 = arith.muli %mul3A_290, %arg0 : i32
    %add3A_292 = arith.constant 0 : i32
    %add3A_293 = arith.addi %mul3A_291, %add3A_292 : i32
    %swap3A_294 = arith.constant 1 : index
    %swap3A_295 = arith.index_cast %add3A_293 : i32 to index
    %swap3A_296 = memref.load %arg9[%swap3A_294, %swap3A_295] : memref<3x64xi32, #tpu.memory_space<smem>>
    memref.store %convert_element_type3A_289, %arg9[%swap3A_294, %swap3A_295] : memref<3x64xi32, #tpu.memory_space<smem>>
    %add3A_297 = arith.constant 0.000000e+00 : f32
    %add3A_298 = arith.addf %add3A_297, %reduce_sum3A_288 : f32
    %slice3A_299 = vector.extract_strided_slice %reduce_sum3A_274 {offsets = [128], sizes = [128], strides = [1]} : vector<1024xf32> to vector<128xf32>
    %reduce_sum3A_300 = vector.shape_cast %slice3A_299 : vector<128xf32> to vector<1x128xf32>
    %reduce_sum3A_301 = arith.constant dense<0.000000e+00> : vector<1xf32>
    %reduce_sum3A_302 = vector.multi_reduction <add>, %reduce_sum3A_300, %reduce_sum3A_301 [1] : vector<1x128xf32> to vector<1xf32>
    %reduce_sum3A_303 = vector.shape_cast %reduce_sum3A_302 : vector<1xf32> to vector<1x1xf32>
    %reduce_sum3A_304 = vector.extract %reduce_sum3A_303[0, 0] : f32 from vector<1x1xf32>
    %convert_element_type3A_305 = arith.fptosi %reduce_sum3A_304 : f32 to i32
    %mul3A_306 = arith.constant 8 : i32
    %mul3A_307 = arith.muli %mul3A_306, %arg0 : i32
    %add3A_308 = arith.constant 1 : i32
    %add3A_309 = arith.addi %mul3A_307, %add3A_308 : i32
    %swap3A_310 = arith.constant 1 : index
    %swap3A_311 = arith.index_cast %add3A_309 : i32 to index
    %swap3A_312 = memref.load %arg9[%swap3A_310, %swap3A_311] : memref<3x64xi32, #tpu.memory_space<smem>>
    memref.store %convert_element_type3A_305, %arg9[%swap3A_310, %swap3A_311] : memref<3x64xi32, #tpu.memory_space<smem>>
    %add3A_313 = arith.addf %add3A_298, %reduce_sum3A_304 : f32
    %slice3A_314 = vector.extract_strided_slice %reduce_sum3A_274 {offsets = [256], sizes = [128], strides = [1]} : vector<1024xf32> to vector<128xf32>
    %reduce_sum3A_315 = vector.shape_cast %slice3A_314 : vector<128xf32> to vector<1x128xf32>
    %reduce_sum3A_316 = arith.constant dense<0.000000e+00> : vector<1xf32>
    %reduce_sum3A_317 = vector.multi_reduction <add>, %reduce_sum3A_315, %reduce_sum3A_316 [1] : vector<1x128xf32> to vector<1xf32>
    %reduce_sum3A_318 = vector.shape_cast %reduce_sum3A_317 : vector<1xf32> to vector<1x1xf32>
    %reduce_sum3A_319 = vector.extract %reduce_sum3A_318[0, 0] : f32 from vector<1x1xf32>
    %convert_element_type3A_320 = arith.fptosi %reduce_sum3A_319 : f32 to i32
    %mul3A_321 = arith.constant 8 : i32
    %mul3A_322 = arith.muli %mul3A_321, %arg0 : i32
    %add3A_323 = arith.constant 2 : i32
    %add3A_324 = arith.addi %mul3A_322, %add3A_323 : i32
    %swap3A_325 = arith.constant 1 : index
    %swap3A_326 = arith.index_cast %add3A_324 : i32 to index
    %swap3A_327 = memref.load %arg9[%swap3A_325, %swap3A_326] : memref<3x64xi32, #tpu.memory_space<smem>>
    memref.store %convert_element_type3A_320, %arg9[%swap3A_325, %swap3A_326] : memref<3x64xi32, #tpu.memory_space<smem>>
    %add3A_328 = arith.addf %add3A_313, %reduce_sum3A_319 : f32
    %slice3A_329 = vector.extract_strided_slice %reduce_sum3A_274 {offsets = [384], sizes = [128], strides = [1]} : vector<1024xf32> to vector<128xf32>
    %reduce_sum3A_330 = vector.shape_cast %slice3A_329 : vector<128xf32> to vector<1x128xf32>
    %reduce_sum3A_331 = arith.constant dense<0.000000e+00> : vector<1xf32>
    %reduce_sum3A_332 = vector.multi_reduction <add>, %reduce_sum3A_330, %reduce_sum3A_331 [1] : vector<1x128xf32> to vector<1xf32>
    %reduce_sum3A_333 = vector.shape_cast %reduce_sum3A_332 : vector<1xf32> to vector<1x1xf32>
    %reduce_sum3A_334 = vector.extract %reduce_sum3A_333[0, 0] : f32 from vector<1x1xf32>
    %convert_element_type3A_335 = arith.fptosi %reduce_sum3A_334 : f32 to i32
    %mul3A_336 = arith.constant 8 : i32
    %mul3A_337 = arith.muli %mul3A_336, %arg0 : i32
    %add3A_338 = arith.constant 3 : i32
    %add3A_339 = arith.addi %mul3A_337, %add3A_338 : i32
    %swap3A_340 = arith.constant 1 : index
    %swap3A_341 = arith.index_cast %add3A_339 : i32 to index
    %swap3A_342 = memref.load %arg9[%swap3A_340, %swap3A_341] : memref<3x64xi32, #tpu.memory_space<smem>>
    memref.store %convert_element_type3A_335, %arg9[%swap3A_340, %swap3A_341] : memref<3x64xi32, #tpu.memory_space<smem>>
    %add3A_343 = arith.addf %add3A_328, %reduce_sum3A_334 : f32
    %slice3A_344 = vector.extract_strided_slice %reduce_sum3A_274 {offsets = [512], sizes = [128], strides = [1]} : vector<1024xf32> to vector<128xf32>
    %reduce_sum3A_345 = vector.shape_cast %slice3A_344 : vector<128xf32> to vector<1x128xf32>
    %reduce_sum3A_346 = arith.constant dense<0.000000e+00> : vector<1xf32>
    %reduce_sum3A_347 = vector.multi_reduction <add>, %reduce_sum3A_345, %reduce_sum3A_346 [1] : vector<1x128xf32> to vector<1xf32>
    %reduce_sum3A_348 = vector.shape_cast %reduce_sum3A_347 : vector<1xf32> to vector<1x1xf32>
    %reduce_sum3A_349 = vector.extract %reduce_sum3A_348[0, 0] : f32 from vector<1x1xf32>
    %convert_element_type3A_350 = arith.fptosi %reduce_sum3A_349 : f32 to i32
    %mul3A_351 = arith.constant 8 : i32
    %mul3A_352 = arith.muli %mul3A_351, %arg0 : i32
    %add3A_353 = arith.constant 4 : i32
    %add3A_354 = arith.addi %mul3A_352, %add3A_353 : i32
    %swap3A_355 = arith.constant 1 : index
    %swap3A_356 = arith.index_cast %add3A_354 : i32 to index
    %swap3A_357 = memref.load %arg9[%swap3A_355, %swap3A_356] : memref<3x64xi32, #tpu.memory_space<smem>>
    memref.store %convert_element_type3A_350, %arg9[%swap3A_355, %swap3A_356] : memref<3x64xi32, #tpu.memory_space<smem>>
    %add3A_358 = arith.addf %add3A_343, %reduce_sum3A_349 : f32
    %slice3A_359 = vector.extract_strided_slice %reduce_sum3A_274 {offsets = [640], sizes = [128], strides = [1]} : vector<1024xf32> to vector<128xf32>
    %reduce_sum3A_360 = vector.shape_cast %slice3A_359 : vector<128xf32> to vector<1x128xf32>
    %reduce_sum3A_361 = arith.constant dense<0.000000e+00> : vector<1xf32>
    %reduce_sum3A_362 = vector.multi_reduction <add>, %reduce_sum3A_360, %reduce_sum3A_361 [1] : vector<1x128xf32> to vector<1xf32>
    %reduce_sum3A_363 = vector.shape_cast %reduce_sum3A_362 : vector<1xf32> to vector<1x1xf32>
    %reduce_sum3A_364 = vector.extract %reduce_sum3A_363[0, 0] : f32 from vector<1x1xf32>
    %convert_element_type3A_365 = arith.fptosi %reduce_sum3A_364 : f32 to i32
    %mul3A_366 = arith.constant 8 : i32
    %mul3A_367 = arith.muli %mul3A_366, %arg0 : i32
    %add3A_368 = arith.constant 5 : i32
    %add3A_369 = arith.addi %mul3A_367, %add3A_368 : i32
    %swap3A_370 = arith.constant 1 : index
    %swap3A_371 = arith.index_cast %add3A_369 : i32 to index
    %swap3A_372 = memref.load %arg9[%swap3A_370, %swap3A_371] : memref<3x64xi32, #tpu.memory_space<smem>>
    memref.store %convert_element_type3A_365, %arg9[%swap3A_370, %swap3A_371] : memref<3x64xi32, #tpu.memory_space<smem>>
    %add3A_373 = arith.addf %add3A_358, %reduce_sum3A_364 : f32
    %slice3A_374 = vector.extract_strided_slice %reduce_sum3A_274 {offsets = [768], sizes = [128], strides = [1]} : vector<1024xf32> to vector<128xf32>
    %reduce_sum3A_375 = vector.shape_cast %slice3A_374 : vector<128xf32> to vector<1x128xf32>
    %reduce_sum3A_376 = arith.constant dense<0.000000e+00> : vector<1xf32>
    %reduce_sum3A_377 = vector.multi_reduction <add>, %reduce_sum3A_375, %reduce_sum3A_376 [1] : vector<1x128xf32> to vector<1xf32>
    %reduce_sum3A_378 = vector.shape_cast %reduce_sum3A_377 : vector<1xf32> to vector<1x1xf32>
    %reduce_sum3A_379 = vector.extract %reduce_sum3A_378[0, 0] : f32 from vector<1x1xf32>
    %convert_element_type3A_380 = arith.fptosi %reduce_sum3A_379 : f32 to i32
    %mul3A_381 = arith.constant 8 : i32
    %mul3A_382 = arith.muli %mul3A_381, %arg0 : i32
    %add3A_383 = arith.constant 6 : i32
    %add3A_384 = arith.addi %mul3A_382, %add3A_383 : i32
    %swap3A_385 = arith.constant 1 : index
    %swap3A_386 = arith.index_cast %add3A_384 : i32 to index
    %swap3A_387 = memref.load %arg9[%swap3A_385, %swap3A_386] : memref<3x64xi32, #tpu.memory_space<smem>>
    memref.store %convert_element_type3A_380, %arg9[%swap3A_385, %swap3A_386] : memref<3x64xi32, #tpu.memory_space<smem>>
    %add3A_388 = arith.addf %add3A_373, %reduce_sum3A_379 : f32
    %slice3A_389 = vector.extract_strided_slice %reduce_sum3A_274 {offsets = [896], sizes = [128], strides = [1]} : vector<1024xf32> to vector<128xf32>
    %reduce_sum3A_390 = vector.shape_cast %slice3A_389 : vector<128xf32> to vector<1x128xf32>
    %reduce_sum3A_391 = arith.constant dense<0.000000e+00> : vector<1xf32>
    %reduce_sum3A_392 = vector.multi_reduction <add>, %reduce_sum3A_390, %reduce_sum3A_391 [1] : vector<1x128xf32> to vector<1xf32>
    %reduce_sum3A_393 = vector.shape_cast %reduce_sum3A_392 : vector<1xf32> to vector<1x1xf32>
    %reduce_sum3A_394 = vector.extract %reduce_sum3A_393[0, 0] : f32 from vector<1x1xf32>
    %convert_element_type3A_395 = arith.fptosi %reduce_sum3A_394 : f32 to i32
    %mul3A_396 = arith.constant 8 : i32
    %mul3A_397 = arith.muli %mul3A_396, %arg0 : i32
    %add3A_398 = arith.constant 7 : i32
    %add3A_399 = arith.addi %mul3A_397, %add3A_398 : i32
    %swap3A_400 = arith.constant 1 : index
    %swap3A_401 = arith.index_cast %add3A_399 : i32 to index
    %swap3A_402 = memref.load %arg9[%swap3A_400, %swap3A_401] : memref<3x64xi32, #tpu.memory_space<smem>>
    memref.store %convert_element_type3A_395, %arg9[%swap3A_400, %swap3A_401] : memref<3x64xi32, #tpu.memory_space<smem>>
    %add3A_403 = arith.addf %add3A_388, %reduce_sum3A_394 : f32
    %get3A_404 = arith.constant 1 : index
    %get3A_405 = arith.constant 0 : index
    %get3A_406 = memref.load %arg8[%get3A_404, %get3A_405] : memref<3x8xf32, #tpu.memory_space<smem>>
    %add3A_407 = arith.addf %get3A_406, %add3A_403 : f32
    %swap3A_408 = arith.constant 1 : index
    %swap3A_409 = arith.constant 0 : index
    %swap3A_410 = memref.load %arg8[%swap3A_408, %swap3A_409] : memref<3x8xf32, #tpu.memory_space<smem>>
    memref.store %add3A_407, %arg8[%swap3A_408, %swap3A_409] : memref<3x8xf32, #tpu.memory_space<smem>>
    %get3A_411 = arith.constant 1 : index
    %get3A_412 = arith.constant 1 : index
    %get3A_413 = memref.load %arg8[%get3A_411, %get3A_412] : memref<3x8xf32, #tpu.memory_space<smem>>
    %mul3A_414 = arith.mulf %convert_element_type3A_10, %reduce_sum3A_274 : vector<1024xf32>
    %reduce_sum3A_415 = vector.shape_cast %mul3A_414 : vector<1024xf32> to vector<1x1024xf32>
    %reduce_sum3A_416 = arith.constant dense<0.000000e+00> : vector<1xf32>
    %reduce_sum3A_417 = vector.multi_reduction <add>, %reduce_sum3A_415, %reduce_sum3A_416 [1] : vector<1x1024xf32> to vector<1xf32>
    %reduce_sum3A_418 = vector.shape_cast %reduce_sum3A_417 : vector<1xf32> to vector<1x1xf32>
    %reduce_sum3A_419 = vector.extract %reduce_sum3A_418[0, 0] : f32 from vector<1x1xf32>
    %add3A_420 = arith.addf %get3A_413, %reduce_sum3A_419 : f32
    %swap3A_421 = arith.constant 1 : index
    %swap3A_422 = arith.constant 1 : index
    %swap3A_423 = memref.load %arg8[%swap3A_421, %swap3A_422] : memref<3x8xf32, #tpu.memory_space<smem>>
    memref.store %add3A_420, %arg8[%swap3A_421, %swap3A_422] : memref<3x8xf32, #tpu.memory_space<smem>>
    %get3A_424 = arith.constant 1 : index
    %get3A_425 = arith.constant 2 : index
    %get3A_426 = memref.load %arg8[%get3A_424, %get3A_425] : memref<3x8xf32, #tpu.memory_space<smem>>
    %mul3A_427 = arith.mulf %convert_element_type3A_5, %reduce_sum3A_274 : vector<1024xf32>
    %reduce_sum3A_428 = vector.shape_cast %mul3A_427 : vector<1024xf32> to vector<1x1024xf32>
    %reduce_sum3A_429 = arith.constant dense<0.000000e+00> : vector<1xf32>
    %reduce_sum3A_430 = vector.multi_reduction <add>, %reduce_sum3A_428, %reduce_sum3A_429 [1] : vector<1x1024xf32> to vector<1xf32>
    %reduce_sum3A_431 = vector.shape_cast %reduce_sum3A_430 : vector<1xf32> to vector<1x1xf32>
    %reduce_sum3A_432 = vector.extract %reduce_sum3A_431[0, 0] : f32 from vector<1x1xf32>
    %add3A_433 = arith.addf %get3A_426, %reduce_sum3A_432 : f32
    %swap3A_434 = arith.constant 1 : index
    %swap3A_435 = arith.constant 2 : index
    %swap3A_436 = memref.load %arg8[%swap3A_434, %swap3A_435] : memref<3x8xf32, #tpu.memory_space<smem>>
    memref.store %add3A_433, %arg8[%swap3A_434, %swap3A_435] : memref<3x8xf32, #tpu.memory_space<smem>>
    %get3A_437 = arith.constant 1 : index
    %get3A_438 = arith.constant 3 : index
    %get3A_439 = memref.load %arg8[%get3A_437, %get3A_438] : memref<3x8xf32, #tpu.memory_space<smem>>
    %reduce_sum3A_440 = arith.constant dense<0.000000e+00> : vector<128xf32>
    %reduce_sum3A_441 = vector.multi_reduction <add>, %get3A_18, %reduce_sum3A_440 [0] : vector<1024x128xf32> to vector<128xf32>
    %mul3A_442 = arith.mulf %reduce_sum3A_441, %convert_element_type3A_13 : vector<128xf32>
    %reduce_sum3A_443 = vector.shape_cast %mul3A_442 : vector<128xf32> to vector<1x128xf32>
    %reduce_sum3A_444 = arith.constant dense<0.000000e+00> : vector<1xf32>
    %reduce_sum3A_445 = vector.multi_reduction <add>, %reduce_sum3A_443, %reduce_sum3A_444 [1] : vector<1x128xf32> to vector<1xf32>
    %reduce_sum3A_446 = vector.shape_cast %reduce_sum3A_445 : vector<1xf32> to vector<1x1xf32>
    %reduce_sum3A_447 = vector.extract %reduce_sum3A_446[0, 0] : f32 from vector<1x1xf32>
    %add3A_448 = arith.addf %get3A_439, %reduce_sum3A_447 : f32
    %swap3A_449 = arith.constant 1 : index
    %swap3A_450 = arith.constant 3 : index
    %swap3A_451 = memref.load %arg8[%swap3A_449, %swap3A_450] : memref<3x8xf32, #tpu.memory_space<smem>>
    memref.store %add3A_448, %arg8[%swap3A_449, %swap3A_450] : memref<3x8xf32, #tpu.memory_space<smem>>
    %get3A_452 = arith.constant 1 : index
    %get3A_453 = arith.constant 4 : index
    %get3A_454 = memref.load %arg8[%get3A_452, %get3A_453] : memref<3x8xf32, #tpu.memory_space<smem>>
    %reduce_sum3A_455 = vector.shape_cast %reduce_sum3A_276 : vector<1024xf32> to vector<1x1024xf32>
    %reduce_sum3A_456 = arith.constant dense<0.000000e+00> : vector<1xf32>
    %reduce_sum3A_457 = vector.multi_reduction <add>, %reduce_sum3A_455, %reduce_sum3A_456 [1] : vector<1x1024xf32> to vector<1xf32>
    %reduce_sum3A_458 = vector.shape_cast %reduce_sum3A_457 : vector<1xf32> to vector<1x1xf32>
    %reduce_sum3A_459 = vector.extract %reduce_sum3A_458[0, 0] : f32 from vector<1x1xf32>
    %add3A_460 = arith.addf %get3A_454, %reduce_sum3A_459 : f32
    %swap3A_461 = arith.constant 1 : index
    %swap3A_462 = arith.constant 4 : index
    %swap3A_463 = memref.load %arg8[%swap3A_461, %swap3A_462] : memref<3x8xf32, #tpu.memory_space<smem>>
    memref.store %add3A_460, %arg8[%swap3A_461, %swap3A_462] : memref<3x8xf32, #tpu.memory_space<smem>>
    %get3A_464 = arith.constant 1 : index
    %get3A_465 = arith.constant 5 : index
    %get3A_466 = memref.load %arg8[%get3A_464, %get3A_465] : memref<3x8xf32, #tpu.memory_space<smem>>
    %mul3A_467 = arith.mulf %convert_element_type3A_10, %reduce_sum3A_276 : vector<1024xf32>
    %reduce_sum3A_468 = vector.shape_cast %mul3A_467 : vector<1024xf32> to vector<1x1024xf32>
    %reduce_sum3A_469 = arith.constant dense<0.000000e+00> : vector<1xf32>
    %reduce_sum3A_470 = vector.multi_reduction <add>, %reduce_sum3A_468, %reduce_sum3A_469 [1] : vector<1x1024xf32> to vector<1xf32>
    %reduce_sum3A_471 = vector.shape_cast %reduce_sum3A_470 : vector<1xf32> to vector<1x1xf32>
    %reduce_sum3A_472 = vector.extract %reduce_sum3A_471[0, 0] : f32 from vector<1x1xf32>
    %add3A_473 = arith.addf %get3A_466, %reduce_sum3A_472 : f32
    %swap3A_474 = arith.constant 1 : index
    %swap3A_475 = arith.constant 5 : index
    %swap3A_476 = memref.load %arg8[%swap3A_474, %swap3A_475] : memref<3x8xf32, #tpu.memory_space<smem>>
    memref.store %add3A_473, %arg8[%swap3A_474, %swap3A_475] : memref<3x8xf32, #tpu.memory_space<smem>>
    %get3A_477 = arith.constant 1 : index
    %get3A_478 = arith.constant 6 : index
    %get3A_479 = memref.load %arg8[%get3A_477, %get3A_478] : memref<3x8xf32, #tpu.memory_space<smem>>
    %mul3A_480 = arith.mulf %convert_element_type3A_5, %reduce_sum3A_276 : vector<1024xf32>
    %reduce_sum3A_481 = vector.shape_cast %mul3A_480 : vector<1024xf32> to vector<1x1024xf32>
    %reduce_sum3A_482 = arith.constant dense<0.000000e+00> : vector<1xf32>
    %reduce_sum3A_483 = vector.multi_reduction <add>, %reduce_sum3A_481, %reduce_sum3A_482 [1] : vector<1x1024xf32> to vector<1xf32>
    %reduce_sum3A_484 = vector.shape_cast %reduce_sum3A_483 : vector<1xf32> to vector<1x1xf32>
    %reduce_sum3A_485 = vector.extract %reduce_sum3A_484[0, 0] : f32 from vector<1x1xf32>
    %add3A_486 = arith.addf %get3A_479, %reduce_sum3A_485 : f32
    %swap3A_487 = arith.constant 1 : index
    %swap3A_488 = arith.constant 6 : index
    %swap3A_489 = memref.load %arg8[%swap3A_487, %swap3A_488] : memref<3x8xf32, #tpu.memory_space<smem>>
    memref.store %add3A_486, %arg8[%swap3A_487, %swap3A_488] : memref<3x8xf32, #tpu.memory_space<smem>>
    %get3A_490 = arith.constant 1 : index
    %get3A_491 = arith.constant 7 : index
    %get3A_492 = memref.load %arg8[%get3A_490, %get3A_491] : memref<3x8xf32, #tpu.memory_space<smem>>
    %reduce_sum3A_493 = arith.constant dense<0.000000e+00> : vector<128xf32>
    %reduce_sum3A_494 = vector.multi_reduction <add>, %get3A_27, %reduce_sum3A_493 [0] : vector<1024x128xf32> to vector<128xf32>
    %mul3A_495 = arith.mulf %reduce_sum3A_494, %convert_element_type3A_13 : vector<128xf32>
    %reduce_sum3A_496 = vector.shape_cast %mul3A_495 : vector<128xf32> to vector<1x128xf32>
    %reduce_sum3A_497 = arith.constant dense<0.000000e+00> : vector<1xf32>
    %reduce_sum3A_498 = vector.multi_reduction <add>, %reduce_sum3A_496, %reduce_sum3A_497 [1] : vector<1x128xf32> to vector<1xf32>
    %reduce_sum3A_499 = vector.shape_cast %reduce_sum3A_498 : vector<1xf32> to vector<1x1xf32>
    %reduce_sum3A_500 = vector.extract %reduce_sum3A_499[0, 0] : f32 from vector<1x1xf32>
    %add3A_501 = arith.addf %get3A_492, %reduce_sum3A_500 : f32
    %swap3A_502 = arith.constant 1 : index
    %swap3A_503 = arith.constant 7 : index
    %swap3A_504 = memref.load %arg8[%swap3A_502, %swap3A_503] : memref<3x8xf32, #tpu.memory_space<smem>>
    memref.store %add3A_501, %arg8[%swap3A_502, %swap3A_503] : memref<3x8xf32, #tpu.memory_space<smem>>
    %reduce_sum3A_505 = arith.constant dense<0.000000e+00> : vector<1024xf32>
    %reduce_sum3A_506 = vector.multi_reduction <add>, %get3A_21, %reduce_sum3A_505 [1] : vector<1024x128xf32> to vector<1024xf32>
    %reduce_sum3A_507 = arith.constant dense<0.000000e+00> : vector<1024xf32>
    %reduce_sum3A_508 = vector.multi_reduction <add>, %get3A_30, %reduce_sum3A_507 [1] : vector<1024x128xf32> to vector<1024xf32>
    %convert_element_type3A_509 = arith.fptosi %reduce_sum3A_506 : vector<1024xf32> to vector<1024xi32>
    %swap3A_510 = arith.constant 2 : index
    %swap3A_511 = arith.constant 0 : index
    %swap3A_512 = vector.load %arg7[%swap3A_510, %swap3A_511] : memref<3x1024xi32, #tpu.memory_space<vmem>>, vector<1x1024xi32>
    %swap3A_513 = vector.shape_cast %swap3A_512 : vector<1x1024xi32> to vector<1024xi32>
    %swap3A_514 = vector.shape_cast %convert_element_type3A_509 : vector<1024xi32> to vector<1x1024xi32>
    tpu.vector_store %arg7[%swap3A_510, %swap3A_511], %swap3A_514 {strides = array<i32>} : memref<3x1024xi32, #tpu.memory_space<vmem>>, vector<1x1024xi32>,
    %slice3A_515 = vector.extract_strided_slice %reduce_sum3A_506 {offsets = [0], sizes = [128], strides = [1]} : vector<1024xf32> to vector<128xf32>
    %reduce_sum3A_516 = vector.shape_cast %slice3A_515 : vector<128xf32> to vector<1x128xf32>
    %reduce_sum3A_517 = arith.constant dense<0.000000e+00> : vector<1xf32>
    %reduce_sum3A_518 = vector.multi_reduction <add>, %reduce_sum3A_516, %reduce_sum3A_517 [1] : vector<1x128xf32> to vector<1xf32>
    %reduce_sum3A_519 = vector.shape_cast %reduce_sum3A_518 : vector<1xf32> to vector<1x1xf32>
    %reduce_sum3A_520 = vector.extract %reduce_sum3A_519[0, 0] : f32 from vector<1x1xf32>
    %convert_element_type3A_521 = arith.fptosi %reduce_sum3A_520 : f32 to i32
    %mul3A_522 = arith.constant 8 : i32
    %mul3A_523 = arith.muli %mul3A_522, %arg0 : i32
    %add3A_524 = arith.constant 0 : i32
    %add3A_525 = arith.addi %mul3A_523, %add3A_524 : i32
    %swap3A_526 = arith.constant 2 : index
    %swap3A_527 = arith.index_cast %add3A_525 : i32 to index
    %swap3A_528 = memref.load %arg9[%swap3A_526, %swap3A_527] : memref<3x64xi32, #tpu.memory_space<smem>>
    memref.store %convert_element_type3A_521, %arg9[%swap3A_526, %swap3A_527] : memref<3x64xi32, #tpu.memory_space<smem>>
    %add3A_529 = arith.constant 0.000000e+00 : f32
    %add3A_530 = arith.addf %add3A_529, %reduce_sum3A_520 : f32
    %slice3A_531 = vector.extract_strided_slice %reduce_sum3A_506 {offsets = [128], sizes = [128], strides = [1]} : vector<1024xf32> to vector<128xf32>
    %reduce_sum3A_532 = vector.shape_cast %slice3A_531 : vector<128xf32> to vector<1x128xf32>
    %reduce_sum3A_533 = arith.constant dense<0.000000e+00> : vector<1xf32>
    %reduce_sum3A_534 = vector.multi_reduction <add>, %reduce_sum3A_532, %reduce_sum3A_533 [1] : vector<1x128xf32> to vector<1xf32>
    %reduce_sum3A_535 = vector.shape_cast %reduce_sum3A_534 : vector<1xf32> to vector<1x1xf32>
    %reduce_sum3A_536 = vector.extract %reduce_sum3A_535[0, 0] : f32 from vector<1x1xf32>
    %convert_element_type3A_537 = arith.fptosi %reduce_sum3A_536 : f32 to i32
    %mul3A_538 = arith.constant 8 : i32
    %mul3A_539 = arith.muli %mul3A_538, %arg0 : i32
    %add3A_540 = arith.constant 1 : i32
    %add3A_541 = arith.addi %mul3A_539, %add3A_540 : i32
    %swap3A_542 = arith.constant 2 : index
    %swap3A_543 = arith.index_cast %add3A_541 : i32 to index
    %swap3A_544 = memref.load %arg9[%swap3A_542, %swap3A_543] : memref<3x64xi32, #tpu.memory_space<smem>>
    memref.store %convert_element_type3A_537, %arg9[%swap3A_542, %swap3A_543] : memref<3x64xi32, #tpu.memory_space<smem>>
    %add3A_545 = arith.addf %add3A_530, %reduce_sum3A_536 : f32
    %slice3A_546 = vector.extract_strided_slice %reduce_sum3A_506 {offsets = [256], sizes = [128], strides = [1]} : vector<1024xf32> to vector<128xf32>
    %reduce_sum3A_547 = vector.shape_cast %slice3A_546 : vector<128xf32> to vector<1x128xf32>
    %reduce_sum3A_548 = arith.constant dense<0.000000e+00> : vector<1xf32>
    %reduce_sum3A_549 = vector.multi_reduction <add>, %reduce_sum3A_547, %reduce_sum3A_548 [1] : vector<1x128xf32> to vector<1xf32>
    %reduce_sum3A_550 = vector.shape_cast %reduce_sum3A_549 : vector<1xf32> to vector<1x1xf32>
    %reduce_sum3A_551 = vector.extract %reduce_sum3A_550[0, 0] : f32 from vector<1x1xf32>
    %convert_element_type3A_552 = arith.fptosi %reduce_sum3A_551 : f32 to i32
    %mul3A_553 = arith.constant 8 : i32
    %mul3A_554 = arith.muli %mul3A_553, %arg0 : i32
    %add3A_555 = arith.constant 2 : i32
    %add3A_556 = arith.addi %mul3A_554, %add3A_555 : i32
    %swap3A_557 = arith.constant 2 : index
    %swap3A_558 = arith.index_cast %add3A_556 : i32 to index
    %swap3A_559 = memref.load %arg9[%swap3A_557, %swap3A_558] : memref<3x64xi32, #tpu.memory_space<smem>>
    memref.store %convert_element_type3A_552, %arg9[%swap3A_557, %swap3A_558] : memref<3x64xi32, #tpu.memory_space<smem>>
    %add3A_560 = arith.addf %add3A_545, %reduce_sum3A_551 : f32
    %slice3A_561 = vector.extract_strided_slice %reduce_sum3A_506 {offsets = [384], sizes = [128], strides = [1]} : vector<1024xf32> to vector<128xf32>
    %reduce_sum3A_562 = vector.shape_cast %slice3A_561 : vector<128xf32> to vector<1x128xf32>
    %reduce_sum3A_563 = arith.constant dense<0.000000e+00> : vector<1xf32>
    %reduce_sum3A_564 = vector.multi_reduction <add>, %reduce_sum3A_562, %reduce_sum3A_563 [1] : vector<1x128xf32> to vector<1xf32>
    %reduce_sum3A_565 = vector.shape_cast %reduce_sum3A_564 : vector<1xf32> to vector<1x1xf32>
    %reduce_sum3A_566 = vector.extract %reduce_sum3A_565[0, 0] : f32 from vector<1x1xf32>
    %convert_element_type3A_567 = arith.fptosi %reduce_sum3A_566 : f32 to i32
    %mul3A_568 = arith.constant 8 : i32
    %mul3A_569 = arith.muli %mul3A_568, %arg0 : i32
    %add3A_570 = arith.constant 3 : i32
    %add3A_571 = arith.addi %mul3A_569, %add3A_570 : i32
    %swap3A_572 = arith.constant 2 : index
    %swap3A_573 = arith.index_cast %add3A_571 : i32 to index
    %swap3A_574 = memref.load %arg9[%swap3A_572, %swap3A_573] : memref<3x64xi32, #tpu.memory_space<smem>>
    memref.store %convert_element_type3A_567, %arg9[%swap3A_572, %swap3A_573] : memref<3x64xi32, #tpu.memory_space<smem>>
    %add3A_575 = arith.addf %add3A_560, %reduce_sum3A_566 : f32
    %slice3A_576 = vector.extract_strided_slice %reduce_sum3A_506 {offsets = [512], sizes = [128], strides = [1]} : vector<1024xf32> to vector<128xf32>
    %reduce_sum3A_577 = vector.shape_cast %slice3A_576 : vector<128xf32> to vector<1x128xf32>
    %reduce_sum3A_578 = arith.constant dense<0.000000e+00> : vector<1xf32>
    %reduce_sum3A_579 = vector.multi_reduction <add>, %reduce_sum3A_577, %reduce_sum3A_578 [1] : vector<1x128xf32> to vector<1xf32>
    %reduce_sum3A_580 = vector.shape_cast %reduce_sum3A_579 : vector<1xf32> to vector<1x1xf32>
    %reduce_sum3A_581 = vector.extract %reduce_sum3A_580[0, 0] : f32 from vector<1x1xf32>
    %convert_element_type3A_582 = arith.fptosi %reduce_sum3A_581 : f32 to i32
    %mul3A_583 = arith.constant 8 : i32
    %mul3A_584 = arith.muli %mul3A_583, %arg0 : i32
    %add3A_585 = arith.constant 4 : i32
    %add3A_586 = arith.addi %mul3A_584, %add3A_585 : i32
    %swap3A_587 = arith.constant 2 : index
    %swap3A_588 = arith.index_cast %add3A_586 : i32 to index
    %swap3A_589 = memref.load %arg9[%swap3A_587, %swap3A_588] : memref<3x64xi32, #tpu.memory_space<smem>>
    memref.store %convert_element_type3A_582, %arg9[%swap3A_587, %swap3A_588] : memref<3x64xi32, #tpu.memory_space<smem>>
    %add3A_590 = arith.addf %add3A_575, %reduce_sum3A_581 : f32
    %slice3A_591 = vector.extract_strided_slice %reduce_sum3A_506 {offsets = [640], sizes = [128], strides = [1]} : vector<1024xf32> to vector<128xf32>
    %reduce_sum3A_592 = vector.shape_cast %slice3A_591 : vector<128xf32> to vector<1x128xf32>
    %reduce_sum3A_593 = arith.constant dense<0.000000e+00> : vector<1xf32>
    %reduce_sum3A_594 = vector.multi_reduction <add>, %reduce_sum3A_592, %reduce_sum3A_593 [1] : vector<1x128xf32> to vector<1xf32>
    %reduce_sum3A_595 = vector.shape_cast %reduce_sum3A_594 : vector<1xf32> to vector<1x1xf32>
    %reduce_sum3A_596 = vector.extract %reduce_sum3A_595[0, 0] : f32 from vector<1x1xf32>
    %convert_element_type3A_597 = arith.fptosi %reduce_sum3A_596 : f32 to i32
    %mul3A_598 = arith.constant 8 : i32
    %mul3A_599 = arith.muli %mul3A_598, %arg0 : i32
    %add3A_600 = arith.constant 5 : i32
    %add3A_601 = arith.addi %mul3A_599, %add3A_600 : i32
    %swap3A_602 = arith.constant 2 : index
    %swap3A_603 = arith.index_cast %add3A_601 : i32 to index
    %swap3A_604 = memref.load %arg9[%swap3A_602, %swap3A_603] : memref<3x64xi32, #tpu.memory_space<smem>>
    memref.store %convert_element_type3A_597, %arg9[%swap3A_602, %swap3A_603] : memref<3x64xi32, #tpu.memory_space<smem>>
    %add3A_605 = arith.addf %add3A_590, %reduce_sum3A_596 : f32
    %slice3A_606 = vector.extract_strided_slice %reduce_sum3A_506 {offsets = [768], sizes = [128], strides = [1]} : vector<1024xf32> to vector<128xf32>
    %reduce_sum3A_607 = vector.shape_cast %slice3A_606 : vector<128xf32> to vector<1x128xf32>
    %reduce_sum3A_608 = arith.constant dense<0.000000e+00> : vector<1xf32>
    %reduce_sum3A_609 = vector.multi_reduction <add>, %reduce_sum3A_607, %reduce_sum3A_608 [1] : vector<1x128xf32> to vector<1xf32>
    %reduce_sum3A_610 = vector.shape_cast %reduce_sum3A_609 : vector<1xf32> to vector<1x1xf32>
    %reduce_sum3A_611 = vector.extract %reduce_sum3A_610[0, 0] : f32 from vector<1x1xf32>
    %convert_element_type3A_612 = arith.fptosi %reduce_sum3A_611 : f32 to i32
    %mul3A_613 = arith.constant 8 : i32
    %mul3A_614 = arith.muli %mul3A_613, %arg0 : i32
    %add3A_615 = arith.constant 6 : i32
    %add3A_616 = arith.addi %mul3A_614, %add3A_615 : i32
    %swap3A_617 = arith.constant 2 : index
    %swap3A_618 = arith.index_cast %add3A_616 : i32 to index
    %swap3A_619 = memref.load %arg9[%swap3A_617, %swap3A_618] : memref<3x64xi32, #tpu.memory_space<smem>>
    memref.store %convert_element_type3A_612, %arg9[%swap3A_617, %swap3A_618] : memref<3x64xi32, #tpu.memory_space<smem>>
    %add3A_620 = arith.addf %add3A_605, %reduce_sum3A_611 : f32
    %slice3A_621 = vector.extract_strided_slice %reduce_sum3A_506 {offsets = [896], sizes = [128], strides = [1]} : vector<1024xf32> to vector<128xf32>
    %reduce_sum3A_622 = vector.shape_cast %slice3A_621 : vector<128xf32> to vector<1x128xf32>
    %reduce_sum3A_623 = arith.constant dense<0.000000e+00> : vector<1xf32>
    %reduce_sum3A_624 = vector.multi_reduction <add>, %reduce_sum3A_622, %reduce_sum3A_623 [1] : vector<1x128xf32> to vector<1xf32>
    %reduce_sum3A_625 = vector.shape_cast %reduce_sum3A_624 : vector<1xf32> to vector<1x1xf32>
    %reduce_sum3A_626 = vector.extract %reduce_sum3A_625[0, 0] : f32 from vector<1x1xf32>
    %convert_element_type3A_627 = arith.fptosi %reduce_sum3A_626 : f32 to i32
    %mul3A_628 = arith.constant 8 : i32
    %mul3A_629 = arith.muli %mul3A_628, %arg0 : i32
    %add3A_630 = arith.constant 7 : i32
    %add3A_631 = arith.addi %mul3A_629, %add3A_630 : i32
    %swap3A_632 = arith.constant 2 : index
    %swap3A_633 = arith.index_cast %add3A_631 : i32 to index
    %swap3A_634 = memref.load %arg9[%swap3A_632, %swap3A_633] : memref<3x64xi32, #tpu.memory_space<smem>>
    memref.store %convert_element_type3A_627, %arg9[%swap3A_632, %swap3A_633] : memref<3x64xi32, #tpu.memory_space<smem>>
    %add3A_635 = arith.addf %add3A_620, %reduce_sum3A_626 : f32
    %get3A_636 = arith.constant 2 : index
    %get3A_637 = arith.constant 0 : index
    %get3A_638 = memref.load %arg8[%get3A_636, %get3A_637] : memref<3x8xf32, #tpu.memory_space<smem>>
    %add3A_639 = arith.addf %get3A_638, %add3A_635 : f32
    %swap3A_640 = arith.constant 2 : index
    %swap3A_641 = arith.constant 0 : index
    %swap3A_642 = memref.load %arg8[%swap3A_640, %swap3A_641] : memref<3x8xf32, #tpu.memory_space<smem>>
    memref.store %add3A_639, %arg8[%swap3A_640, %swap3A_641] : memref<3x8xf32, #tpu.memory_space<smem>>
    %get3A_643 = arith.constant 2 : index
    %get3A_644 = arith.constant 1 : index
    %get3A_645 = memref.load %arg8[%get3A_643, %get3A_644] : memref<3x8xf32, #tpu.memory_space<smem>>
    %mul3A_646 = arith.mulf %convert_element_type3A_10, %reduce_sum3A_506 : vector<1024xf32>
    %reduce_sum3A_647 = vector.shape_cast %mul3A_646 : vector<1024xf32> to vector<1x1024xf32>
    %reduce_sum3A_648 = arith.constant dense<0.000000e+00> : vector<1xf32>
    %reduce_sum3A_649 = vector.multi_reduction <add>, %reduce_sum3A_647, %reduce_sum3A_648 [1] : vector<1x1024xf32> to vector<1xf32>
    %reduce_sum3A_650 = vector.shape_cast %reduce_sum3A_649 : vector<1xf32> to vector<1x1xf32>
    %reduce_sum3A_651 = vector.extract %reduce_sum3A_650[0, 0] : f32 from vector<1x1xf32>
    %add3A_652 = arith.addf %get3A_645, %reduce_sum3A_651 : f32
    %swap3A_653 = arith.constant 2 : index
    %swap3A_654 = arith.constant 1 : index
    %swap3A_655 = memref.load %arg8[%swap3A_653, %swap3A_654] : memref<3x8xf32, #tpu.memory_space<smem>>
    memref.store %add3A_652, %arg8[%swap3A_653, %swap3A_654] : memref<3x8xf32, #tpu.memory_space<smem>>
    %get3A_656 = arith.constant 2 : index
    %get3A_657 = arith.constant 2 : index
    %get3A_658 = memref.load %arg8[%get3A_656, %get3A_657] : memref<3x8xf32, #tpu.memory_space<smem>>
    %mul3A_659 = arith.mulf %convert_element_type3A_5, %reduce_sum3A_506 : vector<1024xf32>
    %reduce_sum3A_660 = vector.shape_cast %mul3A_659 : vector<1024xf32> to vector<1x1024xf32>
    %reduce_sum3A_661 = arith.constant dense<0.000000e+00> : vector<1xf32>
    %reduce_sum3A_662 = vector.multi_reduction <add>, %reduce_sum3A_660, %reduce_sum3A_661 [1] : vector<1x1024xf32> to vector<1xf32>
    %reduce_sum3A_663 = vector.shape_cast %reduce_sum3A_662 : vector<1xf32> to vector<1x1xf32>
    %reduce_sum3A_664 = vector.extract %reduce_sum3A_663[0, 0] : f32 from vector<1x1xf32>
    %add3A_665 = arith.addf %get3A_658, %reduce_sum3A_664 : f32
    %swap3A_666 = arith.constant 2 : index
    %swap3A_667 = arith.constant 2 : index
    %swap3A_668 = memref.load %arg8[%swap3A_666, %swap3A_667] : memref<3x8xf32, #tpu.memory_space<smem>>
    memref.store %add3A_665, %arg8[%swap3A_666, %swap3A_667] : memref<3x8xf32, #tpu.memory_space<smem>>
    %get3A_669 = arith.constant 2 : index
    %get3A_670 = arith.constant 3 : index
    %get3A_671 = memref.load %arg8[%get3A_669, %get3A_670] : memref<3x8xf32, #tpu.memory_space<smem>>
    %reduce_sum3A_672 = arith.constant dense<0.000000e+00> : vector<128xf32>
    %reduce_sum3A_673 = vector.multi_reduction <add>, %get3A_21, %reduce_sum3A_672 [0] : vector<1024x128xf32> to vector<128xf32>
    %mul3A_674 = arith.mulf %reduce_sum3A_673, %convert_element_type3A_13 : vector<128xf32>
    %reduce_sum3A_675 = vector.shape_cast %mul3A_674 : vector<128xf32> to vector<1x128xf32>
    %reduce_sum3A_676 = arith.constant dense<0.000000e+00> : vector<1xf32>
    %reduce_sum3A_677 = vector.multi_reduction <add>, %reduce_sum3A_675, %reduce_sum3A_676 [1] : vector<1x128xf32> to vector<1xf32>
    %reduce_sum3A_678 = vector.shape_cast %reduce_sum3A_677 : vector<1xf32> to vector<1x1xf32>
    %reduce_sum3A_679 = vector.extract %reduce_sum3A_678[0, 0] : f32 from vector<1x1xf32>
    %add3A_680 = arith.addf %get3A_671, %reduce_sum3A_679 : f32
    %swap3A_681 = arith.constant 2 : index
    %swap3A_682 = arith.constant 3 : index
    %swap3A_683 = memref.load %arg8[%swap3A_681, %swap3A_682] : memref<3x8xf32, #tpu.memory_space<smem>>
    memref.store %add3A_680, %arg8[%swap3A_681, %swap3A_682] : memref<3x8xf32, #tpu.memory_space<smem>>
    %get3A_684 = arith.constant 2 : index
    %get3A_685 = arith.constant 4 : index
    %get3A_686 = memref.load %arg8[%get3A_684, %get3A_685] : memref<3x8xf32, #tpu.memory_space<smem>>
    %reduce_sum3A_687 = vector.shape_cast %reduce_sum3A_508 : vector<1024xf32> to vector<1x1024xf32>
    %reduce_sum3A_688 = arith.constant dense<0.000000e+00> : vector<1xf32>
    %reduce_sum3A_689 = vector.multi_reduction <add>, %reduce_sum3A_687, %reduce_sum3A_688 [1] : vector<1x1024xf32> to vector<1xf32>
    %reduce_sum3A_690 = vector.shape_cast %reduce_sum3A_689 : vector<1xf32> to vector<1x1xf32>
    %reduce_sum3A_691 = vector.extract %reduce_sum3A_690[0, 0] : f32 from vector<1x1xf32>
    %add3A_692 = arith.addf %get3A_686, %reduce_sum3A_691 : f32
    %swap3A_693 = arith.constant 2 : index
    %swap3A_694 = arith.constant 4 : index
    %swap3A_695 = memref.load %arg8[%swap3A_693, %swap3A_694] : memref<3x8xf32, #tpu.memory_space<smem>>
    memref.store %add3A_692, %arg8[%swap3A_693, %swap3A_694] : memref<3x8xf32, #tpu.memory_space<smem>>
    %get3A_696 = arith.constant 2 : index
    %get3A_697 = arith.constant 5 : index
    %get3A_698 = memref.load %arg8[%get3A_696, %get3A_697] : memref<3x8xf32, #tpu.memory_space<smem>>
    %mul3A_699 = arith.mulf %convert_element_type3A_10, %reduce_sum3A_508 : vector<1024xf32>
    %reduce_sum3A_700 = vector.shape_cast %mul3A_699 : vector<1024xf32> to vector<1x1024xf32>
    %reduce_sum3A_701 = arith.constant dense<0.000000e+00> : vector<1xf32>
    %reduce_sum3A_702 = vector.multi_reduction <add>, %reduce_sum3A_700, %reduce_sum3A_701 [1] : vector<1x1024xf32> to vector<1xf32>
    %reduce_sum3A_703 = vector.shape_cast %reduce_sum3A_702 : vector<1xf32> to vector<1x1xf32>
    %reduce_sum3A_704 = vector.extract %reduce_sum3A_703[0, 0] : f32 from vector<1x1xf32>
    %add3A_705 = arith.addf %get3A_698, %reduce_sum3A_704 : f32
    %swap3A_706 = arith.constant 2 : index
    %swap3A_707 = arith.constant 5 : index
    %swap3A_708 = memref.load %arg8[%swap3A_706, %swap3A_707] : memref<3x8xf32, #tpu.memory_space<smem>>
    memref.store %add3A_705, %arg8[%swap3A_706, %swap3A_707] : memref<3x8xf32, #tpu.memory_space<smem>>
    %get3A_709 = arith.constant 2 : index
    %get3A_710 = arith.constant 6 : index
    %get3A_711 = memref.load %arg8[%get3A_709, %get3A_710] : memref<3x8xf32, #tpu.memory_space<smem>>
    %mul3A_712 = arith.mulf %convert_element_type3A_5, %reduce_sum3A_508 : vector<1024xf32>
    %reduce_sum3A_713 = vector.shape_cast %mul3A_712 : vector<1024xf32> to vector<1x1024xf32>
    %reduce_sum3A_714 = arith.constant dense<0.000000e+00> : vector<1xf32>
    %reduce_sum3A_715 = vector.multi_reduction <add>, %reduce_sum3A_713, %reduce_sum3A_714 [1] : vector<1x1024xf32> to vector<1xf32>
    %reduce_sum3A_716 = vector.shape_cast %reduce_sum3A_715 : vector<1xf32> to vector<1x1xf32>
    %reduce_sum3A_717 = vector.extract %reduce_sum3A_716[0, 0] : f32 from vector<1x1xf32>
    %add3A_718 = arith.addf %get3A_711, %reduce_sum3A_717 : f32
    %swap3A_719 = arith.constant 2 : index
    %swap3A_720 = arith.constant 6 : index
    %swap3A_721 = memref.load %arg8[%swap3A_719, %swap3A_720] : memref<3x8xf32, #tpu.memory_space<smem>>
    memref.store %add3A_718, %arg8[%swap3A_719, %swap3A_720] : memref<3x8xf32, #tpu.memory_space<smem>>
    %get3A_722 = arith.constant 2 : index
    %get3A_723 = arith.constant 7 : index
    %get3A_724 = memref.load %arg8[%get3A_722, %get3A_723] : memref<3x8xf32, #tpu.memory_space<smem>>
    %reduce_sum3A_725 = arith.constant dense<0.000000e+00> : vector<128xf32>
    %reduce_sum3A_726 = vector.multi_reduction <add>, %get3A_30, %reduce_sum3A_725 [0] : vector<1024x128xf32> to vector<128xf32>
    %mul3A_727 = arith.mulf %reduce_sum3A_726, %convert_element_type3A_13 : vector<128xf32>
    %reduce_sum3A_728 = vector.shape_cast %mul3A_727 : vector<128xf32> to vector<1x128xf32>
    %reduce_sum3A_729 = arith.constant dense<0.000000e+00> : vector<1xf32>
    %reduce_sum3A_730 = vector.multi_reduction <add>, %reduce_sum3A_728, %reduce_sum3A_729 [1] : vector<1x128xf32> to vector<1xf32>
    %reduce_sum3A_731 = vector.shape_cast %reduce_sum3A_730 : vector<1xf32> to vector<1x1xf32>
    %reduce_sum3A_732 = vector.extract %reduce_sum3A_731[0, 0] : f32 from vector<1x1xf32>
    %add3A_733 = arith.addf %get3A_724, %reduce_sum3A_732 : f32
    %swap3A_734 = arith.constant 2 : index
    %swap3A_735 = arith.constant 7 : index
    %swap3A_736 = memref.load %arg8[%swap3A_734, %swap3A_735] : memref<3x8xf32, #tpu.memory_space<smem>>
    memref.store %add3A_733, %arg8[%swap3A_734, %swap3A_735] : memref<3x8xf32, #tpu.memory_space<smem>>
    return
  }
  func.func @transform_0(%arg0: i32) -> (i32, i32) {
    %add3A = arith.constant 8 : i32
    %add3A_0 = arith.addi %add3A, %arg0 : i32
    %c0_i32 = arith.constant 0 : i32
    %c0_i32_1 = arith.constant 0 : i32
    return %add3A_0, %c0_i32 : i32, i32
  }
  func.func @transform_1(%arg0: i32) -> (i32, i32) {
    %add3A = arith.constant 16 : i32
    %add3A_0 = arith.addi %add3A, %arg0 : i32
    %c0_i32 = arith.constant 0 : i32
    %c0_i32_1 = arith.constant 0 : i32
    return %add3A_0, %c0_i32 : i32, i32
  }
  func.func @transform_2(%arg0: i32) -> (i32, i32) {
    %add3A = arith.constant 24 : i32
    %add3A_0 = arith.addi %add3A, %arg0 : i32
    %c0_i32 = arith.constant 0 : i32
    %c0_i32_1 = arith.constant 0 : i32
    return %add3A_0, %c0_i32 : i32, i32
  }
  func.func @transform_3(%arg0: i32) -> (i32, i32) {
    %add3A = arith.constant 8 : i32
    %add3A_0 = arith.addi %add3A, %arg0 : i32
    %c0_i32 = arith.constant 0 : i32
    %c0_i32_1 = arith.constant 0 : i32
    return %add3A_0, %c0_i32 : i32, i32
  }
  func.func @transform_4(%arg0: i32) -> (i32, i32) {
    %add3A = arith.constant 16 : i32
    %add3A_0 = arith.addi %add3A, %arg0 : i32
    %c0_i32 = arith.constant 0 : i32
    %c0_i32_1 = arith.constant 0 : i32
    return %add3A_0, %c0_i32 : i32, i32
  }
  func.func @transform_5(%arg0: i32) -> (i32, i32) {
    %add3A = arith.constant 24 : i32
    %add3A_0 = arith.addi %add3A, %arg0 : i32
    %c0_i32 = arith.constant 0 : i32
    %c0_i32_1 = arith.constant 0 : i32
    return %add3A_0, %c0_i32 : i32, i32
  }
  func.func @transform_6(%arg0: i32) -> (i32, i32) {
    %c0_i32 = arith.constant 0 : i32
    %c0_i32_0 = arith.constant 0 : i32
    return %c0_i32, %arg0 : i32, i32
  }
  func.func @transform_7(%arg0: i32) -> (i32, i32) {
    %c0_i32 = arith.constant 0 : i32
    %c0_i32_0 = arith.constant 0 : i32
    %c0_i32_1 = arith.constant 0 : i32
    return %c0_i32, %c0_i32_0 : i32, i32
  }
  func.func @transform_8(%arg0: i32) -> (i32, i32) {
    %c0_i32 = arith.constant 0 : i32
    %c0_i32_0 = arith.constant 0 : i32
    %c0_i32_1 = arith.constant 0 : i32
    return %c0_i32, %c0_i32_0 : i32, i32
  }
  func.func @transform_9(%arg0: i32) -> (i32, i32) {
    %c0_i32 = arith.constant 0 : i32
    %c0_i32_0 = arith.constant 0 : i32
    return %arg0, %c0_i32 : i32, i32
  }
}

module attributes {stable_mosaic.version = 14 : i64} {
  func.func @_loss_body(%arg0: i32, %arg1: memref<1024x128xi8, #tpu.memory_space<vmem>>, %arg2: memref<3x1024x128xf32, #tpu.memory_space<vmem>>, %arg3: memref<3x8xf32, #tpu.memory_space<smem>>, %arg4: memref<48xi32, #tpu.memory_space<vmem>>, %arg5: memref<48xi32, #tpu.memory_space<vmem>>, %arg6: memref<144xf32, #tpu.memory_space<vmem>>, %arg7: memref<1x1xf32, #tpu.memory_space<smem>>, %arg8: memref<3x16xf32, #tpu.memory_space<smem>>) attributes {dimension_semantics = [#tpu.dimension_semantics<arbitrary>], iteration_bounds = array<i64: 8>, scalar_prefetch = 0 : i64, scratch_operands = 1 : i64, tpu.core_type = #tpu.core_type<tc>, window_params = [{transform_indices = @transform_0, window_bounds = array<i64: 1024, 128>}, {transform_indices = @transform_1, window_bounds = array<i64: 3, 1024, 128>}, {transform_indices = @transform_2, window_bounds = array<i64: 3, 8>}, {pipeline_mode = #tpu.pipeline_mode<synchronous>, transform_indices = @transform_3, window_bounds = array<i64: 48>}, {pipeline_mode = #tpu.pipeline_mode<synchronous>, transform_indices = @transform_4, window_bounds = array<i64: 48>}, {pipeline_mode = #tpu.pipeline_mode<synchronous>, transform_indices = @transform_5, window_bounds = array<i64: 144>}, {transform_indices = @transform_6, window_bounds = array<i64: 1, 1>}]} {
    %eq3A = arith.constant 0 : i32
    %eq3A_0 = arith.cmpi eq, %arg0, %eq3A : i32
    %convert_element_type3A = arith.extui %eq3A_0 : i1 to i32
    %cond3A = arith.constant 0 : i32
    %cond3A_1 = arith.cmpi ne, %convert_element_type3A, %cond3A : i32
    scf.if %cond3A_1 {
      %swap3A_333 = arith.constant 0.000000e+00 : f32
      %swap3A_334 = arith.constant 0 : index
      %swap3A_335 = arith.constant 0 : index
      %swap3A_336 = memref.load %arg7[%swap3A_334, %swap3A_335] : memref<1x1xf32, #tpu.memory_space<smem>>
      memref.store %swap3A_333, %arg7[%swap3A_334, %swap3A_335] : memref<1x1xf32, #tpu.memory_space<smem>>
      %get3A_337 = arith.constant 0 : index
      %get3A_338 = arith.constant 0 : index
      %get3A_339 = memref.load %arg3[%get3A_337, %get3A_338] : memref<3x8xf32, #tpu.memory_space<smem>>
      %get3A_340 = arith.constant 0 : index
      %get3A_341 = arith.constant 4 : index
      %get3A_342 = memref.load %arg3[%get3A_340, %get3A_341] : memref<3x8xf32, #tpu.memory_space<smem>>
      %gt3A = arith.constant 1.000000e+02 : f32
      %gt3A_343 = arith.cmpf ogt, %get3A_339, %gt3A : f32
      %gt3A_344 = arith.constant 1.000000e+02 : f32
      %gt3A_345 = arith.cmpf ogt, %get3A_342, %gt3A_344 : f32
      %and3A_346 = arith.andi %gt3A_343, %gt3A_345 : i1
      %jit3A = arith.constant 1.000000e+00 : f32
      %jit3A_347 = arith.constant 0.000000e+00 : f32
      %select_n3A = arith.select %and3A_346, %jit3A, %jit3A_347 : f32
      %gt3A_348 = arith.constant 0.000000e+00 : f32
      %gt3A_349 = arith.cmpf ogt, %get3A_339, %gt3A_348 : f32
      %jit3A_350 = arith.constant 1.000000e+00 : f32
      %select_n3A_351 = arith.select %gt3A_349, %get3A_339, %jit3A_350 : f32
      %gt3A_352 = arith.constant 0.000000e+00 : f32
      %gt3A_353 = arith.cmpf ogt, %get3A_342, %gt3A_352 : f32
      %jit3A_354 = arith.constant 1.000000e+00 : f32
      %select_n3A_355 = arith.select %gt3A_353, %get3A_342, %jit3A_354 : f32
      %get3A_356 = arith.constant 0 : index
      %get3A_357 = arith.constant 1 : index
      %get3A_358 = memref.load %arg3[%get3A_356, %get3A_357] : memref<3x8xf32, #tpu.memory_space<smem>>
      %div3A = arith.divf %get3A_358, %select_n3A_351 : f32
      %get3A_359 = arith.constant 0 : index
      %get3A_360 = arith.constant 2 : index
      %get3A_361 = memref.load %arg3[%get3A_359, %get3A_360] : memref<3x8xf32, #tpu.memory_space<smem>>
      %div3A_362 = arith.divf %get3A_361, %select_n3A_351 : f32
      %get3A_363 = arith.constant 0 : index
      %get3A_364 = arith.constant 3 : index
      %get3A_365 = memref.load %arg3[%get3A_363, %get3A_364] : memref<3x8xf32, #tpu.memory_space<smem>>
      %div3A_366 = arith.divf %get3A_365, %select_n3A_351 : f32
      %get3A_367 = arith.constant 0 : index
      %get3A_368 = arith.constant 5 : index
      %get3A_369 = memref.load %arg3[%get3A_367, %get3A_368] : memref<3x8xf32, #tpu.memory_space<smem>>
      %div3A_370 = arith.divf %get3A_369, %select_n3A_355 : f32
      %get3A_371 = arith.constant 0 : index
      %get3A_372 = arith.constant 6 : index
      %get3A_373 = memref.load %arg3[%get3A_371, %get3A_372] : memref<3x8xf32, #tpu.memory_space<smem>>
      %div3A_374 = arith.divf %get3A_373, %select_n3A_355 : f32
      %get3A_375 = arith.constant 0 : index
      %get3A_376 = arith.constant 7 : index
      %get3A_377 = memref.load %arg3[%get3A_375, %get3A_376] : memref<3x8xf32, #tpu.memory_space<smem>>
      %div3A_378 = arith.divf %get3A_377, %select_n3A_355 : f32
      %get3A_379 = arith.constant 0 : index
      %get3A_380 = vector.load %arg4[%get3A_379] : memref<48xi32, #tpu.memory_space<vmem>>, vector<16xi32>
      %get3A_381 = arith.constant 0 : index
      %get3A_382 = vector.load %arg5[%get3A_381] : memref<48xi32, #tpu.memory_space<vmem>>, vector<16xi32>
      %shift_right_logical3A_383 = arith.constant 7 : i32
      %shift_right_logical3A_384 = vector.broadcast %shift_right_logical3A_383 : i32 to vector<16xi32>
      %shift_right_logical3A_385 = arith.shrui %get3A_380, %shift_right_logical3A_384 : vector<16xi32>
      %convert_element_type3A_386 = arith.sitofp %shift_right_logical3A_385 : vector<16xi32> to vector<16xf32>
      %and3A_387 = arith.constant 127 : i32
      %and3A_388 = vector.broadcast %and3A_387 : i32 to vector<16xi32>
      %and3A_389 = arith.andi %get3A_380, %and3A_388 : vector<16xi32>
      %convert_element_type3A_390 = arith.sitofp %and3A_389 : vector<16xi32> to vector<16xf32>
      %convert_element_type3A_391 = arith.sitofp %get3A_382 : vector<16xi32> to vector<16xf32>
      %sub3A_392 = vector.broadcast %div3A : f32 to vector<16xf32>
      %sub3A_393 = arith.subf %convert_element_type3A_386, %sub3A_392 : vector<16xf32>
      %sub3A_394 = vector.broadcast %div3A_362 : f32 to vector<16xf32>
      %sub3A_395 = arith.subf %convert_element_type3A_390, %sub3A_394 : vector<16xf32>
      %sub3A_396 = vector.broadcast %div3A_366 : f32 to vector<16xf32>
      %sub3A_397 = arith.subf %convert_element_type3A_391, %sub3A_396 : vector<16xf32>
      %get3A_398 = arith.constant 0 : index
      %get3A_399 = vector.load %arg6[%get3A_398] : memref<144xf32, #tpu.memory_space<vmem>>, vector<16xf32>
      %add3A_400 = arith.addf %convert_element_type3A_386, %get3A_399 : vector<16xf32>
      %sub3A_401 = vector.broadcast %div3A_370 : f32 to vector<16xf32>
      %sub3A_402 = arith.subf %add3A_400, %sub3A_401 : vector<16xf32>
      %get3A_403 = arith.constant 16 : index
      %get3A_404 = vector.load %arg6[%get3A_403] : memref<144xf32, #tpu.memory_space<vmem>>, vector<16xf32>
      %add3A_405 = arith.addf %convert_element_type3A_390, %get3A_404 : vector<16xf32>
      %sub3A_406 = vector.broadcast %div3A_374 : f32 to vector<16xf32>
      %sub3A_407 = arith.subf %add3A_405, %sub3A_406 : vector<16xf32>
      %get3A_408 = arith.constant 32 : index
      %get3A_409 = vector.load %arg6[%get3A_408] : memref<144xf32, #tpu.memory_space<vmem>>, vector<16xf32>
      %add3A_410 = arith.addf %convert_element_type3A_391, %get3A_409 : vector<16xf32>
      %sub3A_411 = vector.broadcast %div3A_378 : f32 to vector<16xf32>
      %sub3A_412 = arith.subf %add3A_410, %sub3A_411 : vector<16xf32>
      %mul3A_413 = arith.mulf %sub3A_393, %sub3A_402 : vector<16xf32>
      %reduce_sum3A_414 = vector.shape_cast %mul3A_413 : vector<16xf32> to vector<1x16xf32>
      %reduce_sum3A_415 = arith.constant dense<0.000000e+00> : vector<1xf32>
      %reduce_sum3A_416 = vector.multi_reduction <add>, %reduce_sum3A_414, %reduce_sum3A_415 [1] : vector<1x16xf32> to vector<1xf32>
      %reduce_sum3A_417 = vector.shape_cast %reduce_sum3A_416 : vector<1xf32> to vector<1x1xf32>
      %reduce_sum3A_418 = vector.extract %reduce_sum3A_417[0, 0] : f32 from vector<1x1xf32>
      %mul3A_419 = arith.mulf %sub3A_393, %sub3A_407 : vector<16xf32>
      %reduce_sum3A_420 = vector.shape_cast %mul3A_419 : vector<16xf32> to vector<1x16xf32>
      %reduce_sum3A_421 = arith.constant dense<0.000000e+00> : vector<1xf32>
      %reduce_sum3A_422 = vector.multi_reduction <add>, %reduce_sum3A_420, %reduce_sum3A_421 [1] : vector<1x16xf32> to vector<1xf32>
      %reduce_sum3A_423 = vector.shape_cast %reduce_sum3A_422 : vector<1xf32> to vector<1x1xf32>
      %reduce_sum3A_424 = vector.extract %reduce_sum3A_423[0, 0] : f32 from vector<1x1xf32>
      %mul3A_425 = arith.mulf %sub3A_393, %sub3A_412 : vector<16xf32>
      %reduce_sum3A_426 = vector.shape_cast %mul3A_425 : vector<16xf32> to vector<1x16xf32>
      %reduce_sum3A_427 = arith.constant dense<0.000000e+00> : vector<1xf32>
      %reduce_sum3A_428 = vector.multi_reduction <add>, %reduce_sum3A_426, %reduce_sum3A_427 [1] : vector<1x16xf32> to vector<1xf32>
      %reduce_sum3A_429 = vector.shape_cast %reduce_sum3A_428 : vector<1xf32> to vector<1x1xf32>
      %reduce_sum3A_430 = vector.extract %reduce_sum3A_429[0, 0] : f32 from vector<1x1xf32>
      %mul3A_431 = arith.mulf %sub3A_395, %sub3A_402 : vector<16xf32>
      %reduce_sum3A_432 = vector.shape_cast %mul3A_431 : vector<16xf32> to vector<1x16xf32>
      %reduce_sum3A_433 = arith.constant dense<0.000000e+00> : vector<1xf32>
      %reduce_sum3A_434 = vector.multi_reduction <add>, %reduce_sum3A_432, %reduce_sum3A_433 [1] : vector<1x16xf32> to vector<1xf32>
      %reduce_sum3A_435 = vector.shape_cast %reduce_sum3A_434 : vector<1xf32> to vector<1x1xf32>
      %reduce_sum3A_436 = vector.extract %reduce_sum3A_435[0, 0] : f32 from vector<1x1xf32>
      %mul3A_437 = arith.mulf %sub3A_395, %sub3A_407 : vector<16xf32>
      %reduce_sum3A_438 = vector.shape_cast %mul3A_437 : vector<16xf32> to vector<1x16xf32>
      %reduce_sum3A_439 = arith.constant dense<0.000000e+00> : vector<1xf32>
      %reduce_sum3A_440 = vector.multi_reduction <add>, %reduce_sum3A_438, %reduce_sum3A_439 [1] : vector<1x16xf32> to vector<1xf32>
      %reduce_sum3A_441 = vector.shape_cast %reduce_sum3A_440 : vector<1xf32> to vector<1x1xf32>
      %reduce_sum3A_442 = vector.extract %reduce_sum3A_441[0, 0] : f32 from vector<1x1xf32>
      %mul3A_443 = arith.mulf %sub3A_395, %sub3A_412 : vector<16xf32>
      %reduce_sum3A_444 = vector.shape_cast %mul3A_443 : vector<16xf32> to vector<1x16xf32>
      %reduce_sum3A_445 = arith.constant dense<0.000000e+00> : vector<1xf32>
      %reduce_sum3A_446 = vector.multi_reduction <add>, %reduce_sum3A_444, %reduce_sum3A_445 [1] : vector<1x16xf32> to vector<1xf32>
      %reduce_sum3A_447 = vector.shape_cast %reduce_sum3A_446 : vector<1xf32> to vector<1x1xf32>
      %reduce_sum3A_448 = vector.extract %reduce_sum3A_447[0, 0] : f32 from vector<1x1xf32>
      %mul3A_449 = arith.mulf %sub3A_397, %sub3A_402 : vector<16xf32>
      %reduce_sum3A_450 = vector.shape_cast %mul3A_449 : vector<16xf32> to vector<1x16xf32>
      %reduce_sum3A_451 = arith.constant dense<0.000000e+00> : vector<1xf32>
      %reduce_sum3A_452 = vector.multi_reduction <add>, %reduce_sum3A_450, %reduce_sum3A_451 [1] : vector<1x16xf32> to vector<1xf32>
      %reduce_sum3A_453 = vector.shape_cast %reduce_sum3A_452 : vector<1xf32> to vector<1x1xf32>
      %reduce_sum3A_454 = vector.extract %reduce_sum3A_453[0, 0] : f32 from vector<1x1xf32>
      %mul3A_455 = arith.mulf %sub3A_397, %sub3A_407 : vector<16xf32>
      %reduce_sum3A_456 = vector.shape_cast %mul3A_455 : vector<16xf32> to vector<1x16xf32>
      %reduce_sum3A_457 = arith.constant dense<0.000000e+00> : vector<1xf32>
      %reduce_sum3A_458 = vector.multi_reduction <add>, %reduce_sum3A_456, %reduce_sum3A_457 [1] : vector<1x16xf32> to vector<1xf32>
      %reduce_sum3A_459 = vector.shape_cast %reduce_sum3A_458 : vector<1xf32> to vector<1x1xf32>
      %reduce_sum3A_460 = vector.extract %reduce_sum3A_459[0, 0] : f32 from vector<1x1xf32>
      %mul3A_461 = arith.mulf %sub3A_397, %sub3A_412 : vector<16xf32>
      %reduce_sum3A_462 = vector.shape_cast %mul3A_461 : vector<16xf32> to vector<1x16xf32>
      %reduce_sum3A_463 = arith.constant dense<0.000000e+00> : vector<1xf32>
      %reduce_sum3A_464 = vector.multi_reduction <add>, %reduce_sum3A_462, %reduce_sum3A_463 [1] : vector<1x16xf32> to vector<1xf32>
      %reduce_sum3A_465 = vector.shape_cast %reduce_sum3A_464 : vector<1xf32> to vector<1x1xf32>
      %reduce_sum3A_466 = vector.extract %reduce_sum3A_465[0, 0] : f32 from vector<1x1xf32>
      %mul3A_467 = arith.mulf %reduce_sum3A_442, %reduce_sum3A_466 : f32
      %mul3A_468 = arith.mulf %reduce_sum3A_448, %reduce_sum3A_460 : f32
      %sub3A_469 = arith.subf %mul3A_467, %mul3A_468 : f32
      %mul3A_470 = arith.mulf %reduce_sum3A_418, %sub3A_469 : f32
      %mul3A_471 = arith.mulf %reduce_sum3A_436, %reduce_sum3A_466 : f32
      %mul3A_472 = arith.mulf %reduce_sum3A_448, %reduce_sum3A_454 : f32
      %sub3A_473 = arith.subf %mul3A_471, %mul3A_472 : f32
      %mul3A_474 = arith.mulf %reduce_sum3A_424, %sub3A_473 : f32
      %sub3A_475 = arith.subf %mul3A_470, %mul3A_474 : f32
      %mul3A_476 = arith.mulf %reduce_sum3A_436, %reduce_sum3A_460 : f32
      %mul3A_477 = arith.mulf %reduce_sum3A_442, %reduce_sum3A_454 : f32
      %sub3A_478 = arith.subf %mul3A_476, %mul3A_477 : f32
      %mul3A_479 = arith.mulf %reduce_sum3A_430, %sub3A_478 : f32
      %add3A_480 = arith.addf %sub3A_475, %mul3A_479 : f32
      %ge3A = arith.constant 0.000000e+00 : f32
      %ge3A_481 = arith.cmpf oge, %add3A_480, %ge3A : f32
      %neg3A = arith.constant 0.000000e+00 : f32
      %neg3A_482 = arith.constant 1.000000e+00 : f32
      %neg3A_483 = arith.subf %neg3A, %neg3A_482 : f32
      %jit3A_484 = arith.constant 1.000000e+00 : f32
      %select_n3A_485 = arith.select %ge3A_481, %jit3A_484, %neg3A_483 : f32
      %mul3A_486 = arith.mulf %reduce_sum3A_418, %reduce_sum3A_418 : f32
      %mul3A_487 = arith.mulf %reduce_sum3A_436, %reduce_sum3A_436 : f32
      %add3A_488 = arith.addf %mul3A_486, %mul3A_487 : f32
      %mul3A_489 = arith.mulf %reduce_sum3A_454, %reduce_sum3A_454 : f32
      %add3A_490 = arith.addf %add3A_488, %mul3A_489 : f32
      %mul3A_491 = arith.mulf %reduce_sum3A_418, %reduce_sum3A_424 : f32
      %mul3A_492 = arith.mulf %reduce_sum3A_436, %reduce_sum3A_442 : f32
      %add3A_493 = arith.addf %mul3A_491, %mul3A_492 : f32
      %mul3A_494 = arith.mulf %reduce_sum3A_454, %reduce_sum3A_460 : f32
      %add3A_495 = arith.addf %add3A_493, %mul3A_494 : f32
      %mul3A_496 = arith.mulf %reduce_sum3A_424, %reduce_sum3A_424 : f32
      %mul3A_497 = arith.mulf %reduce_sum3A_442, %reduce_sum3A_442 : f32
      %add3A_498 = arith.addf %mul3A_496, %mul3A_497 : f32
      %mul3A_499 = arith.mulf %reduce_sum3A_460, %reduce_sum3A_460 : f32
      %add3A_500 = arith.addf %add3A_498, %mul3A_499 : f32
      %mul3A_501 = arith.mulf %reduce_sum3A_430, %reduce_sum3A_418 : f32
      %mul3A_502 = arith.mulf %reduce_sum3A_448, %reduce_sum3A_436 : f32
      %add3A_503 = arith.addf %mul3A_501, %mul3A_502 : f32
      %mul3A_504 = arith.mulf %reduce_sum3A_466, %reduce_sum3A_454 : f32
      %add3A_505 = arith.addf %add3A_503, %mul3A_504 : f32
      %mul3A_506 = arith.mulf %reduce_sum3A_430, %reduce_sum3A_424 : f32
      %mul3A_507 = arith.mulf %reduce_sum3A_448, %reduce_sum3A_442 : f32
      %add3A_508 = arith.addf %mul3A_506, %mul3A_507 : f32
      %mul3A_509 = arith.mulf %reduce_sum3A_466, %reduce_sum3A_460 : f32
      %add3A_510 = arith.addf %add3A_508, %mul3A_509 : f32
      %mul3A_511 = arith.mulf %reduce_sum3A_430, %reduce_sum3A_430 : f32
      %mul3A_512 = arith.mulf %reduce_sum3A_448, %reduce_sum3A_448 : f32
      %add3A_513 = arith.addf %mul3A_511, %mul3A_512 : f32
      %mul3A_514 = arith.mulf %reduce_sum3A_466, %reduce_sum3A_466 : f32
      %add3A_515 = arith.addf %add3A_513, %mul3A_514 : f32
      %abs3A = math.absf %add3A_495 : f32
      %gt3A_516 = arith.constant 1.000000e-30 : f32
      %gt3A_517 = arith.cmpf ogt, %abs3A, %gt3A_516 : f32
      %jit3A_518 = arith.constant 1.000000e-30 : f32
      %select_n3A_519 = arith.select %gt3A_517, %add3A_495, %jit3A_518 : f32
      %sub3A_520 = arith.subf %add3A_500, %add3A_490 : f32
      %mul3A_521 = arith.constant 2.000000e+00 : f32
      %mul3A_522 = arith.mulf %mul3A_521, %select_n3A_519 : f32
      %div3A_523 = arith.divf %sub3A_520, %mul3A_522 : f32
      %sign3A = arith.bitcast %div3A_523 : f32 to i32
      %sign3A_524 = arith.constant -2147483648 : i32
      %sign3A_525 = arith.andi %sign3A, %sign3A_524 : i32
      %sign3A_526 = arith.constant 1065353216 : i32
      %sign3A_527 = arith.ori %sign3A_526, %sign3A_525 : i32
      %sign3A_528 = arith.bitcast %sign3A_527 : i32 to f32
      %sign3A_529 = math.absf %div3A_523 : f32
      %sign3A_530 = arith.constant 0.000000e+00 : f32
      %sign3A_531 = arith.cmpf ogt, %sign3A_529, %sign3A_530 : f32
      %sign3A_532 = arith.select %sign3A_531, %sign3A_528, %div3A_523 : f32
      %abs3A_533 = math.absf %div3A_523 : f32
      %mul3A_534 = arith.mulf %div3A_523, %div3A_523 : f32
      %add3A_535 = arith.constant 1.000000e+00 : f32
      %add3A_536 = arith.addf %add3A_535, %mul3A_534 : f32
      %sqrt3A_537 = math.sqrt %add3A_536 : f32
      %add3A_538 = arith.addf %abs3A_533, %sqrt3A_537 : f32
      %div3A_539 = arith.divf %sign3A_532, %add3A_538 : f32
      %mul3A_540 = arith.mulf %div3A_539, %div3A_539 : f32
      %add3A_541 = arith.constant 1.000000e+00 : f32
      %add3A_542 = arith.addf %add3A_541, %mul3A_540 : f32
      %sqrt3A_543 = math.sqrt %add3A_542 : f32
      %div3A_544 = arith.constant 1.000000e+00 : f32
      %div3A_545 = arith.divf %div3A_544, %sqrt3A_543 : f32
      %mul3A_546 = arith.mulf %div3A_539, %div3A_545 : f32
      %mul3A_547 = arith.mulf %div3A_545, %add3A_505 : f32
      %mul3A_548 = arith.mulf %mul3A_546, %add3A_510 : f32
      %sub3A_549 = arith.subf %mul3A_547, %mul3A_548 : f32
      %mul3A_550 = arith.mulf %mul3A_546, %add3A_505 : f32
      %mul3A_551 = arith.mulf %div3A_545, %add3A_510 : f32
      %add3A_552 = arith.addf %mul3A_550, %mul3A_551 : f32
      %mul3A_553 = arith.mulf %div3A_539, %add3A_495 : f32
      %sub3A_554 = arith.subf %add3A_490, %mul3A_553 : f32
      %mul3A_555 = arith.mulf %div3A_539, %add3A_495 : f32
      %add3A_556 = arith.addf %add3A_500, %mul3A_555 : f32
      %mul3A_557 = arith.constant 1.000000e+00 : f32
      %mul3A_558 = arith.mulf %div3A_545, %mul3A_557 : f32
      %mul3A_559 = arith.constant 0.000000e+00 : f32
      %mul3A_560 = arith.mulf %mul3A_546, %mul3A_559 : f32
      %sub3A_561 = arith.subf %mul3A_558, %mul3A_560 : f32
      %mul3A_562 = arith.constant 1.000000e+00 : f32
      %mul3A_563 = arith.mulf %mul3A_546, %mul3A_562 : f32
      %mul3A_564 = arith.constant 0.000000e+00 : f32
      %mul3A_565 = arith.mulf %div3A_545, %mul3A_564 : f32
      %add3A_566 = arith.addf %mul3A_563, %mul3A_565 : f32
      %mul3A_567 = arith.constant 0.000000e+00 : f32
      %mul3A_568 = arith.mulf %div3A_545, %mul3A_567 : f32
      %mul3A_569 = arith.constant 1.000000e+00 : f32
      %mul3A_570 = arith.mulf %mul3A_546, %mul3A_569 : f32
      %sub3A_571 = arith.subf %mul3A_568, %mul3A_570 : f32
      %mul3A_572 = arith.constant 0.000000e+00 : f32
      %mul3A_573 = arith.mulf %mul3A_546, %mul3A_572 : f32
      %mul3A_574 = arith.constant 1.000000e+00 : f32
      %mul3A_575 = arith.mulf %div3A_545, %mul3A_574 : f32
      %add3A_576 = arith.addf %mul3A_573, %mul3A_575 : f32
      %mul3A_577 = arith.constant 0.000000e+00 : f32
      %mul3A_578 = arith.mulf %div3A_545, %mul3A_577 : f32
      %mul3A_579 = arith.constant 0.000000e+00 : f32
      %mul3A_580 = arith.mulf %mul3A_546, %mul3A_579 : f32
      %sub3A_581 = arith.subf %mul3A_578, %mul3A_580 : f32
      %mul3A_582 = arith.constant 0.000000e+00 : f32
      %mul3A_583 = arith.mulf %mul3A_546, %mul3A_582 : f32
      %mul3A_584 = arith.constant 0.000000e+00 : f32
      %mul3A_585 = arith.mulf %div3A_545, %mul3A_584 : f32
      %add3A_586 = arith.addf %mul3A_583, %mul3A_585 : f32
      %abs3A_587 = math.absf %sub3A_549 : f32
      %gt3A_588 = arith.constant 1.000000e-30 : f32
      %gt3A_589 = arith.cmpf ogt, %abs3A_587, %gt3A_588 : f32
      %jit3A_590 = arith.constant 1.000000e-30 : f32
      %select_n3A_591 = arith.select %gt3A_589, %sub3A_549, %jit3A_590 : f32
      %sub3A_592 = arith.subf %add3A_515, %sub3A_554 : f32
      %mul3A_593 = arith.constant 2.000000e+00 : f32
      %mul3A_594 = arith.mulf %mul3A_593, %select_n3A_591 : f32
      %div3A_595 = arith.divf %sub3A_592, %mul3A_594 : f32
      %sign3A_596 = arith.bitcast %div3A_595 : f32 to i32
      %sign3A_597 = arith.constant -2147483648 : i32
      %sign3A_598 = arith.andi %sign3A_596, %sign3A_597 : i32
      %sign3A_599 = arith.constant 1065353216 : i32
      %sign3A_600 = arith.ori %sign3A_599, %sign3A_598 : i32
      %sign3A_601 = arith.bitcast %sign3A_600 : i32 to f32
      %sign3A_602 = math.absf %div3A_595 : f32
      %sign3A_603 = arith.constant 0.000000e+00 : f32
      %sign3A_604 = arith.cmpf ogt, %sign3A_602, %sign3A_603 : f32
      %sign3A_605 = arith.select %sign3A_604, %sign3A_601, %div3A_595 : f32
      %abs3A_606 = math.absf %div3A_595 : f32
      %mul3A_607 = arith.mulf %div3A_595, %div3A_595 : f32
      %add3A_608 = arith.constant 1.000000e+00 : f32
      %add3A_609 = arith.addf %add3A_608, %mul3A_607 : f32
      %sqrt3A_610 = math.sqrt %add3A_609 : f32
      %add3A_611 = arith.addf %abs3A_606, %sqrt3A_610 : f32
      %div3A_612 = arith.divf %sign3A_605, %add3A_611 : f32
      %mul3A_613 = arith.mulf %div3A_612, %div3A_612 : f32
      %add3A_614 = arith.constant 1.000000e+00 : f32
      %add3A_615 = arith.addf %add3A_614, %mul3A_613 : f32
      %sqrt3A_616 = math.sqrt %add3A_615 : f32
      %div3A_617 = arith.constant 1.000000e+00 : f32
      %div3A_618 = arith.divf %div3A_617, %sqrt3A_616 : f32
      %mul3A_619 = arith.mulf %div3A_612, %div3A_618 : f32
      %mul3A_620 = arith.constant 0.000000e+00 : f32
      %mul3A_621 = arith.mulf %div3A_618, %mul3A_620 : f32
      %mul3A_622 = arith.mulf %mul3A_619, %add3A_552 : f32
      %sub3A_623 = arith.subf %mul3A_621, %mul3A_622 : f32
      %mul3A_624 = arith.constant 0.000000e+00 : f32
      %mul3A_625 = arith.mulf %mul3A_619, %mul3A_624 : f32
      %mul3A_626 = arith.mulf %div3A_618, %add3A_552 : f32
      %add3A_627 = arith.addf %mul3A_625, %mul3A_626 : f32
      %mul3A_628 = arith.mulf %div3A_612, %sub3A_549 : f32
      %sub3A_629 = arith.subf %sub3A_554, %mul3A_628 : f32
      %mul3A_630 = arith.mulf %div3A_612, %sub3A_549 : f32
      %add3A_631 = arith.addf %add3A_515, %mul3A_630 : f32
      %mul3A_632 = arith.mulf %div3A_618, %sub3A_561 : f32
      %mul3A_633 = arith.constant 0.000000e+00 : f32
      %mul3A_634 = arith.mulf %mul3A_619, %mul3A_633 : f32
      %sub3A_635 = arith.subf %mul3A_632, %mul3A_634 : f32
      %mul3A_636 = arith.mulf %mul3A_619, %sub3A_561 : f32
      %mul3A_637 = arith.constant 0.000000e+00 : f32
      %mul3A_638 = arith.mulf %div3A_618, %mul3A_637 : f32
      %add3A_639 = arith.addf %mul3A_636, %mul3A_638 : f32
      %mul3A_640 = arith.mulf %div3A_618, %sub3A_571 : f32
      %mul3A_641 = arith.constant 0.000000e+00 : f32
      %mul3A_642 = arith.mulf %mul3A_619, %mul3A_641 : f32
      %sub3A_643 = arith.subf %mul3A_640, %mul3A_642 : f32
      %mul3A_644 = arith.mulf %mul3A_619, %sub3A_571 : f32
      %mul3A_645 = arith.constant 0.000000e+00 : f32
      %mul3A_646 = arith.mulf %div3A_618, %mul3A_645 : f32
      %add3A_647 = arith.addf %mul3A_644, %mul3A_646 : f32
      %mul3A_648 = arith.mulf %div3A_618, %sub3A_581 : f32
      %mul3A_649 = arith.constant 1.000000e+00 : f32
      %mul3A_650 = arith.mulf %mul3A_619, %mul3A_649 : f32
      %sub3A_651 = arith.subf %mul3A_648, %mul3A_650 : f32
      %mul3A_652 = arith.mulf %mul3A_619, %sub3A_581 : f32
      %mul3A_653 = arith.constant 1.000000e+00 : f32
      %mul3A_654 = arith.mulf %div3A_618, %mul3A_653 : f32
      %add3A_655 = arith.addf %mul3A_652, %mul3A_654 : f32
      %abs3A_656 = math.absf %add3A_627 : f32
      %gt3A_657 = arith.constant 1.000000e-30 : f32
      %gt3A_658 = arith.cmpf ogt, %abs3A_656, %gt3A_657 : f32
      %jit3A_659 = arith.constant 1.000000e-30 : f32
      %select_n3A_660 = arith.select %gt3A_658, %add3A_627, %jit3A_659 : f32
      %sub3A_661 = arith.subf %add3A_631, %add3A_556 : f32
      %mul3A_662 = arith.constant 2.000000e+00 : f32
      %mul3A_663 = arith.mulf %mul3A_662, %select_n3A_660 : f32
      %div3A_664 = arith.divf %sub3A_661, %mul3A_663 : f32
      %sign3A_665 = arith.bitcast %div3A_664 : f32 to i32
      %sign3A_666 = arith.constant -2147483648 : i32
      %sign3A_667 = arith.andi %sign3A_665, %sign3A_666 : i32
      %sign3A_668 = arith.constant 1065353216 : i32
      %sign3A_669 = arith.ori %sign3A_668, %sign3A_667 : i32
      %sign3A_670 = arith.bitcast %sign3A_669 : i32 to f32
      %sign3A_671 = math.absf %div3A_664 : f32
      %sign3A_672 = arith.constant 0.000000e+00 : f32
      %sign3A_673 = arith.cmpf ogt, %sign3A_671, %sign3A_672 : f32
      %sign3A_674 = arith.select %sign3A_673, %sign3A_670, %div3A_664 : f32
      %abs3A_675 = math.absf %div3A_664 : f32
      %mul3A_676 = arith.mulf %div3A_664, %div3A_664 : f32
      %add3A_677 = arith.constant 1.000000e+00 : f32
      %add3A_678 = arith.addf %add3A_677, %mul3A_676 : f32
      %sqrt3A_679 = math.sqrt %add3A_678 : f32
      %add3A_680 = arith.addf %abs3A_675, %sqrt3A_679 : f32
      %div3A_681 = arith.divf %sign3A_674, %add3A_680 : f32
      %mul3A_682 = arith.mulf %div3A_681, %div3A_681 : f32
      %add3A_683 = arith.constant 1.000000e+00 : f32
      %add3A_684 = arith.addf %add3A_683, %mul3A_682 : f32
      %sqrt3A_685 = math.sqrt %add3A_684 : f32
      %div3A_686 = arith.constant 1.000000e+00 : f32
      %div3A_687 = arith.divf %div3A_686, %sqrt3A_685 : f32
      %mul3A_688 = arith.mulf %div3A_681, %div3A_687 : f32
      %mul3A_689 = arith.mulf %div3A_687, %sub3A_623 : f32
      %mul3A_690 = arith.constant 0.000000e+00 : f32
      %mul3A_691 = arith.mulf %mul3A_688, %mul3A_690 : f32
      %sub3A_692 = arith.subf %mul3A_689, %mul3A_691 : f32
      %mul3A_693 = arith.mulf %mul3A_688, %sub3A_623 : f32
      %mul3A_694 = arith.constant 0.000000e+00 : f32
      %mul3A_695 = arith.mulf %div3A_687, %mul3A_694 : f32
      %add3A_696 = arith.addf %mul3A_693, %mul3A_695 : f32
      %mul3A_697 = arith.mulf %div3A_681, %add3A_627 : f32
      %sub3A_698 = arith.subf %add3A_556, %mul3A_697 : f32
      %mul3A_699 = arith.mulf %div3A_681, %add3A_627 : f32
      %add3A_700 = arith.addf %add3A_631, %mul3A_699 : f32
      %mul3A_701 = arith.mulf %div3A_687, %add3A_566 : f32
      %mul3A_702 = arith.mulf %mul3A_688, %add3A_639 : f32
      %sub3A_703 = arith.subf %mul3A_701, %mul3A_702 : f32
      %mul3A_704 = arith.mulf %mul3A_688, %add3A_566 : f32
      %mul3A_705 = arith.mulf %div3A_687, %add3A_639 : f32
      %add3A_706 = arith.addf %mul3A_704, %mul3A_705 : f32
      %mul3A_707 = arith.mulf %div3A_687, %add3A_576 : f32
      %mul3A_708 = arith.mulf %mul3A_688, %add3A_647 : f32
      %sub3A_709 = arith.subf %mul3A_707, %mul3A_708 : f32
      %mul3A_710 = arith.mulf %mul3A_688, %add3A_576 : f32
      %mul3A_711 = arith.mulf %div3A_687, %add3A_647 : f32
      %add3A_712 = arith.addf %mul3A_710, %mul3A_711 : f32
      %mul3A_713 = arith.mulf %div3A_687, %add3A_586 : f32
      %mul3A_714 = arith.mulf %mul3A_688, %add3A_655 : f32
      %sub3A_715 = arith.subf %mul3A_713, %mul3A_714 : f32
      %mul3A_716 = arith.mulf %mul3A_688, %add3A_586 : f32
      %mul3A_717 = arith.mulf %div3A_687, %add3A_655 : f32
      %add3A_718 = arith.addf %mul3A_716, %mul3A_717 : f32
      %abs3A_719 = math.absf %sub3A_692 : f32
      %gt3A_720 = arith.constant 1.000000e-30 : f32
      %gt3A_721 = arith.cmpf ogt, %abs3A_719, %gt3A_720 : f32
      %jit3A_722 = arith.constant 1.000000e-30 : f32
      %select_n3A_723 = arith.select %gt3A_721, %sub3A_692, %jit3A_722 : f32
      %sub3A_724 = arith.subf %sub3A_698, %sub3A_629 : f32
      %mul3A_725 = arith.constant 2.000000e+00 : f32
      %mul3A_726 = arith.mulf %mul3A_725, %select_n3A_723 : f32
      %div3A_727 = arith.divf %sub3A_724, %mul3A_726 : f32
      %sign3A_728 = arith.bitcast %div3A_727 : f32 to i32
      %sign3A_729 = arith.constant -2147483648 : i32
      %sign3A_730 = arith.andi %sign3A_728, %sign3A_729 : i32
      %sign3A_731 = arith.constant 1065353216 : i32
      %sign3A_732 = arith.ori %sign3A_731, %sign3A_730 : i32
      %sign3A_733 = arith.bitcast %sign3A_732 : i32 to f32
      %sign3A_734 = math.absf %div3A_727 : f32
      %sign3A_735 = arith.constant 0.000000e+00 : f32
      %sign3A_736 = arith.cmpf ogt, %sign3A_734, %sign3A_735 : f32
      %sign3A_737 = arith.select %sign3A_736, %sign3A_733, %div3A_727 : f32
      %abs3A_738 = math.absf %div3A_727 : f32
      %mul3A_739 = arith.mulf %div3A_727, %div3A_727 : f32
      %add3A_740 = arith.constant 1.000000e+00 : f32
      %add3A_741 = arith.addf %add3A_740, %mul3A_739 : f32
      %sqrt3A_742 = math.sqrt %add3A_741 : f32
      %add3A_743 = arith.addf %abs3A_738, %sqrt3A_742 : f32
      %div3A_744 = arith.divf %sign3A_737, %add3A_743 : f32
      %mul3A_745 = arith.mulf %div3A_744, %div3A_744 : f32
      %add3A_746 = arith.constant 1.000000e+00 : f32
      %add3A_747 = arith.addf %add3A_746, %mul3A_745 : f32
      %sqrt3A_748 = math.sqrt %add3A_747 : f32
      %div3A_749 = arith.constant 1.000000e+00 : f32
      %div3A_750 = arith.divf %div3A_749, %sqrt3A_748 : f32
      %mul3A_751 = arith.mulf %div3A_744, %div3A_750 : f32
      %mul3A_752 = arith.mulf %div3A_750, %add3A_696 : f32
      %mul3A_753 = arith.constant 0.000000e+00 : f32
      %mul3A_754 = arith.mulf %mul3A_751, %mul3A_753 : f32
      %sub3A_755 = arith.subf %mul3A_752, %mul3A_754 : f32
      %mul3A_756 = arith.mulf %mul3A_751, %add3A_696 : f32
      %mul3A_757 = arith.constant 0.000000e+00 : f32
      %mul3A_758 = arith.mulf %div3A_750, %mul3A_757 : f32
      %add3A_759 = arith.addf %mul3A_756, %mul3A_758 : f32
      %mul3A_760 = arith.mulf %div3A_744, %sub3A_692 : f32
      %sub3A_761 = arith.subf %sub3A_629, %mul3A_760 : f32
      %mul3A_762 = arith.mulf %div3A_744, %sub3A_692 : f32
      %add3A_763 = arith.addf %sub3A_698, %mul3A_762 : f32
      %mul3A_764 = arith.mulf %div3A_750, %sub3A_635 : f32
      %mul3A_765 = arith.mulf %mul3A_751, %sub3A_703 : f32
      %sub3A_766 = arith.subf %mul3A_764, %mul3A_765 : f32
      %mul3A_767 = arith.mulf %mul3A_751, %sub3A_635 : f32
      %mul3A_768 = arith.mulf %div3A_750, %sub3A_703 : f32
      %add3A_769 = arith.addf %mul3A_767, %mul3A_768 : f32
      %mul3A_770 = arith.mulf %div3A_750, %sub3A_643 : f32
      %mul3A_771 = arith.mulf %mul3A_751, %sub3A_709 : f32
      %sub3A_772 = arith.subf %mul3A_770, %mul3A_771 : f32
      %mul3A_773 = arith.mulf %mul3A_751, %sub3A_643 : f32
      %mul3A_774 = arith.mulf %div3A_750, %sub3A_709 : f32
      %add3A_775 = arith.addf %mul3A_773, %mul3A_774 : f32
      %mul3A_776 = arith.mulf %div3A_750, %sub3A_651 : f32
      %mul3A_777 = arith.mulf %mul3A_751, %sub3A_715 : f32
      %sub3A_778 = arith.subf %mul3A_776, %mul3A_777 : f32
      %mul3A_779 = arith.mulf %mul3A_751, %sub3A_651 : f32
      %mul3A_780 = arith.mulf %div3A_750, %sub3A_715 : f32
      %add3A_781 = arith.addf %mul3A_779, %mul3A_780 : f32
      %abs3A_782 = math.absf %sub3A_755 : f32
      %gt3A_783 = arith.constant 1.000000e-30 : f32
      %gt3A_784 = arith.cmpf ogt, %abs3A_782, %gt3A_783 : f32
      %jit3A_785 = arith.constant 1.000000e-30 : f32
      %select_n3A_786 = arith.select %gt3A_784, %sub3A_755, %jit3A_785 : f32
      %sub3A_787 = arith.subf %add3A_700, %sub3A_761 : f32
      %mul3A_788 = arith.constant 2.000000e+00 : f32
      %mul3A_789 = arith.mulf %mul3A_788, %select_n3A_786 : f32
      %div3A_790 = arith.divf %sub3A_787, %mul3A_789 : f32
      %sign3A_791 = arith.bitcast %div3A_790 : f32 to i32
      %sign3A_792 = arith.constant -2147483648 : i32
      %sign3A_793 = arith.andi %sign3A_791, %sign3A_792 : i32
      %sign3A_794 = arith.constant 1065353216 : i32
      %sign3A_795 = arith.ori %sign3A_794, %sign3A_793 : i32
      %sign3A_796 = arith.bitcast %sign3A_795 : i32 to f32
      %sign3A_797 = math.absf %div3A_790 : f32
      %sign3A_798 = arith.constant 0.000000e+00 : f32
      %sign3A_799 = arith.cmpf ogt, %sign3A_797, %sign3A_798 : f32
      %sign3A_800 = arith.select %sign3A_799, %sign3A_796, %div3A_790 : f32
      %abs3A_801 = math.absf %div3A_790 : f32
      %mul3A_802 = arith.mulf %div3A_790, %div3A_790 : f32
      %add3A_803 = arith.constant 1.000000e+00 : f32
      %add3A_804 = arith.addf %add3A_803, %mul3A_802 : f32
      %sqrt3A_805 = math.sqrt %add3A_804 : f32
      %add3A_806 = arith.addf %abs3A_801, %sqrt3A_805 : f32
      %div3A_807 = arith.divf %sign3A_800, %add3A_806 : f32
      %mul3A_808 = arith.mulf %div3A_807, %div3A_807 : f32
      %add3A_809 = arith.constant 1.000000e+00 : f32
      %add3A_810 = arith.addf %add3A_809, %mul3A_808 : f32
      %sqrt3A_811 = math.sqrt %add3A_810 : f32
      %div3A_812 = arith.constant 1.000000e+00 : f32
      %div3A_813 = arith.divf %div3A_812, %sqrt3A_811 : f32
      %mul3A_814 = arith.mulf %div3A_807, %div3A_813 : f32
      %mul3A_815 = arith.constant 0.000000e+00 : f32
      %mul3A_816 = arith.mulf %div3A_813, %mul3A_815 : f32
      %mul3A_817 = arith.mulf %mul3A_814, %add3A_759 : f32
      %sub3A_818 = arith.subf %mul3A_816, %mul3A_817 : f32
      %mul3A_819 = arith.constant 0.000000e+00 : f32
      %mul3A_820 = arith.mulf %mul3A_814, %mul3A_819 : f32
      %mul3A_821 = arith.mulf %div3A_813, %add3A_759 : f32
      %add3A_822 = arith.addf %mul3A_820, %mul3A_821 : f32
      %mul3A_823 = arith.mulf %div3A_807, %sub3A_755 : f32
      %sub3A_824 = arith.subf %sub3A_761, %mul3A_823 : f32
      %mul3A_825 = arith.mulf %div3A_807, %sub3A_755 : f32
      %add3A_826 = arith.addf %add3A_700, %mul3A_825 : f32
      %mul3A_827 = arith.mulf %div3A_813, %sub3A_766 : f32
      %mul3A_828 = arith.mulf %mul3A_814, %add3A_706 : f32
      %sub3A_829 = arith.subf %mul3A_827, %mul3A_828 : f32
      %mul3A_830 = arith.mulf %mul3A_814, %sub3A_766 : f32
      %mul3A_831 = arith.mulf %div3A_813, %add3A_706 : f32
      %add3A_832 = arith.addf %mul3A_830, %mul3A_831 : f32
      %mul3A_833 = arith.mulf %div3A_813, %sub3A_772 : f32
      %mul3A_834 = arith.mulf %mul3A_814, %add3A_712 : f32
      %sub3A_835 = arith.subf %mul3A_833, %mul3A_834 : f32
      %mul3A_836 = arith.mulf %mul3A_814, %sub3A_772 : f32
      %mul3A_837 = arith.mulf %div3A_813, %add3A_712 : f32
      %add3A_838 = arith.addf %mul3A_836, %mul3A_837 : f32
      %mul3A_839 = arith.mulf %div3A_813, %sub3A_778 : f32
      %mul3A_840 = arith.mulf %mul3A_814, %add3A_718 : f32
      %sub3A_841 = arith.subf %mul3A_839, %mul3A_840 : f32
      %mul3A_842 = arith.mulf %mul3A_814, %sub3A_778 : f32
      %mul3A_843 = arith.mulf %div3A_813, %add3A_718 : f32
      %add3A_844 = arith.addf %mul3A_842, %mul3A_843 : f32
      %abs3A_845 = math.absf %add3A_822 : f32
      %gt3A_846 = arith.constant 1.000000e-30 : f32
      %gt3A_847 = arith.cmpf ogt, %abs3A_845, %gt3A_846 : f32
      %jit3A_848 = arith.constant 1.000000e-30 : f32
      %select_n3A_849 = arith.select %gt3A_847, %add3A_822, %jit3A_848 : f32
      %sub3A_850 = arith.subf %add3A_826, %add3A_763 : f32
      %mul3A_851 = arith.constant 2.000000e+00 : f32
      %mul3A_852 = arith.mulf %mul3A_851, %select_n3A_849 : f32
      %div3A_853 = arith.divf %sub3A_850, %mul3A_852 : f32
      %sign3A_854 = arith.bitcast %div3A_853 : f32 to i32
      %sign3A_855 = arith.constant -2147483648 : i32
      %sign3A_856 = arith.andi %sign3A_854, %sign3A_855 : i32
      %sign3A_857 = arith.constant 1065353216 : i32
      %sign3A_858 = arith.ori %sign3A_857, %sign3A_856 : i32
      %sign3A_859 = arith.bitcast %sign3A_858 : i32 to f32
      %sign3A_860 = math.absf %div3A_853 : f32
      %sign3A_861 = arith.constant 0.000000e+00 : f32
      %sign3A_862 = arith.cmpf ogt, %sign3A_860, %sign3A_861 : f32
      %sign3A_863 = arith.select %sign3A_862, %sign3A_859, %div3A_853 : f32
      %abs3A_864 = math.absf %div3A_853 : f32
      %mul3A_865 = arith.mulf %div3A_853, %div3A_853 : f32
      %add3A_866 = arith.constant 1.000000e+00 : f32
      %add3A_867 = arith.addf %add3A_866, %mul3A_865 : f32
      %sqrt3A_868 = math.sqrt %add3A_867 : f32
      %add3A_869 = arith.addf %abs3A_864, %sqrt3A_868 : f32
      %div3A_870 = arith.divf %sign3A_863, %add3A_869 : f32
      %mul3A_871 = arith.mulf %div3A_870, %div3A_870 : f32
      %add3A_872 = arith.constant 1.000000e+00 : f32
      %add3A_873 = arith.addf %add3A_872, %mul3A_871 : f32
      %sqrt3A_874 = math.sqrt %add3A_873 : f32
      %div3A_875 = arith.constant 1.000000e+00 : f32
      %div3A_876 = arith.divf %div3A_875, %sqrt3A_874 : f32
      %mul3A_877 = arith.mulf %div3A_870, %div3A_876 : f32
      %mul3A_878 = arith.mulf %div3A_876, %sub3A_818 : f32
      %mul3A_879 = arith.constant 0.000000e+00 : f32
      %mul3A_880 = arith.mulf %mul3A_877, %mul3A_879 : f32
      %sub3A_881 = arith.subf %mul3A_878, %mul3A_880 : f32
      %mul3A_882 = arith.mulf %mul3A_877, %sub3A_818 : f32
      %mul3A_883 = arith.constant 0.000000e+00 : f32
      %mul3A_884 = arith.mulf %div3A_876, %mul3A_883 : f32
      %add3A_885 = arith.addf %mul3A_882, %mul3A_884 : f32
      %mul3A_886 = arith.mulf %div3A_870, %add3A_822 : f32
      %sub3A_887 = arith.subf %add3A_763, %mul3A_886 : f32
      %mul3A_888 = arith.mulf %div3A_870, %add3A_822 : f32
      %add3A_889 = arith.addf %add3A_826, %mul3A_888 : f32
      %mul3A_890 = arith.mulf %div3A_876, %add3A_769 : f32
      %mul3A_891 = arith.mulf %mul3A_877, %add3A_832 : f32
      %sub3A_892 = arith.subf %mul3A_890, %mul3A_891 : f32
      %mul3A_893 = arith.mulf %mul3A_877, %add3A_769 : f32
      %mul3A_894 = arith.mulf %div3A_876, %add3A_832 : f32
      %add3A_895 = arith.addf %mul3A_893, %mul3A_894 : f32
      %mul3A_896 = arith.mulf %div3A_876, %add3A_775 : f32
      %mul3A_897 = arith.mulf %mul3A_877, %add3A_838 : f32
      %sub3A_898 = arith.subf %mul3A_896, %mul3A_897 : f32
      %mul3A_899 = arith.mulf %mul3A_877, %add3A_775 : f32
      %mul3A_900 = arith.mulf %div3A_876, %add3A_838 : f32
      %add3A_901 = arith.addf %mul3A_899, %mul3A_900 : f32
      %mul3A_902 = arith.mulf %div3A_876, %add3A_781 : f32
      %mul3A_903 = arith.mulf %mul3A_877, %add3A_844 : f32
      %sub3A_904 = arith.subf %mul3A_902, %mul3A_903 : f32
      %mul3A_905 = arith.mulf %mul3A_877, %add3A_781 : f32
      %mul3A_906 = arith.mulf %div3A_876, %add3A_844 : f32
      %add3A_907 = arith.addf %mul3A_905, %mul3A_906 : f32
      %abs3A_908 = math.absf %sub3A_881 : f32
      %gt3A_909 = arith.constant 1.000000e-30 : f32
      %gt3A_910 = arith.cmpf ogt, %abs3A_908, %gt3A_909 : f32
      %jit3A_911 = arith.constant 1.000000e-30 : f32
      %select_n3A_912 = arith.select %gt3A_910, %sub3A_881, %jit3A_911 : f32
      %sub3A_913 = arith.subf %sub3A_887, %sub3A_824 : f32
      %mul3A_914 = arith.constant 2.000000e+00 : f32
      %mul3A_915 = arith.mulf %mul3A_914, %select_n3A_912 : f32
      %div3A_916 = arith.divf %sub3A_913, %mul3A_915 : f32
      %sign3A_917 = arith.bitcast %div3A_916 : f32 to i32
      %sign3A_918 = arith.constant -2147483648 : i32
      %sign3A_919 = arith.andi %sign3A_917, %sign3A_918 : i32
      %sign3A_920 = arith.constant 1065353216 : i32
      %sign3A_921 = arith.ori %sign3A_920, %sign3A_919 : i32
      %sign3A_922 = arith.bitcast %sign3A_921 : i32 to f32
      %sign3A_923 = math.absf %div3A_916 : f32
      %sign3A_924 = arith.constant 0.000000e+00 : f32
      %sign3A_925 = arith.cmpf ogt, %sign3A_923, %sign3A_924 : f32
      %sign3A_926 = arith.select %sign3A_925, %sign3A_922, %div3A_916 : f32
      %abs3A_927 = math.absf %div3A_916 : f32
      %mul3A_928 = arith.mulf %div3A_916, %div3A_916 : f32
      %add3A_929 = arith.constant 1.000000e+00 : f32
      %add3A_930 = arith.addf %add3A_929, %mul3A_928 : f32
      %sqrt3A_931 = math.sqrt %add3A_930 : f32
      %add3A_932 = arith.addf %abs3A_927, %sqrt3A_931 : f32
      %div3A_933 = arith.divf %sign3A_926, %add3A_932 : f32
      %mul3A_934 = arith.mulf %div3A_933, %div3A_933 : f32
      %add3A_935 = arith.constant 1.000000e+00 : f32
      %add3A_936 = arith.addf %add3A_935, %mul3A_934 : f32
      %sqrt3A_937 = math.sqrt %add3A_936 : f32
      %div3A_938 = arith.constant 1.000000e+00 : f32
      %div3A_939 = arith.divf %div3A_938, %sqrt3A_937 : f32
      %mul3A_940 = arith.mulf %div3A_933, %div3A_939 : f32
      %mul3A_941 = arith.mulf %div3A_939, %add3A_885 : f32
      %mul3A_942 = arith.constant 0.000000e+00 : f32
      %mul3A_943 = arith.mulf %mul3A_940, %mul3A_942 : f32
      %sub3A_944 = arith.subf %mul3A_941, %mul3A_943 : f32
      %mul3A_945 = arith.mulf %mul3A_940, %add3A_885 : f32
      %mul3A_946 = arith.constant 0.000000e+00 : f32
      %mul3A_947 = arith.mulf %div3A_939, %mul3A_946 : f32
      %add3A_948 = arith.addf %mul3A_945, %mul3A_947 : f32
      %mul3A_949 = arith.mulf %div3A_933, %sub3A_881 : f32
      %sub3A_950 = arith.subf %sub3A_824, %mul3A_949 : f32
      %mul3A_951 = arith.mulf %div3A_933, %sub3A_881 : f32
      %add3A_952 = arith.addf %sub3A_887, %mul3A_951 : f32
      %mul3A_953 = arith.mulf %div3A_939, %sub3A_829 : f32
      %mul3A_954 = arith.mulf %mul3A_940, %sub3A_892 : f32
      %sub3A_955 = arith.subf %mul3A_953, %mul3A_954 : f32
      %mul3A_956 = arith.mulf %mul3A_940, %sub3A_829 : f32
      %mul3A_957 = arith.mulf %div3A_939, %sub3A_892 : f32
      %add3A_958 = arith.addf %mul3A_956, %mul3A_957 : f32
      %mul3A_959 = arith.mulf %div3A_939, %sub3A_835 : f32
      %mul3A_960 = arith.mulf %mul3A_940, %sub3A_898 : f32
      %sub3A_961 = arith.subf %mul3A_959, %mul3A_960 : f32
      %mul3A_962 = arith.mulf %mul3A_940, %sub3A_835 : f32
      %mul3A_963 = arith.mulf %div3A_939, %sub3A_898 : f32
      %add3A_964 = arith.addf %mul3A_962, %mul3A_963 : f32
      %mul3A_965 = arith.mulf %div3A_939, %sub3A_841 : f32
      %mul3A_966 = arith.mulf %mul3A_940, %sub3A_904 : f32
      %sub3A_967 = arith.subf %mul3A_965, %mul3A_966 : f32
      %mul3A_968 = arith.mulf %mul3A_940, %sub3A_841 : f32
      %mul3A_969 = arith.mulf %div3A_939, %sub3A_904 : f32
      %add3A_970 = arith.addf %mul3A_968, %mul3A_969 : f32
      %abs3A_971 = math.absf %sub3A_944 : f32
      %gt3A_972 = arith.constant 1.000000e-30 : f32
      %gt3A_973 = arith.cmpf ogt, %abs3A_971, %gt3A_972 : f32
      %jit3A_974 = arith.constant 1.000000e-30 : f32
      %select_n3A_975 = arith.select %gt3A_973, %sub3A_944, %jit3A_974 : f32
      %sub3A_976 = arith.subf %add3A_889, %sub3A_950 : f32
      %mul3A_977 = arith.constant 2.000000e+00 : f32
      %mul3A_978 = arith.mulf %mul3A_977, %select_n3A_975 : f32
      %div3A_979 = arith.divf %sub3A_976, %mul3A_978 : f32
      %sign3A_980 = arith.bitcast %div3A_979 : f32 to i32
      %sign3A_981 = arith.constant -2147483648 : i32
      %sign3A_982 = arith.andi %sign3A_980, %sign3A_981 : i32
      %sign3A_983 = arith.constant 1065353216 : i32
      %sign3A_984 = arith.ori %sign3A_983, %sign3A_982 : i32
      %sign3A_985 = arith.bitcast %sign3A_984 : i32 to f32
      %sign3A_986 = math.absf %div3A_979 : f32
      %sign3A_987 = arith.constant 0.000000e+00 : f32
      %sign3A_988 = arith.cmpf ogt, %sign3A_986, %sign3A_987 : f32
      %sign3A_989 = arith.select %sign3A_988, %sign3A_985, %div3A_979 : f32
      %abs3A_990 = math.absf %div3A_979 : f32
      %mul3A_991 = arith.mulf %div3A_979, %div3A_979 : f32
      %add3A_992 = arith.constant 1.000000e+00 : f32
      %add3A_993 = arith.addf %add3A_992, %mul3A_991 : f32
      %sqrt3A_994 = math.sqrt %add3A_993 : f32
      %add3A_995 = arith.addf %abs3A_990, %sqrt3A_994 : f32
      %div3A_996 = arith.divf %sign3A_989, %add3A_995 : f32
      %mul3A_997 = arith.mulf %div3A_996, %div3A_996 : f32
      %add3A_998 = arith.constant 1.000000e+00 : f32
      %add3A_999 = arith.addf %add3A_998, %mul3A_997 : f32
      %sqrt3A_1000 = math.sqrt %add3A_999 : f32
      %div3A_1001 = arith.constant 1.000000e+00 : f32
      %div3A_1002 = arith.divf %div3A_1001, %sqrt3A_1000 : f32
      %mul3A_1003 = arith.mulf %div3A_996, %div3A_1002 : f32
      %mul3A_1004 = arith.constant 0.000000e+00 : f32
      %mul3A_1005 = arith.mulf %div3A_1002, %mul3A_1004 : f32
      %mul3A_1006 = arith.mulf %mul3A_1003, %add3A_948 : f32
      %sub3A_1007 = arith.subf %mul3A_1005, %mul3A_1006 : f32
      %mul3A_1008 = arith.constant 0.000000e+00 : f32
      %mul3A_1009 = arith.mulf %mul3A_1003, %mul3A_1008 : f32
      %mul3A_1010 = arith.mulf %div3A_1002, %add3A_948 : f32
      %add3A_1011 = arith.addf %mul3A_1009, %mul3A_1010 : f32
      %mul3A_1012 = arith.mulf %div3A_996, %sub3A_944 : f32
      %sub3A_1013 = arith.subf %sub3A_950, %mul3A_1012 : f32
      %mul3A_1014 = arith.mulf %div3A_996, %sub3A_944 : f32
      %add3A_1015 = arith.addf %add3A_889, %mul3A_1014 : f32
      %mul3A_1016 = arith.mulf %div3A_1002, %sub3A_955 : f32
      %mul3A_1017 = arith.mulf %mul3A_1003, %add3A_895 : f32
      %sub3A_1018 = arith.subf %mul3A_1016, %mul3A_1017 : f32
      %mul3A_1019 = arith.mulf %mul3A_1003, %sub3A_955 : f32
      %mul3A_1020 = arith.mulf %div3A_1002, %add3A_895 : f32
      %add3A_1021 = arith.addf %mul3A_1019, %mul3A_1020 : f32
      %mul3A_1022 = arith.mulf %div3A_1002, %sub3A_961 : f32
      %mul3A_1023 = arith.mulf %mul3A_1003, %add3A_901 : f32
      %sub3A_1024 = arith.subf %mul3A_1022, %mul3A_1023 : f32
      %mul3A_1025 = arith.mulf %mul3A_1003, %sub3A_961 : f32
      %mul3A_1026 = arith.mulf %div3A_1002, %add3A_901 : f32
      %add3A_1027 = arith.addf %mul3A_1025, %mul3A_1026 : f32
      %mul3A_1028 = arith.mulf %div3A_1002, %sub3A_967 : f32
      %mul3A_1029 = arith.mulf %mul3A_1003, %add3A_907 : f32
      %sub3A_1030 = arith.subf %mul3A_1028, %mul3A_1029 : f32
      %mul3A_1031 = arith.mulf %mul3A_1003, %sub3A_967 : f32
      %mul3A_1032 = arith.mulf %div3A_1002, %add3A_907 : f32
      %add3A_1033 = arith.addf %mul3A_1031, %mul3A_1032 : f32
      %abs3A_1034 = math.absf %add3A_1011 : f32
      %gt3A_1035 = arith.constant 1.000000e-30 : f32
      %gt3A_1036 = arith.cmpf ogt, %abs3A_1034, %gt3A_1035 : f32
      %jit3A_1037 = arith.constant 1.000000e-30 : f32
      %select_n3A_1038 = arith.select %gt3A_1036, %add3A_1011, %jit3A_1037 : f32
      %sub3A_1039 = arith.subf %add3A_1015, %add3A_952 : f32
      %mul3A_1040 = arith.constant 2.000000e+00 : f32
      %mul3A_1041 = arith.mulf %mul3A_1040, %select_n3A_1038 : f32
      %div3A_1042 = arith.divf %sub3A_1039, %mul3A_1041 : f32
      %sign3A_1043 = arith.bitcast %div3A_1042 : f32 to i32
      %sign3A_1044 = arith.constant -2147483648 : i32
      %sign3A_1045 = arith.andi %sign3A_1043, %sign3A_1044 : i32
      %sign3A_1046 = arith.constant 1065353216 : i32
      %sign3A_1047 = arith.ori %sign3A_1046, %sign3A_1045 : i32
      %sign3A_1048 = arith.bitcast %sign3A_1047 : i32 to f32
      %sign3A_1049 = math.absf %div3A_1042 : f32
      %sign3A_1050 = arith.constant 0.000000e+00 : f32
      %sign3A_1051 = arith.cmpf ogt, %sign3A_1049, %sign3A_1050 : f32
      %sign3A_1052 = arith.select %sign3A_1051, %sign3A_1048, %div3A_1042 : f32
      %abs3A_1053 = math.absf %div3A_1042 : f32
      %mul3A_1054 = arith.mulf %div3A_1042, %div3A_1042 : f32
      %add3A_1055 = arith.constant 1.000000e+00 : f32
      %add3A_1056 = arith.addf %add3A_1055, %mul3A_1054 : f32
      %sqrt3A_1057 = math.sqrt %add3A_1056 : f32
      %add3A_1058 = arith.addf %abs3A_1053, %sqrt3A_1057 : f32
      %div3A_1059 = arith.divf %sign3A_1052, %add3A_1058 : f32
      %mul3A_1060 = arith.mulf %div3A_1059, %div3A_1059 : f32
      %add3A_1061 = arith.constant 1.000000e+00 : f32
      %add3A_1062 = arith.addf %add3A_1061, %mul3A_1060 : f32
      %sqrt3A_1063 = math.sqrt %add3A_1062 : f32
      %div3A_1064 = arith.constant 1.000000e+00 : f32
      %div3A_1065 = arith.divf %div3A_1064, %sqrt3A_1063 : f32
      %mul3A_1066 = arith.mulf %div3A_1059, %div3A_1065 : f32
      %mul3A_1067 = arith.mulf %div3A_1065, %sub3A_1007 : f32
      %mul3A_1068 = arith.constant 0.000000e+00 : f32
      %mul3A_1069 = arith.mulf %mul3A_1066, %mul3A_1068 : f32
      %sub3A_1070 = arith.subf %mul3A_1067, %mul3A_1069 : f32
      %mul3A_1071 = arith.mulf %mul3A_1066, %sub3A_1007 : f32
      %mul3A_1072 = arith.constant 0.000000e+00 : f32
      %mul3A_1073 = arith.mulf %div3A_1065, %mul3A_1072 : f32
      %add3A_1074 = arith.addf %mul3A_1071, %mul3A_1073 : f32
      %mul3A_1075 = arith.mulf %div3A_1059, %add3A_1011 : f32
      %sub3A_1076 = arith.subf %add3A_952, %mul3A_1075 : f32
      %mul3A_1077 = arith.mulf %div3A_1059, %add3A_1011 : f32
      %add3A_1078 = arith.addf %add3A_1015, %mul3A_1077 : f32
      %mul3A_1079 = arith.mulf %div3A_1065, %add3A_958 : f32
      %mul3A_1080 = arith.mulf %mul3A_1066, %add3A_1021 : f32
      %sub3A_1081 = arith.subf %mul3A_1079, %mul3A_1080 : f32
      %mul3A_1082 = arith.mulf %mul3A_1066, %add3A_958 : f32
      %mul3A_1083 = arith.mulf %div3A_1065, %add3A_1021 : f32
      %add3A_1084 = arith.addf %mul3A_1082, %mul3A_1083 : f32
      %mul3A_1085 = arith.mulf %div3A_1065, %add3A_964 : f32
      %mul3A_1086 = arith.mulf %mul3A_1066, %add3A_1027 : f32
      %sub3A_1087 = arith.subf %mul3A_1085, %mul3A_1086 : f32
      %mul3A_1088 = arith.mulf %mul3A_1066, %add3A_964 : f32
      %mul3A_1089 = arith.mulf %div3A_1065, %add3A_1027 : f32
      %add3A_1090 = arith.addf %mul3A_1088, %mul3A_1089 : f32
      %mul3A_1091 = arith.mulf %div3A_1065, %add3A_970 : f32
      %mul3A_1092 = arith.mulf %mul3A_1066, %add3A_1033 : f32
      %sub3A_1093 = arith.subf %mul3A_1091, %mul3A_1092 : f32
      %mul3A_1094 = arith.mulf %mul3A_1066, %add3A_970 : f32
      %mul3A_1095 = arith.mulf %div3A_1065, %add3A_1033 : f32
      %add3A_1096 = arith.addf %mul3A_1094, %mul3A_1095 : f32
      %abs3A_1097 = math.absf %sub3A_1070 : f32
      %gt3A_1098 = arith.constant 1.000000e-30 : f32
      %gt3A_1099 = arith.cmpf ogt, %abs3A_1097, %gt3A_1098 : f32
      %jit3A_1100 = arith.constant 1.000000e-30 : f32
      %select_n3A_1101 = arith.select %gt3A_1099, %sub3A_1070, %jit3A_1100 : f32
      %sub3A_1102 = arith.subf %sub3A_1076, %sub3A_1013 : f32
      %mul3A_1103 = arith.constant 2.000000e+00 : f32
      %mul3A_1104 = arith.mulf %mul3A_1103, %select_n3A_1101 : f32
      %div3A_1105 = arith.divf %sub3A_1102, %mul3A_1104 : f32
      %sign3A_1106 = arith.bitcast %div3A_1105 : f32 to i32
      %sign3A_1107 = arith.constant -2147483648 : i32
      %sign3A_1108 = arith.andi %sign3A_1106, %sign3A_1107 : i32
      %sign3A_1109 = arith.constant 1065353216 : i32
      %sign3A_1110 = arith.ori %sign3A_1109, %sign3A_1108 : i32
      %sign3A_1111 = arith.bitcast %sign3A_1110 : i32 to f32
      %sign3A_1112 = math.absf %div3A_1105 : f32
      %sign3A_1113 = arith.constant 0.000000e+00 : f32
      %sign3A_1114 = arith.cmpf ogt, %sign3A_1112, %sign3A_1113 : f32
      %sign3A_1115 = arith.select %sign3A_1114, %sign3A_1111, %div3A_1105 : f32
      %abs3A_1116 = math.absf %div3A_1105 : f32
      %mul3A_1117 = arith.mulf %div3A_1105, %div3A_1105 : f32
      %add3A_1118 = arith.constant 1.000000e+00 : f32
      %add3A_1119 = arith.addf %add3A_1118, %mul3A_1117 : f32
      %sqrt3A_1120 = math.sqrt %add3A_1119 : f32
      %add3A_1121 = arith.addf %abs3A_1116, %sqrt3A_1120 : f32
      %div3A_1122 = arith.divf %sign3A_1115, %add3A_1121 : f32
      %mul3A_1123 = arith.mulf %div3A_1122, %div3A_1122 : f32
      %add3A_1124 = arith.constant 1.000000e+00 : f32
      %add3A_1125 = arith.addf %add3A_1124, %mul3A_1123 : f32
      %sqrt3A_1126 = math.sqrt %add3A_1125 : f32
      %div3A_1127 = arith.constant 1.000000e+00 : f32
      %div3A_1128 = arith.divf %div3A_1127, %sqrt3A_1126 : f32
      %mul3A_1129 = arith.mulf %div3A_1122, %div3A_1128 : f32
      %mul3A_1130 = arith.mulf %div3A_1128, %add3A_1074 : f32
      %mul3A_1131 = arith.constant 0.000000e+00 : f32
      %mul3A_1132 = arith.mulf %mul3A_1129, %mul3A_1131 : f32
      %sub3A_1133 = arith.subf %mul3A_1130, %mul3A_1132 : f32
      %mul3A_1134 = arith.mulf %mul3A_1129, %add3A_1074 : f32
      %mul3A_1135 = arith.constant 0.000000e+00 : f32
      %mul3A_1136 = arith.mulf %div3A_1128, %mul3A_1135 : f32
      %add3A_1137 = arith.addf %mul3A_1134, %mul3A_1136 : f32
      %mul3A_1138 = arith.mulf %div3A_1122, %sub3A_1070 : f32
      %sub3A_1139 = arith.subf %sub3A_1013, %mul3A_1138 : f32
      %mul3A_1140 = arith.mulf %div3A_1122, %sub3A_1070 : f32
      %add3A_1141 = arith.addf %sub3A_1076, %mul3A_1140 : f32
      %mul3A_1142 = arith.mulf %div3A_1128, %sub3A_1018 : f32
      %mul3A_1143 = arith.mulf %mul3A_1129, %sub3A_1081 : f32
      %sub3A_1144 = arith.subf %mul3A_1142, %mul3A_1143 : f32
      %mul3A_1145 = arith.mulf %mul3A_1129, %sub3A_1018 : f32
      %mul3A_1146 = arith.mulf %div3A_1128, %sub3A_1081 : f32
      %add3A_1147 = arith.addf %mul3A_1145, %mul3A_1146 : f32
      %mul3A_1148 = arith.mulf %div3A_1128, %sub3A_1024 : f32
      %mul3A_1149 = arith.mulf %mul3A_1129, %sub3A_1087 : f32
      %sub3A_1150 = arith.subf %mul3A_1148, %mul3A_1149 : f32
      %mul3A_1151 = arith.mulf %mul3A_1129, %sub3A_1024 : f32
      %mul3A_1152 = arith.mulf %div3A_1128, %sub3A_1087 : f32
      %add3A_1153 = arith.addf %mul3A_1151, %mul3A_1152 : f32
      %mul3A_1154 = arith.mulf %div3A_1128, %sub3A_1030 : f32
      %mul3A_1155 = arith.mulf %mul3A_1129, %sub3A_1093 : f32
      %sub3A_1156 = arith.subf %mul3A_1154, %mul3A_1155 : f32
      %mul3A_1157 = arith.mulf %mul3A_1129, %sub3A_1030 : f32
      %mul3A_1158 = arith.mulf %div3A_1128, %sub3A_1093 : f32
      %add3A_1159 = arith.addf %mul3A_1157, %mul3A_1158 : f32
      %abs3A_1160 = math.absf %sub3A_1133 : f32
      %gt3A_1161 = arith.constant 1.000000e-30 : f32
      %gt3A_1162 = arith.cmpf ogt, %abs3A_1160, %gt3A_1161 : f32
      %jit3A_1163 = arith.constant 1.000000e-30 : f32
      %select_n3A_1164 = arith.select %gt3A_1162, %sub3A_1133, %jit3A_1163 : f32
      %sub3A_1165 = arith.subf %add3A_1078, %sub3A_1139 : f32
      %mul3A_1166 = arith.constant 2.000000e+00 : f32
      %mul3A_1167 = arith.mulf %mul3A_1166, %select_n3A_1164 : f32
      %div3A_1168 = arith.divf %sub3A_1165, %mul3A_1167 : f32
      %sign3A_1169 = arith.bitcast %div3A_1168 : f32 to i32
      %sign3A_1170 = arith.constant -2147483648 : i32
      %sign3A_1171 = arith.andi %sign3A_1169, %sign3A_1170 : i32
      %sign3A_1172 = arith.constant 1065353216 : i32
      %sign3A_1173 = arith.ori %sign3A_1172, %sign3A_1171 : i32
      %sign3A_1174 = arith.bitcast %sign3A_1173 : i32 to f32
      %sign3A_1175 = math.absf %div3A_1168 : f32
      %sign3A_1176 = arith.constant 0.000000e+00 : f32
      %sign3A_1177 = arith.cmpf ogt, %sign3A_1175, %sign3A_1176 : f32
      %sign3A_1178 = arith.select %sign3A_1177, %sign3A_1174, %div3A_1168 : f32
      %abs3A_1179 = math.absf %div3A_1168 : f32
      %mul3A_1180 = arith.mulf %div3A_1168, %div3A_1168 : f32
      %add3A_1181 = arith.constant 1.000000e+00 : f32
      %add3A_1182 = arith.addf %add3A_1181, %mul3A_1180 : f32
      %sqrt3A_1183 = math.sqrt %add3A_1182 : f32
      %add3A_1184 = arith.addf %abs3A_1179, %sqrt3A_1183 : f32
      %div3A_1185 = arith.divf %sign3A_1178, %add3A_1184 : f32
      %mul3A_1186 = arith.mulf %div3A_1185, %div3A_1185 : f32
      %add3A_1187 = arith.constant 1.000000e+00 : f32
      %add3A_1188 = arith.addf %add3A_1187, %mul3A_1186 : f32
      %sqrt3A_1189 = math.sqrt %add3A_1188 : f32
      %div3A_1190 = arith.constant 1.000000e+00 : f32
      %div3A_1191 = arith.divf %div3A_1190, %sqrt3A_1189 : f32
      %mul3A_1192 = arith.mulf %div3A_1185, %div3A_1191 : f32
      %mul3A_1193 = arith.constant 0.000000e+00 : f32
      %mul3A_1194 = arith.mulf %div3A_1191, %mul3A_1193 : f32
      %mul3A_1195 = arith.mulf %mul3A_1192, %add3A_1137 : f32
      %sub3A_1196 = arith.subf %mul3A_1194, %mul3A_1195 : f32
      %mul3A_1197 = arith.constant 0.000000e+00 : f32
      %mul3A_1198 = arith.mulf %mul3A_1192, %mul3A_1197 : f32
      %mul3A_1199 = arith.mulf %div3A_1191, %add3A_1137 : f32
      %add3A_1200 = arith.addf %mul3A_1198, %mul3A_1199 : f32
      %mul3A_1201 = arith.mulf %div3A_1185, %sub3A_1133 : f32
      %sub3A_1202 = arith.subf %sub3A_1139, %mul3A_1201 : f32
      %mul3A_1203 = arith.mulf %div3A_1185, %sub3A_1133 : f32
      %add3A_1204 = arith.addf %add3A_1078, %mul3A_1203 : f32
      %mul3A_1205 = arith.mulf %div3A_1191, %sub3A_1144 : f32
      %mul3A_1206 = arith.mulf %mul3A_1192, %add3A_1084 : f32
      %sub3A_1207 = arith.subf %mul3A_1205, %mul3A_1206 : f32
      %mul3A_1208 = arith.mulf %mul3A_1192, %sub3A_1144 : f32
      %mul3A_1209 = arith.mulf %div3A_1191, %add3A_1084 : f32
      %add3A_1210 = arith.addf %mul3A_1208, %mul3A_1209 : f32
      %mul3A_1211 = arith.mulf %div3A_1191, %sub3A_1150 : f32
      %mul3A_1212 = arith.mulf %mul3A_1192, %add3A_1090 : f32
      %sub3A_1213 = arith.subf %mul3A_1211, %mul3A_1212 : f32
      %mul3A_1214 = arith.mulf %mul3A_1192, %sub3A_1150 : f32
      %mul3A_1215 = arith.mulf %div3A_1191, %add3A_1090 : f32
      %add3A_1216 = arith.addf %mul3A_1214, %mul3A_1215 : f32
      %mul3A_1217 = arith.mulf %div3A_1191, %sub3A_1156 : f32
      %mul3A_1218 = arith.mulf %mul3A_1192, %add3A_1096 : f32
      %sub3A_1219 = arith.subf %mul3A_1217, %mul3A_1218 : f32
      %mul3A_1220 = arith.mulf %mul3A_1192, %sub3A_1156 : f32
      %mul3A_1221 = arith.mulf %div3A_1191, %add3A_1096 : f32
      %add3A_1222 = arith.addf %mul3A_1220, %mul3A_1221 : f32
      %abs3A_1223 = math.absf %add3A_1200 : f32
      %gt3A_1224 = arith.constant 1.000000e-30 : f32
      %gt3A_1225 = arith.cmpf ogt, %abs3A_1223, %gt3A_1224 : f32
      %jit3A_1226 = arith.constant 1.000000e-30 : f32
      %select_n3A_1227 = arith.select %gt3A_1225, %add3A_1200, %jit3A_1226 : f32
      %sub3A_1228 = arith.subf %add3A_1204, %add3A_1141 : f32
      %mul3A_1229 = arith.constant 2.000000e+00 : f32
      %mul3A_1230 = arith.mulf %mul3A_1229, %select_n3A_1227 : f32
      %div3A_1231 = arith.divf %sub3A_1228, %mul3A_1230 : f32
      %sign3A_1232 = arith.bitcast %div3A_1231 : f32 to i32
      %sign3A_1233 = arith.constant -2147483648 : i32
      %sign3A_1234 = arith.andi %sign3A_1232, %sign3A_1233 : i32
      %sign3A_1235 = arith.constant 1065353216 : i32
      %sign3A_1236 = arith.ori %sign3A_1235, %sign3A_1234 : i32
      %sign3A_1237 = arith.bitcast %sign3A_1236 : i32 to f32
      %sign3A_1238 = math.absf %div3A_1231 : f32
      %sign3A_1239 = arith.constant 0.000000e+00 : f32
      %sign3A_1240 = arith.cmpf ogt, %sign3A_1238, %sign3A_1239 : f32
      %sign3A_1241 = arith.select %sign3A_1240, %sign3A_1237, %div3A_1231 : f32
      %abs3A_1242 = math.absf %div3A_1231 : f32
      %mul3A_1243 = arith.mulf %div3A_1231, %div3A_1231 : f32
      %add3A_1244 = arith.constant 1.000000e+00 : f32
      %add3A_1245 = arith.addf %add3A_1244, %mul3A_1243 : f32
      %sqrt3A_1246 = math.sqrt %add3A_1245 : f32
      %add3A_1247 = arith.addf %abs3A_1242, %sqrt3A_1246 : f32
      %div3A_1248 = arith.divf %sign3A_1241, %add3A_1247 : f32
      %mul3A_1249 = arith.mulf %div3A_1248, %div3A_1248 : f32
      %add3A_1250 = arith.constant 1.000000e+00 : f32
      %add3A_1251 = arith.addf %add3A_1250, %mul3A_1249 : f32
      %sqrt3A_1252 = math.sqrt %add3A_1251 : f32
      %div3A_1253 = arith.constant 1.000000e+00 : f32
      %div3A_1254 = arith.divf %div3A_1253, %sqrt3A_1252 : f32
      %mul3A_1255 = arith.mulf %div3A_1248, %div3A_1254 : f32
      %mul3A_1256 = arith.mulf %div3A_1254, %sub3A_1196 : f32
      %mul3A_1257 = arith.constant 0.000000e+00 : f32
      %mul3A_1258 = arith.mulf %mul3A_1255, %mul3A_1257 : f32
      %sub3A_1259 = arith.subf %mul3A_1256, %mul3A_1258 : f32
      %mul3A_1260 = arith.mulf %mul3A_1255, %sub3A_1196 : f32
      %mul3A_1261 = arith.constant 0.000000e+00 : f32
      %mul3A_1262 = arith.mulf %div3A_1254, %mul3A_1261 : f32
      %add3A_1263 = arith.addf %mul3A_1260, %mul3A_1262 : f32
      %mul3A_1264 = arith.mulf %div3A_1248, %add3A_1200 : f32
      %sub3A_1265 = arith.subf %add3A_1141, %mul3A_1264 : f32
      %mul3A_1266 = arith.mulf %div3A_1248, %add3A_1200 : f32
      %add3A_1267 = arith.addf %add3A_1204, %mul3A_1266 : f32
      %mul3A_1268 = arith.mulf %div3A_1254, %add3A_1147 : f32
      %mul3A_1269 = arith.mulf %mul3A_1255, %add3A_1210 : f32
      %sub3A_1270 = arith.subf %mul3A_1268, %mul3A_1269 : f32
      %mul3A_1271 = arith.mulf %mul3A_1255, %add3A_1147 : f32
      %mul3A_1272 = arith.mulf %div3A_1254, %add3A_1210 : f32
      %add3A_1273 = arith.addf %mul3A_1271, %mul3A_1272 : f32
      %mul3A_1274 = arith.mulf %div3A_1254, %add3A_1153 : f32
      %mul3A_1275 = arith.mulf %mul3A_1255, %add3A_1216 : f32
      %sub3A_1276 = arith.subf %mul3A_1274, %mul3A_1275 : f32
      %mul3A_1277 = arith.mulf %mul3A_1255, %add3A_1153 : f32
      %mul3A_1278 = arith.mulf %div3A_1254, %add3A_1216 : f32
      %add3A_1279 = arith.addf %mul3A_1277, %mul3A_1278 : f32
      %mul3A_1280 = arith.mulf %div3A_1254, %add3A_1159 : f32
      %mul3A_1281 = arith.mulf %mul3A_1255, %add3A_1222 : f32
      %sub3A_1282 = arith.subf %mul3A_1280, %mul3A_1281 : f32
      %mul3A_1283 = arith.mulf %mul3A_1255, %add3A_1159 : f32
      %mul3A_1284 = arith.mulf %div3A_1254, %add3A_1222 : f32
      %add3A_1285 = arith.addf %mul3A_1283, %mul3A_1284 : f32
      %abs3A_1286 = math.absf %sub3A_1259 : f32
      %gt3A_1287 = arith.constant 1.000000e-30 : f32
      %gt3A_1288 = arith.cmpf ogt, %abs3A_1286, %gt3A_1287 : f32
      %jit3A_1289 = arith.constant 1.000000e-30 : f32
      %select_n3A_1290 = arith.select %gt3A_1288, %sub3A_1259, %jit3A_1289 : f32
      %sub3A_1291 = arith.subf %sub3A_1265, %sub3A_1202 : f32
      %mul3A_1292 = arith.constant 2.000000e+00 : f32
      %mul3A_1293 = arith.mulf %mul3A_1292, %select_n3A_1290 : f32
      %div3A_1294 = arith.divf %sub3A_1291, %mul3A_1293 : f32
      %sign3A_1295 = arith.bitcast %div3A_1294 : f32 to i32
      %sign3A_1296 = arith.constant -2147483648 : i32
      %sign3A_1297 = arith.andi %sign3A_1295, %sign3A_1296 : i32
      %sign3A_1298 = arith.constant 1065353216 : i32
      %sign3A_1299 = arith.ori %sign3A_1298, %sign3A_1297 : i32
      %sign3A_1300 = arith.bitcast %sign3A_1299 : i32 to f32
      %sign3A_1301 = math.absf %div3A_1294 : f32
      %sign3A_1302 = arith.constant 0.000000e+00 : f32
      %sign3A_1303 = arith.cmpf ogt, %sign3A_1301, %sign3A_1302 : f32
      %sign3A_1304 = arith.select %sign3A_1303, %sign3A_1300, %div3A_1294 : f32
      %abs3A_1305 = math.absf %div3A_1294 : f32
      %mul3A_1306 = arith.mulf %div3A_1294, %div3A_1294 : f32
      %add3A_1307 = arith.constant 1.000000e+00 : f32
      %add3A_1308 = arith.addf %add3A_1307, %mul3A_1306 : f32
      %sqrt3A_1309 = math.sqrt %add3A_1308 : f32
      %add3A_1310 = arith.addf %abs3A_1305, %sqrt3A_1309 : f32
      %div3A_1311 = arith.divf %sign3A_1304, %add3A_1310 : f32
      %mul3A_1312 = arith.mulf %div3A_1311, %div3A_1311 : f32
      %add3A_1313 = arith.constant 1.000000e+00 : f32
      %add3A_1314 = arith.addf %add3A_1313, %mul3A_1312 : f32
      %sqrt3A_1315 = math.sqrt %add3A_1314 : f32
      %div3A_1316 = arith.constant 1.000000e+00 : f32
      %div3A_1317 = arith.divf %div3A_1316, %sqrt3A_1315 : f32
      %mul3A_1318 = arith.mulf %div3A_1311, %div3A_1317 : f32
      %mul3A_1319 = arith.mulf %div3A_1317, %add3A_1263 : f32
      %mul3A_1320 = arith.constant 0.000000e+00 : f32
      %mul3A_1321 = arith.mulf %mul3A_1318, %mul3A_1320 : f32
      %sub3A_1322 = arith.subf %mul3A_1319, %mul3A_1321 : f32
      %mul3A_1323 = arith.mulf %mul3A_1318, %add3A_1263 : f32
      %mul3A_1324 = arith.constant 0.000000e+00 : f32
      %mul3A_1325 = arith.mulf %div3A_1317, %mul3A_1324 : f32
      %add3A_1326 = arith.addf %mul3A_1323, %mul3A_1325 : f32
      %mul3A_1327 = arith.mulf %div3A_1311, %sub3A_1259 : f32
      %sub3A_1328 = arith.subf %sub3A_1202, %mul3A_1327 : f32
      %mul3A_1329 = arith.mulf %div3A_1311, %sub3A_1259 : f32
      %add3A_1330 = arith.addf %sub3A_1265, %mul3A_1329 : f32
      %mul3A_1331 = arith.mulf %div3A_1317, %sub3A_1207 : f32
      %mul3A_1332 = arith.mulf %mul3A_1318, %sub3A_1270 : f32
      %sub3A_1333 = arith.subf %mul3A_1331, %mul3A_1332 : f32
      %mul3A_1334 = arith.mulf %mul3A_1318, %sub3A_1207 : f32
      %mul3A_1335 = arith.mulf %div3A_1317, %sub3A_1270 : f32
      %add3A_1336 = arith.addf %mul3A_1334, %mul3A_1335 : f32
      %mul3A_1337 = arith.mulf %div3A_1317, %sub3A_1213 : f32
      %mul3A_1338 = arith.mulf %mul3A_1318, %sub3A_1276 : f32
      %sub3A_1339 = arith.subf %mul3A_1337, %mul3A_1338 : f32
      %mul3A_1340 = arith.mulf %mul3A_1318, %sub3A_1213 : f32
      %mul3A_1341 = arith.mulf %div3A_1317, %sub3A_1276 : f32
      %add3A_1342 = arith.addf %mul3A_1340, %mul3A_1341 : f32
      %mul3A_1343 = arith.mulf %div3A_1317, %sub3A_1219 : f32
      %mul3A_1344 = arith.mulf %mul3A_1318, %sub3A_1282 : f32
      %sub3A_1345 = arith.subf %mul3A_1343, %mul3A_1344 : f32
      %mul3A_1346 = arith.mulf %mul3A_1318, %sub3A_1219 : f32
      %mul3A_1347 = arith.mulf %div3A_1317, %sub3A_1282 : f32
      %add3A_1348 = arith.addf %mul3A_1346, %mul3A_1347 : f32
      %abs3A_1349 = math.absf %sub3A_1322 : f32
      %gt3A_1350 = arith.constant 1.000000e-30 : f32
      %gt3A_1351 = arith.cmpf ogt, %abs3A_1349, %gt3A_1350 : f32
      %jit3A_1352 = arith.constant 1.000000e-30 : f32
      %select_n3A_1353 = arith.select %gt3A_1351, %sub3A_1322, %jit3A_1352 : f32
      %sub3A_1354 = arith.subf %add3A_1267, %sub3A_1328 : f32
      %mul3A_1355 = arith.constant 2.000000e+00 : f32
      %mul3A_1356 = arith.mulf %mul3A_1355, %select_n3A_1353 : f32
      %div3A_1357 = arith.divf %sub3A_1354, %mul3A_1356 : f32
      %sign3A_1358 = arith.bitcast %div3A_1357 : f32 to i32
      %sign3A_1359 = arith.constant -2147483648 : i32
      %sign3A_1360 = arith.andi %sign3A_1358, %sign3A_1359 : i32
      %sign3A_1361 = arith.constant 1065353216 : i32
      %sign3A_1362 = arith.ori %sign3A_1361, %sign3A_1360 : i32
      %sign3A_1363 = arith.bitcast %sign3A_1362 : i32 to f32
      %sign3A_1364 = math.absf %div3A_1357 : f32
      %sign3A_1365 = arith.constant 0.000000e+00 : f32
      %sign3A_1366 = arith.cmpf ogt, %sign3A_1364, %sign3A_1365 : f32
      %sign3A_1367 = arith.select %sign3A_1366, %sign3A_1363, %div3A_1357 : f32
      %abs3A_1368 = math.absf %div3A_1357 : f32
      %mul3A_1369 = arith.mulf %div3A_1357, %div3A_1357 : f32
      %add3A_1370 = arith.constant 1.000000e+00 : f32
      %add3A_1371 = arith.addf %add3A_1370, %mul3A_1369 : f32
      %sqrt3A_1372 = math.sqrt %add3A_1371 : f32
      %add3A_1373 = arith.addf %abs3A_1368, %sqrt3A_1372 : f32
      %div3A_1374 = arith.divf %sign3A_1367, %add3A_1373 : f32
      %mul3A_1375 = arith.mulf %div3A_1374, %div3A_1374 : f32
      %add3A_1376 = arith.constant 1.000000e+00 : f32
      %add3A_1377 = arith.addf %add3A_1376, %mul3A_1375 : f32
      %sqrt3A_1378 = math.sqrt %add3A_1377 : f32
      %div3A_1379 = arith.constant 1.000000e+00 : f32
      %div3A_1380 = arith.divf %div3A_1379, %sqrt3A_1378 : f32
      %mul3A_1381 = arith.mulf %div3A_1374, %div3A_1380 : f32
      %mul3A_1382 = arith.constant 0.000000e+00 : f32
      %mul3A_1383 = arith.mulf %div3A_1380, %mul3A_1382 : f32
      %mul3A_1384 = arith.mulf %mul3A_1381, %add3A_1326 : f32
      %sub3A_1385 = arith.subf %mul3A_1383, %mul3A_1384 : f32
      %mul3A_1386 = arith.constant 0.000000e+00 : f32
      %mul3A_1387 = arith.mulf %mul3A_1381, %mul3A_1386 : f32
      %mul3A_1388 = arith.mulf %div3A_1380, %add3A_1326 : f32
      %add3A_1389 = arith.addf %mul3A_1387, %mul3A_1388 : f32
      %mul3A_1390 = arith.mulf %div3A_1374, %sub3A_1322 : f32
      %sub3A_1391 = arith.subf %sub3A_1328, %mul3A_1390 : f32
      %mul3A_1392 = arith.mulf %div3A_1374, %sub3A_1322 : f32
      %add3A_1393 = arith.addf %add3A_1267, %mul3A_1392 : f32
      %mul3A_1394 = arith.mulf %div3A_1380, %sub3A_1333 : f32
      %mul3A_1395 = arith.mulf %mul3A_1381, %add3A_1273 : f32
      %sub3A_1396 = arith.subf %mul3A_1394, %mul3A_1395 : f32
      %mul3A_1397 = arith.mulf %mul3A_1381, %sub3A_1333 : f32
      %mul3A_1398 = arith.mulf %div3A_1380, %add3A_1273 : f32
      %add3A_1399 = arith.addf %mul3A_1397, %mul3A_1398 : f32
      %mul3A_1400 = arith.mulf %div3A_1380, %sub3A_1339 : f32
      %mul3A_1401 = arith.mulf %mul3A_1381, %add3A_1279 : f32
      %sub3A_1402 = arith.subf %mul3A_1400, %mul3A_1401 : f32
      %mul3A_1403 = arith.mulf %mul3A_1381, %sub3A_1339 : f32
      %mul3A_1404 = arith.mulf %div3A_1380, %add3A_1279 : f32
      %add3A_1405 = arith.addf %mul3A_1403, %mul3A_1404 : f32
      %mul3A_1406 = arith.mulf %div3A_1380, %sub3A_1345 : f32
      %mul3A_1407 = arith.mulf %mul3A_1381, %add3A_1285 : f32
      %sub3A_1408 = arith.subf %mul3A_1406, %mul3A_1407 : f32
      %mul3A_1409 = arith.mulf %mul3A_1381, %sub3A_1345 : f32
      %mul3A_1410 = arith.mulf %div3A_1380, %add3A_1285 : f32
      %add3A_1411 = arith.addf %mul3A_1409, %mul3A_1410 : f32
      %abs3A_1412 = math.absf %add3A_1389 : f32
      %gt3A_1413 = arith.constant 1.000000e-30 : f32
      %gt3A_1414 = arith.cmpf ogt, %abs3A_1412, %gt3A_1413 : f32
      %jit3A_1415 = arith.constant 1.000000e-30 : f32
      %select_n3A_1416 = arith.select %gt3A_1414, %add3A_1389, %jit3A_1415 : f32
      %sub3A_1417 = arith.subf %add3A_1393, %add3A_1330 : f32
      %mul3A_1418 = arith.constant 2.000000e+00 : f32
      %mul3A_1419 = arith.mulf %mul3A_1418, %select_n3A_1416 : f32
      %div3A_1420 = arith.divf %sub3A_1417, %mul3A_1419 : f32
      %sign3A_1421 = arith.bitcast %div3A_1420 : f32 to i32
      %sign3A_1422 = arith.constant -2147483648 : i32
      %sign3A_1423 = arith.andi %sign3A_1421, %sign3A_1422 : i32
      %sign3A_1424 = arith.constant 1065353216 : i32
      %sign3A_1425 = arith.ori %sign3A_1424, %sign3A_1423 : i32
      %sign3A_1426 = arith.bitcast %sign3A_1425 : i32 to f32
      %sign3A_1427 = math.absf %div3A_1420 : f32
      %sign3A_1428 = arith.constant 0.000000e+00 : f32
      %sign3A_1429 = arith.cmpf ogt, %sign3A_1427, %sign3A_1428 : f32
      %sign3A_1430 = arith.select %sign3A_1429, %sign3A_1426, %div3A_1420 : f32
      %abs3A_1431 = math.absf %div3A_1420 : f32
      %mul3A_1432 = arith.mulf %div3A_1420, %div3A_1420 : f32
      %add3A_1433 = arith.constant 1.000000e+00 : f32
      %add3A_1434 = arith.addf %add3A_1433, %mul3A_1432 : f32
      %sqrt3A_1435 = math.sqrt %add3A_1434 : f32
      %add3A_1436 = arith.addf %abs3A_1431, %sqrt3A_1435 : f32
      %div3A_1437 = arith.divf %sign3A_1430, %add3A_1436 : f32
      %mul3A_1438 = arith.mulf %div3A_1437, %div3A_1437 : f32
      %add3A_1439 = arith.constant 1.000000e+00 : f32
      %add3A_1440 = arith.addf %add3A_1439, %mul3A_1438 : f32
      %sqrt3A_1441 = math.sqrt %add3A_1440 : f32
      %div3A_1442 = arith.constant 1.000000e+00 : f32
      %div3A_1443 = arith.divf %div3A_1442, %sqrt3A_1441 : f32
      %mul3A_1444 = arith.mulf %div3A_1437, %div3A_1443 : f32
      %mul3A_1445 = arith.mulf %div3A_1443, %sub3A_1385 : f32
      %mul3A_1446 = arith.constant 0.000000e+00 : f32
      %mul3A_1447 = arith.mulf %mul3A_1444, %mul3A_1446 : f32
      %sub3A_1448 = arith.subf %mul3A_1445, %mul3A_1447 : f32
      %mul3A_1449 = arith.mulf %mul3A_1444, %sub3A_1385 : f32
      %mul3A_1450 = arith.constant 0.000000e+00 : f32
      %mul3A_1451 = arith.mulf %div3A_1443, %mul3A_1450 : f32
      %add3A_1452 = arith.addf %mul3A_1449, %mul3A_1451 : f32
      %mul3A_1453 = arith.mulf %div3A_1437, %add3A_1389 : f32
      %sub3A_1454 = arith.subf %add3A_1330, %mul3A_1453 : f32
      %mul3A_1455 = arith.mulf %div3A_1437, %add3A_1389 : f32
      %add3A_1456 = arith.addf %add3A_1393, %mul3A_1455 : f32
      %mul3A_1457 = arith.mulf %div3A_1443, %add3A_1336 : f32
      %mul3A_1458 = arith.mulf %mul3A_1444, %add3A_1399 : f32
      %sub3A_1459 = arith.subf %mul3A_1457, %mul3A_1458 : f32
      %mul3A_1460 = arith.mulf %mul3A_1444, %add3A_1336 : f32
      %mul3A_1461 = arith.mulf %div3A_1443, %add3A_1399 : f32
      %add3A_1462 = arith.addf %mul3A_1460, %mul3A_1461 : f32
      %mul3A_1463 = arith.mulf %div3A_1443, %add3A_1342 : f32
      %mul3A_1464 = arith.mulf %mul3A_1444, %add3A_1405 : f32
      %sub3A_1465 = arith.subf %mul3A_1463, %mul3A_1464 : f32
      %mul3A_1466 = arith.mulf %mul3A_1444, %add3A_1342 : f32
      %mul3A_1467 = arith.mulf %div3A_1443, %add3A_1405 : f32
      %add3A_1468 = arith.addf %mul3A_1466, %mul3A_1467 : f32
      %mul3A_1469 = arith.mulf %div3A_1443, %add3A_1348 : f32
      %mul3A_1470 = arith.mulf %mul3A_1444, %add3A_1411 : f32
      %sub3A_1471 = arith.subf %mul3A_1469, %mul3A_1470 : f32
      %mul3A_1472 = arith.mulf %mul3A_1444, %add3A_1348 : f32
      %mul3A_1473 = arith.mulf %div3A_1443, %add3A_1411 : f32
      %add3A_1474 = arith.addf %mul3A_1472, %mul3A_1473 : f32
      %abs3A_1475 = math.absf %sub3A_1448 : f32
      %gt3A_1476 = arith.constant 1.000000e-30 : f32
      %gt3A_1477 = arith.cmpf ogt, %abs3A_1475, %gt3A_1476 : f32
      %jit3A_1478 = arith.constant 1.000000e-30 : f32
      %select_n3A_1479 = arith.select %gt3A_1477, %sub3A_1448, %jit3A_1478 : f32
      %sub3A_1480 = arith.subf %sub3A_1454, %sub3A_1391 : f32
      %mul3A_1481 = arith.constant 2.000000e+00 : f32
      %mul3A_1482 = arith.mulf %mul3A_1481, %select_n3A_1479 : f32
      %div3A_1483 = arith.divf %sub3A_1480, %mul3A_1482 : f32
      %sign3A_1484 = arith.bitcast %div3A_1483 : f32 to i32
      %sign3A_1485 = arith.constant -2147483648 : i32
      %sign3A_1486 = arith.andi %sign3A_1484, %sign3A_1485 : i32
      %sign3A_1487 = arith.constant 1065353216 : i32
      %sign3A_1488 = arith.ori %sign3A_1487, %sign3A_1486 : i32
      %sign3A_1489 = arith.bitcast %sign3A_1488 : i32 to f32
      %sign3A_1490 = math.absf %div3A_1483 : f32
      %sign3A_1491 = arith.constant 0.000000e+00 : f32
      %sign3A_1492 = arith.cmpf ogt, %sign3A_1490, %sign3A_1491 : f32
      %sign3A_1493 = arith.select %sign3A_1492, %sign3A_1489, %div3A_1483 : f32
      %abs3A_1494 = math.absf %div3A_1483 : f32
      %mul3A_1495 = arith.mulf %div3A_1483, %div3A_1483 : f32
      %add3A_1496 = arith.constant 1.000000e+00 : f32
      %add3A_1497 = arith.addf %add3A_1496, %mul3A_1495 : f32
      %sqrt3A_1498 = math.sqrt %add3A_1497 : f32
      %add3A_1499 = arith.addf %abs3A_1494, %sqrt3A_1498 : f32
      %div3A_1500 = arith.divf %sign3A_1493, %add3A_1499 : f32
      %mul3A_1501 = arith.mulf %div3A_1500, %div3A_1500 : f32
      %add3A_1502 = arith.constant 1.000000e+00 : f32
      %add3A_1503 = arith.addf %add3A_1502, %mul3A_1501 : f32
      %sqrt3A_1504 = math.sqrt %add3A_1503 : f32
      %div3A_1505 = arith.constant 1.000000e+00 : f32
      %div3A_1506 = arith.divf %div3A_1505, %sqrt3A_1504 : f32
      %mul3A_1507 = arith.mulf %div3A_1500, %div3A_1506 : f32
      %mul3A_1508 = arith.mulf %div3A_1506, %add3A_1452 : f32
      %mul3A_1509 = arith.constant 0.000000e+00 : f32
      %mul3A_1510 = arith.mulf %mul3A_1507, %mul3A_1509 : f32
      %sub3A_1511 = arith.subf %mul3A_1508, %mul3A_1510 : f32
      %mul3A_1512 = arith.mulf %mul3A_1507, %add3A_1452 : f32
      %mul3A_1513 = arith.constant 0.000000e+00 : f32
      %mul3A_1514 = arith.mulf %div3A_1506, %mul3A_1513 : f32
      %add3A_1515 = arith.addf %mul3A_1512, %mul3A_1514 : f32
      %mul3A_1516 = arith.mulf %div3A_1500, %sub3A_1448 : f32
      %sub3A_1517 = arith.subf %sub3A_1391, %mul3A_1516 : f32
      %mul3A_1518 = arith.mulf %div3A_1500, %sub3A_1448 : f32
      %add3A_1519 = arith.addf %sub3A_1454, %mul3A_1518 : f32
      %mul3A_1520 = arith.mulf %div3A_1506, %sub3A_1396 : f32
      %mul3A_1521 = arith.mulf %mul3A_1507, %sub3A_1459 : f32
      %sub3A_1522 = arith.subf %mul3A_1520, %mul3A_1521 : f32
      %mul3A_1523 = arith.mulf %mul3A_1507, %sub3A_1396 : f32
      %mul3A_1524 = arith.mulf %div3A_1506, %sub3A_1459 : f32
      %add3A_1525 = arith.addf %mul3A_1523, %mul3A_1524 : f32
      %mul3A_1526 = arith.mulf %div3A_1506, %sub3A_1402 : f32
      %mul3A_1527 = arith.mulf %mul3A_1507, %sub3A_1465 : f32
      %sub3A_1528 = arith.subf %mul3A_1526, %mul3A_1527 : f32
      %mul3A_1529 = arith.mulf %mul3A_1507, %sub3A_1402 : f32
      %mul3A_1530 = arith.mulf %div3A_1506, %sub3A_1465 : f32
      %add3A_1531 = arith.addf %mul3A_1529, %mul3A_1530 : f32
      %mul3A_1532 = arith.mulf %div3A_1506, %sub3A_1408 : f32
      %mul3A_1533 = arith.mulf %mul3A_1507, %sub3A_1471 : f32
      %sub3A_1534 = arith.subf %mul3A_1532, %mul3A_1533 : f32
      %mul3A_1535 = arith.mulf %mul3A_1507, %sub3A_1408 : f32
      %mul3A_1536 = arith.mulf %div3A_1506, %sub3A_1471 : f32
      %add3A_1537 = arith.addf %mul3A_1535, %mul3A_1536 : f32
      %abs3A_1538 = math.absf %sub3A_1511 : f32
      %gt3A_1539 = arith.constant 1.000000e-30 : f32
      %gt3A_1540 = arith.cmpf ogt, %abs3A_1538, %gt3A_1539 : f32
      %jit3A_1541 = arith.constant 1.000000e-30 : f32
      %select_n3A_1542 = arith.select %gt3A_1540, %sub3A_1511, %jit3A_1541 : f32
      %sub3A_1543 = arith.subf %add3A_1456, %sub3A_1517 : f32
      %mul3A_1544 = arith.constant 2.000000e+00 : f32
      %mul3A_1545 = arith.mulf %mul3A_1544, %select_n3A_1542 : f32
      %div3A_1546 = arith.divf %sub3A_1543, %mul3A_1545 : f32
      %sign3A_1547 = arith.bitcast %div3A_1546 : f32 to i32
      %sign3A_1548 = arith.constant -2147483648 : i32
      %sign3A_1549 = arith.andi %sign3A_1547, %sign3A_1548 : i32
      %sign3A_1550 = arith.constant 1065353216 : i32
      %sign3A_1551 = arith.ori %sign3A_1550, %sign3A_1549 : i32
      %sign3A_1552 = arith.bitcast %sign3A_1551 : i32 to f32
      %sign3A_1553 = math.absf %div3A_1546 : f32
      %sign3A_1554 = arith.constant 0.000000e+00 : f32
      %sign3A_1555 = arith.cmpf ogt, %sign3A_1553, %sign3A_1554 : f32
      %sign3A_1556 = arith.select %sign3A_1555, %sign3A_1552, %div3A_1546 : f32
      %abs3A_1557 = math.absf %div3A_1546 : f32
      %mul3A_1558 = arith.mulf %div3A_1546, %div3A_1546 : f32
      %add3A_1559 = arith.constant 1.000000e+00 : f32
      %add3A_1560 = arith.addf %add3A_1559, %mul3A_1558 : f32
      %sqrt3A_1561 = math.sqrt %add3A_1560 : f32
      %add3A_1562 = arith.addf %abs3A_1557, %sqrt3A_1561 : f32
      %div3A_1563 = arith.divf %sign3A_1556, %add3A_1562 : f32
      %mul3A_1564 = arith.mulf %div3A_1563, %div3A_1563 : f32
      %add3A_1565 = arith.constant 1.000000e+00 : f32
      %add3A_1566 = arith.addf %add3A_1565, %mul3A_1564 : f32
      %sqrt3A_1567 = math.sqrt %add3A_1566 : f32
      %div3A_1568 = arith.constant 1.000000e+00 : f32
      %div3A_1569 = arith.divf %div3A_1568, %sqrt3A_1567 : f32
      %mul3A_1570 = arith.mulf %div3A_1563, %div3A_1569 : f32
      %mul3A_1571 = arith.constant 0.000000e+00 : f32
      %mul3A_1572 = arith.mulf %mul3A_1570, %mul3A_1571 : f32
      %mul3A_1573 = arith.mulf %div3A_1569, %add3A_1515 : f32
      %add3A_1574 = arith.addf %mul3A_1572, %mul3A_1573 : f32
      %mul3A_1575 = arith.mulf %div3A_1563, %sub3A_1511 : f32
      %sub3A_1576 = arith.subf %sub3A_1517, %mul3A_1575 : f32
      %mul3A_1577 = arith.mulf %div3A_1563, %sub3A_1511 : f32
      %add3A_1578 = arith.addf %add3A_1456, %mul3A_1577 : f32
      %mul3A_1579 = arith.mulf %div3A_1569, %sub3A_1522 : f32
      %mul3A_1580 = arith.mulf %mul3A_1570, %add3A_1462 : f32
      %sub3A_1581 = arith.subf %mul3A_1579, %mul3A_1580 : f32
      %mul3A_1582 = arith.mulf %mul3A_1570, %sub3A_1522 : f32
      %mul3A_1583 = arith.mulf %div3A_1569, %add3A_1462 : f32
      %add3A_1584 = arith.addf %mul3A_1582, %mul3A_1583 : f32
      %mul3A_1585 = arith.mulf %div3A_1569, %sub3A_1528 : f32
      %mul3A_1586 = arith.mulf %mul3A_1570, %add3A_1468 : f32
      %sub3A_1587 = arith.subf %mul3A_1585, %mul3A_1586 : f32
      %mul3A_1588 = arith.mulf %mul3A_1570, %sub3A_1528 : f32
      %mul3A_1589 = arith.mulf %div3A_1569, %add3A_1468 : f32
      %add3A_1590 = arith.addf %mul3A_1588, %mul3A_1589 : f32
      %mul3A_1591 = arith.mulf %div3A_1569, %sub3A_1534 : f32
      %mul3A_1592 = arith.mulf %mul3A_1570, %add3A_1474 : f32
      %sub3A_1593 = arith.subf %mul3A_1591, %mul3A_1592 : f32
      %mul3A_1594 = arith.mulf %mul3A_1570, %sub3A_1534 : f32
      %mul3A_1595 = arith.mulf %div3A_1569, %add3A_1474 : f32
      %add3A_1596 = arith.addf %mul3A_1594, %mul3A_1595 : f32
      %abs3A_1597 = math.absf %add3A_1574 : f32
      %gt3A_1598 = arith.constant 1.000000e-30 : f32
      %gt3A_1599 = arith.cmpf ogt, %abs3A_1597, %gt3A_1598 : f32
      %jit3A_1600 = arith.constant 1.000000e-30 : f32
      %select_n3A_1601 = arith.select %gt3A_1599, %add3A_1574, %jit3A_1600 : f32
      %sub3A_1602 = arith.subf %add3A_1578, %add3A_1519 : f32
      %mul3A_1603 = arith.constant 2.000000e+00 : f32
      %mul3A_1604 = arith.mulf %mul3A_1603, %select_n3A_1601 : f32
      %div3A_1605 = arith.divf %sub3A_1602, %mul3A_1604 : f32
      %sign3A_1606 = arith.bitcast %div3A_1605 : f32 to i32
      %sign3A_1607 = arith.constant -2147483648 : i32
      %sign3A_1608 = arith.andi %sign3A_1606, %sign3A_1607 : i32
      %sign3A_1609 = arith.constant 1065353216 : i32
      %sign3A_1610 = arith.ori %sign3A_1609, %sign3A_1608 : i32
      %sign3A_1611 = arith.bitcast %sign3A_1610 : i32 to f32
      %sign3A_1612 = math.absf %div3A_1605 : f32
      %sign3A_1613 = arith.constant 0.000000e+00 : f32
      %sign3A_1614 = arith.cmpf ogt, %sign3A_1612, %sign3A_1613 : f32
      %sign3A_1615 = arith.select %sign3A_1614, %sign3A_1611, %div3A_1605 : f32
      %abs3A_1616 = math.absf %div3A_1605 : f32
      %mul3A_1617 = arith.mulf %div3A_1605, %div3A_1605 : f32
      %add3A_1618 = arith.constant 1.000000e+00 : f32
      %add3A_1619 = arith.addf %add3A_1618, %mul3A_1617 : f32
      %sqrt3A_1620 = math.sqrt %add3A_1619 : f32
      %add3A_1621 = arith.addf %abs3A_1616, %sqrt3A_1620 : f32
      %div3A_1622 = arith.divf %sign3A_1615, %add3A_1621 : f32
      %mul3A_1623 = arith.mulf %div3A_1622, %div3A_1622 : f32
      %add3A_1624 = arith.constant 1.000000e+00 : f32
      %add3A_1625 = arith.addf %add3A_1624, %mul3A_1623 : f32
      %sqrt3A_1626 = math.sqrt %add3A_1625 : f32
      %div3A_1627 = arith.constant 1.000000e+00 : f32
      %div3A_1628 = arith.divf %div3A_1627, %sqrt3A_1626 : f32
      %mul3A_1629 = arith.mulf %div3A_1622, %div3A_1628 : f32
      %mul3A_1630 = arith.mulf %div3A_1622, %add3A_1574 : f32
      %sub3A_1631 = arith.subf %add3A_1519, %mul3A_1630 : f32
      %mul3A_1632 = arith.mulf %div3A_1622, %add3A_1574 : f32
      %add3A_1633 = arith.addf %add3A_1578, %mul3A_1632 : f32
      %mul3A_1634 = arith.mulf %div3A_1628, %add3A_1525 : f32
      %mul3A_1635 = arith.mulf %mul3A_1629, %add3A_1584 : f32
      %sub3A_1636 = arith.subf %mul3A_1634, %mul3A_1635 : f32
      %mul3A_1637 = arith.mulf %mul3A_1629, %add3A_1525 : f32
      %mul3A_1638 = arith.mulf %div3A_1628, %add3A_1584 : f32
      %add3A_1639 = arith.addf %mul3A_1637, %mul3A_1638 : f32
      %mul3A_1640 = arith.mulf %div3A_1628, %add3A_1531 : f32
      %mul3A_1641 = arith.mulf %mul3A_1629, %add3A_1590 : f32
      %sub3A_1642 = arith.subf %mul3A_1640, %mul3A_1641 : f32
      %mul3A_1643 = arith.mulf %mul3A_1629, %add3A_1531 : f32
      %mul3A_1644 = arith.mulf %div3A_1628, %add3A_1590 : f32
      %add3A_1645 = arith.addf %mul3A_1643, %mul3A_1644 : f32
      %mul3A_1646 = arith.mulf %div3A_1628, %add3A_1537 : f32
      %mul3A_1647 = arith.mulf %mul3A_1629, %add3A_1596 : f32
      %sub3A_1648 = arith.subf %mul3A_1646, %mul3A_1647 : f32
      %mul3A_1649 = arith.mulf %mul3A_1629, %add3A_1537 : f32
      %mul3A_1650 = arith.mulf %div3A_1628, %add3A_1596 : f32
      %add3A_1651 = arith.addf %mul3A_1649, %mul3A_1650 : f32
      %max3A = arith.constant 0.000000e+00 : f32
      %max3A_1652 = arith.maximumf %sub3A_1576, %max3A : f32
      %max3A_1653 = arith.constant 0.000000e+00 : f32
      %max3A_1654 = arith.maximumf %sub3A_1631, %max3A_1653 : f32
      %max3A_1655 = arith.constant 0.000000e+00 : f32
      %max3A_1656 = arith.maximumf %add3A_1633, %max3A_1655 : f32
      %sqrt3A_1657 = math.sqrt %max3A_1652 : f32
      %add3A_1658 = arith.constant 1.000000e-30 : f32
      %add3A_1659 = arith.addf %max3A_1652, %add3A_1658 : f32
      %div3A_1660 = arith.divf %sqrt3A_1657, %add3A_1659 : f32
      %sqrt3A_1661 = math.sqrt %max3A_1654 : f32
      %add3A_1662 = arith.constant 1.000000e-30 : f32
      %add3A_1663 = arith.addf %max3A_1654, %add3A_1662 : f32
      %div3A_1664 = arith.divf %sqrt3A_1661, %add3A_1663 : f32
      %sqrt3A_1665 = math.sqrt %max3A_1656 : f32
      %add3A_1666 = arith.constant 1.000000e-30 : f32
      %add3A_1667 = arith.addf %max3A_1656, %add3A_1666 : f32
      %div3A_1668 = arith.divf %sqrt3A_1665, %add3A_1667 : f32
      %mul3A_1669 = arith.mulf %reduce_sum3A_418, %sub3A_1581 : f32
      %mul3A_1670 = arith.mulf %reduce_sum3A_424, %sub3A_1587 : f32
      %add3A_1671 = arith.addf %mul3A_1669, %mul3A_1670 : f32
      %mul3A_1672 = arith.mulf %reduce_sum3A_430, %sub3A_1593 : f32
      %add3A_1673 = arith.addf %add3A_1671, %mul3A_1672 : f32
      %mul3A_1674 = arith.mulf %add3A_1673, %div3A_1660 : f32
      %mul3A_1675 = arith.mulf %reduce_sum3A_418, %sub3A_1636 : f32
      %mul3A_1676 = arith.mulf %reduce_sum3A_424, %sub3A_1642 : f32
      %add3A_1677 = arith.addf %mul3A_1675, %mul3A_1676 : f32
      %mul3A_1678 = arith.mulf %reduce_sum3A_430, %sub3A_1648 : f32
      %add3A_1679 = arith.addf %add3A_1677, %mul3A_1678 : f32
      %mul3A_1680 = arith.mulf %add3A_1679, %div3A_1664 : f32
      %mul3A_1681 = arith.mulf %reduce_sum3A_418, %add3A_1639 : f32
      %mul3A_1682 = arith.mulf %reduce_sum3A_424, %add3A_1645 : f32
      %add3A_1683 = arith.addf %mul3A_1681, %mul3A_1682 : f32
      %mul3A_1684 = arith.mulf %reduce_sum3A_430, %add3A_1651 : f32
      %add3A_1685 = arith.addf %add3A_1683, %mul3A_1684 : f32
      %mul3A_1686 = arith.mulf %add3A_1685, %div3A_1668 : f32
      %mul3A_1687 = arith.mulf %reduce_sum3A_436, %sub3A_1581 : f32
      %mul3A_1688 = arith.mulf %reduce_sum3A_442, %sub3A_1587 : f32
      %add3A_1689 = arith.addf %mul3A_1687, %mul3A_1688 : f32
      %mul3A_1690 = arith.mulf %reduce_sum3A_448, %sub3A_1593 : f32
      %add3A_1691 = arith.addf %add3A_1689, %mul3A_1690 : f32
      %mul3A_1692 = arith.mulf %add3A_1691, %div3A_1660 : f32
      %mul3A_1693 = arith.mulf %reduce_sum3A_436, %sub3A_1636 : f32
      %mul3A_1694 = arith.mulf %reduce_sum3A_442, %sub3A_1642 : f32
      %add3A_1695 = arith.addf %mul3A_1693, %mul3A_1694 : f32
      %mul3A_1696 = arith.mulf %reduce_sum3A_448, %sub3A_1648 : f32
      %add3A_1697 = arith.addf %add3A_1695, %mul3A_1696 : f32
      %mul3A_1698 = arith.mulf %add3A_1697, %div3A_1664 : f32
      %mul3A_1699 = arith.mulf %reduce_sum3A_436, %add3A_1639 : f32
      %mul3A_1700 = arith.mulf %reduce_sum3A_442, %add3A_1645 : f32
      %add3A_1701 = arith.addf %mul3A_1699, %mul3A_1700 : f32
      %mul3A_1702 = arith.mulf %reduce_sum3A_448, %add3A_1651 : f32
      %add3A_1703 = arith.addf %add3A_1701, %mul3A_1702 : f32
      %mul3A_1704 = arith.mulf %add3A_1703, %div3A_1668 : f32
      %mul3A_1705 = arith.mulf %reduce_sum3A_454, %sub3A_1581 : f32
      %mul3A_1706 = arith.mulf %reduce_sum3A_460, %sub3A_1587 : f32
      %add3A_1707 = arith.addf %mul3A_1705, %mul3A_1706 : f32
      %mul3A_1708 = arith.mulf %reduce_sum3A_466, %sub3A_1593 : f32
      %add3A_1709 = arith.addf %add3A_1707, %mul3A_1708 : f32
      %mul3A_1710 = arith.mulf %add3A_1709, %div3A_1660 : f32
      %mul3A_1711 = arith.mulf %reduce_sum3A_454, %sub3A_1636 : f32
      %mul3A_1712 = arith.mulf %reduce_sum3A_460, %sub3A_1642 : f32
      %add3A_1713 = arith.addf %mul3A_1711, %mul3A_1712 : f32
      %mul3A_1714 = arith.mulf %reduce_sum3A_466, %sub3A_1648 : f32
      %add3A_1715 = arith.addf %add3A_1713, %mul3A_1714 : f32
      %mul3A_1716 = arith.mulf %add3A_1715, %div3A_1664 : f32
      %mul3A_1717 = arith.mulf %reduce_sum3A_454, %add3A_1639 : f32
      %mul3A_1718 = arith.mulf %reduce_sum3A_460, %add3A_1645 : f32
      %add3A_1719 = arith.addf %mul3A_1717, %mul3A_1718 : f32
      %mul3A_1720 = arith.mulf %reduce_sum3A_466, %add3A_1651 : f32
      %add3A_1721 = arith.addf %add3A_1719, %mul3A_1720 : f32
      %mul3A_1722 = arith.mulf %add3A_1721, %div3A_1668 : f32
      %le3A = arith.cmpf ole, %max3A_1652, %max3A_1654 : f32
      %le3A_1723 = arith.cmpf ole, %max3A_1652, %max3A_1656 : f32
      %select_n3A_1724 = arith.select %le3A_1723, %sub3A_1581, %add3A_1639 : f32
      %le3A_1725 = arith.cmpf ole, %max3A_1654, %max3A_1656 : f32
      %select_n3A_1726 = arith.select %le3A_1725, %sub3A_1636, %add3A_1639 : f32
      %select_n3A_1727 = arith.select %le3A, %select_n3A_1724, %select_n3A_1726 : f32
      %le3A_1728 = arith.cmpf ole, %max3A_1652, %max3A_1654 : f32
      %le3A_1729 = arith.cmpf ole, %max3A_1652, %max3A_1656 : f32
      %select_n3A_1730 = arith.select %le3A_1729, %sub3A_1587, %add3A_1645 : f32
      %le3A_1731 = arith.cmpf ole, %max3A_1654, %max3A_1656 : f32
      %select_n3A_1732 = arith.select %le3A_1731, %sub3A_1642, %add3A_1645 : f32
      %select_n3A_1733 = arith.select %le3A_1728, %select_n3A_1730, %select_n3A_1732 : f32
      %le3A_1734 = arith.cmpf ole, %max3A_1652, %max3A_1654 : f32
      %le3A_1735 = arith.cmpf ole, %max3A_1652, %max3A_1656 : f32
      %select_n3A_1736 = arith.select %le3A_1735, %sub3A_1593, %add3A_1651 : f32
      %le3A_1737 = arith.cmpf ole, %max3A_1654, %max3A_1656 : f32
      %select_n3A_1738 = arith.select %le3A_1737, %sub3A_1648, %add3A_1651 : f32
      %select_n3A_1739 = arith.select %le3A_1734, %select_n3A_1736, %select_n3A_1738 : f32
      %le3A_1740 = arith.cmpf ole, %max3A_1652, %max3A_1654 : f32
      %le3A_1741 = arith.cmpf ole, %max3A_1652, %max3A_1656 : f32
      %select_n3A_1742 = arith.select %le3A_1741, %mul3A_1674, %mul3A_1686 : f32
      %le3A_1743 = arith.cmpf ole, %max3A_1654, %max3A_1656 : f32
      %select_n3A_1744 = arith.select %le3A_1743, %mul3A_1680, %mul3A_1686 : f32
      %select_n3A_1745 = arith.select %le3A_1740, %select_n3A_1742, %select_n3A_1744 : f32
      %le3A_1746 = arith.cmpf ole, %max3A_1652, %max3A_1654 : f32
      %le3A_1747 = arith.cmpf ole, %max3A_1652, %max3A_1656 : f32
      %select_n3A_1748 = arith.select %le3A_1747, %mul3A_1692, %mul3A_1704 : f32
      %le3A_1749 = arith.cmpf ole, %max3A_1654, %max3A_1656 : f32
      %select_n3A_1750 = arith.select %le3A_1749, %mul3A_1698, %mul3A_1704 : f32
      %select_n3A_1751 = arith.select %le3A_1746, %select_n3A_1748, %select_n3A_1750 : f32
      %le3A_1752 = arith.cmpf ole, %max3A_1652, %max3A_1654 : f32
      %le3A_1753 = arith.cmpf ole, %max3A_1652, %max3A_1656 : f32
      %select_n3A_1754 = arith.select %le3A_1753, %mul3A_1710, %mul3A_1722 : f32
      %le3A_1755 = arith.cmpf ole, %max3A_1654, %max3A_1656 : f32
      %select_n3A_1756 = arith.select %le3A_1755, %mul3A_1716, %mul3A_1722 : f32
      %select_n3A_1757 = arith.select %le3A_1752, %select_n3A_1754, %select_n3A_1756 : f32
      %mul3A_1758 = arith.mulf %sub3A_1581, %mul3A_1674 : f32
      %mul3A_1759 = arith.mulf %sub3A_1636, %mul3A_1680 : f32
      %add3A_1760 = arith.addf %mul3A_1758, %mul3A_1759 : f32
      %mul3A_1761 = arith.mulf %add3A_1639, %mul3A_1686 : f32
      %add3A_1762 = arith.addf %add3A_1760, %mul3A_1761 : f32
      %sub3A_1763 = arith.constant 1.000000e+00 : f32
      %sub3A_1764 = arith.subf %sub3A_1763, %select_n3A_485 : f32
      %mul3A_1765 = arith.mulf %sub3A_1764, %select_n3A_1727 : f32
      %mul3A_1766 = arith.mulf %mul3A_1765, %select_n3A_1745 : f32
      %sub3A_1767 = arith.subf %add3A_1762, %mul3A_1766 : f32
      %mul3A_1768 = arith.mulf %sub3A_1581, %mul3A_1692 : f32
      %mul3A_1769 = arith.mulf %sub3A_1636, %mul3A_1698 : f32
      %add3A_1770 = arith.addf %mul3A_1768, %mul3A_1769 : f32
      %mul3A_1771 = arith.mulf %add3A_1639, %mul3A_1704 : f32
      %add3A_1772 = arith.addf %add3A_1770, %mul3A_1771 : f32
      %sub3A_1773 = arith.constant 1.000000e+00 : f32
      %sub3A_1774 = arith.subf %sub3A_1773, %select_n3A_485 : f32
      %mul3A_1775 = arith.mulf %sub3A_1774, %select_n3A_1727 : f32
      %mul3A_1776 = arith.mulf %mul3A_1775, %select_n3A_1751 : f32
      %sub3A_1777 = arith.subf %add3A_1772, %mul3A_1776 : f32
      %mul3A_1778 = arith.mulf %sub3A_1581, %mul3A_1710 : f32
      %mul3A_1779 = arith.mulf %sub3A_1636, %mul3A_1716 : f32
      %add3A_1780 = arith.addf %mul3A_1778, %mul3A_1779 : f32
      %mul3A_1781 = arith.mulf %add3A_1639, %mul3A_1722 : f32
      %add3A_1782 = arith.addf %add3A_1780, %mul3A_1781 : f32
      %sub3A_1783 = arith.constant 1.000000e+00 : f32
      %sub3A_1784 = arith.subf %sub3A_1783, %select_n3A_485 : f32
      %mul3A_1785 = arith.mulf %sub3A_1784, %select_n3A_1727 : f32
      %mul3A_1786 = arith.mulf %mul3A_1785, %select_n3A_1757 : f32
      %sub3A_1787 = arith.subf %add3A_1782, %mul3A_1786 : f32
      %mul3A_1788 = arith.mulf %sub3A_1587, %mul3A_1674 : f32
      %mul3A_1789 = arith.mulf %sub3A_1642, %mul3A_1680 : f32
      %add3A_1790 = arith.addf %mul3A_1788, %mul3A_1789 : f32
      %mul3A_1791 = arith.mulf %add3A_1645, %mul3A_1686 : f32
      %add3A_1792 = arith.addf %add3A_1790, %mul3A_1791 : f32
      %sub3A_1793 = arith.constant 1.000000e+00 : f32
      %sub3A_1794 = arith.subf %sub3A_1793, %select_n3A_485 : f32
      %mul3A_1795 = arith.mulf %sub3A_1794, %select_n3A_1733 : f32
      %mul3A_1796 = arith.mulf %mul3A_1795, %select_n3A_1745 : f32
      %sub3A_1797 = arith.subf %add3A_1792, %mul3A_1796 : f32
      %mul3A_1798 = arith.mulf %sub3A_1587, %mul3A_1692 : f32
      %mul3A_1799 = arith.mulf %sub3A_1642, %mul3A_1698 : f32
      %add3A_1800 = arith.addf %mul3A_1798, %mul3A_1799 : f32
      %mul3A_1801 = arith.mulf %add3A_1645, %mul3A_1704 : f32
      %add3A_1802 = arith.addf %add3A_1800, %mul3A_1801 : f32
      %sub3A_1803 = arith.constant 1.000000e+00 : f32
      %sub3A_1804 = arith.subf %sub3A_1803, %select_n3A_485 : f32
      %mul3A_1805 = arith.mulf %sub3A_1804, %select_n3A_1733 : f32
      %mul3A_1806 = arith.mulf %mul3A_1805, %select_n3A_1751 : f32
      %sub3A_1807 = arith.subf %add3A_1802, %mul3A_1806 : f32
      %mul3A_1808 = arith.mulf %sub3A_1587, %mul3A_1710 : f32
      %mul3A_1809 = arith.mulf %sub3A_1642, %mul3A_1716 : f32
      %add3A_1810 = arith.addf %mul3A_1808, %mul3A_1809 : f32
      %mul3A_1811 = arith.mulf %add3A_1645, %mul3A_1722 : f32
      %add3A_1812 = arith.addf %add3A_1810, %mul3A_1811 : f32
      %sub3A_1813 = arith.constant 1.000000e+00 : f32
      %sub3A_1814 = arith.subf %sub3A_1813, %select_n3A_485 : f32
      %mul3A_1815 = arith.mulf %sub3A_1814, %select_n3A_1733 : f32
      %mul3A_1816 = arith.mulf %mul3A_1815, %select_n3A_1757 : f32
      %sub3A_1817 = arith.subf %add3A_1812, %mul3A_1816 : f32
      %mul3A_1818 = arith.mulf %sub3A_1593, %mul3A_1674 : f32
      %mul3A_1819 = arith.mulf %sub3A_1648, %mul3A_1680 : f32
      %add3A_1820 = arith.addf %mul3A_1818, %mul3A_1819 : f32
      %mul3A_1821 = arith.mulf %add3A_1651, %mul3A_1686 : f32
      %add3A_1822 = arith.addf %add3A_1820, %mul3A_1821 : f32
      %sub3A_1823 = arith.constant 1.000000e+00 : f32
      %sub3A_1824 = arith.subf %sub3A_1823, %select_n3A_485 : f32
      %mul3A_1825 = arith.mulf %sub3A_1824, %select_n3A_1739 : f32
      %mul3A_1826 = arith.mulf %mul3A_1825, %select_n3A_1745 : f32
      %sub3A_1827 = arith.subf %add3A_1822, %mul3A_1826 : f32
      %mul3A_1828 = arith.mulf %sub3A_1593, %mul3A_1692 : f32
      %mul3A_1829 = arith.mulf %sub3A_1648, %mul3A_1698 : f32
      %add3A_1830 = arith.addf %mul3A_1828, %mul3A_1829 : f32
      %mul3A_1831 = arith.mulf %add3A_1651, %mul3A_1704 : f32
      %add3A_1832 = arith.addf %add3A_1830, %mul3A_1831 : f32
      %sub3A_1833 = arith.constant 1.000000e+00 : f32
      %sub3A_1834 = arith.subf %sub3A_1833, %select_n3A_485 : f32
      %mul3A_1835 = arith.mulf %sub3A_1834, %select_n3A_1739 : f32
      %mul3A_1836 = arith.mulf %mul3A_1835, %select_n3A_1751 : f32
      %sub3A_1837 = arith.subf %add3A_1832, %mul3A_1836 : f32
      %mul3A_1838 = arith.mulf %sub3A_1593, %mul3A_1710 : f32
      %mul3A_1839 = arith.mulf %sub3A_1648, %mul3A_1716 : f32
      %add3A_1840 = arith.addf %mul3A_1838, %mul3A_1839 : f32
      %mul3A_1841 = arith.mulf %add3A_1651, %mul3A_1722 : f32
      %add3A_1842 = arith.addf %add3A_1840, %mul3A_1841 : f32
      %sub3A_1843 = arith.constant 1.000000e+00 : f32
      %sub3A_1844 = arith.subf %sub3A_1843, %select_n3A_485 : f32
      %mul3A_1845 = arith.mulf %sub3A_1844, %select_n3A_1739 : f32
      %mul3A_1846 = arith.mulf %mul3A_1845, %select_n3A_1757 : f32
      %sub3A_1847 = arith.subf %add3A_1842, %mul3A_1846 : f32
      %mul3A_1848 = arith.mulf %sub3A_1767, %div3A : f32
      %mul3A_1849 = arith.mulf %sub3A_1777, %div3A_362 : f32
      %add3A_1850 = arith.addf %mul3A_1848, %mul3A_1849 : f32
      %mul3A_1851 = arith.mulf %sub3A_1787, %div3A_366 : f32
      %add3A_1852 = arith.addf %add3A_1850, %mul3A_1851 : f32
      %sub3A_1853 = arith.subf %div3A_370, %add3A_1852 : f32
      %sub3A_1854 = arith.constant 1.000000e+00 : f32
      %sub3A_1855 = arith.subf %sub3A_1767, %sub3A_1854 : f32
      %mul3A_1856 = arith.mulf %sub3A_1855, %select_n3A : f32
      %swap3A_1857 = arith.constant 0 : index
      %swap3A_1858 = arith.constant 0 : index
      %swap3A_1859 = memref.load %arg8[%swap3A_1857, %swap3A_1858] : memref<3x16xf32, #tpu.memory_space<smem>>
      memref.store %mul3A_1856, %arg8[%swap3A_1857, %swap3A_1858] : memref<3x16xf32, #tpu.memory_space<smem>>
      %sub3A_1860 = arith.constant 0.000000e+00 : f32
      %sub3A_1861 = arith.subf %sub3A_1777, %sub3A_1860 : f32
      %mul3A_1862 = arith.mulf %sub3A_1861, %select_n3A : f32
      %swap3A_1863 = arith.constant 0 : index
      %swap3A_1864 = arith.constant 1 : index
      %swap3A_1865 = memref.load %arg8[%swap3A_1863, %swap3A_1864] : memref<3x16xf32, #tpu.memory_space<smem>>
      memref.store %mul3A_1862, %arg8[%swap3A_1863, %swap3A_1864] : memref<3x16xf32, #tpu.memory_space<smem>>
      %sub3A_1866 = arith.constant 0.000000e+00 : f32
      %sub3A_1867 = arith.subf %sub3A_1787, %sub3A_1866 : f32
      %mul3A_1868 = arith.mulf %sub3A_1867, %select_n3A : f32
      %swap3A_1869 = arith.constant 0 : index
      %swap3A_1870 = arith.constant 2 : index
      %swap3A_1871 = memref.load %arg8[%swap3A_1869, %swap3A_1870] : memref<3x16xf32, #tpu.memory_space<smem>>
      memref.store %mul3A_1868, %arg8[%swap3A_1869, %swap3A_1870] : memref<3x16xf32, #tpu.memory_space<smem>>
      %mul3A_1872 = arith.mulf %sub3A_1853, %select_n3A : f32
      %swap3A_1873 = arith.constant 0 : index
      %swap3A_1874 = arith.constant 3 : index
      %swap3A_1875 = memref.load %arg8[%swap3A_1873, %swap3A_1874] : memref<3x16xf32, #tpu.memory_space<smem>>
      memref.store %mul3A_1872, %arg8[%swap3A_1873, %swap3A_1874] : memref<3x16xf32, #tpu.memory_space<smem>>
      %mul3A_1876 = arith.mulf %sub3A_1797, %div3A : f32
      %mul3A_1877 = arith.mulf %sub3A_1807, %div3A_362 : f32
      %add3A_1878 = arith.addf %mul3A_1876, %mul3A_1877 : f32
      %mul3A_1879 = arith.mulf %sub3A_1817, %div3A_366 : f32
      %add3A_1880 = arith.addf %add3A_1878, %mul3A_1879 : f32
      %sub3A_1881 = arith.subf %div3A_374, %add3A_1880 : f32
      %sub3A_1882 = arith.constant 0.000000e+00 : f32
      %sub3A_1883 = arith.subf %sub3A_1797, %sub3A_1882 : f32
      %mul3A_1884 = arith.mulf %sub3A_1883, %select_n3A : f32
      %swap3A_1885 = arith.constant 0 : index
      %swap3A_1886 = arith.constant 4 : index
      %swap3A_1887 = memref.load %arg8[%swap3A_1885, %swap3A_1886] : memref<3x16xf32, #tpu.memory_space<smem>>
      memref.store %mul3A_1884, %arg8[%swap3A_1885, %swap3A_1886] : memref<3x16xf32, #tpu.memory_space<smem>>
      %sub3A_1888 = arith.constant 1.000000e+00 : f32
      %sub3A_1889 = arith.subf %sub3A_1807, %sub3A_1888 : f32
      %mul3A_1890 = arith.mulf %sub3A_1889, %select_n3A : f32
      %swap3A_1891 = arith.constant 0 : index
      %swap3A_1892 = arith.constant 5 : index
      %swap3A_1893 = memref.load %arg8[%swap3A_1891, %swap3A_1892] : memref<3x16xf32, #tpu.memory_space<smem>>
      memref.store %mul3A_1890, %arg8[%swap3A_1891, %swap3A_1892] : memref<3x16xf32, #tpu.memory_space<smem>>
      %sub3A_1894 = arith.constant 0.000000e+00 : f32
      %sub3A_1895 = arith.subf %sub3A_1817, %sub3A_1894 : f32
      %mul3A_1896 = arith.mulf %sub3A_1895, %select_n3A : f32
      %swap3A_1897 = arith.constant 0 : index
      %swap3A_1898 = arith.constant 6 : index
      %swap3A_1899 = memref.load %arg8[%swap3A_1897, %swap3A_1898] : memref<3x16xf32, #tpu.memory_space<smem>>
      memref.store %mul3A_1896, %arg8[%swap3A_1897, %swap3A_1898] : memref<3x16xf32, #tpu.memory_space<smem>>
      %mul3A_1900 = arith.mulf %sub3A_1881, %select_n3A : f32
      %swap3A_1901 = arith.constant 0 : index
      %swap3A_1902 = arith.constant 7 : index
      %swap3A_1903 = memref.load %arg8[%swap3A_1901, %swap3A_1902] : memref<3x16xf32, #tpu.memory_space<smem>>
      memref.store %mul3A_1900, %arg8[%swap3A_1901, %swap3A_1902] : memref<3x16xf32, #tpu.memory_space<smem>>
      %mul3A_1904 = arith.mulf %sub3A_1827, %div3A : f32
      %mul3A_1905 = arith.mulf %sub3A_1837, %div3A_362 : f32
      %add3A_1906 = arith.addf %mul3A_1904, %mul3A_1905 : f32
      %mul3A_1907 = arith.mulf %sub3A_1847, %div3A_366 : f32
      %add3A_1908 = arith.addf %add3A_1906, %mul3A_1907 : f32
      %sub3A_1909 = arith.subf %div3A_378, %add3A_1908 : f32
      %sub3A_1910 = arith.constant 0.000000e+00 : f32
      %sub3A_1911 = arith.subf %sub3A_1827, %sub3A_1910 : f32
      %mul3A_1912 = arith.mulf %sub3A_1911, %select_n3A : f32
      %swap3A_1913 = arith.constant 0 : index
      %swap3A_1914 = arith.constant 8 : index
      %swap3A_1915 = memref.load %arg8[%swap3A_1913, %swap3A_1914] : memref<3x16xf32, #tpu.memory_space<smem>>
      memref.store %mul3A_1912, %arg8[%swap3A_1913, %swap3A_1914] : memref<3x16xf32, #tpu.memory_space<smem>>
      %sub3A_1916 = arith.constant 0.000000e+00 : f32
      %sub3A_1917 = arith.subf %sub3A_1837, %sub3A_1916 : f32
      %mul3A_1918 = arith.mulf %sub3A_1917, %select_n3A : f32
      %swap3A_1919 = arith.constant 0 : index
      %swap3A_1920 = arith.constant 9 : index
      %swap3A_1921 = memref.load %arg8[%swap3A_1919, %swap3A_1920] : memref<3x16xf32, #tpu.memory_space<smem>>
      memref.store %mul3A_1918, %arg8[%swap3A_1919, %swap3A_1920] : memref<3x16xf32, #tpu.memory_space<smem>>
      %sub3A_1922 = arith.constant 1.000000e+00 : f32
      %sub3A_1923 = arith.subf %sub3A_1847, %sub3A_1922 : f32
      %mul3A_1924 = arith.mulf %sub3A_1923, %select_n3A : f32
      %swap3A_1925 = arith.constant 0 : index
      %swap3A_1926 = arith.constant 10 : index
      %swap3A_1927 = memref.load %arg8[%swap3A_1925, %swap3A_1926] : memref<3x16xf32, #tpu.memory_space<smem>>
      memref.store %mul3A_1924, %arg8[%swap3A_1925, %swap3A_1926] : memref<3x16xf32, #tpu.memory_space<smem>>
      %mul3A_1928 = arith.mulf %sub3A_1909, %select_n3A : f32
      %swap3A_1929 = arith.constant 0 : index
      %swap3A_1930 = arith.constant 11 : index
      %swap3A_1931 = memref.load %arg8[%swap3A_1929, %swap3A_1930] : memref<3x16xf32, #tpu.memory_space<smem>>
      memref.store %mul3A_1928, %arg8[%swap3A_1929, %swap3A_1930] : memref<3x16xf32, #tpu.memory_space<smem>>
      %swap3A_1932 = arith.constant 0 : index
      %swap3A_1933 = arith.constant 12 : index
      %swap3A_1934 = memref.load %arg8[%swap3A_1932, %swap3A_1933] : memref<3x16xf32, #tpu.memory_space<smem>>
      memref.store %select_n3A, %arg8[%swap3A_1932, %swap3A_1933] : memref<3x16xf32, #tpu.memory_space<smem>>
      %get3A_1935 = arith.constant 1 : index
      %get3A_1936 = arith.constant 0 : index
      %get3A_1937 = memref.load %arg3[%get3A_1935, %get3A_1936] : memref<3x8xf32, #tpu.memory_space<smem>>
      %get3A_1938 = arith.constant 1 : index
      %get3A_1939 = arith.constant 4 : index
      %get3A_1940 = memref.load %arg3[%get3A_1938, %get3A_1939] : memref<3x8xf32, #tpu.memory_space<smem>>
      %gt3A_1941 = arith.constant 1.000000e+02 : f32
      %gt3A_1942 = arith.cmpf ogt, %get3A_1937, %gt3A_1941 : f32
      %gt3A_1943 = arith.constant 1.000000e+02 : f32
      %gt3A_1944 = arith.cmpf ogt, %get3A_1940, %gt3A_1943 : f32
      %and3A_1945 = arith.andi %gt3A_1942, %gt3A_1944 : i1
      %jit3A_1946 = arith.constant 1.000000e+00 : f32
      %jit3A_1947 = arith.constant 0.000000e+00 : f32
      %select_n3A_1948 = arith.select %and3A_1945, %jit3A_1946, %jit3A_1947 : f32
      %gt3A_1949 = arith.constant 0.000000e+00 : f32
      %gt3A_1950 = arith.cmpf ogt, %get3A_1937, %gt3A_1949 : f32
      %jit3A_1951 = arith.constant 1.000000e+00 : f32
      %select_n3A_1952 = arith.select %gt3A_1950, %get3A_1937, %jit3A_1951 : f32
      %gt3A_1953 = arith.constant 0.000000e+00 : f32
      %gt3A_1954 = arith.cmpf ogt, %get3A_1940, %gt3A_1953 : f32
      %jit3A_1955 = arith.constant 1.000000e+00 : f32
      %select_n3A_1956 = arith.select %gt3A_1954, %get3A_1940, %jit3A_1955 : f32
      %get3A_1957 = arith.constant 1 : index
      %get3A_1958 = arith.constant 1 : index
      %get3A_1959 = memref.load %arg3[%get3A_1957, %get3A_1958] : memref<3x8xf32, #tpu.memory_space<smem>>
      %div3A_1960 = arith.divf %get3A_1959, %select_n3A_1952 : f32
      %get3A_1961 = arith.constant 1 : index
      %get3A_1962 = arith.constant 2 : index
      %get3A_1963 = memref.load %arg3[%get3A_1961, %get3A_1962] : memref<3x8xf32, #tpu.memory_space<smem>>
      %div3A_1964 = arith.divf %get3A_1963, %select_n3A_1952 : f32
      %get3A_1965 = arith.constant 1 : index
      %get3A_1966 = arith.constant 3 : index
      %get3A_1967 = memref.load %arg3[%get3A_1965, %get3A_1966] : memref<3x8xf32, #tpu.memory_space<smem>>
      %div3A_1968 = arith.divf %get3A_1967, %select_n3A_1952 : f32
      %get3A_1969 = arith.constant 1 : index
      %get3A_1970 = arith.constant 5 : index
      %get3A_1971 = memref.load %arg3[%get3A_1969, %get3A_1970] : memref<3x8xf32, #tpu.memory_space<smem>>
      %div3A_1972 = arith.divf %get3A_1971, %select_n3A_1956 : f32
      %get3A_1973 = arith.constant 1 : index
      %get3A_1974 = arith.constant 6 : index
      %get3A_1975 = memref.load %arg3[%get3A_1973, %get3A_1974] : memref<3x8xf32, #tpu.memory_space<smem>>
      %div3A_1976 = arith.divf %get3A_1975, %select_n3A_1956 : f32
      %get3A_1977 = arith.constant 1 : index
      %get3A_1978 = arith.constant 7 : index
      %get3A_1979 = memref.load %arg3[%get3A_1977, %get3A_1978] : memref<3x8xf32, #tpu.memory_space<smem>>
      %div3A_1980 = arith.divf %get3A_1979, %select_n3A_1956 : f32
      %get3A_1981 = arith.constant 16 : index
      %get3A_1982 = vector.load %arg4[%get3A_1981] : memref<48xi32, #tpu.memory_space<vmem>>, vector<16xi32>
      %get3A_1983 = arith.constant 16 : index
      %get3A_1984 = vector.load %arg5[%get3A_1983] : memref<48xi32, #tpu.memory_space<vmem>>, vector<16xi32>
      %shift_right_logical3A_1985 = arith.constant 7 : i32
      %shift_right_logical3A_1986 = vector.broadcast %shift_right_logical3A_1985 : i32 to vector<16xi32>
      %shift_right_logical3A_1987 = arith.shrui %get3A_1982, %shift_right_logical3A_1986 : vector<16xi32>
      %convert_element_type3A_1988 = arith.sitofp %shift_right_logical3A_1987 : vector<16xi32> to vector<16xf32>
      %and3A_1989 = arith.constant 127 : i32
      %and3A_1990 = vector.broadcast %and3A_1989 : i32 to vector<16xi32>
      %and3A_1991 = arith.andi %get3A_1982, %and3A_1990 : vector<16xi32>
      %convert_element_type3A_1992 = arith.sitofp %and3A_1991 : vector<16xi32> to vector<16xf32>
      %convert_element_type3A_1993 = arith.sitofp %get3A_1984 : vector<16xi32> to vector<16xf32>
      %sub3A_1994 = vector.broadcast %div3A_1960 : f32 to vector<16xf32>
      %sub3A_1995 = arith.subf %convert_element_type3A_1988, %sub3A_1994 : vector<16xf32>
      %sub3A_1996 = vector.broadcast %div3A_1964 : f32 to vector<16xf32>
      %sub3A_1997 = arith.subf %convert_element_type3A_1992, %sub3A_1996 : vector<16xf32>
      %sub3A_1998 = vector.broadcast %div3A_1968 : f32 to vector<16xf32>
      %sub3A_1999 = arith.subf %convert_element_type3A_1993, %sub3A_1998 : vector<16xf32>
      %get3A_2000 = arith.constant 48 : index
      %get3A_2001 = vector.load %arg6[%get3A_2000] : memref<144xf32, #tpu.memory_space<vmem>>, vector<16xf32>
      %add3A_2002 = arith.addf %convert_element_type3A_1988, %get3A_2001 : vector<16xf32>
      %sub3A_2003 = vector.broadcast %div3A_1972 : f32 to vector<16xf32>
      %sub3A_2004 = arith.subf %add3A_2002, %sub3A_2003 : vector<16xf32>
      %get3A_2005 = arith.constant 64 : index
      %get3A_2006 = vector.load %arg6[%get3A_2005] : memref<144xf32, #tpu.memory_space<vmem>>, vector<16xf32>
      %add3A_2007 = arith.addf %convert_element_type3A_1992, %get3A_2006 : vector<16xf32>
      %sub3A_2008 = vector.broadcast %div3A_1976 : f32 to vector<16xf32>
      %sub3A_2009 = arith.subf %add3A_2007, %sub3A_2008 : vector<16xf32>
      %get3A_2010 = arith.constant 80 : index
      %get3A_2011 = vector.load %arg6[%get3A_2010] : memref<144xf32, #tpu.memory_space<vmem>>, vector<16xf32>
      %add3A_2012 = arith.addf %convert_element_type3A_1993, %get3A_2011 : vector<16xf32>
      %sub3A_2013 = vector.broadcast %div3A_1980 : f32 to vector<16xf32>
      %sub3A_2014 = arith.subf %add3A_2012, %sub3A_2013 : vector<16xf32>
      %mul3A_2015 = arith.mulf %sub3A_1995, %sub3A_2004 : vector<16xf32>
      %reduce_sum3A_2016 = vector.shape_cast %mul3A_2015 : vector<16xf32> to vector<1x16xf32>
      %reduce_sum3A_2017 = arith.constant dense<0.000000e+00> : vector<1xf32>
      %reduce_sum3A_2018 = vector.multi_reduction <add>, %reduce_sum3A_2016, %reduce_sum3A_2017 [1] : vector<1x16xf32> to vector<1xf32>
      %reduce_sum3A_2019 = vector.shape_cast %reduce_sum3A_2018 : vector<1xf32> to vector<1x1xf32>
      %reduce_sum3A_2020 = vector.extract %reduce_sum3A_2019[0, 0] : f32 from vector<1x1xf32>
      %mul3A_2021 = arith.mulf %sub3A_1995, %sub3A_2009 : vector<16xf32>
      %reduce_sum3A_2022 = vector.shape_cast %mul3A_2021 : vector<16xf32> to vector<1x16xf32>
      %reduce_sum3A_2023 = arith.constant dense<0.000000e+00> : vector<1xf32>
      %reduce_sum3A_2024 = vector.multi_reduction <add>, %reduce_sum3A_2022, %reduce_sum3A_2023 [1] : vector<1x16xf32> to vector<1xf32>
      %reduce_sum3A_2025 = vector.shape_cast %reduce_sum3A_2024 : vector<1xf32> to vector<1x1xf32>
      %reduce_sum3A_2026 = vector.extract %reduce_sum3A_2025[0, 0] : f32 from vector<1x1xf32>
      %mul3A_2027 = arith.mulf %sub3A_1995, %sub3A_2014 : vector<16xf32>
      %reduce_sum3A_2028 = vector.shape_cast %mul3A_2027 : vector<16xf32> to vector<1x16xf32>
      %reduce_sum3A_2029 = arith.constant dense<0.000000e+00> : vector<1xf32>
      %reduce_sum3A_2030 = vector.multi_reduction <add>, %reduce_sum3A_2028, %reduce_sum3A_2029 [1] : vector<1x16xf32> to vector<1xf32>
      %reduce_sum3A_2031 = vector.shape_cast %reduce_sum3A_2030 : vector<1xf32> to vector<1x1xf32>
      %reduce_sum3A_2032 = vector.extract %reduce_sum3A_2031[0, 0] : f32 from vector<1x1xf32>
      %mul3A_2033 = arith.mulf %sub3A_1997, %sub3A_2004 : vector<16xf32>
      %reduce_sum3A_2034 = vector.shape_cast %mul3A_2033 : vector<16xf32> to vector<1x16xf32>
      %reduce_sum3A_2035 = arith.constant dense<0.000000e+00> : vector<1xf32>
      %reduce_sum3A_2036 = vector.multi_reduction <add>, %reduce_sum3A_2034, %reduce_sum3A_2035 [1] : vector<1x16xf32> to vector<1xf32>
      %reduce_sum3A_2037 = vector.shape_cast %reduce_sum3A_2036 : vector<1xf32> to vector<1x1xf32>
      %reduce_sum3A_2038 = vector.extract %reduce_sum3A_2037[0, 0] : f32 from vector<1x1xf32>
      %mul3A_2039 = arith.mulf %sub3A_1997, %sub3A_2009 : vector<16xf32>
      %reduce_sum3A_2040 = vector.shape_cast %mul3A_2039 : vector<16xf32> to vector<1x16xf32>
      %reduce_sum3A_2041 = arith.constant dense<0.000000e+00> : vector<1xf32>
      %reduce_sum3A_2042 = vector.multi_reduction <add>, %reduce_sum3A_2040, %reduce_sum3A_2041 [1] : vector<1x16xf32> to vector<1xf32>
      %reduce_sum3A_2043 = vector.shape_cast %reduce_sum3A_2042 : vector<1xf32> to vector<1x1xf32>
      %reduce_sum3A_2044 = vector.extract %reduce_sum3A_2043[0, 0] : f32 from vector<1x1xf32>
      %mul3A_2045 = arith.mulf %sub3A_1997, %sub3A_2014 : vector<16xf32>
      %reduce_sum3A_2046 = vector.shape_cast %mul3A_2045 : vector<16xf32> to vector<1x16xf32>
      %reduce_sum3A_2047 = arith.constant dense<0.000000e+00> : vector<1xf32>
      %reduce_sum3A_2048 = vector.multi_reduction <add>, %reduce_sum3A_2046, %reduce_sum3A_2047 [1] : vector<1x16xf32> to vector<1xf32>
      %reduce_sum3A_2049 = vector.shape_cast %reduce_sum3A_2048 : vector<1xf32> to vector<1x1xf32>
      %reduce_sum3A_2050 = vector.extract %reduce_sum3A_2049[0, 0] : f32 from vector<1x1xf32>
      %mul3A_2051 = arith.mulf %sub3A_1999, %sub3A_2004 : vector<16xf32>
      %reduce_sum3A_2052 = vector.shape_cast %mul3A_2051 : vector<16xf32> to vector<1x16xf32>
      %reduce_sum3A_2053 = arith.constant dense<0.000000e+00> : vector<1xf32>
      %reduce_sum3A_2054 = vector.multi_reduction <add>, %reduce_sum3A_2052, %reduce_sum3A_2053 [1] : vector<1x16xf32> to vector<1xf32>
      %reduce_sum3A_2055 = vector.shape_cast %reduce_sum3A_2054 : vector<1xf32> to vector<1x1xf32>
      %reduce_sum3A_2056 = vector.extract %reduce_sum3A_2055[0, 0] : f32 from vector<1x1xf32>
      %mul3A_2057 = arith.mulf %sub3A_1999, %sub3A_2009 : vector<16xf32>
      %reduce_sum3A_2058 = vector.shape_cast %mul3A_2057 : vector<16xf32> to vector<1x16xf32>
      %reduce_sum3A_2059 = arith.constant dense<0.000000e+00> : vector<1xf32>
      %reduce_sum3A_2060 = vector.multi_reduction <add>, %reduce_sum3A_2058, %reduce_sum3A_2059 [1] : vector<1x16xf32> to vector<1xf32>
      %reduce_sum3A_2061 = vector.shape_cast %reduce_sum3A_2060 : vector<1xf32> to vector<1x1xf32>
      %reduce_sum3A_2062 = vector.extract %reduce_sum3A_2061[0, 0] : f32 from vector<1x1xf32>
      %mul3A_2063 = arith.mulf %sub3A_1999, %sub3A_2014 : vector<16xf32>
      %reduce_sum3A_2064 = vector.shape_cast %mul3A_2063 : vector<16xf32> to vector<1x16xf32>
      %reduce_sum3A_2065 = arith.constant dense<0.000000e+00> : vector<1xf32>
      %reduce_sum3A_2066 = vector.multi_reduction <add>, %reduce_sum3A_2064, %reduce_sum3A_2065 [1] : vector<1x16xf32> to vector<1xf32>
      %reduce_sum3A_2067 = vector.shape_cast %reduce_sum3A_2066 : vector<1xf32> to vector<1x1xf32>
      %reduce_sum3A_2068 = vector.extract %reduce_sum3A_2067[0, 0] : f32 from vector<1x1xf32>
      %mul3A_2069 = arith.mulf %reduce_sum3A_2044, %reduce_sum3A_2068 : f32
      %mul3A_2070 = arith.mulf %reduce_sum3A_2050, %reduce_sum3A_2062 : f32
      %sub3A_2071 = arith.subf %mul3A_2069, %mul3A_2070 : f32
      %mul3A_2072 = arith.mulf %reduce_sum3A_2020, %sub3A_2071 : f32
      %mul3A_2073 = arith.mulf %reduce_sum3A_2038, %reduce_sum3A_2068 : f32
      %mul3A_2074 = arith.mulf %reduce_sum3A_2050, %reduce_sum3A_2056 : f32
      %sub3A_2075 = arith.subf %mul3A_2073, %mul3A_2074 : f32
      %mul3A_2076 = arith.mulf %reduce_sum3A_2026, %sub3A_2075 : f32
      %sub3A_2077 = arith.subf %mul3A_2072, %mul3A_2076 : f32
      %mul3A_2078 = arith.mulf %reduce_sum3A_2038, %reduce_sum3A_2062 : f32
      %mul3A_2079 = arith.mulf %reduce_sum3A_2044, %reduce_sum3A_2056 : f32
      %sub3A_2080 = arith.subf %mul3A_2078, %mul3A_2079 : f32
      %mul3A_2081 = arith.mulf %reduce_sum3A_2032, %sub3A_2080 : f32
      %add3A_2082 = arith.addf %sub3A_2077, %mul3A_2081 : f32
      %ge3A_2083 = arith.constant 0.000000e+00 : f32
      %ge3A_2084 = arith.cmpf oge, %add3A_2082, %ge3A_2083 : f32
      %neg3A_2085 = arith.constant 0.000000e+00 : f32
      %neg3A_2086 = arith.constant 1.000000e+00 : f32
      %neg3A_2087 = arith.subf %neg3A_2085, %neg3A_2086 : f32
      %jit3A_2088 = arith.constant 1.000000e+00 : f32
      %select_n3A_2089 = arith.select %ge3A_2084, %jit3A_2088, %neg3A_2087 : f32
      %mul3A_2090 = arith.mulf %reduce_sum3A_2020, %reduce_sum3A_2020 : f32
      %mul3A_2091 = arith.mulf %reduce_sum3A_2038, %reduce_sum3A_2038 : f32
      %add3A_2092 = arith.addf %mul3A_2090, %mul3A_2091 : f32
      %mul3A_2093 = arith.mulf %reduce_sum3A_2056, %reduce_sum3A_2056 : f32
      %add3A_2094 = arith.addf %add3A_2092, %mul3A_2093 : f32
      %mul3A_2095 = arith.mulf %reduce_sum3A_2020, %reduce_sum3A_2026 : f32
      %mul3A_2096 = arith.mulf %reduce_sum3A_2038, %reduce_sum3A_2044 : f32
      %add3A_2097 = arith.addf %mul3A_2095, %mul3A_2096 : f32
      %mul3A_2098 = arith.mulf %reduce_sum3A_2056, %reduce_sum3A_2062 : f32
      %add3A_2099 = arith.addf %add3A_2097, %mul3A_2098 : f32
      %mul3A_2100 = arith.mulf %reduce_sum3A_2026, %reduce_sum3A_2026 : f32
      %mul3A_2101 = arith.mulf %reduce_sum3A_2044, %reduce_sum3A_2044 : f32
      %add3A_2102 = arith.addf %mul3A_2100, %mul3A_2101 : f32
      %mul3A_2103 = arith.mulf %reduce_sum3A_2062, %reduce_sum3A_2062 : f32
      %add3A_2104 = arith.addf %add3A_2102, %mul3A_2103 : f32
      %mul3A_2105 = arith.mulf %reduce_sum3A_2032, %reduce_sum3A_2020 : f32
      %mul3A_2106 = arith.mulf %reduce_sum3A_2050, %reduce_sum3A_2038 : f32
      %add3A_2107 = arith.addf %mul3A_2105, %mul3A_2106 : f32
      %mul3A_2108 = arith.mulf %reduce_sum3A_2068, %reduce_sum3A_2056 : f32
      %add3A_2109 = arith.addf %add3A_2107, %mul3A_2108 : f32
      %mul3A_2110 = arith.mulf %reduce_sum3A_2032, %reduce_sum3A_2026 : f32
      %mul3A_2111 = arith.mulf %reduce_sum3A_2050, %reduce_sum3A_2044 : f32
      %add3A_2112 = arith.addf %mul3A_2110, %mul3A_2111 : f32
      %mul3A_2113 = arith.mulf %reduce_sum3A_2068, %reduce_sum3A_2062 : f32
      %add3A_2114 = arith.addf %add3A_2112, %mul3A_2113 : f32
      %mul3A_2115 = arith.mulf %reduce_sum3A_2032, %reduce_sum3A_2032 : f32
      %mul3A_2116 = arith.mulf %reduce_sum3A_2050, %reduce_sum3A_2050 : f32
      %add3A_2117 = arith.addf %mul3A_2115, %mul3A_2116 : f32
      %mul3A_2118 = arith.mulf %reduce_sum3A_2068, %reduce_sum3A_2068 : f32
      %add3A_2119 = arith.addf %add3A_2117, %mul3A_2118 : f32
      %abs3A_2120 = math.absf %add3A_2099 : f32
      %gt3A_2121 = arith.constant 1.000000e-30 : f32
      %gt3A_2122 = arith.cmpf ogt, %abs3A_2120, %gt3A_2121 : f32
      %jit3A_2123 = arith.constant 1.000000e-30 : f32
      %select_n3A_2124 = arith.select %gt3A_2122, %add3A_2099, %jit3A_2123 : f32
      %sub3A_2125 = arith.subf %add3A_2104, %add3A_2094 : f32
      %mul3A_2126 = arith.constant 2.000000e+00 : f32
      %mul3A_2127 = arith.mulf %mul3A_2126, %select_n3A_2124 : f32
      %div3A_2128 = arith.divf %sub3A_2125, %mul3A_2127 : f32
      %sign3A_2129 = arith.bitcast %div3A_2128 : f32 to i32
      %sign3A_2130 = arith.constant -2147483648 : i32
      %sign3A_2131 = arith.andi %sign3A_2129, %sign3A_2130 : i32
      %sign3A_2132 = arith.constant 1065353216 : i32
      %sign3A_2133 = arith.ori %sign3A_2132, %sign3A_2131 : i32
      %sign3A_2134 = arith.bitcast %sign3A_2133 : i32 to f32
      %sign3A_2135 = math.absf %div3A_2128 : f32
      %sign3A_2136 = arith.constant 0.000000e+00 : f32
      %sign3A_2137 = arith.cmpf ogt, %sign3A_2135, %sign3A_2136 : f32
      %sign3A_2138 = arith.select %sign3A_2137, %sign3A_2134, %div3A_2128 : f32
      %abs3A_2139 = math.absf %div3A_2128 : f32
      %mul3A_2140 = arith.mulf %div3A_2128, %div3A_2128 : f32
      %add3A_2141 = arith.constant 1.000000e+00 : f32
      %add3A_2142 = arith.addf %add3A_2141, %mul3A_2140 : f32
      %sqrt3A_2143 = math.sqrt %add3A_2142 : f32
      %add3A_2144 = arith.addf %abs3A_2139, %sqrt3A_2143 : f32
      %div3A_2145 = arith.divf %sign3A_2138, %add3A_2144 : f32
      %mul3A_2146 = arith.mulf %div3A_2145, %div3A_2145 : f32
      %add3A_2147 = arith.constant 1.000000e+00 : f32
      %add3A_2148 = arith.addf %add3A_2147, %mul3A_2146 : f32
      %sqrt3A_2149 = math.sqrt %add3A_2148 : f32
      %div3A_2150 = arith.constant 1.000000e+00 : f32
      %div3A_2151 = arith.divf %div3A_2150, %sqrt3A_2149 : f32
      %mul3A_2152 = arith.mulf %div3A_2145, %div3A_2151 : f32
      %mul3A_2153 = arith.mulf %div3A_2151, %add3A_2109 : f32
      %mul3A_2154 = arith.mulf %mul3A_2152, %add3A_2114 : f32
      %sub3A_2155 = arith.subf %mul3A_2153, %mul3A_2154 : f32
      %mul3A_2156 = arith.mulf %mul3A_2152, %add3A_2109 : f32
      %mul3A_2157 = arith.mulf %div3A_2151, %add3A_2114 : f32
      %add3A_2158 = arith.addf %mul3A_2156, %mul3A_2157 : f32
      %mul3A_2159 = arith.mulf %div3A_2145, %add3A_2099 : f32
      %sub3A_2160 = arith.subf %add3A_2094, %mul3A_2159 : f32
      %mul3A_2161 = arith.mulf %div3A_2145, %add3A_2099 : f32
      %add3A_2162 = arith.addf %add3A_2104, %mul3A_2161 : f32
      %mul3A_2163 = arith.constant 1.000000e+00 : f32
      %mul3A_2164 = arith.mulf %div3A_2151, %mul3A_2163 : f32
      %mul3A_2165 = arith.constant 0.000000e+00 : f32
      %mul3A_2166 = arith.mulf %mul3A_2152, %mul3A_2165 : f32
      %sub3A_2167 = arith.subf %mul3A_2164, %mul3A_2166 : f32
      %mul3A_2168 = arith.constant 1.000000e+00 : f32
      %mul3A_2169 = arith.mulf %mul3A_2152, %mul3A_2168 : f32
      %mul3A_2170 = arith.constant 0.000000e+00 : f32
      %mul3A_2171 = arith.mulf %div3A_2151, %mul3A_2170 : f32
      %add3A_2172 = arith.addf %mul3A_2169, %mul3A_2171 : f32
      %mul3A_2173 = arith.constant 0.000000e+00 : f32
      %mul3A_2174 = arith.mulf %div3A_2151, %mul3A_2173 : f32
      %mul3A_2175 = arith.constant 1.000000e+00 : f32
      %mul3A_2176 = arith.mulf %mul3A_2152, %mul3A_2175 : f32
      %sub3A_2177 = arith.subf %mul3A_2174, %mul3A_2176 : f32
      %mul3A_2178 = arith.constant 0.000000e+00 : f32
      %mul3A_2179 = arith.mulf %mul3A_2152, %mul3A_2178 : f32
      %mul3A_2180 = arith.constant 1.000000e+00 : f32
      %mul3A_2181 = arith.mulf %div3A_2151, %mul3A_2180 : f32
      %add3A_2182 = arith.addf %mul3A_2179, %mul3A_2181 : f32
      %mul3A_2183 = arith.constant 0.000000e+00 : f32
      %mul3A_2184 = arith.mulf %div3A_2151, %mul3A_2183 : f32
      %mul3A_2185 = arith.constant 0.000000e+00 : f32
      %mul3A_2186 = arith.mulf %mul3A_2152, %mul3A_2185 : f32
      %sub3A_2187 = arith.subf %mul3A_2184, %mul3A_2186 : f32
      %mul3A_2188 = arith.constant 0.000000e+00 : f32
      %mul3A_2189 = arith.mulf %mul3A_2152, %mul3A_2188 : f32
      %mul3A_2190 = arith.constant 0.000000e+00 : f32
      %mul3A_2191 = arith.mulf %div3A_2151, %mul3A_2190 : f32
      %add3A_2192 = arith.addf %mul3A_2189, %mul3A_2191 : f32
      %abs3A_2193 = math.absf %sub3A_2155 : f32
      %gt3A_2194 = arith.constant 1.000000e-30 : f32
      %gt3A_2195 = arith.cmpf ogt, %abs3A_2193, %gt3A_2194 : f32
      %jit3A_2196 = arith.constant 1.000000e-30 : f32
      %select_n3A_2197 = arith.select %gt3A_2195, %sub3A_2155, %jit3A_2196 : f32
      %sub3A_2198 = arith.subf %add3A_2119, %sub3A_2160 : f32
      %mul3A_2199 = arith.constant 2.000000e+00 : f32
      %mul3A_2200 = arith.mulf %mul3A_2199, %select_n3A_2197 : f32
      %div3A_2201 = arith.divf %sub3A_2198, %mul3A_2200 : f32
      %sign3A_2202 = arith.bitcast %div3A_2201 : f32 to i32
      %sign3A_2203 = arith.constant -2147483648 : i32
      %sign3A_2204 = arith.andi %sign3A_2202, %sign3A_2203 : i32
      %sign3A_2205 = arith.constant 1065353216 : i32
      %sign3A_2206 = arith.ori %sign3A_2205, %sign3A_2204 : i32
      %sign3A_2207 = arith.bitcast %sign3A_2206 : i32 to f32
      %sign3A_2208 = math.absf %div3A_2201 : f32
      %sign3A_2209 = arith.constant 0.000000e+00 : f32
      %sign3A_2210 = arith.cmpf ogt, %sign3A_2208, %sign3A_2209 : f32
      %sign3A_2211 = arith.select %sign3A_2210, %sign3A_2207, %div3A_2201 : f32
      %abs3A_2212 = math.absf %div3A_2201 : f32
      %mul3A_2213 = arith.mulf %div3A_2201, %div3A_2201 : f32
      %add3A_2214 = arith.constant 1.000000e+00 : f32
      %add3A_2215 = arith.addf %add3A_2214, %mul3A_2213 : f32
      %sqrt3A_2216 = math.sqrt %add3A_2215 : f32
      %add3A_2217 = arith.addf %abs3A_2212, %sqrt3A_2216 : f32
      %div3A_2218 = arith.divf %sign3A_2211, %add3A_2217 : f32
      %mul3A_2219 = arith.mulf %div3A_2218, %div3A_2218 : f32
      %add3A_2220 = arith.constant 1.000000e+00 : f32
      %add3A_2221 = arith.addf %add3A_2220, %mul3A_2219 : f32
      %sqrt3A_2222 = math.sqrt %add3A_2221 : f32
      %div3A_2223 = arith.constant 1.000000e+00 : f32
      %div3A_2224 = arith.divf %div3A_2223, %sqrt3A_2222 : f32
      %mul3A_2225 = arith.mulf %div3A_2218, %div3A_2224 : f32
      %mul3A_2226 = arith.constant 0.000000e+00 : f32
      %mul3A_2227 = arith.mulf %div3A_2224, %mul3A_2226 : f32
      %mul3A_2228 = arith.mulf %mul3A_2225, %add3A_2158 : f32
      %sub3A_2229 = arith.subf %mul3A_2227, %mul3A_2228 : f32
      %mul3A_2230 = arith.constant 0.000000e+00 : f32
      %mul3A_2231 = arith.mulf %mul3A_2225, %mul3A_2230 : f32
      %mul3A_2232 = arith.mulf %div3A_2224, %add3A_2158 : f32
      %add3A_2233 = arith.addf %mul3A_2231, %mul3A_2232 : f32
      %mul3A_2234 = arith.mulf %div3A_2218, %sub3A_2155 : f32
      %sub3A_2235 = arith.subf %sub3A_2160, %mul3A_2234 : f32
      %mul3A_2236 = arith.mulf %div3A_2218, %sub3A_2155 : f32
      %add3A_2237 = arith.addf %add3A_2119, %mul3A_2236 : f32
      %mul3A_2238 = arith.mulf %div3A_2224, %sub3A_2167 : f32
      %mul3A_2239 = arith.constant 0.000000e+00 : f32
      %mul3A_2240 = arith.mulf %mul3A_2225, %mul3A_2239 : f32
      %sub3A_2241 = arith.subf %mul3A_2238, %mul3A_2240 : f32
      %mul3A_2242 = arith.mulf %mul3A_2225, %sub3A_2167 : f32
      %mul3A_2243 = arith.constant 0.000000e+00 : f32
      %mul3A_2244 = arith.mulf %div3A_2224, %mul3A_2243 : f32
      %add3A_2245 = arith.addf %mul3A_2242, %mul3A_2244 : f32
      %mul3A_2246 = arith.mulf %div3A_2224, %sub3A_2177 : f32
      %mul3A_2247 = arith.constant 0.000000e+00 : f32
      %mul3A_2248 = arith.mulf %mul3A_2225, %mul3A_2247 : f32
      %sub3A_2249 = arith.subf %mul3A_2246, %mul3A_2248 : f32
      %mul3A_2250 = arith.mulf %mul3A_2225, %sub3A_2177 : f32
      %mul3A_2251 = arith.constant 0.000000e+00 : f32
      %mul3A_2252 = arith.mulf %div3A_2224, %mul3A_2251 : f32
      %add3A_2253 = arith.addf %mul3A_2250, %mul3A_2252 : f32
      %mul3A_2254 = arith.mulf %div3A_2224, %sub3A_2187 : f32
      %mul3A_2255 = arith.constant 1.000000e+00 : f32
      %mul3A_2256 = arith.mulf %mul3A_2225, %mul3A_2255 : f32
      %sub3A_2257 = arith.subf %mul3A_2254, %mul3A_2256 : f32
      %mul3A_2258 = arith.mulf %mul3A_2225, %sub3A_2187 : f32
      %mul3A_2259 = arith.constant 1.000000e+00 : f32
      %mul3A_2260 = arith.mulf %div3A_2224, %mul3A_2259 : f32
      %add3A_2261 = arith.addf %mul3A_2258, %mul3A_2260 : f32
      %abs3A_2262 = math.absf %add3A_2233 : f32
      %gt3A_2263 = arith.constant 1.000000e-30 : f32
      %gt3A_2264 = arith.cmpf ogt, %abs3A_2262, %gt3A_2263 : f32
      %jit3A_2265 = arith.constant 1.000000e-30 : f32
      %select_n3A_2266 = arith.select %gt3A_2264, %add3A_2233, %jit3A_2265 : f32
      %sub3A_2267 = arith.subf %add3A_2237, %add3A_2162 : f32
      %mul3A_2268 = arith.constant 2.000000e+00 : f32
      %mul3A_2269 = arith.mulf %mul3A_2268, %select_n3A_2266 : f32
      %div3A_2270 = arith.divf %sub3A_2267, %mul3A_2269 : f32
      %sign3A_2271 = arith.bitcast %div3A_2270 : f32 to i32
      %sign3A_2272 = arith.constant -2147483648 : i32
      %sign3A_2273 = arith.andi %sign3A_2271, %sign3A_2272 : i32
      %sign3A_2274 = arith.constant 1065353216 : i32
      %sign3A_2275 = arith.ori %sign3A_2274, %sign3A_2273 : i32
      %sign3A_2276 = arith.bitcast %sign3A_2275 : i32 to f32
      %sign3A_2277 = math.absf %div3A_2270 : f32
      %sign3A_2278 = arith.constant 0.000000e+00 : f32
      %sign3A_2279 = arith.cmpf ogt, %sign3A_2277, %sign3A_2278 : f32
      %sign3A_2280 = arith.select %sign3A_2279, %sign3A_2276, %div3A_2270 : f32
      %abs3A_2281 = math.absf %div3A_2270 : f32
      %mul3A_2282 = arith.mulf %div3A_2270, %div3A_2270 : f32
      %add3A_2283 = arith.constant 1.000000e+00 : f32
      %add3A_2284 = arith.addf %add3A_2283, %mul3A_2282 : f32
      %sqrt3A_2285 = math.sqrt %add3A_2284 : f32
      %add3A_2286 = arith.addf %abs3A_2281, %sqrt3A_2285 : f32
      %div3A_2287 = arith.divf %sign3A_2280, %add3A_2286 : f32
      %mul3A_2288 = arith.mulf %div3A_2287, %div3A_2287 : f32
      %add3A_2289 = arith.constant 1.000000e+00 : f32
      %add3A_2290 = arith.addf %add3A_2289, %mul3A_2288 : f32
      %sqrt3A_2291 = math.sqrt %add3A_2290 : f32
      %div3A_2292 = arith.constant 1.000000e+00 : f32
      %div3A_2293 = arith.divf %div3A_2292, %sqrt3A_2291 : f32
      %mul3A_2294 = arith.mulf %div3A_2287, %div3A_2293 : f32
      %mul3A_2295 = arith.mulf %div3A_2293, %sub3A_2229 : f32
      %mul3A_2296 = arith.constant 0.000000e+00 : f32
      %mul3A_2297 = arith.mulf %mul3A_2294, %mul3A_2296 : f32
      %sub3A_2298 = arith.subf %mul3A_2295, %mul3A_2297 : f32
      %mul3A_2299 = arith.mulf %mul3A_2294, %sub3A_2229 : f32
      %mul3A_2300 = arith.constant 0.000000e+00 : f32
      %mul3A_2301 = arith.mulf %div3A_2293, %mul3A_2300 : f32
      %add3A_2302 = arith.addf %mul3A_2299, %mul3A_2301 : f32
      %mul3A_2303 = arith.mulf %div3A_2287, %add3A_2233 : f32
      %sub3A_2304 = arith.subf %add3A_2162, %mul3A_2303 : f32
      %mul3A_2305 = arith.mulf %div3A_2287, %add3A_2233 : f32
      %add3A_2306 = arith.addf %add3A_2237, %mul3A_2305 : f32
      %mul3A_2307 = arith.mulf %div3A_2293, %add3A_2172 : f32
      %mul3A_2308 = arith.mulf %mul3A_2294, %add3A_2245 : f32
      %sub3A_2309 = arith.subf %mul3A_2307, %mul3A_2308 : f32
      %mul3A_2310 = arith.mulf %mul3A_2294, %add3A_2172 : f32
      %mul3A_2311 = arith.mulf %div3A_2293, %add3A_2245 : f32
      %add3A_2312 = arith.addf %mul3A_2310, %mul3A_2311 : f32
      %mul3A_2313 = arith.mulf %div3A_2293, %add3A_2182 : f32
      %mul3A_2314 = arith.mulf %mul3A_2294, %add3A_2253 : f32
      %sub3A_2315 = arith.subf %mul3A_2313, %mul3A_2314 : f32
      %mul3A_2316 = arith.mulf %mul3A_2294, %add3A_2182 : f32
      %mul3A_2317 = arith.mulf %div3A_2293, %add3A_2253 : f32
      %add3A_2318 = arith.addf %mul3A_2316, %mul3A_2317 : f32
      %mul3A_2319 = arith.mulf %div3A_2293, %add3A_2192 : f32
      %mul3A_2320 = arith.mulf %mul3A_2294, %add3A_2261 : f32
      %sub3A_2321 = arith.subf %mul3A_2319, %mul3A_2320 : f32
      %mul3A_2322 = arith.mulf %mul3A_2294, %add3A_2192 : f32
      %mul3A_2323 = arith.mulf %div3A_2293, %add3A_2261 : f32
      %add3A_2324 = arith.addf %mul3A_2322, %mul3A_2323 : f32
      %abs3A_2325 = math.absf %sub3A_2298 : f32
      %gt3A_2326 = arith.constant 1.000000e-30 : f32
      %gt3A_2327 = arith.cmpf ogt, %abs3A_2325, %gt3A_2326 : f32
      %jit3A_2328 = arith.constant 1.000000e-30 : f32
      %select_n3A_2329 = arith.select %gt3A_2327, %sub3A_2298, %jit3A_2328 : f32
      %sub3A_2330 = arith.subf %sub3A_2304, %sub3A_2235 : f32
      %mul3A_2331 = arith.constant 2.000000e+00 : f32
      %mul3A_2332 = arith.mulf %mul3A_2331, %select_n3A_2329 : f32
      %div3A_2333 = arith.divf %sub3A_2330, %mul3A_2332 : f32
      %sign3A_2334 = arith.bitcast %div3A_2333 : f32 to i32
      %sign3A_2335 = arith.constant -2147483648 : i32
      %sign3A_2336 = arith.andi %sign3A_2334, %sign3A_2335 : i32
      %sign3A_2337 = arith.constant 1065353216 : i32
      %sign3A_2338 = arith.ori %sign3A_2337, %sign3A_2336 : i32
      %sign3A_2339 = arith.bitcast %sign3A_2338 : i32 to f32
      %sign3A_2340 = math.absf %div3A_2333 : f32
      %sign3A_2341 = arith.constant 0.000000e+00 : f32
      %sign3A_2342 = arith.cmpf ogt, %sign3A_2340, %sign3A_2341 : f32
      %sign3A_2343 = arith.select %sign3A_2342, %sign3A_2339, %div3A_2333 : f32
      %abs3A_2344 = math.absf %div3A_2333 : f32
      %mul3A_2345 = arith.mulf %div3A_2333, %div3A_2333 : f32
      %add3A_2346 = arith.constant 1.000000e+00 : f32
      %add3A_2347 = arith.addf %add3A_2346, %mul3A_2345 : f32
      %sqrt3A_2348 = math.sqrt %add3A_2347 : f32
      %add3A_2349 = arith.addf %abs3A_2344, %sqrt3A_2348 : f32
      %div3A_2350 = arith.divf %sign3A_2343, %add3A_2349 : f32
      %mul3A_2351 = arith.mulf %div3A_2350, %div3A_2350 : f32
      %add3A_2352 = arith.constant 1.000000e+00 : f32
      %add3A_2353 = arith.addf %add3A_2352, %mul3A_2351 : f32
      %sqrt3A_2354 = math.sqrt %add3A_2353 : f32
      %div3A_2355 = arith.constant 1.000000e+00 : f32
      %div3A_2356 = arith.divf %div3A_2355, %sqrt3A_2354 : f32
      %mul3A_2357 = arith.mulf %div3A_2350, %div3A_2356 : f32
      %mul3A_2358 = arith.mulf %div3A_2356, %add3A_2302 : f32
      %mul3A_2359 = arith.constant 0.000000e+00 : f32
      %mul3A_2360 = arith.mulf %mul3A_2357, %mul3A_2359 : f32
      %sub3A_2361 = arith.subf %mul3A_2358, %mul3A_2360 : f32
      %mul3A_2362 = arith.mulf %mul3A_2357, %add3A_2302 : f32
      %mul3A_2363 = arith.constant 0.000000e+00 : f32
      %mul3A_2364 = arith.mulf %div3A_2356, %mul3A_2363 : f32
      %add3A_2365 = arith.addf %mul3A_2362, %mul3A_2364 : f32
      %mul3A_2366 = arith.mulf %div3A_2350, %sub3A_2298 : f32
      %sub3A_2367 = arith.subf %sub3A_2235, %mul3A_2366 : f32
      %mul3A_2368 = arith.mulf %div3A_2350, %sub3A_2298 : f32
      %add3A_2369 = arith.addf %sub3A_2304, %mul3A_2368 : f32
      %mul3A_2370 = arith.mulf %div3A_2356, %sub3A_2241 : f32
      %mul3A_2371 = arith.mulf %mul3A_2357, %sub3A_2309 : f32
      %sub3A_2372 = arith.subf %mul3A_2370, %mul3A_2371 : f32
      %mul3A_2373 = arith.mulf %mul3A_2357, %sub3A_2241 : f32
      %mul3A_2374 = arith.mulf %div3A_2356, %sub3A_2309 : f32
      %add3A_2375 = arith.addf %mul3A_2373, %mul3A_2374 : f32
      %mul3A_2376 = arith.mulf %div3A_2356, %sub3A_2249 : f32
      %mul3A_2377 = arith.mulf %mul3A_2357, %sub3A_2315 : f32
      %sub3A_2378 = arith.subf %mul3A_2376, %mul3A_2377 : f32
      %mul3A_2379 = arith.mulf %mul3A_2357, %sub3A_2249 : f32
      %mul3A_2380 = arith.mulf %div3A_2356, %sub3A_2315 : f32
      %add3A_2381 = arith.addf %mul3A_2379, %mul3A_2380 : f32
      %mul3A_2382 = arith.mulf %div3A_2356, %sub3A_2257 : f32
      %mul3A_2383 = arith.mulf %mul3A_2357, %sub3A_2321 : f32
      %sub3A_2384 = arith.subf %mul3A_2382, %mul3A_2383 : f32
      %mul3A_2385 = arith.mulf %mul3A_2357, %sub3A_2257 : f32
      %mul3A_2386 = arith.mulf %div3A_2356, %sub3A_2321 : f32
      %add3A_2387 = arith.addf %mul3A_2385, %mul3A_2386 : f32
      %abs3A_2388 = math.absf %sub3A_2361 : f32
      %gt3A_2389 = arith.constant 1.000000e-30 : f32
      %gt3A_2390 = arith.cmpf ogt, %abs3A_2388, %gt3A_2389 : f32
      %jit3A_2391 = arith.constant 1.000000e-30 : f32
      %select_n3A_2392 = arith.select %gt3A_2390, %sub3A_2361, %jit3A_2391 : f32
      %sub3A_2393 = arith.subf %add3A_2306, %sub3A_2367 : f32
      %mul3A_2394 = arith.constant 2.000000e+00 : f32
      %mul3A_2395 = arith.mulf %mul3A_2394, %select_n3A_2392 : f32
      %div3A_2396 = arith.divf %sub3A_2393, %mul3A_2395 : f32
      %sign3A_2397 = arith.bitcast %div3A_2396 : f32 to i32
      %sign3A_2398 = arith.constant -2147483648 : i32
      %sign3A_2399 = arith.andi %sign3A_2397, %sign3A_2398 : i32
      %sign3A_2400 = arith.constant 1065353216 : i32
      %sign3A_2401 = arith.ori %sign3A_2400, %sign3A_2399 : i32
      %sign3A_2402 = arith.bitcast %sign3A_2401 : i32 to f32
      %sign3A_2403 = math.absf %div3A_2396 : f32
      %sign3A_2404 = arith.constant 0.000000e+00 : f32
      %sign3A_2405 = arith.cmpf ogt, %sign3A_2403, %sign3A_2404 : f32
      %sign3A_2406 = arith.select %sign3A_2405, %sign3A_2402, %div3A_2396 : f32
      %abs3A_2407 = math.absf %div3A_2396 : f32
      %mul3A_2408 = arith.mulf %div3A_2396, %div3A_2396 : f32
      %add3A_2409 = arith.constant 1.000000e+00 : f32
      %add3A_2410 = arith.addf %add3A_2409, %mul3A_2408 : f32
      %sqrt3A_2411 = math.sqrt %add3A_2410 : f32
      %add3A_2412 = arith.addf %abs3A_2407, %sqrt3A_2411 : f32
      %div3A_2413 = arith.divf %sign3A_2406, %add3A_2412 : f32
      %mul3A_2414 = arith.mulf %div3A_2413, %div3A_2413 : f32
      %add3A_2415 = arith.constant 1.000000e+00 : f32
      %add3A_2416 = arith.addf %add3A_2415, %mul3A_2414 : f32
      %sqrt3A_2417 = math.sqrt %add3A_2416 : f32
      %div3A_2418 = arith.constant 1.000000e+00 : f32
      %div3A_2419 = arith.divf %div3A_2418, %sqrt3A_2417 : f32
      %mul3A_2420 = arith.mulf %div3A_2413, %div3A_2419 : f32
      %mul3A_2421 = arith.constant 0.000000e+00 : f32
      %mul3A_2422 = arith.mulf %div3A_2419, %mul3A_2421 : f32
      %mul3A_2423 = arith.mulf %mul3A_2420, %add3A_2365 : f32
      %sub3A_2424 = arith.subf %mul3A_2422, %mul3A_2423 : f32
      %mul3A_2425 = arith.constant 0.000000e+00 : f32
      %mul3A_2426 = arith.mulf %mul3A_2420, %mul3A_2425 : f32
      %mul3A_2427 = arith.mulf %div3A_2419, %add3A_2365 : f32
      %add3A_2428 = arith.addf %mul3A_2426, %mul3A_2427 : f32
      %mul3A_2429 = arith.mulf %div3A_2413, %sub3A_2361 : f32
      %sub3A_2430 = arith.subf %sub3A_2367, %mul3A_2429 : f32
      %mul3A_2431 = arith.mulf %div3A_2413, %sub3A_2361 : f32
      %add3A_2432 = arith.addf %add3A_2306, %mul3A_2431 : f32
      %mul3A_2433 = arith.mulf %div3A_2419, %sub3A_2372 : f32
      %mul3A_2434 = arith.mulf %mul3A_2420, %add3A_2312 : f32
      %sub3A_2435 = arith.subf %mul3A_2433, %mul3A_2434 : f32
      %mul3A_2436 = arith.mulf %mul3A_2420, %sub3A_2372 : f32
      %mul3A_2437 = arith.mulf %div3A_2419, %add3A_2312 : f32
      %add3A_2438 = arith.addf %mul3A_2436, %mul3A_2437 : f32
      %mul3A_2439 = arith.mulf %div3A_2419, %sub3A_2378 : f32
      %mul3A_2440 = arith.mulf %mul3A_2420, %add3A_2318 : f32
      %sub3A_2441 = arith.subf %mul3A_2439, %mul3A_2440 : f32
      %mul3A_2442 = arith.mulf %mul3A_2420, %sub3A_2378 : f32
      %mul3A_2443 = arith.mulf %div3A_2419, %add3A_2318 : f32
      %add3A_2444 = arith.addf %mul3A_2442, %mul3A_2443 : f32
      %mul3A_2445 = arith.mulf %div3A_2419, %sub3A_2384 : f32
      %mul3A_2446 = arith.mulf %mul3A_2420, %add3A_2324 : f32
      %sub3A_2447 = arith.subf %mul3A_2445, %mul3A_2446 : f32
      %mul3A_2448 = arith.mulf %mul3A_2420, %sub3A_2384 : f32
      %mul3A_2449 = arith.mulf %div3A_2419, %add3A_2324 : f32
      %add3A_2450 = arith.addf %mul3A_2448, %mul3A_2449 : f32
      %abs3A_2451 = math.absf %add3A_2428 : f32
      %gt3A_2452 = arith.constant 1.000000e-30 : f32
      %gt3A_2453 = arith.cmpf ogt, %abs3A_2451, %gt3A_2452 : f32
      %jit3A_2454 = arith.constant 1.000000e-30 : f32
      %select_n3A_2455 = arith.select %gt3A_2453, %add3A_2428, %jit3A_2454 : f32
      %sub3A_2456 = arith.subf %add3A_2432, %add3A_2369 : f32
      %mul3A_2457 = arith.constant 2.000000e+00 : f32
      %mul3A_2458 = arith.mulf %mul3A_2457, %select_n3A_2455 : f32
      %div3A_2459 = arith.divf %sub3A_2456, %mul3A_2458 : f32
      %sign3A_2460 = arith.bitcast %div3A_2459 : f32 to i32
      %sign3A_2461 = arith.constant -2147483648 : i32
      %sign3A_2462 = arith.andi %sign3A_2460, %sign3A_2461 : i32
      %sign3A_2463 = arith.constant 1065353216 : i32
      %sign3A_2464 = arith.ori %sign3A_2463, %sign3A_2462 : i32
      %sign3A_2465 = arith.bitcast %sign3A_2464 : i32 to f32
      %sign3A_2466 = math.absf %div3A_2459 : f32
      %sign3A_2467 = arith.constant 0.000000e+00 : f32
      %sign3A_2468 = arith.cmpf ogt, %sign3A_2466, %sign3A_2467 : f32
      %sign3A_2469 = arith.select %sign3A_2468, %sign3A_2465, %div3A_2459 : f32
      %abs3A_2470 = math.absf %div3A_2459 : f32
      %mul3A_2471 = arith.mulf %div3A_2459, %div3A_2459 : f32
      %add3A_2472 = arith.constant 1.000000e+00 : f32
      %add3A_2473 = arith.addf %add3A_2472, %mul3A_2471 : f32
      %sqrt3A_2474 = math.sqrt %add3A_2473 : f32
      %add3A_2475 = arith.addf %abs3A_2470, %sqrt3A_2474 : f32
      %div3A_2476 = arith.divf %sign3A_2469, %add3A_2475 : f32
      %mul3A_2477 = arith.mulf %div3A_2476, %div3A_2476 : f32
      %add3A_2478 = arith.constant 1.000000e+00 : f32
      %add3A_2479 = arith.addf %add3A_2478, %mul3A_2477 : f32
      %sqrt3A_2480 = math.sqrt %add3A_2479 : f32
      %div3A_2481 = arith.constant 1.000000e+00 : f32
      %div3A_2482 = arith.divf %div3A_2481, %sqrt3A_2480 : f32
      %mul3A_2483 = arith.mulf %div3A_2476, %div3A_2482 : f32
      %mul3A_2484 = arith.mulf %div3A_2482, %sub3A_2424 : f32
      %mul3A_2485 = arith.constant 0.000000e+00 : f32
      %mul3A_2486 = arith.mulf %mul3A_2483, %mul3A_2485 : f32
      %sub3A_2487 = arith.subf %mul3A_2484, %mul3A_2486 : f32
      %mul3A_2488 = arith.mulf %mul3A_2483, %sub3A_2424 : f32
      %mul3A_2489 = arith.constant 0.000000e+00 : f32
      %mul3A_2490 = arith.mulf %div3A_2482, %mul3A_2489 : f32
      %add3A_2491 = arith.addf %mul3A_2488, %mul3A_2490 : f32
      %mul3A_2492 = arith.mulf %div3A_2476, %add3A_2428 : f32
      %sub3A_2493 = arith.subf %add3A_2369, %mul3A_2492 : f32
      %mul3A_2494 = arith.mulf %div3A_2476, %add3A_2428 : f32
      %add3A_2495 = arith.addf %add3A_2432, %mul3A_2494 : f32
      %mul3A_2496 = arith.mulf %div3A_2482, %add3A_2375 : f32
      %mul3A_2497 = arith.mulf %mul3A_2483, %add3A_2438 : f32
      %sub3A_2498 = arith.subf %mul3A_2496, %mul3A_2497 : f32
      %mul3A_2499 = arith.mulf %mul3A_2483, %add3A_2375 : f32
      %mul3A_2500 = arith.mulf %div3A_2482, %add3A_2438 : f32
      %add3A_2501 = arith.addf %mul3A_2499, %mul3A_2500 : f32
      %mul3A_2502 = arith.mulf %div3A_2482, %add3A_2381 : f32
      %mul3A_2503 = arith.mulf %mul3A_2483, %add3A_2444 : f32
      %sub3A_2504 = arith.subf %mul3A_2502, %mul3A_2503 : f32
      %mul3A_2505 = arith.mulf %mul3A_2483, %add3A_2381 : f32
      %mul3A_2506 = arith.mulf %div3A_2482, %add3A_2444 : f32
      %add3A_2507 = arith.addf %mul3A_2505, %mul3A_2506 : f32
      %mul3A_2508 = arith.mulf %div3A_2482, %add3A_2387 : f32
      %mul3A_2509 = arith.mulf %mul3A_2483, %add3A_2450 : f32
      %sub3A_2510 = arith.subf %mul3A_2508, %mul3A_2509 : f32
      %mul3A_2511 = arith.mulf %mul3A_2483, %add3A_2387 : f32
      %mul3A_2512 = arith.mulf %div3A_2482, %add3A_2450 : f32
      %add3A_2513 = arith.addf %mul3A_2511, %mul3A_2512 : f32
      %abs3A_2514 = math.absf %sub3A_2487 : f32
      %gt3A_2515 = arith.constant 1.000000e-30 : f32
      %gt3A_2516 = arith.cmpf ogt, %abs3A_2514, %gt3A_2515 : f32
      %jit3A_2517 = arith.constant 1.000000e-30 : f32
      %select_n3A_2518 = arith.select %gt3A_2516, %sub3A_2487, %jit3A_2517 : f32
      %sub3A_2519 = arith.subf %sub3A_2493, %sub3A_2430 : f32
      %mul3A_2520 = arith.constant 2.000000e+00 : f32
      %mul3A_2521 = arith.mulf %mul3A_2520, %select_n3A_2518 : f32
      %div3A_2522 = arith.divf %sub3A_2519, %mul3A_2521 : f32
      %sign3A_2523 = arith.bitcast %div3A_2522 : f32 to i32
      %sign3A_2524 = arith.constant -2147483648 : i32
      %sign3A_2525 = arith.andi %sign3A_2523, %sign3A_2524 : i32
      %sign3A_2526 = arith.constant 1065353216 : i32
      %sign3A_2527 = arith.ori %sign3A_2526, %sign3A_2525 : i32
      %sign3A_2528 = arith.bitcast %sign3A_2527 : i32 to f32
      %sign3A_2529 = math.absf %div3A_2522 : f32
      %sign3A_2530 = arith.constant 0.000000e+00 : f32
      %sign3A_2531 = arith.cmpf ogt, %sign3A_2529, %sign3A_2530 : f32
      %sign3A_2532 = arith.select %sign3A_2531, %sign3A_2528, %div3A_2522 : f32
      %abs3A_2533 = math.absf %div3A_2522 : f32
      %mul3A_2534 = arith.mulf %div3A_2522, %div3A_2522 : f32
      %add3A_2535 = arith.constant 1.000000e+00 : f32
      %add3A_2536 = arith.addf %add3A_2535, %mul3A_2534 : f32
      %sqrt3A_2537 = math.sqrt %add3A_2536 : f32
      %add3A_2538 = arith.addf %abs3A_2533, %sqrt3A_2537 : f32
      %div3A_2539 = arith.divf %sign3A_2532, %add3A_2538 : f32
      %mul3A_2540 = arith.mulf %div3A_2539, %div3A_2539 : f32
      %add3A_2541 = arith.constant 1.000000e+00 : f32
      %add3A_2542 = arith.addf %add3A_2541, %mul3A_2540 : f32
      %sqrt3A_2543 = math.sqrt %add3A_2542 : f32
      %div3A_2544 = arith.constant 1.000000e+00 : f32
      %div3A_2545 = arith.divf %div3A_2544, %sqrt3A_2543 : f32
      %mul3A_2546 = arith.mulf %div3A_2539, %div3A_2545 : f32
      %mul3A_2547 = arith.mulf %div3A_2545, %add3A_2491 : f32
      %mul3A_2548 = arith.constant 0.000000e+00 : f32
      %mul3A_2549 = arith.mulf %mul3A_2546, %mul3A_2548 : f32
      %sub3A_2550 = arith.subf %mul3A_2547, %mul3A_2549 : f32
      %mul3A_2551 = arith.mulf %mul3A_2546, %add3A_2491 : f32
      %mul3A_2552 = arith.constant 0.000000e+00 : f32
      %mul3A_2553 = arith.mulf %div3A_2545, %mul3A_2552 : f32
      %add3A_2554 = arith.addf %mul3A_2551, %mul3A_2553 : f32
      %mul3A_2555 = arith.mulf %div3A_2539, %sub3A_2487 : f32
      %sub3A_2556 = arith.subf %sub3A_2430, %mul3A_2555 : f32
      %mul3A_2557 = arith.mulf %div3A_2539, %sub3A_2487 : f32
      %add3A_2558 = arith.addf %sub3A_2493, %mul3A_2557 : f32
      %mul3A_2559 = arith.mulf %div3A_2545, %sub3A_2435 : f32
      %mul3A_2560 = arith.mulf %mul3A_2546, %sub3A_2498 : f32
      %sub3A_2561 = arith.subf %mul3A_2559, %mul3A_2560 : f32
      %mul3A_2562 = arith.mulf %mul3A_2546, %sub3A_2435 : f32
      %mul3A_2563 = arith.mulf %div3A_2545, %sub3A_2498 : f32
      %add3A_2564 = arith.addf %mul3A_2562, %mul3A_2563 : f32
      %mul3A_2565 = arith.mulf %div3A_2545, %sub3A_2441 : f32
      %mul3A_2566 = arith.mulf %mul3A_2546, %sub3A_2504 : f32
      %sub3A_2567 = arith.subf %mul3A_2565, %mul3A_2566 : f32
      %mul3A_2568 = arith.mulf %mul3A_2546, %sub3A_2441 : f32
      %mul3A_2569 = arith.mulf %div3A_2545, %sub3A_2504 : f32
      %add3A_2570 = arith.addf %mul3A_2568, %mul3A_2569 : f32
      %mul3A_2571 = arith.mulf %div3A_2545, %sub3A_2447 : f32
      %mul3A_2572 = arith.mulf %mul3A_2546, %sub3A_2510 : f32
      %sub3A_2573 = arith.subf %mul3A_2571, %mul3A_2572 : f32
      %mul3A_2574 = arith.mulf %mul3A_2546, %sub3A_2447 : f32
      %mul3A_2575 = arith.mulf %div3A_2545, %sub3A_2510 : f32
      %add3A_2576 = arith.addf %mul3A_2574, %mul3A_2575 : f32
      %abs3A_2577 = math.absf %sub3A_2550 : f32
      %gt3A_2578 = arith.constant 1.000000e-30 : f32
      %gt3A_2579 = arith.cmpf ogt, %abs3A_2577, %gt3A_2578 : f32
      %jit3A_2580 = arith.constant 1.000000e-30 : f32
      %select_n3A_2581 = arith.select %gt3A_2579, %sub3A_2550, %jit3A_2580 : f32
      %sub3A_2582 = arith.subf %add3A_2495, %sub3A_2556 : f32
      %mul3A_2583 = arith.constant 2.000000e+00 : f32
      %mul3A_2584 = arith.mulf %mul3A_2583, %select_n3A_2581 : f32
      %div3A_2585 = arith.divf %sub3A_2582, %mul3A_2584 : f32
      %sign3A_2586 = arith.bitcast %div3A_2585 : f32 to i32
      %sign3A_2587 = arith.constant -2147483648 : i32
      %sign3A_2588 = arith.andi %sign3A_2586, %sign3A_2587 : i32
      %sign3A_2589 = arith.constant 1065353216 : i32
      %sign3A_2590 = arith.ori %sign3A_2589, %sign3A_2588 : i32
      %sign3A_2591 = arith.bitcast %sign3A_2590 : i32 to f32
      %sign3A_2592 = math.absf %div3A_2585 : f32
      %sign3A_2593 = arith.constant 0.000000e+00 : f32
      %sign3A_2594 = arith.cmpf ogt, %sign3A_2592, %sign3A_2593 : f32
      %sign3A_2595 = arith.select %sign3A_2594, %sign3A_2591, %div3A_2585 : f32
      %abs3A_2596 = math.absf %div3A_2585 : f32
      %mul3A_2597 = arith.mulf %div3A_2585, %div3A_2585 : f32
      %add3A_2598 = arith.constant 1.000000e+00 : f32
      %add3A_2599 = arith.addf %add3A_2598, %mul3A_2597 : f32
      %sqrt3A_2600 = math.sqrt %add3A_2599 : f32
      %add3A_2601 = arith.addf %abs3A_2596, %sqrt3A_2600 : f32
      %div3A_2602 = arith.divf %sign3A_2595, %add3A_2601 : f32
      %mul3A_2603 = arith.mulf %div3A_2602, %div3A_2602 : f32
      %add3A_2604 = arith.constant 1.000000e+00 : f32
      %add3A_2605 = arith.addf %add3A_2604, %mul3A_2603 : f32
      %sqrt3A_2606 = math.sqrt %add3A_2605 : f32
      %div3A_2607 = arith.constant 1.000000e+00 : f32
      %div3A_2608 = arith.divf %div3A_2607, %sqrt3A_2606 : f32
      %mul3A_2609 = arith.mulf %div3A_2602, %div3A_2608 : f32
      %mul3A_2610 = arith.constant 0.000000e+00 : f32
      %mul3A_2611 = arith.mulf %div3A_2608, %mul3A_2610 : f32
      %mul3A_2612 = arith.mulf %mul3A_2609, %add3A_2554 : f32
      %sub3A_2613 = arith.subf %mul3A_2611, %mul3A_2612 : f32
      %mul3A_2614 = arith.constant 0.000000e+00 : f32
      %mul3A_2615 = arith.mulf %mul3A_2609, %mul3A_2614 : f32
      %mul3A_2616 = arith.mulf %div3A_2608, %add3A_2554 : f32
      %add3A_2617 = arith.addf %mul3A_2615, %mul3A_2616 : f32
      %mul3A_2618 = arith.mulf %div3A_2602, %sub3A_2550 : f32
      %sub3A_2619 = arith.subf %sub3A_2556, %mul3A_2618 : f32
      %mul3A_2620 = arith.mulf %div3A_2602, %sub3A_2550 : f32
      %add3A_2621 = arith.addf %add3A_2495, %mul3A_2620 : f32
      %mul3A_2622 = arith.mulf %div3A_2608, %sub3A_2561 : f32
      %mul3A_2623 = arith.mulf %mul3A_2609, %add3A_2501 : f32
      %sub3A_2624 = arith.subf %mul3A_2622, %mul3A_2623 : f32
      %mul3A_2625 = arith.mulf %mul3A_2609, %sub3A_2561 : f32
      %mul3A_2626 = arith.mulf %div3A_2608, %add3A_2501 : f32
      %add3A_2627 = arith.addf %mul3A_2625, %mul3A_2626 : f32
      %mul3A_2628 = arith.mulf %div3A_2608, %sub3A_2567 : f32
      %mul3A_2629 = arith.mulf %mul3A_2609, %add3A_2507 : f32
      %sub3A_2630 = arith.subf %mul3A_2628, %mul3A_2629 : f32
      %mul3A_2631 = arith.mulf %mul3A_2609, %sub3A_2567 : f32
      %mul3A_2632 = arith.mulf %div3A_2608, %add3A_2507 : f32
      %add3A_2633 = arith.addf %mul3A_2631, %mul3A_2632 : f32
      %mul3A_2634 = arith.mulf %div3A_2608, %sub3A_2573 : f32
      %mul3A_2635 = arith.mulf %mul3A_2609, %add3A_2513 : f32
      %sub3A_2636 = arith.subf %mul3A_2634, %mul3A_2635 : f32
      %mul3A_2637 = arith.mulf %mul3A_2609, %sub3A_2573 : f32
      %mul3A_2638 = arith.mulf %div3A_2608, %add3A_2513 : f32
      %add3A_2639 = arith.addf %mul3A_2637, %mul3A_2638 : f32
      %abs3A_2640 = math.absf %add3A_2617 : f32
      %gt3A_2641 = arith.constant 1.000000e-30 : f32
      %gt3A_2642 = arith.cmpf ogt, %abs3A_2640, %gt3A_2641 : f32
      %jit3A_2643 = arith.constant 1.000000e-30 : f32
      %select_n3A_2644 = arith.select %gt3A_2642, %add3A_2617, %jit3A_2643 : f32
      %sub3A_2645 = arith.subf %add3A_2621, %add3A_2558 : f32
      %mul3A_2646 = arith.constant 2.000000e+00 : f32
      %mul3A_2647 = arith.mulf %mul3A_2646, %select_n3A_2644 : f32
      %div3A_2648 = arith.divf %sub3A_2645, %mul3A_2647 : f32
      %sign3A_2649 = arith.bitcast %div3A_2648 : f32 to i32
      %sign3A_2650 = arith.constant -2147483648 : i32
      %sign3A_2651 = arith.andi %sign3A_2649, %sign3A_2650 : i32
      %sign3A_2652 = arith.constant 1065353216 : i32
      %sign3A_2653 = arith.ori %sign3A_2652, %sign3A_2651 : i32
      %sign3A_2654 = arith.bitcast %sign3A_2653 : i32 to f32
      %sign3A_2655 = math.absf %div3A_2648 : f32
      %sign3A_2656 = arith.constant 0.000000e+00 : f32
      %sign3A_2657 = arith.cmpf ogt, %sign3A_2655, %sign3A_2656 : f32
      %sign3A_2658 = arith.select %sign3A_2657, %sign3A_2654, %div3A_2648 : f32
      %abs3A_2659 = math.absf %div3A_2648 : f32
      %mul3A_2660 = arith.mulf %div3A_2648, %div3A_2648 : f32
      %add3A_2661 = arith.constant 1.000000e+00 : f32
      %add3A_2662 = arith.addf %add3A_2661, %mul3A_2660 : f32
      %sqrt3A_2663 = math.sqrt %add3A_2662 : f32
      %add3A_2664 = arith.addf %abs3A_2659, %sqrt3A_2663 : f32
      %div3A_2665 = arith.divf %sign3A_2658, %add3A_2664 : f32
      %mul3A_2666 = arith.mulf %div3A_2665, %div3A_2665 : f32
      %add3A_2667 = arith.constant 1.000000e+00 : f32
      %add3A_2668 = arith.addf %add3A_2667, %mul3A_2666 : f32
      %sqrt3A_2669 = math.sqrt %add3A_2668 : f32
      %div3A_2670 = arith.constant 1.000000e+00 : f32
      %div3A_2671 = arith.divf %div3A_2670, %sqrt3A_2669 : f32
      %mul3A_2672 = arith.mulf %div3A_2665, %div3A_2671 : f32
      %mul3A_2673 = arith.mulf %div3A_2671, %sub3A_2613 : f32
      %mul3A_2674 = arith.constant 0.000000e+00 : f32
      %mul3A_2675 = arith.mulf %mul3A_2672, %mul3A_2674 : f32
      %sub3A_2676 = arith.subf %mul3A_2673, %mul3A_2675 : f32
      %mul3A_2677 = arith.mulf %mul3A_2672, %sub3A_2613 : f32
      %mul3A_2678 = arith.constant 0.000000e+00 : f32
      %mul3A_2679 = arith.mulf %div3A_2671, %mul3A_2678 : f32
      %add3A_2680 = arith.addf %mul3A_2677, %mul3A_2679 : f32
      %mul3A_2681 = arith.mulf %div3A_2665, %add3A_2617 : f32
      %sub3A_2682 = arith.subf %add3A_2558, %mul3A_2681 : f32
      %mul3A_2683 = arith.mulf %div3A_2665, %add3A_2617 : f32
      %add3A_2684 = arith.addf %add3A_2621, %mul3A_2683 : f32
      %mul3A_2685 = arith.mulf %div3A_2671, %add3A_2564 : f32
      %mul3A_2686 = arith.mulf %mul3A_2672, %add3A_2627 : f32
      %sub3A_2687 = arith.subf %mul3A_2685, %mul3A_2686 : f32
      %mul3A_2688 = arith.mulf %mul3A_2672, %add3A_2564 : f32
      %mul3A_2689 = arith.mulf %div3A_2671, %add3A_2627 : f32
      %add3A_2690 = arith.addf %mul3A_2688, %mul3A_2689 : f32
      %mul3A_2691 = arith.mulf %div3A_2671, %add3A_2570 : f32
      %mul3A_2692 = arith.mulf %mul3A_2672, %add3A_2633 : f32
      %sub3A_2693 = arith.subf %mul3A_2691, %mul3A_2692 : f32
      %mul3A_2694 = arith.mulf %mul3A_2672, %add3A_2570 : f32
      %mul3A_2695 = arith.mulf %div3A_2671, %add3A_2633 : f32
      %add3A_2696 = arith.addf %mul3A_2694, %mul3A_2695 : f32
      %mul3A_2697 = arith.mulf %div3A_2671, %add3A_2576 : f32
      %mul3A_2698 = arith.mulf %mul3A_2672, %add3A_2639 : f32
      %sub3A_2699 = arith.subf %mul3A_2697, %mul3A_2698 : f32
      %mul3A_2700 = arith.mulf %mul3A_2672, %add3A_2576 : f32
      %mul3A_2701 = arith.mulf %div3A_2671, %add3A_2639 : f32
      %add3A_2702 = arith.addf %mul3A_2700, %mul3A_2701 : f32
      %abs3A_2703 = math.absf %sub3A_2676 : f32
      %gt3A_2704 = arith.constant 1.000000e-30 : f32
      %gt3A_2705 = arith.cmpf ogt, %abs3A_2703, %gt3A_2704 : f32
      %jit3A_2706 = arith.constant 1.000000e-30 : f32
      %select_n3A_2707 = arith.select %gt3A_2705, %sub3A_2676, %jit3A_2706 : f32
      %sub3A_2708 = arith.subf %sub3A_2682, %sub3A_2619 : f32
      %mul3A_2709 = arith.constant 2.000000e+00 : f32
      %mul3A_2710 = arith.mulf %mul3A_2709, %select_n3A_2707 : f32
      %div3A_2711 = arith.divf %sub3A_2708, %mul3A_2710 : f32
      %sign3A_2712 = arith.bitcast %div3A_2711 : f32 to i32
      %sign3A_2713 = arith.constant -2147483648 : i32
      %sign3A_2714 = arith.andi %sign3A_2712, %sign3A_2713 : i32
      %sign3A_2715 = arith.constant 1065353216 : i32
      %sign3A_2716 = arith.ori %sign3A_2715, %sign3A_2714 : i32
      %sign3A_2717 = arith.bitcast %sign3A_2716 : i32 to f32
      %sign3A_2718 = math.absf %div3A_2711 : f32
      %sign3A_2719 = arith.constant 0.000000e+00 : f32
      %sign3A_2720 = arith.cmpf ogt, %sign3A_2718, %sign3A_2719 : f32
      %sign3A_2721 = arith.select %sign3A_2720, %sign3A_2717, %div3A_2711 : f32
      %abs3A_2722 = math.absf %div3A_2711 : f32
      %mul3A_2723 = arith.mulf %div3A_2711, %div3A_2711 : f32
      %add3A_2724 = arith.constant 1.000000e+00 : f32
      %add3A_2725 = arith.addf %add3A_2724, %mul3A_2723 : f32
      %sqrt3A_2726 = math.sqrt %add3A_2725 : f32
      %add3A_2727 = arith.addf %abs3A_2722, %sqrt3A_2726 : f32
      %div3A_2728 = arith.divf %sign3A_2721, %add3A_2727 : f32
      %mul3A_2729 = arith.mulf %div3A_2728, %div3A_2728 : f32
      %add3A_2730 = arith.constant 1.000000e+00 : f32
      %add3A_2731 = arith.addf %add3A_2730, %mul3A_2729 : f32
      %sqrt3A_2732 = math.sqrt %add3A_2731 : f32
      %div3A_2733 = arith.constant 1.000000e+00 : f32
      %div3A_2734 = arith.divf %div3A_2733, %sqrt3A_2732 : f32
      %mul3A_2735 = arith.mulf %div3A_2728, %div3A_2734 : f32
      %mul3A_2736 = arith.mulf %div3A_2734, %add3A_2680 : f32
      %mul3A_2737 = arith.constant 0.000000e+00 : f32
      %mul3A_2738 = arith.mulf %mul3A_2735, %mul3A_2737 : f32
      %sub3A_2739 = arith.subf %mul3A_2736, %mul3A_2738 : f32
      %mul3A_2740 = arith.mulf %mul3A_2735, %add3A_2680 : f32
      %mul3A_2741 = arith.constant 0.000000e+00 : f32
      %mul3A_2742 = arith.mulf %div3A_2734, %mul3A_2741 : f32
      %add3A_2743 = arith.addf %mul3A_2740, %mul3A_2742 : f32
      %mul3A_2744 = arith.mulf %div3A_2728, %sub3A_2676 : f32
      %sub3A_2745 = arith.subf %sub3A_2619, %mul3A_2744 : f32
      %mul3A_2746 = arith.mulf %div3A_2728, %sub3A_2676 : f32
      %add3A_2747 = arith.addf %sub3A_2682, %mul3A_2746 : f32
      %mul3A_2748 = arith.mulf %div3A_2734, %sub3A_2624 : f32
      %mul3A_2749 = arith.mulf %mul3A_2735, %sub3A_2687 : f32
      %sub3A_2750 = arith.subf %mul3A_2748, %mul3A_2749 : f32
      %mul3A_2751 = arith.mulf %mul3A_2735, %sub3A_2624 : f32
      %mul3A_2752 = arith.mulf %div3A_2734, %sub3A_2687 : f32
      %add3A_2753 = arith.addf %mul3A_2751, %mul3A_2752 : f32
      %mul3A_2754 = arith.mulf %div3A_2734, %sub3A_2630 : f32
      %mul3A_2755 = arith.mulf %mul3A_2735, %sub3A_2693 : f32
      %sub3A_2756 = arith.subf %mul3A_2754, %mul3A_2755 : f32
      %mul3A_2757 = arith.mulf %mul3A_2735, %sub3A_2630 : f32
      %mul3A_2758 = arith.mulf %div3A_2734, %sub3A_2693 : f32
      %add3A_2759 = arith.addf %mul3A_2757, %mul3A_2758 : f32
      %mul3A_2760 = arith.mulf %div3A_2734, %sub3A_2636 : f32
      %mul3A_2761 = arith.mulf %mul3A_2735, %sub3A_2699 : f32
      %sub3A_2762 = arith.subf %mul3A_2760, %mul3A_2761 : f32
      %mul3A_2763 = arith.mulf %mul3A_2735, %sub3A_2636 : f32
      %mul3A_2764 = arith.mulf %div3A_2734, %sub3A_2699 : f32
      %add3A_2765 = arith.addf %mul3A_2763, %mul3A_2764 : f32
      %abs3A_2766 = math.absf %sub3A_2739 : f32
      %gt3A_2767 = arith.constant 1.000000e-30 : f32
      %gt3A_2768 = arith.cmpf ogt, %abs3A_2766, %gt3A_2767 : f32
      %jit3A_2769 = arith.constant 1.000000e-30 : f32
      %select_n3A_2770 = arith.select %gt3A_2768, %sub3A_2739, %jit3A_2769 : f32
      %sub3A_2771 = arith.subf %add3A_2684, %sub3A_2745 : f32
      %mul3A_2772 = arith.constant 2.000000e+00 : f32
      %mul3A_2773 = arith.mulf %mul3A_2772, %select_n3A_2770 : f32
      %div3A_2774 = arith.divf %sub3A_2771, %mul3A_2773 : f32
      %sign3A_2775 = arith.bitcast %div3A_2774 : f32 to i32
      %sign3A_2776 = arith.constant -2147483648 : i32
      %sign3A_2777 = arith.andi %sign3A_2775, %sign3A_2776 : i32
      %sign3A_2778 = arith.constant 1065353216 : i32
      %sign3A_2779 = arith.ori %sign3A_2778, %sign3A_2777 : i32
      %sign3A_2780 = arith.bitcast %sign3A_2779 : i32 to f32
      %sign3A_2781 = math.absf %div3A_2774 : f32
      %sign3A_2782 = arith.constant 0.000000e+00 : f32
      %sign3A_2783 = arith.cmpf ogt, %sign3A_2781, %sign3A_2782 : f32
      %sign3A_2784 = arith.select %sign3A_2783, %sign3A_2780, %div3A_2774 : f32
      %abs3A_2785 = math.absf %div3A_2774 : f32
      %mul3A_2786 = arith.mulf %div3A_2774, %div3A_2774 : f32
      %add3A_2787 = arith.constant 1.000000e+00 : f32
      %add3A_2788 = arith.addf %add3A_2787, %mul3A_2786 : f32
      %sqrt3A_2789 = math.sqrt %add3A_2788 : f32
      %add3A_2790 = arith.addf %abs3A_2785, %sqrt3A_2789 : f32
      %div3A_2791 = arith.divf %sign3A_2784, %add3A_2790 : f32
      %mul3A_2792 = arith.mulf %div3A_2791, %div3A_2791 : f32
      %add3A_2793 = arith.constant 1.000000e+00 : f32
      %add3A_2794 = arith.addf %add3A_2793, %mul3A_2792 : f32
      %sqrt3A_2795 = math.sqrt %add3A_2794 : f32
      %div3A_2796 = arith.constant 1.000000e+00 : f32
      %div3A_2797 = arith.divf %div3A_2796, %sqrt3A_2795 : f32
      %mul3A_2798 = arith.mulf %div3A_2791, %div3A_2797 : f32
      %mul3A_2799 = arith.constant 0.000000e+00 : f32
      %mul3A_2800 = arith.mulf %div3A_2797, %mul3A_2799 : f32
      %mul3A_2801 = arith.mulf %mul3A_2798, %add3A_2743 : f32
      %sub3A_2802 = arith.subf %mul3A_2800, %mul3A_2801 : f32
      %mul3A_2803 = arith.constant 0.000000e+00 : f32
      %mul3A_2804 = arith.mulf %mul3A_2798, %mul3A_2803 : f32
      %mul3A_2805 = arith.mulf %div3A_2797, %add3A_2743 : f32
      %add3A_2806 = arith.addf %mul3A_2804, %mul3A_2805 : f32
      %mul3A_2807 = arith.mulf %div3A_2791, %sub3A_2739 : f32
      %sub3A_2808 = arith.subf %sub3A_2745, %mul3A_2807 : f32
      %mul3A_2809 = arith.mulf %div3A_2791, %sub3A_2739 : f32
      %add3A_2810 = arith.addf %add3A_2684, %mul3A_2809 : f32
      %mul3A_2811 = arith.mulf %div3A_2797, %sub3A_2750 : f32
      %mul3A_2812 = arith.mulf %mul3A_2798, %add3A_2690 : f32
      %sub3A_2813 = arith.subf %mul3A_2811, %mul3A_2812 : f32
      %mul3A_2814 = arith.mulf %mul3A_2798, %sub3A_2750 : f32
      %mul3A_2815 = arith.mulf %div3A_2797, %add3A_2690 : f32
      %add3A_2816 = arith.addf %mul3A_2814, %mul3A_2815 : f32
      %mul3A_2817 = arith.mulf %div3A_2797, %sub3A_2756 : f32
      %mul3A_2818 = arith.mulf %mul3A_2798, %add3A_2696 : f32
      %sub3A_2819 = arith.subf %mul3A_2817, %mul3A_2818 : f32
      %mul3A_2820 = arith.mulf %mul3A_2798, %sub3A_2756 : f32
      %mul3A_2821 = arith.mulf %div3A_2797, %add3A_2696 : f32
      %add3A_2822 = arith.addf %mul3A_2820, %mul3A_2821 : f32
      %mul3A_2823 = arith.mulf %div3A_2797, %sub3A_2762 : f32
      %mul3A_2824 = arith.mulf %mul3A_2798, %add3A_2702 : f32
      %sub3A_2825 = arith.subf %mul3A_2823, %mul3A_2824 : f32
      %mul3A_2826 = arith.mulf %mul3A_2798, %sub3A_2762 : f32
      %mul3A_2827 = arith.mulf %div3A_2797, %add3A_2702 : f32
      %add3A_2828 = arith.addf %mul3A_2826, %mul3A_2827 : f32
      %abs3A_2829 = math.absf %add3A_2806 : f32
      %gt3A_2830 = arith.constant 1.000000e-30 : f32
      %gt3A_2831 = arith.cmpf ogt, %abs3A_2829, %gt3A_2830 : f32
      %jit3A_2832 = arith.constant 1.000000e-30 : f32
      %select_n3A_2833 = arith.select %gt3A_2831, %add3A_2806, %jit3A_2832 : f32
      %sub3A_2834 = arith.subf %add3A_2810, %add3A_2747 : f32
      %mul3A_2835 = arith.constant 2.000000e+00 : f32
      %mul3A_2836 = arith.mulf %mul3A_2835, %select_n3A_2833 : f32
      %div3A_2837 = arith.divf %sub3A_2834, %mul3A_2836 : f32
      %sign3A_2838 = arith.bitcast %div3A_2837 : f32 to i32
      %sign3A_2839 = arith.constant -2147483648 : i32
      %sign3A_2840 = arith.andi %sign3A_2838, %sign3A_2839 : i32
      %sign3A_2841 = arith.constant 1065353216 : i32
      %sign3A_2842 = arith.ori %sign3A_2841, %sign3A_2840 : i32
      %sign3A_2843 = arith.bitcast %sign3A_2842 : i32 to f32
      %sign3A_2844 = math.absf %div3A_2837 : f32
      %sign3A_2845 = arith.constant 0.000000e+00 : f32
      %sign3A_2846 = arith.cmpf ogt, %sign3A_2844, %sign3A_2845 : f32
      %sign3A_2847 = arith.select %sign3A_2846, %sign3A_2843, %div3A_2837 : f32
      %abs3A_2848 = math.absf %div3A_2837 : f32
      %mul3A_2849 = arith.mulf %div3A_2837, %div3A_2837 : f32
      %add3A_2850 = arith.constant 1.000000e+00 : f32
      %add3A_2851 = arith.addf %add3A_2850, %mul3A_2849 : f32
      %sqrt3A_2852 = math.sqrt %add3A_2851 : f32
      %add3A_2853 = arith.addf %abs3A_2848, %sqrt3A_2852 : f32
      %div3A_2854 = arith.divf %sign3A_2847, %add3A_2853 : f32
      %mul3A_2855 = arith.mulf %div3A_2854, %div3A_2854 : f32
      %add3A_2856 = arith.constant 1.000000e+00 : f32
      %add3A_2857 = arith.addf %add3A_2856, %mul3A_2855 : f32
      %sqrt3A_2858 = math.sqrt %add3A_2857 : f32
      %div3A_2859 = arith.constant 1.000000e+00 : f32
      %div3A_2860 = arith.divf %div3A_2859, %sqrt3A_2858 : f32
      %mul3A_2861 = arith.mulf %div3A_2854, %div3A_2860 : f32
      %mul3A_2862 = arith.mulf %div3A_2860, %sub3A_2802 : f32
      %mul3A_2863 = arith.constant 0.000000e+00 : f32
      %mul3A_2864 = arith.mulf %mul3A_2861, %mul3A_2863 : f32
      %sub3A_2865 = arith.subf %mul3A_2862, %mul3A_2864 : f32
      %mul3A_2866 = arith.mulf %mul3A_2861, %sub3A_2802 : f32
      %mul3A_2867 = arith.constant 0.000000e+00 : f32
      %mul3A_2868 = arith.mulf %div3A_2860, %mul3A_2867 : f32
      %add3A_2869 = arith.addf %mul3A_2866, %mul3A_2868 : f32
      %mul3A_2870 = arith.mulf %div3A_2854, %add3A_2806 : f32
      %sub3A_2871 = arith.subf %add3A_2747, %mul3A_2870 : f32
      %mul3A_2872 = arith.mulf %div3A_2854, %add3A_2806 : f32
      %add3A_2873 = arith.addf %add3A_2810, %mul3A_2872 : f32
      %mul3A_2874 = arith.mulf %div3A_2860, %add3A_2753 : f32
      %mul3A_2875 = arith.mulf %mul3A_2861, %add3A_2816 : f32
      %sub3A_2876 = arith.subf %mul3A_2874, %mul3A_2875 : f32
      %mul3A_2877 = arith.mulf %mul3A_2861, %add3A_2753 : f32
      %mul3A_2878 = arith.mulf %div3A_2860, %add3A_2816 : f32
      %add3A_2879 = arith.addf %mul3A_2877, %mul3A_2878 : f32
      %mul3A_2880 = arith.mulf %div3A_2860, %add3A_2759 : f32
      %mul3A_2881 = arith.mulf %mul3A_2861, %add3A_2822 : f32
      %sub3A_2882 = arith.subf %mul3A_2880, %mul3A_2881 : f32
      %mul3A_2883 = arith.mulf %mul3A_2861, %add3A_2759 : f32
      %mul3A_2884 = arith.mulf %div3A_2860, %add3A_2822 : f32
      %add3A_2885 = arith.addf %mul3A_2883, %mul3A_2884 : f32
      %mul3A_2886 = arith.mulf %div3A_2860, %add3A_2765 : f32
      %mul3A_2887 = arith.mulf %mul3A_2861, %add3A_2828 : f32
      %sub3A_2888 = arith.subf %mul3A_2886, %mul3A_2887 : f32
      %mul3A_2889 = arith.mulf %mul3A_2861, %add3A_2765 : f32
      %mul3A_2890 = arith.mulf %div3A_2860, %add3A_2828 : f32
      %add3A_2891 = arith.addf %mul3A_2889, %mul3A_2890 : f32
      %abs3A_2892 = math.absf %sub3A_2865 : f32
      %gt3A_2893 = arith.constant 1.000000e-30 : f32
      %gt3A_2894 = arith.cmpf ogt, %abs3A_2892, %gt3A_2893 : f32
      %jit3A_2895 = arith.constant 1.000000e-30 : f32
      %select_n3A_2896 = arith.select %gt3A_2894, %sub3A_2865, %jit3A_2895 : f32
      %sub3A_2897 = arith.subf %sub3A_2871, %sub3A_2808 : f32
      %mul3A_2898 = arith.constant 2.000000e+00 : f32
      %mul3A_2899 = arith.mulf %mul3A_2898, %select_n3A_2896 : f32
      %div3A_2900 = arith.divf %sub3A_2897, %mul3A_2899 : f32
      %sign3A_2901 = arith.bitcast %div3A_2900 : f32 to i32
      %sign3A_2902 = arith.constant -2147483648 : i32
      %sign3A_2903 = arith.andi %sign3A_2901, %sign3A_2902 : i32
      %sign3A_2904 = arith.constant 1065353216 : i32
      %sign3A_2905 = arith.ori %sign3A_2904, %sign3A_2903 : i32
      %sign3A_2906 = arith.bitcast %sign3A_2905 : i32 to f32
      %sign3A_2907 = math.absf %div3A_2900 : f32
      %sign3A_2908 = arith.constant 0.000000e+00 : f32
      %sign3A_2909 = arith.cmpf ogt, %sign3A_2907, %sign3A_2908 : f32
      %sign3A_2910 = arith.select %sign3A_2909, %sign3A_2906, %div3A_2900 : f32
      %abs3A_2911 = math.absf %div3A_2900 : f32
      %mul3A_2912 = arith.mulf %div3A_2900, %div3A_2900 : f32
      %add3A_2913 = arith.constant 1.000000e+00 : f32
      %add3A_2914 = arith.addf %add3A_2913, %mul3A_2912 : f32
      %sqrt3A_2915 = math.sqrt %add3A_2914 : f32
      %add3A_2916 = arith.addf %abs3A_2911, %sqrt3A_2915 : f32
      %div3A_2917 = arith.divf %sign3A_2910, %add3A_2916 : f32
      %mul3A_2918 = arith.mulf %div3A_2917, %div3A_2917 : f32
      %add3A_2919 = arith.constant 1.000000e+00 : f32
      %add3A_2920 = arith.addf %add3A_2919, %mul3A_2918 : f32
      %sqrt3A_2921 = math.sqrt %add3A_2920 : f32
      %div3A_2922 = arith.constant 1.000000e+00 : f32
      %div3A_2923 = arith.divf %div3A_2922, %sqrt3A_2921 : f32
      %mul3A_2924 = arith.mulf %div3A_2917, %div3A_2923 : f32
      %mul3A_2925 = arith.mulf %div3A_2923, %add3A_2869 : f32
      %mul3A_2926 = arith.constant 0.000000e+00 : f32
      %mul3A_2927 = arith.mulf %mul3A_2924, %mul3A_2926 : f32
      %sub3A_2928 = arith.subf %mul3A_2925, %mul3A_2927 : f32
      %mul3A_2929 = arith.mulf %mul3A_2924, %add3A_2869 : f32
      %mul3A_2930 = arith.constant 0.000000e+00 : f32
      %mul3A_2931 = arith.mulf %div3A_2923, %mul3A_2930 : f32
      %add3A_2932 = arith.addf %mul3A_2929, %mul3A_2931 : f32
      %mul3A_2933 = arith.mulf %div3A_2917, %sub3A_2865 : f32
      %sub3A_2934 = arith.subf %sub3A_2808, %mul3A_2933 : f32
      %mul3A_2935 = arith.mulf %div3A_2917, %sub3A_2865 : f32
      %add3A_2936 = arith.addf %sub3A_2871, %mul3A_2935 : f32
      %mul3A_2937 = arith.mulf %div3A_2923, %sub3A_2813 : f32
      %mul3A_2938 = arith.mulf %mul3A_2924, %sub3A_2876 : f32
      %sub3A_2939 = arith.subf %mul3A_2937, %mul3A_2938 : f32
      %mul3A_2940 = arith.mulf %mul3A_2924, %sub3A_2813 : f32
      %mul3A_2941 = arith.mulf %div3A_2923, %sub3A_2876 : f32
      %add3A_2942 = arith.addf %mul3A_2940, %mul3A_2941 : f32
      %mul3A_2943 = arith.mulf %div3A_2923, %sub3A_2819 : f32
      %mul3A_2944 = arith.mulf %mul3A_2924, %sub3A_2882 : f32
      %sub3A_2945 = arith.subf %mul3A_2943, %mul3A_2944 : f32
      %mul3A_2946 = arith.mulf %mul3A_2924, %sub3A_2819 : f32
      %mul3A_2947 = arith.mulf %div3A_2923, %sub3A_2882 : f32
      %add3A_2948 = arith.addf %mul3A_2946, %mul3A_2947 : f32
      %mul3A_2949 = arith.mulf %div3A_2923, %sub3A_2825 : f32
      %mul3A_2950 = arith.mulf %mul3A_2924, %sub3A_2888 : f32
      %sub3A_2951 = arith.subf %mul3A_2949, %mul3A_2950 : f32
      %mul3A_2952 = arith.mulf %mul3A_2924, %sub3A_2825 : f32
      %mul3A_2953 = arith.mulf %div3A_2923, %sub3A_2888 : f32
      %add3A_2954 = arith.addf %mul3A_2952, %mul3A_2953 : f32
      %abs3A_2955 = math.absf %sub3A_2928 : f32
      %gt3A_2956 = arith.constant 1.000000e-30 : f32
      %gt3A_2957 = arith.cmpf ogt, %abs3A_2955, %gt3A_2956 : f32
      %jit3A_2958 = arith.constant 1.000000e-30 : f32
      %select_n3A_2959 = arith.select %gt3A_2957, %sub3A_2928, %jit3A_2958 : f32
      %sub3A_2960 = arith.subf %add3A_2873, %sub3A_2934 : f32
      %mul3A_2961 = arith.constant 2.000000e+00 : f32
      %mul3A_2962 = arith.mulf %mul3A_2961, %select_n3A_2959 : f32
      %div3A_2963 = arith.divf %sub3A_2960, %mul3A_2962 : f32
      %sign3A_2964 = arith.bitcast %div3A_2963 : f32 to i32
      %sign3A_2965 = arith.constant -2147483648 : i32
      %sign3A_2966 = arith.andi %sign3A_2964, %sign3A_2965 : i32
      %sign3A_2967 = arith.constant 1065353216 : i32
      %sign3A_2968 = arith.ori %sign3A_2967, %sign3A_2966 : i32
      %sign3A_2969 = arith.bitcast %sign3A_2968 : i32 to f32
      %sign3A_2970 = math.absf %div3A_2963 : f32
      %sign3A_2971 = arith.constant 0.000000e+00 : f32
      %sign3A_2972 = arith.cmpf ogt, %sign3A_2970, %sign3A_2971 : f32
      %sign3A_2973 = arith.select %sign3A_2972, %sign3A_2969, %div3A_2963 : f32
      %abs3A_2974 = math.absf %div3A_2963 : f32
      %mul3A_2975 = arith.mulf %div3A_2963, %div3A_2963 : f32
      %add3A_2976 = arith.constant 1.000000e+00 : f32
      %add3A_2977 = arith.addf %add3A_2976, %mul3A_2975 : f32
      %sqrt3A_2978 = math.sqrt %add3A_2977 : f32
      %add3A_2979 = arith.addf %abs3A_2974, %sqrt3A_2978 : f32
      %div3A_2980 = arith.divf %sign3A_2973, %add3A_2979 : f32
      %mul3A_2981 = arith.mulf %div3A_2980, %div3A_2980 : f32
      %add3A_2982 = arith.constant 1.000000e+00 : f32
      %add3A_2983 = arith.addf %add3A_2982, %mul3A_2981 : f32
      %sqrt3A_2984 = math.sqrt %add3A_2983 : f32
      %div3A_2985 = arith.constant 1.000000e+00 : f32
      %div3A_2986 = arith.divf %div3A_2985, %sqrt3A_2984 : f32
      %mul3A_2987 = arith.mulf %div3A_2980, %div3A_2986 : f32
      %mul3A_2988 = arith.constant 0.000000e+00 : f32
      %mul3A_2989 = arith.mulf %div3A_2986, %mul3A_2988 : f32
      %mul3A_2990 = arith.mulf %mul3A_2987, %add3A_2932 : f32
      %sub3A_2991 = arith.subf %mul3A_2989, %mul3A_2990 : f32
      %mul3A_2992 = arith.constant 0.000000e+00 : f32
      %mul3A_2993 = arith.mulf %mul3A_2987, %mul3A_2992 : f32
      %mul3A_2994 = arith.mulf %div3A_2986, %add3A_2932 : f32
      %add3A_2995 = arith.addf %mul3A_2993, %mul3A_2994 : f32
      %mul3A_2996 = arith.mulf %div3A_2980, %sub3A_2928 : f32
      %sub3A_2997 = arith.subf %sub3A_2934, %mul3A_2996 : f32
      %mul3A_2998 = arith.mulf %div3A_2980, %sub3A_2928 : f32
      %add3A_2999 = arith.addf %add3A_2873, %mul3A_2998 : f32
      %mul3A_3000 = arith.mulf %div3A_2986, %sub3A_2939 : f32
      %mul3A_3001 = arith.mulf %mul3A_2987, %add3A_2879 : f32
      %sub3A_3002 = arith.subf %mul3A_3000, %mul3A_3001 : f32
      %mul3A_3003 = arith.mulf %mul3A_2987, %sub3A_2939 : f32
      %mul3A_3004 = arith.mulf %div3A_2986, %add3A_2879 : f32
      %add3A_3005 = arith.addf %mul3A_3003, %mul3A_3004 : f32
      %mul3A_3006 = arith.mulf %div3A_2986, %sub3A_2945 : f32
      %mul3A_3007 = arith.mulf %mul3A_2987, %add3A_2885 : f32
      %sub3A_3008 = arith.subf %mul3A_3006, %mul3A_3007 : f32
      %mul3A_3009 = arith.mulf %mul3A_2987, %sub3A_2945 : f32
      %mul3A_3010 = arith.mulf %div3A_2986, %add3A_2885 : f32
      %add3A_3011 = arith.addf %mul3A_3009, %mul3A_3010 : f32
      %mul3A_3012 = arith.mulf %div3A_2986, %sub3A_2951 : f32
      %mul3A_3013 = arith.mulf %mul3A_2987, %add3A_2891 : f32
      %sub3A_3014 = arith.subf %mul3A_3012, %mul3A_3013 : f32
      %mul3A_3015 = arith.mulf %mul3A_2987, %sub3A_2951 : f32
      %mul3A_3016 = arith.mulf %div3A_2986, %add3A_2891 : f32
      %add3A_3017 = arith.addf %mul3A_3015, %mul3A_3016 : f32
      %abs3A_3018 = math.absf %add3A_2995 : f32
      %gt3A_3019 = arith.constant 1.000000e-30 : f32
      %gt3A_3020 = arith.cmpf ogt, %abs3A_3018, %gt3A_3019 : f32
      %jit3A_3021 = arith.constant 1.000000e-30 : f32
      %select_n3A_3022 = arith.select %gt3A_3020, %add3A_2995, %jit3A_3021 : f32
      %sub3A_3023 = arith.subf %add3A_2999, %add3A_2936 : f32
      %mul3A_3024 = arith.constant 2.000000e+00 : f32
      %mul3A_3025 = arith.mulf %mul3A_3024, %select_n3A_3022 : f32
      %div3A_3026 = arith.divf %sub3A_3023, %mul3A_3025 : f32
      %sign3A_3027 = arith.bitcast %div3A_3026 : f32 to i32
      %sign3A_3028 = arith.constant -2147483648 : i32
      %sign3A_3029 = arith.andi %sign3A_3027, %sign3A_3028 : i32
      %sign3A_3030 = arith.constant 1065353216 : i32
      %sign3A_3031 = arith.ori %sign3A_3030, %sign3A_3029 : i32
      %sign3A_3032 = arith.bitcast %sign3A_3031 : i32 to f32
      %sign3A_3033 = math.absf %div3A_3026 : f32
      %sign3A_3034 = arith.constant 0.000000e+00 : f32
      %sign3A_3035 = arith.cmpf ogt, %sign3A_3033, %sign3A_3034 : f32
      %sign3A_3036 = arith.select %sign3A_3035, %sign3A_3032, %div3A_3026 : f32
      %abs3A_3037 = math.absf %div3A_3026 : f32
      %mul3A_3038 = arith.mulf %div3A_3026, %div3A_3026 : f32
      %add3A_3039 = arith.constant 1.000000e+00 : f32
      %add3A_3040 = arith.addf %add3A_3039, %mul3A_3038 : f32
      %sqrt3A_3041 = math.sqrt %add3A_3040 : f32
      %add3A_3042 = arith.addf %abs3A_3037, %sqrt3A_3041 : f32
      %div3A_3043 = arith.divf %sign3A_3036, %add3A_3042 : f32
      %mul3A_3044 = arith.mulf %div3A_3043, %div3A_3043 : f32
      %add3A_3045 = arith.constant 1.000000e+00 : f32
      %add3A_3046 = arith.addf %add3A_3045, %mul3A_3044 : f32
      %sqrt3A_3047 = math.sqrt %add3A_3046 : f32
      %div3A_3048 = arith.constant 1.000000e+00 : f32
      %div3A_3049 = arith.divf %div3A_3048, %sqrt3A_3047 : f32
      %mul3A_3050 = arith.mulf %div3A_3043, %div3A_3049 : f32
      %mul3A_3051 = arith.mulf %div3A_3049, %sub3A_2991 : f32
      %mul3A_3052 = arith.constant 0.000000e+00 : f32
      %mul3A_3053 = arith.mulf %mul3A_3050, %mul3A_3052 : f32
      %sub3A_3054 = arith.subf %mul3A_3051, %mul3A_3053 : f32
      %mul3A_3055 = arith.mulf %mul3A_3050, %sub3A_2991 : f32
      %mul3A_3056 = arith.constant 0.000000e+00 : f32
      %mul3A_3057 = arith.mulf %div3A_3049, %mul3A_3056 : f32
      %add3A_3058 = arith.addf %mul3A_3055, %mul3A_3057 : f32
      %mul3A_3059 = arith.mulf %div3A_3043, %add3A_2995 : f32
      %sub3A_3060 = arith.subf %add3A_2936, %mul3A_3059 : f32
      %mul3A_3061 = arith.mulf %div3A_3043, %add3A_2995 : f32
      %add3A_3062 = arith.addf %add3A_2999, %mul3A_3061 : f32
      %mul3A_3063 = arith.mulf %div3A_3049, %add3A_2942 : f32
      %mul3A_3064 = arith.mulf %mul3A_3050, %add3A_3005 : f32
      %sub3A_3065 = arith.subf %mul3A_3063, %mul3A_3064 : f32
      %mul3A_3066 = arith.mulf %mul3A_3050, %add3A_2942 : f32
      %mul3A_3067 = arith.mulf %div3A_3049, %add3A_3005 : f32
      %add3A_3068 = arith.addf %mul3A_3066, %mul3A_3067 : f32
      %mul3A_3069 = arith.mulf %div3A_3049, %add3A_2948 : f32
      %mul3A_3070 = arith.mulf %mul3A_3050, %add3A_3011 : f32
      %sub3A_3071 = arith.subf %mul3A_3069, %mul3A_3070 : f32
      %mul3A_3072 = arith.mulf %mul3A_3050, %add3A_2948 : f32
      %mul3A_3073 = arith.mulf %div3A_3049, %add3A_3011 : f32
      %add3A_3074 = arith.addf %mul3A_3072, %mul3A_3073 : f32
      %mul3A_3075 = arith.mulf %div3A_3049, %add3A_2954 : f32
      %mul3A_3076 = arith.mulf %mul3A_3050, %add3A_3017 : f32
      %sub3A_3077 = arith.subf %mul3A_3075, %mul3A_3076 : f32
      %mul3A_3078 = arith.mulf %mul3A_3050, %add3A_2954 : f32
      %mul3A_3079 = arith.mulf %div3A_3049, %add3A_3017 : f32
      %add3A_3080 = arith.addf %mul3A_3078, %mul3A_3079 : f32
      %abs3A_3081 = math.absf %sub3A_3054 : f32
      %gt3A_3082 = arith.constant 1.000000e-30 : f32
      %gt3A_3083 = arith.cmpf ogt, %abs3A_3081, %gt3A_3082 : f32
      %jit3A_3084 = arith.constant 1.000000e-30 : f32
      %select_n3A_3085 = arith.select %gt3A_3083, %sub3A_3054, %jit3A_3084 : f32
      %sub3A_3086 = arith.subf %sub3A_3060, %sub3A_2997 : f32
      %mul3A_3087 = arith.constant 2.000000e+00 : f32
      %mul3A_3088 = arith.mulf %mul3A_3087, %select_n3A_3085 : f32
      %div3A_3089 = arith.divf %sub3A_3086, %mul3A_3088 : f32
      %sign3A_3090 = arith.bitcast %div3A_3089 : f32 to i32
      %sign3A_3091 = arith.constant -2147483648 : i32
      %sign3A_3092 = arith.andi %sign3A_3090, %sign3A_3091 : i32
      %sign3A_3093 = arith.constant 1065353216 : i32
      %sign3A_3094 = arith.ori %sign3A_3093, %sign3A_3092 : i32
      %sign3A_3095 = arith.bitcast %sign3A_3094 : i32 to f32
      %sign3A_3096 = math.absf %div3A_3089 : f32
      %sign3A_3097 = arith.constant 0.000000e+00 : f32
      %sign3A_3098 = arith.cmpf ogt, %sign3A_3096, %sign3A_3097 : f32
      %sign3A_3099 = arith.select %sign3A_3098, %sign3A_3095, %div3A_3089 : f32
      %abs3A_3100 = math.absf %div3A_3089 : f32
      %mul3A_3101 = arith.mulf %div3A_3089, %div3A_3089 : f32
      %add3A_3102 = arith.constant 1.000000e+00 : f32
      %add3A_3103 = arith.addf %add3A_3102, %mul3A_3101 : f32
      %sqrt3A_3104 = math.sqrt %add3A_3103 : f32
      %add3A_3105 = arith.addf %abs3A_3100, %sqrt3A_3104 : f32
      %div3A_3106 = arith.divf %sign3A_3099, %add3A_3105 : f32
      %mul3A_3107 = arith.mulf %div3A_3106, %div3A_3106 : f32
      %add3A_3108 = arith.constant 1.000000e+00 : f32
      %add3A_3109 = arith.addf %add3A_3108, %mul3A_3107 : f32
      %sqrt3A_3110 = math.sqrt %add3A_3109 : f32
      %div3A_3111 = arith.constant 1.000000e+00 : f32
      %div3A_3112 = arith.divf %div3A_3111, %sqrt3A_3110 : f32
      %mul3A_3113 = arith.mulf %div3A_3106, %div3A_3112 : f32
      %mul3A_3114 = arith.mulf %div3A_3112, %add3A_3058 : f32
      %mul3A_3115 = arith.constant 0.000000e+00 : f32
      %mul3A_3116 = arith.mulf %mul3A_3113, %mul3A_3115 : f32
      %sub3A_3117 = arith.subf %mul3A_3114, %mul3A_3116 : f32
      %mul3A_3118 = arith.mulf %mul3A_3113, %add3A_3058 : f32
      %mul3A_3119 = arith.constant 0.000000e+00 : f32
      %mul3A_3120 = arith.mulf %div3A_3112, %mul3A_3119 : f32
      %add3A_3121 = arith.addf %mul3A_3118, %mul3A_3120 : f32
      %mul3A_3122 = arith.mulf %div3A_3106, %sub3A_3054 : f32
      %sub3A_3123 = arith.subf %sub3A_2997, %mul3A_3122 : f32
      %mul3A_3124 = arith.mulf %div3A_3106, %sub3A_3054 : f32
      %add3A_3125 = arith.addf %sub3A_3060, %mul3A_3124 : f32
      %mul3A_3126 = arith.mulf %div3A_3112, %sub3A_3002 : f32
      %mul3A_3127 = arith.mulf %mul3A_3113, %sub3A_3065 : f32
      %sub3A_3128 = arith.subf %mul3A_3126, %mul3A_3127 : f32
      %mul3A_3129 = arith.mulf %mul3A_3113, %sub3A_3002 : f32
      %mul3A_3130 = arith.mulf %div3A_3112, %sub3A_3065 : f32
      %add3A_3131 = arith.addf %mul3A_3129, %mul3A_3130 : f32
      %mul3A_3132 = arith.mulf %div3A_3112, %sub3A_3008 : f32
      %mul3A_3133 = arith.mulf %mul3A_3113, %sub3A_3071 : f32
      %sub3A_3134 = arith.subf %mul3A_3132, %mul3A_3133 : f32
      %mul3A_3135 = arith.mulf %mul3A_3113, %sub3A_3008 : f32
      %mul3A_3136 = arith.mulf %div3A_3112, %sub3A_3071 : f32
      %add3A_3137 = arith.addf %mul3A_3135, %mul3A_3136 : f32
      %mul3A_3138 = arith.mulf %div3A_3112, %sub3A_3014 : f32
      %mul3A_3139 = arith.mulf %mul3A_3113, %sub3A_3077 : f32
      %sub3A_3140 = arith.subf %mul3A_3138, %mul3A_3139 : f32
      %mul3A_3141 = arith.mulf %mul3A_3113, %sub3A_3014 : f32
      %mul3A_3142 = arith.mulf %div3A_3112, %sub3A_3077 : f32
      %add3A_3143 = arith.addf %mul3A_3141, %mul3A_3142 : f32
      %abs3A_3144 = math.absf %sub3A_3117 : f32
      %gt3A_3145 = arith.constant 1.000000e-30 : f32
      %gt3A_3146 = arith.cmpf ogt, %abs3A_3144, %gt3A_3145 : f32
      %jit3A_3147 = arith.constant 1.000000e-30 : f32
      %select_n3A_3148 = arith.select %gt3A_3146, %sub3A_3117, %jit3A_3147 : f32
      %sub3A_3149 = arith.subf %add3A_3062, %sub3A_3123 : f32
      %mul3A_3150 = arith.constant 2.000000e+00 : f32
      %mul3A_3151 = arith.mulf %mul3A_3150, %select_n3A_3148 : f32
      %div3A_3152 = arith.divf %sub3A_3149, %mul3A_3151 : f32
      %sign3A_3153 = arith.bitcast %div3A_3152 : f32 to i32
      %sign3A_3154 = arith.constant -2147483648 : i32
      %sign3A_3155 = arith.andi %sign3A_3153, %sign3A_3154 : i32
      %sign3A_3156 = arith.constant 1065353216 : i32
      %sign3A_3157 = arith.ori %sign3A_3156, %sign3A_3155 : i32
      %sign3A_3158 = arith.bitcast %sign3A_3157 : i32 to f32
      %sign3A_3159 = math.absf %div3A_3152 : f32
      %sign3A_3160 = arith.constant 0.000000e+00 : f32
      %sign3A_3161 = arith.cmpf ogt, %sign3A_3159, %sign3A_3160 : f32
      %sign3A_3162 = arith.select %sign3A_3161, %sign3A_3158, %div3A_3152 : f32
      %abs3A_3163 = math.absf %div3A_3152 : f32
      %mul3A_3164 = arith.mulf %div3A_3152, %div3A_3152 : f32
      %add3A_3165 = arith.constant 1.000000e+00 : f32
      %add3A_3166 = arith.addf %add3A_3165, %mul3A_3164 : f32
      %sqrt3A_3167 = math.sqrt %add3A_3166 : f32
      %add3A_3168 = arith.addf %abs3A_3163, %sqrt3A_3167 : f32
      %div3A_3169 = arith.divf %sign3A_3162, %add3A_3168 : f32
      %mul3A_3170 = arith.mulf %div3A_3169, %div3A_3169 : f32
      %add3A_3171 = arith.constant 1.000000e+00 : f32
      %add3A_3172 = arith.addf %add3A_3171, %mul3A_3170 : f32
      %sqrt3A_3173 = math.sqrt %add3A_3172 : f32
      %div3A_3174 = arith.constant 1.000000e+00 : f32
      %div3A_3175 = arith.divf %div3A_3174, %sqrt3A_3173 : f32
      %mul3A_3176 = arith.mulf %div3A_3169, %div3A_3175 : f32
      %mul3A_3177 = arith.constant 0.000000e+00 : f32
      %mul3A_3178 = arith.mulf %mul3A_3176, %mul3A_3177 : f32
      %mul3A_3179 = arith.mulf %div3A_3175, %add3A_3121 : f32
      %add3A_3180 = arith.addf %mul3A_3178, %mul3A_3179 : f32
      %mul3A_3181 = arith.mulf %div3A_3169, %sub3A_3117 : f32
      %sub3A_3182 = arith.subf %sub3A_3123, %mul3A_3181 : f32
      %mul3A_3183 = arith.mulf %div3A_3169, %sub3A_3117 : f32
      %add3A_3184 = arith.addf %add3A_3062, %mul3A_3183 : f32
      %mul3A_3185 = arith.mulf %div3A_3175, %sub3A_3128 : f32
      %mul3A_3186 = arith.mulf %mul3A_3176, %add3A_3068 : f32
      %sub3A_3187 = arith.subf %mul3A_3185, %mul3A_3186 : f32
      %mul3A_3188 = arith.mulf %mul3A_3176, %sub3A_3128 : f32
      %mul3A_3189 = arith.mulf %div3A_3175, %add3A_3068 : f32
      %add3A_3190 = arith.addf %mul3A_3188, %mul3A_3189 : f32
      %mul3A_3191 = arith.mulf %div3A_3175, %sub3A_3134 : f32
      %mul3A_3192 = arith.mulf %mul3A_3176, %add3A_3074 : f32
      %sub3A_3193 = arith.subf %mul3A_3191, %mul3A_3192 : f32
      %mul3A_3194 = arith.mulf %mul3A_3176, %sub3A_3134 : f32
      %mul3A_3195 = arith.mulf %div3A_3175, %add3A_3074 : f32
      %add3A_3196 = arith.addf %mul3A_3194, %mul3A_3195 : f32
      %mul3A_3197 = arith.mulf %div3A_3175, %sub3A_3140 : f32
      %mul3A_3198 = arith.mulf %mul3A_3176, %add3A_3080 : f32
      %sub3A_3199 = arith.subf %mul3A_3197, %mul3A_3198 : f32
      %mul3A_3200 = arith.mulf %mul3A_3176, %sub3A_3140 : f32
      %mul3A_3201 = arith.mulf %div3A_3175, %add3A_3080 : f32
      %add3A_3202 = arith.addf %mul3A_3200, %mul3A_3201 : f32
      %abs3A_3203 = math.absf %add3A_3180 : f32
      %gt3A_3204 = arith.constant 1.000000e-30 : f32
      %gt3A_3205 = arith.cmpf ogt, %abs3A_3203, %gt3A_3204 : f32
      %jit3A_3206 = arith.constant 1.000000e-30 : f32
      %select_n3A_3207 = arith.select %gt3A_3205, %add3A_3180, %jit3A_3206 : f32
      %sub3A_3208 = arith.subf %add3A_3184, %add3A_3125 : f32
      %mul3A_3209 = arith.constant 2.000000e+00 : f32
      %mul3A_3210 = arith.mulf %mul3A_3209, %select_n3A_3207 : f32
      %div3A_3211 = arith.divf %sub3A_3208, %mul3A_3210 : f32
      %sign3A_3212 = arith.bitcast %div3A_3211 : f32 to i32
      %sign3A_3213 = arith.constant -2147483648 : i32
      %sign3A_3214 = arith.andi %sign3A_3212, %sign3A_3213 : i32
      %sign3A_3215 = arith.constant 1065353216 : i32
      %sign3A_3216 = arith.ori %sign3A_3215, %sign3A_3214 : i32
      %sign3A_3217 = arith.bitcast %sign3A_3216 : i32 to f32
      %sign3A_3218 = math.absf %div3A_3211 : f32
      %sign3A_3219 = arith.constant 0.000000e+00 : f32
      %sign3A_3220 = arith.cmpf ogt, %sign3A_3218, %sign3A_3219 : f32
      %sign3A_3221 = arith.select %sign3A_3220, %sign3A_3217, %div3A_3211 : f32
      %abs3A_3222 = math.absf %div3A_3211 : f32
      %mul3A_3223 = arith.mulf %div3A_3211, %div3A_3211 : f32
      %add3A_3224 = arith.constant 1.000000e+00 : f32
      %add3A_3225 = arith.addf %add3A_3224, %mul3A_3223 : f32
      %sqrt3A_3226 = math.sqrt %add3A_3225 : f32
      %add3A_3227 = arith.addf %abs3A_3222, %sqrt3A_3226 : f32
      %div3A_3228 = arith.divf %sign3A_3221, %add3A_3227 : f32
      %mul3A_3229 = arith.mulf %div3A_3228, %div3A_3228 : f32
      %add3A_3230 = arith.constant 1.000000e+00 : f32
      %add3A_3231 = arith.addf %add3A_3230, %mul3A_3229 : f32
      %sqrt3A_3232 = math.sqrt %add3A_3231 : f32
      %div3A_3233 = arith.constant 1.000000e+00 : f32
      %div3A_3234 = arith.divf %div3A_3233, %sqrt3A_3232 : f32
      %mul3A_3235 = arith.mulf %div3A_3228, %div3A_3234 : f32
      %mul3A_3236 = arith.mulf %div3A_3228, %add3A_3180 : f32
      %sub3A_3237 = arith.subf %add3A_3125, %mul3A_3236 : f32
      %mul3A_3238 = arith.mulf %div3A_3228, %add3A_3180 : f32
      %add3A_3239 = arith.addf %add3A_3184, %mul3A_3238 : f32
      %mul3A_3240 = arith.mulf %div3A_3234, %add3A_3131 : f32
      %mul3A_3241 = arith.mulf %mul3A_3235, %add3A_3190 : f32
      %sub3A_3242 = arith.subf %mul3A_3240, %mul3A_3241 : f32
      %mul3A_3243 = arith.mulf %mul3A_3235, %add3A_3131 : f32
      %mul3A_3244 = arith.mulf %div3A_3234, %add3A_3190 : f32
      %add3A_3245 = arith.addf %mul3A_3243, %mul3A_3244 : f32
      %mul3A_3246 = arith.mulf %div3A_3234, %add3A_3137 : f32
      %mul3A_3247 = arith.mulf %mul3A_3235, %add3A_3196 : f32
      %sub3A_3248 = arith.subf %mul3A_3246, %mul3A_3247 : f32
      %mul3A_3249 = arith.mulf %mul3A_3235, %add3A_3137 : f32
      %mul3A_3250 = arith.mulf %div3A_3234, %add3A_3196 : f32
      %add3A_3251 = arith.addf %mul3A_3249, %mul3A_3250 : f32
      %mul3A_3252 = arith.mulf %div3A_3234, %add3A_3143 : f32
      %mul3A_3253 = arith.mulf %mul3A_3235, %add3A_3202 : f32
      %sub3A_3254 = arith.subf %mul3A_3252, %mul3A_3253 : f32
      %mul3A_3255 = arith.mulf %mul3A_3235, %add3A_3143 : f32
      %mul3A_3256 = arith.mulf %div3A_3234, %add3A_3202 : f32
      %add3A_3257 = arith.addf %mul3A_3255, %mul3A_3256 : f32
      %max3A_3258 = arith.constant 0.000000e+00 : f32
      %max3A_3259 = arith.maximumf %sub3A_3182, %max3A_3258 : f32
      %max3A_3260 = arith.constant 0.000000e+00 : f32
      %max3A_3261 = arith.maximumf %sub3A_3237, %max3A_3260 : f32
      %max3A_3262 = arith.constant 0.000000e+00 : f32
      %max3A_3263 = arith.maximumf %add3A_3239, %max3A_3262 : f32
      %sqrt3A_3264 = math.sqrt %max3A_3259 : f32
      %add3A_3265 = arith.constant 1.000000e-30 : f32
      %add3A_3266 = arith.addf %max3A_3259, %add3A_3265 : f32
      %div3A_3267 = arith.divf %sqrt3A_3264, %add3A_3266 : f32
      %sqrt3A_3268 = math.sqrt %max3A_3261 : f32
      %add3A_3269 = arith.constant 1.000000e-30 : f32
      %add3A_3270 = arith.addf %max3A_3261, %add3A_3269 : f32
      %div3A_3271 = arith.divf %sqrt3A_3268, %add3A_3270 : f32
      %sqrt3A_3272 = math.sqrt %max3A_3263 : f32
      %add3A_3273 = arith.constant 1.000000e-30 : f32
      %add3A_3274 = arith.addf %max3A_3263, %add3A_3273 : f32
      %div3A_3275 = arith.divf %sqrt3A_3272, %add3A_3274 : f32
      %mul3A_3276 = arith.mulf %reduce_sum3A_2020, %sub3A_3187 : f32
      %mul3A_3277 = arith.mulf %reduce_sum3A_2026, %sub3A_3193 : f32
      %add3A_3278 = arith.addf %mul3A_3276, %mul3A_3277 : f32
      %mul3A_3279 = arith.mulf %reduce_sum3A_2032, %sub3A_3199 : f32
      %add3A_3280 = arith.addf %add3A_3278, %mul3A_3279 : f32
      %mul3A_3281 = arith.mulf %add3A_3280, %div3A_3267 : f32
      %mul3A_3282 = arith.mulf %reduce_sum3A_2020, %sub3A_3242 : f32
      %mul3A_3283 = arith.mulf %reduce_sum3A_2026, %sub3A_3248 : f32
      %add3A_3284 = arith.addf %mul3A_3282, %mul3A_3283 : f32
      %mul3A_3285 = arith.mulf %reduce_sum3A_2032, %sub3A_3254 : f32
      %add3A_3286 = arith.addf %add3A_3284, %mul3A_3285 : f32
      %mul3A_3287 = arith.mulf %add3A_3286, %div3A_3271 : f32
      %mul3A_3288 = arith.mulf %reduce_sum3A_2020, %add3A_3245 : f32
      %mul3A_3289 = arith.mulf %reduce_sum3A_2026, %add3A_3251 : f32
      %add3A_3290 = arith.addf %mul3A_3288, %mul3A_3289 : f32
      %mul3A_3291 = arith.mulf %reduce_sum3A_2032, %add3A_3257 : f32
      %add3A_3292 = arith.addf %add3A_3290, %mul3A_3291 : f32
      %mul3A_3293 = arith.mulf %add3A_3292, %div3A_3275 : f32
      %mul3A_3294 = arith.mulf %reduce_sum3A_2038, %sub3A_3187 : f32
      %mul3A_3295 = arith.mulf %reduce_sum3A_2044, %sub3A_3193 : f32
      %add3A_3296 = arith.addf %mul3A_3294, %mul3A_3295 : f32
      %mul3A_3297 = arith.mulf %reduce_sum3A_2050, %sub3A_3199 : f32
      %add3A_3298 = arith.addf %add3A_3296, %mul3A_3297 : f32
      %mul3A_3299 = arith.mulf %add3A_3298, %div3A_3267 : f32
      %mul3A_3300 = arith.mulf %reduce_sum3A_2038, %sub3A_3242 : f32
      %mul3A_3301 = arith.mulf %reduce_sum3A_2044, %sub3A_3248 : f32
      %add3A_3302 = arith.addf %mul3A_3300, %mul3A_3301 : f32
      %mul3A_3303 = arith.mulf %reduce_sum3A_2050, %sub3A_3254 : f32
      %add3A_3304 = arith.addf %add3A_3302, %mul3A_3303 : f32
      %mul3A_3305 = arith.mulf %add3A_3304, %div3A_3271 : f32
      %mul3A_3306 = arith.mulf %reduce_sum3A_2038, %add3A_3245 : f32
      %mul3A_3307 = arith.mulf %reduce_sum3A_2044, %add3A_3251 : f32
      %add3A_3308 = arith.addf %mul3A_3306, %mul3A_3307 : f32
      %mul3A_3309 = arith.mulf %reduce_sum3A_2050, %add3A_3257 : f32
      %add3A_3310 = arith.addf %add3A_3308, %mul3A_3309 : f32
      %mul3A_3311 = arith.mulf %add3A_3310, %div3A_3275 : f32
      %mul3A_3312 = arith.mulf %reduce_sum3A_2056, %sub3A_3187 : f32
      %mul3A_3313 = arith.mulf %reduce_sum3A_2062, %sub3A_3193 : f32
      %add3A_3314 = arith.addf %mul3A_3312, %mul3A_3313 : f32
      %mul3A_3315 = arith.mulf %reduce_sum3A_2068, %sub3A_3199 : f32
      %add3A_3316 = arith.addf %add3A_3314, %mul3A_3315 : f32
      %mul3A_3317 = arith.mulf %add3A_3316, %div3A_3267 : f32
      %mul3A_3318 = arith.mulf %reduce_sum3A_2056, %sub3A_3242 : f32
      %mul3A_3319 = arith.mulf %reduce_sum3A_2062, %sub3A_3248 : f32
      %add3A_3320 = arith.addf %mul3A_3318, %mul3A_3319 : f32
      %mul3A_3321 = arith.mulf %reduce_sum3A_2068, %sub3A_3254 : f32
      %add3A_3322 = arith.addf %add3A_3320, %mul3A_3321 : f32
      %mul3A_3323 = arith.mulf %add3A_3322, %div3A_3271 : f32
      %mul3A_3324 = arith.mulf %reduce_sum3A_2056, %add3A_3245 : f32
      %mul3A_3325 = arith.mulf %reduce_sum3A_2062, %add3A_3251 : f32
      %add3A_3326 = arith.addf %mul3A_3324, %mul3A_3325 : f32
      %mul3A_3327 = arith.mulf %reduce_sum3A_2068, %add3A_3257 : f32
      %add3A_3328 = arith.addf %add3A_3326, %mul3A_3327 : f32
      %mul3A_3329 = arith.mulf %add3A_3328, %div3A_3275 : f32
      %le3A_3330 = arith.cmpf ole, %max3A_3259, %max3A_3261 : f32
      %le3A_3331 = arith.cmpf ole, %max3A_3259, %max3A_3263 : f32
      %select_n3A_3332 = arith.select %le3A_3331, %sub3A_3187, %add3A_3245 : f32
      %le3A_3333 = arith.cmpf ole, %max3A_3261, %max3A_3263 : f32
      %select_n3A_3334 = arith.select %le3A_3333, %sub3A_3242, %add3A_3245 : f32
      %select_n3A_3335 = arith.select %le3A_3330, %select_n3A_3332, %select_n3A_3334 : f32
      %le3A_3336 = arith.cmpf ole, %max3A_3259, %max3A_3261 : f32
      %le3A_3337 = arith.cmpf ole, %max3A_3259, %max3A_3263 : f32
      %select_n3A_3338 = arith.select %le3A_3337, %sub3A_3193, %add3A_3251 : f32
      %le3A_3339 = arith.cmpf ole, %max3A_3261, %max3A_3263 : f32
      %select_n3A_3340 = arith.select %le3A_3339, %sub3A_3248, %add3A_3251 : f32
      %select_n3A_3341 = arith.select %le3A_3336, %select_n3A_3338, %select_n3A_3340 : f32
      %le3A_3342 = arith.cmpf ole, %max3A_3259, %max3A_3261 : f32
      %le3A_3343 = arith.cmpf ole, %max3A_3259, %max3A_3263 : f32
      %select_n3A_3344 = arith.select %le3A_3343, %sub3A_3199, %add3A_3257 : f32
      %le3A_3345 = arith.cmpf ole, %max3A_3261, %max3A_3263 : f32
      %select_n3A_3346 = arith.select %le3A_3345, %sub3A_3254, %add3A_3257 : f32
      %select_n3A_3347 = arith.select %le3A_3342, %select_n3A_3344, %select_n3A_3346 : f32
      %le3A_3348 = arith.cmpf ole, %max3A_3259, %max3A_3261 : f32
      %le3A_3349 = arith.cmpf ole, %max3A_3259, %max3A_3263 : f32
      %select_n3A_3350 = arith.select %le3A_3349, %mul3A_3281, %mul3A_3293 : f32
      %le3A_3351 = arith.cmpf ole, %max3A_3261, %max3A_3263 : f32
      %select_n3A_3352 = arith.select %le3A_3351, %mul3A_3287, %mul3A_3293 : f32
      %select_n3A_3353 = arith.select %le3A_3348, %select_n3A_3350, %select_n3A_3352 : f32
      %le3A_3354 = arith.cmpf ole, %max3A_3259, %max3A_3261 : f32
      %le3A_3355 = arith.cmpf ole, %max3A_3259, %max3A_3263 : f32
      %select_n3A_3356 = arith.select %le3A_3355, %mul3A_3299, %mul3A_3311 : f32
      %le3A_3357 = arith.cmpf ole, %max3A_3261, %max3A_3263 : f32
      %select_n3A_3358 = arith.select %le3A_3357, %mul3A_3305, %mul3A_3311 : f32
      %select_n3A_3359 = arith.select %le3A_3354, %select_n3A_3356, %select_n3A_3358 : f32
      %le3A_3360 = arith.cmpf ole, %max3A_3259, %max3A_3261 : f32
      %le3A_3361 = arith.cmpf ole, %max3A_3259, %max3A_3263 : f32
      %select_n3A_3362 = arith.select %le3A_3361, %mul3A_3317, %mul3A_3329 : f32
      %le3A_3363 = arith.cmpf ole, %max3A_3261, %max3A_3263 : f32
      %select_n3A_3364 = arith.select %le3A_3363, %mul3A_3323, %mul3A_3329 : f32
      %select_n3A_3365 = arith.select %le3A_3360, %select_n3A_3362, %select_n3A_3364 : f32
      %mul3A_3366 = arith.mulf %sub3A_3187, %mul3A_3281 : f32
      %mul3A_3367 = arith.mulf %sub3A_3242, %mul3A_3287 : f32
      %add3A_3368 = arith.addf %mul3A_3366, %mul3A_3367 : f32
      %mul3A_3369 = arith.mulf %add3A_3245, %mul3A_3293 : f32
      %add3A_3370 = arith.addf %add3A_3368, %mul3A_3369 : f32
      %sub3A_3371 = arith.constant 1.000000e+00 : f32
      %sub3A_3372 = arith.subf %sub3A_3371, %select_n3A_2089 : f32
      %mul3A_3373 = arith.mulf %sub3A_3372, %select_n3A_3335 : f32
      %mul3A_3374 = arith.mulf %mul3A_3373, %select_n3A_3353 : f32
      %sub3A_3375 = arith.subf %add3A_3370, %mul3A_3374 : f32
      %mul3A_3376 = arith.mulf %sub3A_3187, %mul3A_3299 : f32
      %mul3A_3377 = arith.mulf %sub3A_3242, %mul3A_3305 : f32
      %add3A_3378 = arith.addf %mul3A_3376, %mul3A_3377 : f32
      %mul3A_3379 = arith.mulf %add3A_3245, %mul3A_3311 : f32
      %add3A_3380 = arith.addf %add3A_3378, %mul3A_3379 : f32
      %sub3A_3381 = arith.constant 1.000000e+00 : f32
      %sub3A_3382 = arith.subf %sub3A_3381, %select_n3A_2089 : f32
      %mul3A_3383 = arith.mulf %sub3A_3382, %select_n3A_3335 : f32
      %mul3A_3384 = arith.mulf %mul3A_3383, %select_n3A_3359 : f32
      %sub3A_3385 = arith.subf %add3A_3380, %mul3A_3384 : f32
      %mul3A_3386 = arith.mulf %sub3A_3187, %mul3A_3317 : f32
      %mul3A_3387 = arith.mulf %sub3A_3242, %mul3A_3323 : f32
      %add3A_3388 = arith.addf %mul3A_3386, %mul3A_3387 : f32
      %mul3A_3389 = arith.mulf %add3A_3245, %mul3A_3329 : f32
      %add3A_3390 = arith.addf %add3A_3388, %mul3A_3389 : f32
      %sub3A_3391 = arith.constant 1.000000e+00 : f32
      %sub3A_3392 = arith.subf %sub3A_3391, %select_n3A_2089 : f32
      %mul3A_3393 = arith.mulf %sub3A_3392, %select_n3A_3335 : f32
      %mul3A_3394 = arith.mulf %mul3A_3393, %select_n3A_3365 : f32
      %sub3A_3395 = arith.subf %add3A_3390, %mul3A_3394 : f32
      %mul3A_3396 = arith.mulf %sub3A_3193, %mul3A_3281 : f32
      %mul3A_3397 = arith.mulf %sub3A_3248, %mul3A_3287 : f32
      %add3A_3398 = arith.addf %mul3A_3396, %mul3A_3397 : f32
      %mul3A_3399 = arith.mulf %add3A_3251, %mul3A_3293 : f32
      %add3A_3400 = arith.addf %add3A_3398, %mul3A_3399 : f32
      %sub3A_3401 = arith.constant 1.000000e+00 : f32
      %sub3A_3402 = arith.subf %sub3A_3401, %select_n3A_2089 : f32
      %mul3A_3403 = arith.mulf %sub3A_3402, %select_n3A_3341 : f32
      %mul3A_3404 = arith.mulf %mul3A_3403, %select_n3A_3353 : f32
      %sub3A_3405 = arith.subf %add3A_3400, %mul3A_3404 : f32
      %mul3A_3406 = arith.mulf %sub3A_3193, %mul3A_3299 : f32
      %mul3A_3407 = arith.mulf %sub3A_3248, %mul3A_3305 : f32
      %add3A_3408 = arith.addf %mul3A_3406, %mul3A_3407 : f32
      %mul3A_3409 = arith.mulf %add3A_3251, %mul3A_3311 : f32
      %add3A_3410 = arith.addf %add3A_3408, %mul3A_3409 : f32
      %sub3A_3411 = arith.constant 1.000000e+00 : f32
      %sub3A_3412 = arith.subf %sub3A_3411, %select_n3A_2089 : f32
      %mul3A_3413 = arith.mulf %sub3A_3412, %select_n3A_3341 : f32
      %mul3A_3414 = arith.mulf %mul3A_3413, %select_n3A_3359 : f32
      %sub3A_3415 = arith.subf %add3A_3410, %mul3A_3414 : f32
      %mul3A_3416 = arith.mulf %sub3A_3193, %mul3A_3317 : f32
      %mul3A_3417 = arith.mulf %sub3A_3248, %mul3A_3323 : f32
      %add3A_3418 = arith.addf %mul3A_3416, %mul3A_3417 : f32
      %mul3A_3419 = arith.mulf %add3A_3251, %mul3A_3329 : f32
      %add3A_3420 = arith.addf %add3A_3418, %mul3A_3419 : f32
      %sub3A_3421 = arith.constant 1.000000e+00 : f32
      %sub3A_3422 = arith.subf %sub3A_3421, %select_n3A_2089 : f32
      %mul3A_3423 = arith.mulf %sub3A_3422, %select_n3A_3341 : f32
      %mul3A_3424 = arith.mulf %mul3A_3423, %select_n3A_3365 : f32
      %sub3A_3425 = arith.subf %add3A_3420, %mul3A_3424 : f32
      %mul3A_3426 = arith.mulf %sub3A_3199, %mul3A_3281 : f32
      %mul3A_3427 = arith.mulf %sub3A_3254, %mul3A_3287 : f32
      %add3A_3428 = arith.addf %mul3A_3426, %mul3A_3427 : f32
      %mul3A_3429 = arith.mulf %add3A_3257, %mul3A_3293 : f32
      %add3A_3430 = arith.addf %add3A_3428, %mul3A_3429 : f32
      %sub3A_3431 = arith.constant 1.000000e+00 : f32
      %sub3A_3432 = arith.subf %sub3A_3431, %select_n3A_2089 : f32
      %mul3A_3433 = arith.mulf %sub3A_3432, %select_n3A_3347 : f32
      %mul3A_3434 = arith.mulf %mul3A_3433, %select_n3A_3353 : f32
      %sub3A_3435 = arith.subf %add3A_3430, %mul3A_3434 : f32
      %mul3A_3436 = arith.mulf %sub3A_3199, %mul3A_3299 : f32
      %mul3A_3437 = arith.mulf %sub3A_3254, %mul3A_3305 : f32
      %add3A_3438 = arith.addf %mul3A_3436, %mul3A_3437 : f32
      %mul3A_3439 = arith.mulf %add3A_3257, %mul3A_3311 : f32
      %add3A_3440 = arith.addf %add3A_3438, %mul3A_3439 : f32
      %sub3A_3441 = arith.constant 1.000000e+00 : f32
      %sub3A_3442 = arith.subf %sub3A_3441, %select_n3A_2089 : f32
      %mul3A_3443 = arith.mulf %sub3A_3442, %select_n3A_3347 : f32
      %mul3A_3444 = arith.mulf %mul3A_3443, %select_n3A_3359 : f32
      %sub3A_3445 = arith.subf %add3A_3440, %mul3A_3444 : f32
      %mul3A_3446 = arith.mulf %sub3A_3199, %mul3A_3317 : f32
      %mul3A_3447 = arith.mulf %sub3A_3254, %mul3A_3323 : f32
      %add3A_3448 = arith.addf %mul3A_3446, %mul3A_3447 : f32
      %mul3A_3449 = arith.mulf %add3A_3257, %mul3A_3329 : f32
      %add3A_3450 = arith.addf %add3A_3448, %mul3A_3449 : f32
      %sub3A_3451 = arith.constant 1.000000e+00 : f32
      %sub3A_3452 = arith.subf %sub3A_3451, %select_n3A_2089 : f32
      %mul3A_3453 = arith.mulf %sub3A_3452, %select_n3A_3347 : f32
      %mul3A_3454 = arith.mulf %mul3A_3453, %select_n3A_3365 : f32
      %sub3A_3455 = arith.subf %add3A_3450, %mul3A_3454 : f32
      %mul3A_3456 = arith.mulf %sub3A_3375, %div3A_1960 : f32
      %mul3A_3457 = arith.mulf %sub3A_3385, %div3A_1964 : f32
      %add3A_3458 = arith.addf %mul3A_3456, %mul3A_3457 : f32
      %mul3A_3459 = arith.mulf %sub3A_3395, %div3A_1968 : f32
      %add3A_3460 = arith.addf %add3A_3458, %mul3A_3459 : f32
      %sub3A_3461 = arith.subf %div3A_1972, %add3A_3460 : f32
      %sub3A_3462 = arith.constant 1.000000e+00 : f32
      %sub3A_3463 = arith.subf %sub3A_3375, %sub3A_3462 : f32
      %mul3A_3464 = arith.mulf %sub3A_3463, %select_n3A_1948 : f32
      %swap3A_3465 = arith.constant 1 : index
      %swap3A_3466 = arith.constant 0 : index
      %swap3A_3467 = memref.load %arg8[%swap3A_3465, %swap3A_3466] : memref<3x16xf32, #tpu.memory_space<smem>>
      memref.store %mul3A_3464, %arg8[%swap3A_3465, %swap3A_3466] : memref<3x16xf32, #tpu.memory_space<smem>>
      %sub3A_3468 = arith.constant 0.000000e+00 : f32
      %sub3A_3469 = arith.subf %sub3A_3385, %sub3A_3468 : f32
      %mul3A_3470 = arith.mulf %sub3A_3469, %select_n3A_1948 : f32
      %swap3A_3471 = arith.constant 1 : index
      %swap3A_3472 = arith.constant 1 : index
      %swap3A_3473 = memref.load %arg8[%swap3A_3471, %swap3A_3472] : memref<3x16xf32, #tpu.memory_space<smem>>
      memref.store %mul3A_3470, %arg8[%swap3A_3471, %swap3A_3472] : memref<3x16xf32, #tpu.memory_space<smem>>
      %sub3A_3474 = arith.constant 0.000000e+00 : f32
      %sub3A_3475 = arith.subf %sub3A_3395, %sub3A_3474 : f32
      %mul3A_3476 = arith.mulf %sub3A_3475, %select_n3A_1948 : f32
      %swap3A_3477 = arith.constant 1 : index
      %swap3A_3478 = arith.constant 2 : index
      %swap3A_3479 = memref.load %arg8[%swap3A_3477, %swap3A_3478] : memref<3x16xf32, #tpu.memory_space<smem>>
      memref.store %mul3A_3476, %arg8[%swap3A_3477, %swap3A_3478] : memref<3x16xf32, #tpu.memory_space<smem>>
      %mul3A_3480 = arith.mulf %sub3A_3461, %select_n3A_1948 : f32
      %swap3A_3481 = arith.constant 1 : index
      %swap3A_3482 = arith.constant 3 : index
      %swap3A_3483 = memref.load %arg8[%swap3A_3481, %swap3A_3482] : memref<3x16xf32, #tpu.memory_space<smem>>
      memref.store %mul3A_3480, %arg8[%swap3A_3481, %swap3A_3482] : memref<3x16xf32, #tpu.memory_space<smem>>
      %mul3A_3484 = arith.mulf %sub3A_3405, %div3A_1960 : f32
      %mul3A_3485 = arith.mulf %sub3A_3415, %div3A_1964 : f32
      %add3A_3486 = arith.addf %mul3A_3484, %mul3A_3485 : f32
      %mul3A_3487 = arith.mulf %sub3A_3425, %div3A_1968 : f32
      %add3A_3488 = arith.addf %add3A_3486, %mul3A_3487 : f32
      %sub3A_3489 = arith.subf %div3A_1976, %add3A_3488 : f32
      %sub3A_3490 = arith.constant 0.000000e+00 : f32
      %sub3A_3491 = arith.subf %sub3A_3405, %sub3A_3490 : f32
      %mul3A_3492 = arith.mulf %sub3A_3491, %select_n3A_1948 : f32
      %swap3A_3493 = arith.constant 1 : index
      %swap3A_3494 = arith.constant 4 : index
      %swap3A_3495 = memref.load %arg8[%swap3A_3493, %swap3A_3494] : memref<3x16xf32, #tpu.memory_space<smem>>
      memref.store %mul3A_3492, %arg8[%swap3A_3493, %swap3A_3494] : memref<3x16xf32, #tpu.memory_space<smem>>
      %sub3A_3496 = arith.constant 1.000000e+00 : f32
      %sub3A_3497 = arith.subf %sub3A_3415, %sub3A_3496 : f32
      %mul3A_3498 = arith.mulf %sub3A_3497, %select_n3A_1948 : f32
      %swap3A_3499 = arith.constant 1 : index
      %swap3A_3500 = arith.constant 5 : index
      %swap3A_3501 = memref.load %arg8[%swap3A_3499, %swap3A_3500] : memref<3x16xf32, #tpu.memory_space<smem>>
      memref.store %mul3A_3498, %arg8[%swap3A_3499, %swap3A_3500] : memref<3x16xf32, #tpu.memory_space<smem>>
      %sub3A_3502 = arith.constant 0.000000e+00 : f32
      %sub3A_3503 = arith.subf %sub3A_3425, %sub3A_3502 : f32
      %mul3A_3504 = arith.mulf %sub3A_3503, %select_n3A_1948 : f32
      %swap3A_3505 = arith.constant 1 : index
      %swap3A_3506 = arith.constant 6 : index
      %swap3A_3507 = memref.load %arg8[%swap3A_3505, %swap3A_3506] : memref<3x16xf32, #tpu.memory_space<smem>>
      memref.store %mul3A_3504, %arg8[%swap3A_3505, %swap3A_3506] : memref<3x16xf32, #tpu.memory_space<smem>>
      %mul3A_3508 = arith.mulf %sub3A_3489, %select_n3A_1948 : f32
      %swap3A_3509 = arith.constant 1 : index
      %swap3A_3510 = arith.constant 7 : index
      %swap3A_3511 = memref.load %arg8[%swap3A_3509, %swap3A_3510] : memref<3x16xf32, #tpu.memory_space<smem>>
      memref.store %mul3A_3508, %arg8[%swap3A_3509, %swap3A_3510] : memref<3x16xf32, #tpu.memory_space<smem>>
      %mul3A_3512 = arith.mulf %sub3A_3435, %div3A_1960 : f32
      %mul3A_3513 = arith.mulf %sub3A_3445, %div3A_1964 : f32
      %add3A_3514 = arith.addf %mul3A_3512, %mul3A_3513 : f32
      %mul3A_3515 = arith.mulf %sub3A_3455, %div3A_1968 : f32
      %add3A_3516 = arith.addf %add3A_3514, %mul3A_3515 : f32
      %sub3A_3517 = arith.subf %div3A_1980, %add3A_3516 : f32
      %sub3A_3518 = arith.constant 0.000000e+00 : f32
      %sub3A_3519 = arith.subf %sub3A_3435, %sub3A_3518 : f32
      %mul3A_3520 = arith.mulf %sub3A_3519, %select_n3A_1948 : f32
      %swap3A_3521 = arith.constant 1 : index
      %swap3A_3522 = arith.constant 8 : index
      %swap3A_3523 = memref.load %arg8[%swap3A_3521, %swap3A_3522] : memref<3x16xf32, #tpu.memory_space<smem>>
      memref.store %mul3A_3520, %arg8[%swap3A_3521, %swap3A_3522] : memref<3x16xf32, #tpu.memory_space<smem>>
      %sub3A_3524 = arith.constant 0.000000e+00 : f32
      %sub3A_3525 = arith.subf %sub3A_3445, %sub3A_3524 : f32
      %mul3A_3526 = arith.mulf %sub3A_3525, %select_n3A_1948 : f32
      %swap3A_3527 = arith.constant 1 : index
      %swap3A_3528 = arith.constant 9 : index
      %swap3A_3529 = memref.load %arg8[%swap3A_3527, %swap3A_3528] : memref<3x16xf32, #tpu.memory_space<smem>>
      memref.store %mul3A_3526, %arg8[%swap3A_3527, %swap3A_3528] : memref<3x16xf32, #tpu.memory_space<smem>>
      %sub3A_3530 = arith.constant 1.000000e+00 : f32
      %sub3A_3531 = arith.subf %sub3A_3455, %sub3A_3530 : f32
      %mul3A_3532 = arith.mulf %sub3A_3531, %select_n3A_1948 : f32
      %swap3A_3533 = arith.constant 1 : index
      %swap3A_3534 = arith.constant 10 : index
      %swap3A_3535 = memref.load %arg8[%swap3A_3533, %swap3A_3534] : memref<3x16xf32, #tpu.memory_space<smem>>
      memref.store %mul3A_3532, %arg8[%swap3A_3533, %swap3A_3534] : memref<3x16xf32, #tpu.memory_space<smem>>
      %mul3A_3536 = arith.mulf %sub3A_3517, %select_n3A_1948 : f32
      %swap3A_3537 = arith.constant 1 : index
      %swap3A_3538 = arith.constant 11 : index
      %swap3A_3539 = memref.load %arg8[%swap3A_3537, %swap3A_3538] : memref<3x16xf32, #tpu.memory_space<smem>>
      memref.store %mul3A_3536, %arg8[%swap3A_3537, %swap3A_3538] : memref<3x16xf32, #tpu.memory_space<smem>>
      %swap3A_3540 = arith.constant 1 : index
      %swap3A_3541 = arith.constant 12 : index
      %swap3A_3542 = memref.load %arg8[%swap3A_3540, %swap3A_3541] : memref<3x16xf32, #tpu.memory_space<smem>>
      memref.store %select_n3A_1948, %arg8[%swap3A_3540, %swap3A_3541] : memref<3x16xf32, #tpu.memory_space<smem>>
      %get3A_3543 = arith.constant 2 : index
      %get3A_3544 = arith.constant 0 : index
      %get3A_3545 = memref.load %arg3[%get3A_3543, %get3A_3544] : memref<3x8xf32, #tpu.memory_space<smem>>
      %get3A_3546 = arith.constant 2 : index
      %get3A_3547 = arith.constant 4 : index
      %get3A_3548 = memref.load %arg3[%get3A_3546, %get3A_3547] : memref<3x8xf32, #tpu.memory_space<smem>>
      %gt3A_3549 = arith.constant 1.000000e+02 : f32
      %gt3A_3550 = arith.cmpf ogt, %get3A_3545, %gt3A_3549 : f32
      %gt3A_3551 = arith.constant 1.000000e+02 : f32
      %gt3A_3552 = arith.cmpf ogt, %get3A_3548, %gt3A_3551 : f32
      %and3A_3553 = arith.andi %gt3A_3550, %gt3A_3552 : i1
      %jit3A_3554 = arith.constant 1.000000e+00 : f32
      %jit3A_3555 = arith.constant 0.000000e+00 : f32
      %select_n3A_3556 = arith.select %and3A_3553, %jit3A_3554, %jit3A_3555 : f32
      %gt3A_3557 = arith.constant 0.000000e+00 : f32
      %gt3A_3558 = arith.cmpf ogt, %get3A_3545, %gt3A_3557 : f32
      %jit3A_3559 = arith.constant 1.000000e+00 : f32
      %select_n3A_3560 = arith.select %gt3A_3558, %get3A_3545, %jit3A_3559 : f32
      %gt3A_3561 = arith.constant 0.000000e+00 : f32
      %gt3A_3562 = arith.cmpf ogt, %get3A_3548, %gt3A_3561 : f32
      %jit3A_3563 = arith.constant 1.000000e+00 : f32
      %select_n3A_3564 = arith.select %gt3A_3562, %get3A_3548, %jit3A_3563 : f32
      %get3A_3565 = arith.constant 2 : index
      %get3A_3566 = arith.constant 1 : index
      %get3A_3567 = memref.load %arg3[%get3A_3565, %get3A_3566] : memref<3x8xf32, #tpu.memory_space<smem>>
      %div3A_3568 = arith.divf %get3A_3567, %select_n3A_3560 : f32
      %get3A_3569 = arith.constant 2 : index
      %get3A_3570 = arith.constant 2 : index
      %get3A_3571 = memref.load %arg3[%get3A_3569, %get3A_3570] : memref<3x8xf32, #tpu.memory_space<smem>>
      %div3A_3572 = arith.divf %get3A_3571, %select_n3A_3560 : f32
      %get3A_3573 = arith.constant 2 : index
      %get3A_3574 = arith.constant 3 : index
      %get3A_3575 = memref.load %arg3[%get3A_3573, %get3A_3574] : memref<3x8xf32, #tpu.memory_space<smem>>
      %div3A_3576 = arith.divf %get3A_3575, %select_n3A_3560 : f32
      %get3A_3577 = arith.constant 2 : index
      %get3A_3578 = arith.constant 5 : index
      %get3A_3579 = memref.load %arg3[%get3A_3577, %get3A_3578] : memref<3x8xf32, #tpu.memory_space<smem>>
      %div3A_3580 = arith.divf %get3A_3579, %select_n3A_3564 : f32
      %get3A_3581 = arith.constant 2 : index
      %get3A_3582 = arith.constant 6 : index
      %get3A_3583 = memref.load %arg3[%get3A_3581, %get3A_3582] : memref<3x8xf32, #tpu.memory_space<smem>>
      %div3A_3584 = arith.divf %get3A_3583, %select_n3A_3564 : f32
      %get3A_3585 = arith.constant 2 : index
      %get3A_3586 = arith.constant 7 : index
      %get3A_3587 = memref.load %arg3[%get3A_3585, %get3A_3586] : memref<3x8xf32, #tpu.memory_space<smem>>
      %div3A_3588 = arith.divf %get3A_3587, %select_n3A_3564 : f32
      %get3A_3589 = arith.constant 32 : index
      %get3A_3590 = vector.load %arg4[%get3A_3589] : memref<48xi32, #tpu.memory_space<vmem>>, vector<16xi32>
      %get3A_3591 = arith.constant 32 : index
      %get3A_3592 = vector.load %arg5[%get3A_3591] : memref<48xi32, #tpu.memory_space<vmem>>, vector<16xi32>
      %shift_right_logical3A_3593 = arith.constant 7 : i32
      %shift_right_logical3A_3594 = vector.broadcast %shift_right_logical3A_3593 : i32 to vector<16xi32>
      %shift_right_logical3A_3595 = arith.shrui %get3A_3590, %shift_right_logical3A_3594 : vector<16xi32>
      %convert_element_type3A_3596 = arith.sitofp %shift_right_logical3A_3595 : vector<16xi32> to vector<16xf32>
      %and3A_3597 = arith.constant 127 : i32
      %and3A_3598 = vector.broadcast %and3A_3597 : i32 to vector<16xi32>
      %and3A_3599 = arith.andi %get3A_3590, %and3A_3598 : vector<16xi32>
      %convert_element_type3A_3600 = arith.sitofp %and3A_3599 : vector<16xi32> to vector<16xf32>
      %convert_element_type3A_3601 = arith.sitofp %get3A_3592 : vector<16xi32> to vector<16xf32>
      %sub3A_3602 = vector.broadcast %div3A_3568 : f32 to vector<16xf32>
      %sub3A_3603 = arith.subf %convert_element_type3A_3596, %sub3A_3602 : vector<16xf32>
      %sub3A_3604 = vector.broadcast %div3A_3572 : f32 to vector<16xf32>
      %sub3A_3605 = arith.subf %convert_element_type3A_3600, %sub3A_3604 : vector<16xf32>
      %sub3A_3606 = vector.broadcast %div3A_3576 : f32 to vector<16xf32>
      %sub3A_3607 = arith.subf %convert_element_type3A_3601, %sub3A_3606 : vector<16xf32>
      %get3A_3608 = arith.constant 96 : index
      %get3A_3609 = vector.load %arg6[%get3A_3608] : memref<144xf32, #tpu.memory_space<vmem>>, vector<16xf32>
      %add3A_3610 = arith.addf %convert_element_type3A_3596, %get3A_3609 : vector<16xf32>
      %sub3A_3611 = vector.broadcast %div3A_3580 : f32 to vector<16xf32>
      %sub3A_3612 = arith.subf %add3A_3610, %sub3A_3611 : vector<16xf32>
      %get3A_3613 = arith.constant 112 : index
      %get3A_3614 = vector.load %arg6[%get3A_3613] : memref<144xf32, #tpu.memory_space<vmem>>, vector<16xf32>
      %add3A_3615 = arith.addf %convert_element_type3A_3600, %get3A_3614 : vector<16xf32>
      %sub3A_3616 = vector.broadcast %div3A_3584 : f32 to vector<16xf32>
      %sub3A_3617 = arith.subf %add3A_3615, %sub3A_3616 : vector<16xf32>
      %get3A_3618 = arith.constant 128 : index
      %get3A_3619 = vector.load %arg6[%get3A_3618] : memref<144xf32, #tpu.memory_space<vmem>>, vector<16xf32>
      %add3A_3620 = arith.addf %convert_element_type3A_3601, %get3A_3619 : vector<16xf32>
      %sub3A_3621 = vector.broadcast %div3A_3588 : f32 to vector<16xf32>
      %sub3A_3622 = arith.subf %add3A_3620, %sub3A_3621 : vector<16xf32>
      %mul3A_3623 = arith.mulf %sub3A_3603, %sub3A_3612 : vector<16xf32>
      %reduce_sum3A_3624 = vector.shape_cast %mul3A_3623 : vector<16xf32> to vector<1x16xf32>
      %reduce_sum3A_3625 = arith.constant dense<0.000000e+00> : vector<1xf32>
      %reduce_sum3A_3626 = vector.multi_reduction <add>, %reduce_sum3A_3624, %reduce_sum3A_3625 [1] : vector<1x16xf32> to vector<1xf32>
      %reduce_sum3A_3627 = vector.shape_cast %reduce_sum3A_3626 : vector<1xf32> to vector<1x1xf32>
      %reduce_sum3A_3628 = vector.extract %reduce_sum3A_3627[0, 0] : f32 from vector<1x1xf32>
      %mul3A_3629 = arith.mulf %sub3A_3603, %sub3A_3617 : vector<16xf32>
      %reduce_sum3A_3630 = vector.shape_cast %mul3A_3629 : vector<16xf32> to vector<1x16xf32>
      %reduce_sum3A_3631 = arith.constant dense<0.000000e+00> : vector<1xf32>
      %reduce_sum3A_3632 = vector.multi_reduction <add>, %reduce_sum3A_3630, %reduce_sum3A_3631 [1] : vector<1x16xf32> to vector<1xf32>
      %reduce_sum3A_3633 = vector.shape_cast %reduce_sum3A_3632 : vector<1xf32> to vector<1x1xf32>
      %reduce_sum3A_3634 = vector.extract %reduce_sum3A_3633[0, 0] : f32 from vector<1x1xf32>
      %mul3A_3635 = arith.mulf %sub3A_3603, %sub3A_3622 : vector<16xf32>
      %reduce_sum3A_3636 = vector.shape_cast %mul3A_3635 : vector<16xf32> to vector<1x16xf32>
      %reduce_sum3A_3637 = arith.constant dense<0.000000e+00> : vector<1xf32>
      %reduce_sum3A_3638 = vector.multi_reduction <add>, %reduce_sum3A_3636, %reduce_sum3A_3637 [1] : vector<1x16xf32> to vector<1xf32>
      %reduce_sum3A_3639 = vector.shape_cast %reduce_sum3A_3638 : vector<1xf32> to vector<1x1xf32>
      %reduce_sum3A_3640 = vector.extract %reduce_sum3A_3639[0, 0] : f32 from vector<1x1xf32>
      %mul3A_3641 = arith.mulf %sub3A_3605, %sub3A_3612 : vector<16xf32>
      %reduce_sum3A_3642 = vector.shape_cast %mul3A_3641 : vector<16xf32> to vector<1x16xf32>
      %reduce_sum3A_3643 = arith.constant dense<0.000000e+00> : vector<1xf32>
      %reduce_sum3A_3644 = vector.multi_reduction <add>, %reduce_sum3A_3642, %reduce_sum3A_3643 [1] : vector<1x16xf32> to vector<1xf32>
      %reduce_sum3A_3645 = vector.shape_cast %reduce_sum3A_3644 : vector<1xf32> to vector<1x1xf32>
      %reduce_sum3A_3646 = vector.extract %reduce_sum3A_3645[0, 0] : f32 from vector<1x1xf32>
      %mul3A_3647 = arith.mulf %sub3A_3605, %sub3A_3617 : vector<16xf32>
      %reduce_sum3A_3648 = vector.shape_cast %mul3A_3647 : vector<16xf32> to vector<1x16xf32>
      %reduce_sum3A_3649 = arith.constant dense<0.000000e+00> : vector<1xf32>
      %reduce_sum3A_3650 = vector.multi_reduction <add>, %reduce_sum3A_3648, %reduce_sum3A_3649 [1] : vector<1x16xf32> to vector<1xf32>
      %reduce_sum3A_3651 = vector.shape_cast %reduce_sum3A_3650 : vector<1xf32> to vector<1x1xf32>
      %reduce_sum3A_3652 = vector.extract %reduce_sum3A_3651[0, 0] : f32 from vector<1x1xf32>
      %mul3A_3653 = arith.mulf %sub3A_3605, %sub3A_3622 : vector<16xf32>
      %reduce_sum3A_3654 = vector.shape_cast %mul3A_3653 : vector<16xf32> to vector<1x16xf32>
      %reduce_sum3A_3655 = arith.constant dense<0.000000e+00> : vector<1xf32>
      %reduce_sum3A_3656 = vector.multi_reduction <add>, %reduce_sum3A_3654, %reduce_sum3A_3655 [1] : vector<1x16xf32> to vector<1xf32>
      %reduce_sum3A_3657 = vector.shape_cast %reduce_sum3A_3656 : vector<1xf32> to vector<1x1xf32>
      %reduce_sum3A_3658 = vector.extract %reduce_sum3A_3657[0, 0] : f32 from vector<1x1xf32>
      %mul3A_3659 = arith.mulf %sub3A_3607, %sub3A_3612 : vector<16xf32>
      %reduce_sum3A_3660 = vector.shape_cast %mul3A_3659 : vector<16xf32> to vector<1x16xf32>
      %reduce_sum3A_3661 = arith.constant dense<0.000000e+00> : vector<1xf32>
      %reduce_sum3A_3662 = vector.multi_reduction <add>, %reduce_sum3A_3660, %reduce_sum3A_3661 [1] : vector<1x16xf32> to vector<1xf32>
      %reduce_sum3A_3663 = vector.shape_cast %reduce_sum3A_3662 : vector<1xf32> to vector<1x1xf32>
      %reduce_sum3A_3664 = vector.extract %reduce_sum3A_3663[0, 0] : f32 from vector<1x1xf32>
      %mul3A_3665 = arith.mulf %sub3A_3607, %sub3A_3617 : vector<16xf32>
      %reduce_sum3A_3666 = vector.shape_cast %mul3A_3665 : vector<16xf32> to vector<1x16xf32>
      %reduce_sum3A_3667 = arith.constant dense<0.000000e+00> : vector<1xf32>
      %reduce_sum3A_3668 = vector.multi_reduction <add>, %reduce_sum3A_3666, %reduce_sum3A_3667 [1] : vector<1x16xf32> to vector<1xf32>
      %reduce_sum3A_3669 = vector.shape_cast %reduce_sum3A_3668 : vector<1xf32> to vector<1x1xf32>
      %reduce_sum3A_3670 = vector.extract %reduce_sum3A_3669[0, 0] : f32 from vector<1x1xf32>
      %mul3A_3671 = arith.mulf %sub3A_3607, %sub3A_3622 : vector<16xf32>
      %reduce_sum3A_3672 = vector.shape_cast %mul3A_3671 : vector<16xf32> to vector<1x16xf32>
      %reduce_sum3A_3673 = arith.constant dense<0.000000e+00> : vector<1xf32>
      %reduce_sum3A_3674 = vector.multi_reduction <add>, %reduce_sum3A_3672, %reduce_sum3A_3673 [1] : vector<1x16xf32> to vector<1xf32>
      %reduce_sum3A_3675 = vector.shape_cast %reduce_sum3A_3674 : vector<1xf32> to vector<1x1xf32>
      %reduce_sum3A_3676 = vector.extract %reduce_sum3A_3675[0, 0] : f32 from vector<1x1xf32>
      %mul3A_3677 = arith.mulf %reduce_sum3A_3652, %reduce_sum3A_3676 : f32
      %mul3A_3678 = arith.mulf %reduce_sum3A_3658, %reduce_sum3A_3670 : f32
      %sub3A_3679 = arith.subf %mul3A_3677, %mul3A_3678 : f32
      %mul3A_3680 = arith.mulf %reduce_sum3A_3628, %sub3A_3679 : f32
      %mul3A_3681 = arith.mulf %reduce_sum3A_3646, %reduce_sum3A_3676 : f32
      %mul3A_3682 = arith.mulf %reduce_sum3A_3658, %reduce_sum3A_3664 : f32
      %sub3A_3683 = arith.subf %mul3A_3681, %mul3A_3682 : f32
      %mul3A_3684 = arith.mulf %reduce_sum3A_3634, %sub3A_3683 : f32
      %sub3A_3685 = arith.subf %mul3A_3680, %mul3A_3684 : f32
      %mul3A_3686 = arith.mulf %reduce_sum3A_3646, %reduce_sum3A_3670 : f32
      %mul3A_3687 = arith.mulf %reduce_sum3A_3652, %reduce_sum3A_3664 : f32
      %sub3A_3688 = arith.subf %mul3A_3686, %mul3A_3687 : f32
      %mul3A_3689 = arith.mulf %reduce_sum3A_3640, %sub3A_3688 : f32
      %add3A_3690 = arith.addf %sub3A_3685, %mul3A_3689 : f32
      %ge3A_3691 = arith.constant 0.000000e+00 : f32
      %ge3A_3692 = arith.cmpf oge, %add3A_3690, %ge3A_3691 : f32
      %neg3A_3693 = arith.constant 0.000000e+00 : f32
      %neg3A_3694 = arith.constant 1.000000e+00 : f32
      %neg3A_3695 = arith.subf %neg3A_3693, %neg3A_3694 : f32
      %jit3A_3696 = arith.constant 1.000000e+00 : f32
      %select_n3A_3697 = arith.select %ge3A_3692, %jit3A_3696, %neg3A_3695 : f32
      %mul3A_3698 = arith.mulf %reduce_sum3A_3628, %reduce_sum3A_3628 : f32
      %mul3A_3699 = arith.mulf %reduce_sum3A_3646, %reduce_sum3A_3646 : f32
      %add3A_3700 = arith.addf %mul3A_3698, %mul3A_3699 : f32
      %mul3A_3701 = arith.mulf %reduce_sum3A_3664, %reduce_sum3A_3664 : f32
      %add3A_3702 = arith.addf %add3A_3700, %mul3A_3701 : f32
      %mul3A_3703 = arith.mulf %reduce_sum3A_3628, %reduce_sum3A_3634 : f32
      %mul3A_3704 = arith.mulf %reduce_sum3A_3646, %reduce_sum3A_3652 : f32
      %add3A_3705 = arith.addf %mul3A_3703, %mul3A_3704 : f32
      %mul3A_3706 = arith.mulf %reduce_sum3A_3664, %reduce_sum3A_3670 : f32
      %add3A_3707 = arith.addf %add3A_3705, %mul3A_3706 : f32
      %mul3A_3708 = arith.mulf %reduce_sum3A_3634, %reduce_sum3A_3634 : f32
      %mul3A_3709 = arith.mulf %reduce_sum3A_3652, %reduce_sum3A_3652 : f32
      %add3A_3710 = arith.addf %mul3A_3708, %mul3A_3709 : f32
      %mul3A_3711 = arith.mulf %reduce_sum3A_3670, %reduce_sum3A_3670 : f32
      %add3A_3712 = arith.addf %add3A_3710, %mul3A_3711 : f32
      %mul3A_3713 = arith.mulf %reduce_sum3A_3640, %reduce_sum3A_3628 : f32
      %mul3A_3714 = arith.mulf %reduce_sum3A_3658, %reduce_sum3A_3646 : f32
      %add3A_3715 = arith.addf %mul3A_3713, %mul3A_3714 : f32
      %mul3A_3716 = arith.mulf %reduce_sum3A_3676, %reduce_sum3A_3664 : f32
      %add3A_3717 = arith.addf %add3A_3715, %mul3A_3716 : f32
      %mul3A_3718 = arith.mulf %reduce_sum3A_3640, %reduce_sum3A_3634 : f32
      %mul3A_3719 = arith.mulf %reduce_sum3A_3658, %reduce_sum3A_3652 : f32
      %add3A_3720 = arith.addf %mul3A_3718, %mul3A_3719 : f32
      %mul3A_3721 = arith.mulf %reduce_sum3A_3676, %reduce_sum3A_3670 : f32
      %add3A_3722 = arith.addf %add3A_3720, %mul3A_3721 : f32
      %mul3A_3723 = arith.mulf %reduce_sum3A_3640, %reduce_sum3A_3640 : f32
      %mul3A_3724 = arith.mulf %reduce_sum3A_3658, %reduce_sum3A_3658 : f32
      %add3A_3725 = arith.addf %mul3A_3723, %mul3A_3724 : f32
      %mul3A_3726 = arith.mulf %reduce_sum3A_3676, %reduce_sum3A_3676 : f32
      %add3A_3727 = arith.addf %add3A_3725, %mul3A_3726 : f32
      %abs3A_3728 = math.absf %add3A_3707 : f32
      %gt3A_3729 = arith.constant 1.000000e-30 : f32
      %gt3A_3730 = arith.cmpf ogt, %abs3A_3728, %gt3A_3729 : f32
      %jit3A_3731 = arith.constant 1.000000e-30 : f32
      %select_n3A_3732 = arith.select %gt3A_3730, %add3A_3707, %jit3A_3731 : f32
      %sub3A_3733 = arith.subf %add3A_3712, %add3A_3702 : f32
      %mul3A_3734 = arith.constant 2.000000e+00 : f32
      %mul3A_3735 = arith.mulf %mul3A_3734, %select_n3A_3732 : f32
      %div3A_3736 = arith.divf %sub3A_3733, %mul3A_3735 : f32
      %sign3A_3737 = arith.bitcast %div3A_3736 : f32 to i32
      %sign3A_3738 = arith.constant -2147483648 : i32
      %sign3A_3739 = arith.andi %sign3A_3737, %sign3A_3738 : i32
      %sign3A_3740 = arith.constant 1065353216 : i32
      %sign3A_3741 = arith.ori %sign3A_3740, %sign3A_3739 : i32
      %sign3A_3742 = arith.bitcast %sign3A_3741 : i32 to f32
      %sign3A_3743 = math.absf %div3A_3736 : f32
      %sign3A_3744 = arith.constant 0.000000e+00 : f32
      %sign3A_3745 = arith.cmpf ogt, %sign3A_3743, %sign3A_3744 : f32
      %sign3A_3746 = arith.select %sign3A_3745, %sign3A_3742, %div3A_3736 : f32
      %abs3A_3747 = math.absf %div3A_3736 : f32
      %mul3A_3748 = arith.mulf %div3A_3736, %div3A_3736 : f32
      %add3A_3749 = arith.constant 1.000000e+00 : f32
      %add3A_3750 = arith.addf %add3A_3749, %mul3A_3748 : f32
      %sqrt3A_3751 = math.sqrt %add3A_3750 : f32
      %add3A_3752 = arith.addf %abs3A_3747, %sqrt3A_3751 : f32
      %div3A_3753 = arith.divf %sign3A_3746, %add3A_3752 : f32
      %mul3A_3754 = arith.mulf %div3A_3753, %div3A_3753 : f32
      %add3A_3755 = arith.constant 1.000000e+00 : f32
      %add3A_3756 = arith.addf %add3A_3755, %mul3A_3754 : f32
      %sqrt3A_3757 = math.sqrt %add3A_3756 : f32
      %div3A_3758 = arith.constant 1.000000e+00 : f32
      %div3A_3759 = arith.divf %div3A_3758, %sqrt3A_3757 : f32
      %mul3A_3760 = arith.mulf %div3A_3753, %div3A_3759 : f32
      %mul3A_3761 = arith.mulf %div3A_3759, %add3A_3717 : f32
      %mul3A_3762 = arith.mulf %mul3A_3760, %add3A_3722 : f32
      %sub3A_3763 = arith.subf %mul3A_3761, %mul3A_3762 : f32
      %mul3A_3764 = arith.mulf %mul3A_3760, %add3A_3717 : f32
      %mul3A_3765 = arith.mulf %div3A_3759, %add3A_3722 : f32
      %add3A_3766 = arith.addf %mul3A_3764, %mul3A_3765 : f32
      %mul3A_3767 = arith.mulf %div3A_3753, %add3A_3707 : f32
      %sub3A_3768 = arith.subf %add3A_3702, %mul3A_3767 : f32
      %mul3A_3769 = arith.mulf %div3A_3753, %add3A_3707 : f32
      %add3A_3770 = arith.addf %add3A_3712, %mul3A_3769 : f32
      %mul3A_3771 = arith.constant 1.000000e+00 : f32
      %mul3A_3772 = arith.mulf %div3A_3759, %mul3A_3771 : f32
      %mul3A_3773 = arith.constant 0.000000e+00 : f32
      %mul3A_3774 = arith.mulf %mul3A_3760, %mul3A_3773 : f32
      %sub3A_3775 = arith.subf %mul3A_3772, %mul3A_3774 : f32
      %mul3A_3776 = arith.constant 1.000000e+00 : f32
      %mul3A_3777 = arith.mulf %mul3A_3760, %mul3A_3776 : f32
      %mul3A_3778 = arith.constant 0.000000e+00 : f32
      %mul3A_3779 = arith.mulf %div3A_3759, %mul3A_3778 : f32
      %add3A_3780 = arith.addf %mul3A_3777, %mul3A_3779 : f32
      %mul3A_3781 = arith.constant 0.000000e+00 : f32
      %mul3A_3782 = arith.mulf %div3A_3759, %mul3A_3781 : f32
      %mul3A_3783 = arith.constant 1.000000e+00 : f32
      %mul3A_3784 = arith.mulf %mul3A_3760, %mul3A_3783 : f32
      %sub3A_3785 = arith.subf %mul3A_3782, %mul3A_3784 : f32
      %mul3A_3786 = arith.constant 0.000000e+00 : f32
      %mul3A_3787 = arith.mulf %mul3A_3760, %mul3A_3786 : f32
      %mul3A_3788 = arith.constant 1.000000e+00 : f32
      %mul3A_3789 = arith.mulf %div3A_3759, %mul3A_3788 : f32
      %add3A_3790 = arith.addf %mul3A_3787, %mul3A_3789 : f32
      %mul3A_3791 = arith.constant 0.000000e+00 : f32
      %mul3A_3792 = arith.mulf %div3A_3759, %mul3A_3791 : f32
      %mul3A_3793 = arith.constant 0.000000e+00 : f32
      %mul3A_3794 = arith.mulf %mul3A_3760, %mul3A_3793 : f32
      %sub3A_3795 = arith.subf %mul3A_3792, %mul3A_3794 : f32
      %mul3A_3796 = arith.constant 0.000000e+00 : f32
      %mul3A_3797 = arith.mulf %mul3A_3760, %mul3A_3796 : f32
      %mul3A_3798 = arith.constant 0.000000e+00 : f32
      %mul3A_3799 = arith.mulf %div3A_3759, %mul3A_3798 : f32
      %add3A_3800 = arith.addf %mul3A_3797, %mul3A_3799 : f32
      %abs3A_3801 = math.absf %sub3A_3763 : f32
      %gt3A_3802 = arith.constant 1.000000e-30 : f32
      %gt3A_3803 = arith.cmpf ogt, %abs3A_3801, %gt3A_3802 : f32
      %jit3A_3804 = arith.constant 1.000000e-30 : f32
      %select_n3A_3805 = arith.select %gt3A_3803, %sub3A_3763, %jit3A_3804 : f32
      %sub3A_3806 = arith.subf %add3A_3727, %sub3A_3768 : f32
      %mul3A_3807 = arith.constant 2.000000e+00 : f32
      %mul3A_3808 = arith.mulf %mul3A_3807, %select_n3A_3805 : f32
      %div3A_3809 = arith.divf %sub3A_3806, %mul3A_3808 : f32
      %sign3A_3810 = arith.bitcast %div3A_3809 : f32 to i32
      %sign3A_3811 = arith.constant -2147483648 : i32
      %sign3A_3812 = arith.andi %sign3A_3810, %sign3A_3811 : i32
      %sign3A_3813 = arith.constant 1065353216 : i32
      %sign3A_3814 = arith.ori %sign3A_3813, %sign3A_3812 : i32
      %sign3A_3815 = arith.bitcast %sign3A_3814 : i32 to f32
      %sign3A_3816 = math.absf %div3A_3809 : f32
      %sign3A_3817 = arith.constant 0.000000e+00 : f32
      %sign3A_3818 = arith.cmpf ogt, %sign3A_3816, %sign3A_3817 : f32
      %sign3A_3819 = arith.select %sign3A_3818, %sign3A_3815, %div3A_3809 : f32
      %abs3A_3820 = math.absf %div3A_3809 : f32
      %mul3A_3821 = arith.mulf %div3A_3809, %div3A_3809 : f32
      %add3A_3822 = arith.constant 1.000000e+00 : f32
      %add3A_3823 = arith.addf %add3A_3822, %mul3A_3821 : f32
      %sqrt3A_3824 = math.sqrt %add3A_3823 : f32
      %add3A_3825 = arith.addf %abs3A_3820, %sqrt3A_3824 : f32
      %div3A_3826 = arith.divf %sign3A_3819, %add3A_3825 : f32
      %mul3A_3827 = arith.mulf %div3A_3826, %div3A_3826 : f32
      %add3A_3828 = arith.constant 1.000000e+00 : f32
      %add3A_3829 = arith.addf %add3A_3828, %mul3A_3827 : f32
      %sqrt3A_3830 = math.sqrt %add3A_3829 : f32
      %div3A_3831 = arith.constant 1.000000e+00 : f32
      %div3A_3832 = arith.divf %div3A_3831, %sqrt3A_3830 : f32
      %mul3A_3833 = arith.mulf %div3A_3826, %div3A_3832 : f32
      %mul3A_3834 = arith.constant 0.000000e+00 : f32
      %mul3A_3835 = arith.mulf %div3A_3832, %mul3A_3834 : f32
      %mul3A_3836 = arith.mulf %mul3A_3833, %add3A_3766 : f32
      %sub3A_3837 = arith.subf %mul3A_3835, %mul3A_3836 : f32
      %mul3A_3838 = arith.constant 0.000000e+00 : f32
      %mul3A_3839 = arith.mulf %mul3A_3833, %mul3A_3838 : f32
      %mul3A_3840 = arith.mulf %div3A_3832, %add3A_3766 : f32
      %add3A_3841 = arith.addf %mul3A_3839, %mul3A_3840 : f32
      %mul3A_3842 = arith.mulf %div3A_3826, %sub3A_3763 : f32
      %sub3A_3843 = arith.subf %sub3A_3768, %mul3A_3842 : f32
      %mul3A_3844 = arith.mulf %div3A_3826, %sub3A_3763 : f32
      %add3A_3845 = arith.addf %add3A_3727, %mul3A_3844 : f32
      %mul3A_3846 = arith.mulf %div3A_3832, %sub3A_3775 : f32
      %mul3A_3847 = arith.constant 0.000000e+00 : f32
      %mul3A_3848 = arith.mulf %mul3A_3833, %mul3A_3847 : f32
      %sub3A_3849 = arith.subf %mul3A_3846, %mul3A_3848 : f32
      %mul3A_3850 = arith.mulf %mul3A_3833, %sub3A_3775 : f32
      %mul3A_3851 = arith.constant 0.000000e+00 : f32
      %mul3A_3852 = arith.mulf %div3A_3832, %mul3A_3851 : f32
      %add3A_3853 = arith.addf %mul3A_3850, %mul3A_3852 : f32
      %mul3A_3854 = arith.mulf %div3A_3832, %sub3A_3785 : f32
      %mul3A_3855 = arith.constant 0.000000e+00 : f32
      %mul3A_3856 = arith.mulf %mul3A_3833, %mul3A_3855 : f32
      %sub3A_3857 = arith.subf %mul3A_3854, %mul3A_3856 : f32
      %mul3A_3858 = arith.mulf %mul3A_3833, %sub3A_3785 : f32
      %mul3A_3859 = arith.constant 0.000000e+00 : f32
      %mul3A_3860 = arith.mulf %div3A_3832, %mul3A_3859 : f32
      %add3A_3861 = arith.addf %mul3A_3858, %mul3A_3860 : f32
      %mul3A_3862 = arith.mulf %div3A_3832, %sub3A_3795 : f32
      %mul3A_3863 = arith.constant 1.000000e+00 : f32
      %mul3A_3864 = arith.mulf %mul3A_3833, %mul3A_3863 : f32
      %sub3A_3865 = arith.subf %mul3A_3862, %mul3A_3864 : f32
      %mul3A_3866 = arith.mulf %mul3A_3833, %sub3A_3795 : f32
      %mul3A_3867 = arith.constant 1.000000e+00 : f32
      %mul3A_3868 = arith.mulf %div3A_3832, %mul3A_3867 : f32
      %add3A_3869 = arith.addf %mul3A_3866, %mul3A_3868 : f32
      %abs3A_3870 = math.absf %add3A_3841 : f32
      %gt3A_3871 = arith.constant 1.000000e-30 : f32
      %gt3A_3872 = arith.cmpf ogt, %abs3A_3870, %gt3A_3871 : f32
      %jit3A_3873 = arith.constant 1.000000e-30 : f32
      %select_n3A_3874 = arith.select %gt3A_3872, %add3A_3841, %jit3A_3873 : f32
      %sub3A_3875 = arith.subf %add3A_3845, %add3A_3770 : f32
      %mul3A_3876 = arith.constant 2.000000e+00 : f32
      %mul3A_3877 = arith.mulf %mul3A_3876, %select_n3A_3874 : f32
      %div3A_3878 = arith.divf %sub3A_3875, %mul3A_3877 : f32
      %sign3A_3879 = arith.bitcast %div3A_3878 : f32 to i32
      %sign3A_3880 = arith.constant -2147483648 : i32
      %sign3A_3881 = arith.andi %sign3A_3879, %sign3A_3880 : i32
      %sign3A_3882 = arith.constant 1065353216 : i32
      %sign3A_3883 = arith.ori %sign3A_3882, %sign3A_3881 : i32
      %sign3A_3884 = arith.bitcast %sign3A_3883 : i32 to f32
      %sign3A_3885 = math.absf %div3A_3878 : f32
      %sign3A_3886 = arith.constant 0.000000e+00 : f32
      %sign3A_3887 = arith.cmpf ogt, %sign3A_3885, %sign3A_3886 : f32
      %sign3A_3888 = arith.select %sign3A_3887, %sign3A_3884, %div3A_3878 : f32
      %abs3A_3889 = math.absf %div3A_3878 : f32
      %mul3A_3890 = arith.mulf %div3A_3878, %div3A_3878 : f32
      %add3A_3891 = arith.constant 1.000000e+00 : f32
      %add3A_3892 = arith.addf %add3A_3891, %mul3A_3890 : f32
      %sqrt3A_3893 = math.sqrt %add3A_3892 : f32
      %add3A_3894 = arith.addf %abs3A_3889, %sqrt3A_3893 : f32
      %div3A_3895 = arith.divf %sign3A_3888, %add3A_3894 : f32
      %mul3A_3896 = arith.mulf %div3A_3895, %div3A_3895 : f32
      %add3A_3897 = arith.constant 1.000000e+00 : f32
      %add3A_3898 = arith.addf %add3A_3897, %mul3A_3896 : f32
      %sqrt3A_3899 = math.sqrt %add3A_3898 : f32
      %div3A_3900 = arith.constant 1.000000e+00 : f32
      %div3A_3901 = arith.divf %div3A_3900, %sqrt3A_3899 : f32
      %mul3A_3902 = arith.mulf %div3A_3895, %div3A_3901 : f32
      %mul3A_3903 = arith.mulf %div3A_3901, %sub3A_3837 : f32
      %mul3A_3904 = arith.constant 0.000000e+00 : f32
      %mul3A_3905 = arith.mulf %mul3A_3902, %mul3A_3904 : f32
      %sub3A_3906 = arith.subf %mul3A_3903, %mul3A_3905 : f32
      %mul3A_3907 = arith.mulf %mul3A_3902, %sub3A_3837 : f32
      %mul3A_3908 = arith.constant 0.000000e+00 : f32
      %mul3A_3909 = arith.mulf %div3A_3901, %mul3A_3908 : f32
      %add3A_3910 = arith.addf %mul3A_3907, %mul3A_3909 : f32
      %mul3A_3911 = arith.mulf %div3A_3895, %add3A_3841 : f32
      %sub3A_3912 = arith.subf %add3A_3770, %mul3A_3911 : f32
      %mul3A_3913 = arith.mulf %div3A_3895, %add3A_3841 : f32
      %add3A_3914 = arith.addf %add3A_3845, %mul3A_3913 : f32
      %mul3A_3915 = arith.mulf %div3A_3901, %add3A_3780 : f32
      %mul3A_3916 = arith.mulf %mul3A_3902, %add3A_3853 : f32
      %sub3A_3917 = arith.subf %mul3A_3915, %mul3A_3916 : f32
      %mul3A_3918 = arith.mulf %mul3A_3902, %add3A_3780 : f32
      %mul3A_3919 = arith.mulf %div3A_3901, %add3A_3853 : f32
      %add3A_3920 = arith.addf %mul3A_3918, %mul3A_3919 : f32
      %mul3A_3921 = arith.mulf %div3A_3901, %add3A_3790 : f32
      %mul3A_3922 = arith.mulf %mul3A_3902, %add3A_3861 : f32
      %sub3A_3923 = arith.subf %mul3A_3921, %mul3A_3922 : f32
      %mul3A_3924 = arith.mulf %mul3A_3902, %add3A_3790 : f32
      %mul3A_3925 = arith.mulf %div3A_3901, %add3A_3861 : f32
      %add3A_3926 = arith.addf %mul3A_3924, %mul3A_3925 : f32
      %mul3A_3927 = arith.mulf %div3A_3901, %add3A_3800 : f32
      %mul3A_3928 = arith.mulf %mul3A_3902, %add3A_3869 : f32
      %sub3A_3929 = arith.subf %mul3A_3927, %mul3A_3928 : f32
      %mul3A_3930 = arith.mulf %mul3A_3902, %add3A_3800 : f32
      %mul3A_3931 = arith.mulf %div3A_3901, %add3A_3869 : f32
      %add3A_3932 = arith.addf %mul3A_3930, %mul3A_3931 : f32
      %abs3A_3933 = math.absf %sub3A_3906 : f32
      %gt3A_3934 = arith.constant 1.000000e-30 : f32
      %gt3A_3935 = arith.cmpf ogt, %abs3A_3933, %gt3A_3934 : f32
      %jit3A_3936 = arith.constant 1.000000e-30 : f32
      %select_n3A_3937 = arith.select %gt3A_3935, %sub3A_3906, %jit3A_3936 : f32
      %sub3A_3938 = arith.subf %sub3A_3912, %sub3A_3843 : f32
      %mul3A_3939 = arith.constant 2.000000e+00 : f32
      %mul3A_3940 = arith.mulf %mul3A_3939, %select_n3A_3937 : f32
      %div3A_3941 = arith.divf %sub3A_3938, %mul3A_3940 : f32
      %sign3A_3942 = arith.bitcast %div3A_3941 : f32 to i32
      %sign3A_3943 = arith.constant -2147483648 : i32
      %sign3A_3944 = arith.andi %sign3A_3942, %sign3A_3943 : i32
      %sign3A_3945 = arith.constant 1065353216 : i32
      %sign3A_3946 = arith.ori %sign3A_3945, %sign3A_3944 : i32
      %sign3A_3947 = arith.bitcast %sign3A_3946 : i32 to f32
      %sign3A_3948 = math.absf %div3A_3941 : f32
      %sign3A_3949 = arith.constant 0.000000e+00 : f32
      %sign3A_3950 = arith.cmpf ogt, %sign3A_3948, %sign3A_3949 : f32
      %sign3A_3951 = arith.select %sign3A_3950, %sign3A_3947, %div3A_3941 : f32
      %abs3A_3952 = math.absf %div3A_3941 : f32
      %mul3A_3953 = arith.mulf %div3A_3941, %div3A_3941 : f32
      %add3A_3954 = arith.constant 1.000000e+00 : f32
      %add3A_3955 = arith.addf %add3A_3954, %mul3A_3953 : f32
      %sqrt3A_3956 = math.sqrt %add3A_3955 : f32
      %add3A_3957 = arith.addf %abs3A_3952, %sqrt3A_3956 : f32
      %div3A_3958 = arith.divf %sign3A_3951, %add3A_3957 : f32
      %mul3A_3959 = arith.mulf %div3A_3958, %div3A_3958 : f32
      %add3A_3960 = arith.constant 1.000000e+00 : f32
      %add3A_3961 = arith.addf %add3A_3960, %mul3A_3959 : f32
      %sqrt3A_3962 = math.sqrt %add3A_3961 : f32
      %div3A_3963 = arith.constant 1.000000e+00 : f32
      %div3A_3964 = arith.divf %div3A_3963, %sqrt3A_3962 : f32
      %mul3A_3965 = arith.mulf %div3A_3958, %div3A_3964 : f32
      %mul3A_3966 = arith.mulf %div3A_3964, %add3A_3910 : f32
      %mul3A_3967 = arith.constant 0.000000e+00 : f32
      %mul3A_3968 = arith.mulf %mul3A_3965, %mul3A_3967 : f32
      %sub3A_3969 = arith.subf %mul3A_3966, %mul3A_3968 : f32
      %mul3A_3970 = arith.mulf %mul3A_3965, %add3A_3910 : f32
      %mul3A_3971 = arith.constant 0.000000e+00 : f32
      %mul3A_3972 = arith.mulf %div3A_3964, %mul3A_3971 : f32
      %add3A_3973 = arith.addf %mul3A_3970, %mul3A_3972 : f32
      %mul3A_3974 = arith.mulf %div3A_3958, %sub3A_3906 : f32
      %sub3A_3975 = arith.subf %sub3A_3843, %mul3A_3974 : f32
      %mul3A_3976 = arith.mulf %div3A_3958, %sub3A_3906 : f32
      %add3A_3977 = arith.addf %sub3A_3912, %mul3A_3976 : f32
      %mul3A_3978 = arith.mulf %div3A_3964, %sub3A_3849 : f32
      %mul3A_3979 = arith.mulf %mul3A_3965, %sub3A_3917 : f32
      %sub3A_3980 = arith.subf %mul3A_3978, %mul3A_3979 : f32
      %mul3A_3981 = arith.mulf %mul3A_3965, %sub3A_3849 : f32
      %mul3A_3982 = arith.mulf %div3A_3964, %sub3A_3917 : f32
      %add3A_3983 = arith.addf %mul3A_3981, %mul3A_3982 : f32
      %mul3A_3984 = arith.mulf %div3A_3964, %sub3A_3857 : f32
      %mul3A_3985 = arith.mulf %mul3A_3965, %sub3A_3923 : f32
      %sub3A_3986 = arith.subf %mul3A_3984, %mul3A_3985 : f32
      %mul3A_3987 = arith.mulf %mul3A_3965, %sub3A_3857 : f32
      %mul3A_3988 = arith.mulf %div3A_3964, %sub3A_3923 : f32
      %add3A_3989 = arith.addf %mul3A_3987, %mul3A_3988 : f32
      %mul3A_3990 = arith.mulf %div3A_3964, %sub3A_3865 : f32
      %mul3A_3991 = arith.mulf %mul3A_3965, %sub3A_3929 : f32
      %sub3A_3992 = arith.subf %mul3A_3990, %mul3A_3991 : f32
      %mul3A_3993 = arith.mulf %mul3A_3965, %sub3A_3865 : f32
      %mul3A_3994 = arith.mulf %div3A_3964, %sub3A_3929 : f32
      %add3A_3995 = arith.addf %mul3A_3993, %mul3A_3994 : f32
      %abs3A_3996 = math.absf %sub3A_3969 : f32
      %gt3A_3997 = arith.constant 1.000000e-30 : f32
      %gt3A_3998 = arith.cmpf ogt, %abs3A_3996, %gt3A_3997 : f32
      %jit3A_3999 = arith.constant 1.000000e-30 : f32
      %select_n3A_4000 = arith.select %gt3A_3998, %sub3A_3969, %jit3A_3999 : f32
      %sub3A_4001 = arith.subf %add3A_3914, %sub3A_3975 : f32
      %mul3A_4002 = arith.constant 2.000000e+00 : f32
      %mul3A_4003 = arith.mulf %mul3A_4002, %select_n3A_4000 : f32
      %div3A_4004 = arith.divf %sub3A_4001, %mul3A_4003 : f32
      %sign3A_4005 = arith.bitcast %div3A_4004 : f32 to i32
      %sign3A_4006 = arith.constant -2147483648 : i32
      %sign3A_4007 = arith.andi %sign3A_4005, %sign3A_4006 : i32
      %sign3A_4008 = arith.constant 1065353216 : i32
      %sign3A_4009 = arith.ori %sign3A_4008, %sign3A_4007 : i32
      %sign3A_4010 = arith.bitcast %sign3A_4009 : i32 to f32
      %sign3A_4011 = math.absf %div3A_4004 : f32
      %sign3A_4012 = arith.constant 0.000000e+00 : f32
      %sign3A_4013 = arith.cmpf ogt, %sign3A_4011, %sign3A_4012 : f32
      %sign3A_4014 = arith.select %sign3A_4013, %sign3A_4010, %div3A_4004 : f32
      %abs3A_4015 = math.absf %div3A_4004 : f32
      %mul3A_4016 = arith.mulf %div3A_4004, %div3A_4004 : f32
      %add3A_4017 = arith.constant 1.000000e+00 : f32
      %add3A_4018 = arith.addf %add3A_4017, %mul3A_4016 : f32
      %sqrt3A_4019 = math.sqrt %add3A_4018 : f32
      %add3A_4020 = arith.addf %abs3A_4015, %sqrt3A_4019 : f32
      %div3A_4021 = arith.divf %sign3A_4014, %add3A_4020 : f32
      %mul3A_4022 = arith.mulf %div3A_4021, %div3A_4021 : f32
      %add3A_4023 = arith.constant 1.000000e+00 : f32
      %add3A_4024 = arith.addf %add3A_4023, %mul3A_4022 : f32
      %sqrt3A_4025 = math.sqrt %add3A_4024 : f32
      %div3A_4026 = arith.constant 1.000000e+00 : f32
      %div3A_4027 = arith.divf %div3A_4026, %sqrt3A_4025 : f32
      %mul3A_4028 = arith.mulf %div3A_4021, %div3A_4027 : f32
      %mul3A_4029 = arith.constant 0.000000e+00 : f32
      %mul3A_4030 = arith.mulf %div3A_4027, %mul3A_4029 : f32
      %mul3A_4031 = arith.mulf %mul3A_4028, %add3A_3973 : f32
      %sub3A_4032 = arith.subf %mul3A_4030, %mul3A_4031 : f32
      %mul3A_4033 = arith.constant 0.000000e+00 : f32
      %mul3A_4034 = arith.mulf %mul3A_4028, %mul3A_4033 : f32
      %mul3A_4035 = arith.mulf %div3A_4027, %add3A_3973 : f32
      %add3A_4036 = arith.addf %mul3A_4034, %mul3A_4035 : f32
      %mul3A_4037 = arith.mulf %div3A_4021, %sub3A_3969 : f32
      %sub3A_4038 = arith.subf %sub3A_3975, %mul3A_4037 : f32
      %mul3A_4039 = arith.mulf %div3A_4021, %sub3A_3969 : f32
      %add3A_4040 = arith.addf %add3A_3914, %mul3A_4039 : f32
      %mul3A_4041 = arith.mulf %div3A_4027, %sub3A_3980 : f32
      %mul3A_4042 = arith.mulf %mul3A_4028, %add3A_3920 : f32
      %sub3A_4043 = arith.subf %mul3A_4041, %mul3A_4042 : f32
      %mul3A_4044 = arith.mulf %mul3A_4028, %sub3A_3980 : f32
      %mul3A_4045 = arith.mulf %div3A_4027, %add3A_3920 : f32
      %add3A_4046 = arith.addf %mul3A_4044, %mul3A_4045 : f32
      %mul3A_4047 = arith.mulf %div3A_4027, %sub3A_3986 : f32
      %mul3A_4048 = arith.mulf %mul3A_4028, %add3A_3926 : f32
      %sub3A_4049 = arith.subf %mul3A_4047, %mul3A_4048 : f32
      %mul3A_4050 = arith.mulf %mul3A_4028, %sub3A_3986 : f32
      %mul3A_4051 = arith.mulf %div3A_4027, %add3A_3926 : f32
      %add3A_4052 = arith.addf %mul3A_4050, %mul3A_4051 : f32
      %mul3A_4053 = arith.mulf %div3A_4027, %sub3A_3992 : f32
      %mul3A_4054 = arith.mulf %mul3A_4028, %add3A_3932 : f32
      %sub3A_4055 = arith.subf %mul3A_4053, %mul3A_4054 : f32
      %mul3A_4056 = arith.mulf %mul3A_4028, %sub3A_3992 : f32
      %mul3A_4057 = arith.mulf %div3A_4027, %add3A_3932 : f32
      %add3A_4058 = arith.addf %mul3A_4056, %mul3A_4057 : f32
      %abs3A_4059 = math.absf %add3A_4036 : f32
      %gt3A_4060 = arith.constant 1.000000e-30 : f32
      %gt3A_4061 = arith.cmpf ogt, %abs3A_4059, %gt3A_4060 : f32
      %jit3A_4062 = arith.constant 1.000000e-30 : f32
      %select_n3A_4063 = arith.select %gt3A_4061, %add3A_4036, %jit3A_4062 : f32
      %sub3A_4064 = arith.subf %add3A_4040, %add3A_3977 : f32
      %mul3A_4065 = arith.constant 2.000000e+00 : f32
      %mul3A_4066 = arith.mulf %mul3A_4065, %select_n3A_4063 : f32
      %div3A_4067 = arith.divf %sub3A_4064, %mul3A_4066 : f32
      %sign3A_4068 = arith.bitcast %div3A_4067 : f32 to i32
      %sign3A_4069 = arith.constant -2147483648 : i32
      %sign3A_4070 = arith.andi %sign3A_4068, %sign3A_4069 : i32
      %sign3A_4071 = arith.constant 1065353216 : i32
      %sign3A_4072 = arith.ori %sign3A_4071, %sign3A_4070 : i32
      %sign3A_4073 = arith.bitcast %sign3A_4072 : i32 to f32
      %sign3A_4074 = math.absf %div3A_4067 : f32
      %sign3A_4075 = arith.constant 0.000000e+00 : f32
      %sign3A_4076 = arith.cmpf ogt, %sign3A_4074, %sign3A_4075 : f32
      %sign3A_4077 = arith.select %sign3A_4076, %sign3A_4073, %div3A_4067 : f32
      %abs3A_4078 = math.absf %div3A_4067 : f32
      %mul3A_4079 = arith.mulf %div3A_4067, %div3A_4067 : f32
      %add3A_4080 = arith.constant 1.000000e+00 : f32
      %add3A_4081 = arith.addf %add3A_4080, %mul3A_4079 : f32
      %sqrt3A_4082 = math.sqrt %add3A_4081 : f32
      %add3A_4083 = arith.addf %abs3A_4078, %sqrt3A_4082 : f32
      %div3A_4084 = arith.divf %sign3A_4077, %add3A_4083 : f32
      %mul3A_4085 = arith.mulf %div3A_4084, %div3A_4084 : f32
      %add3A_4086 = arith.constant 1.000000e+00 : f32
      %add3A_4087 = arith.addf %add3A_4086, %mul3A_4085 : f32
      %sqrt3A_4088 = math.sqrt %add3A_4087 : f32
      %div3A_4089 = arith.constant 1.000000e+00 : f32
      %div3A_4090 = arith.divf %div3A_4089, %sqrt3A_4088 : f32
      %mul3A_4091 = arith.mulf %div3A_4084, %div3A_4090 : f32
      %mul3A_4092 = arith.mulf %div3A_4090, %sub3A_4032 : f32
      %mul3A_4093 = arith.constant 0.000000e+00 : f32
      %mul3A_4094 = arith.mulf %mul3A_4091, %mul3A_4093 : f32
      %sub3A_4095 = arith.subf %mul3A_4092, %mul3A_4094 : f32
      %mul3A_4096 = arith.mulf %mul3A_4091, %sub3A_4032 : f32
      %mul3A_4097 = arith.constant 0.000000e+00 : f32
      %mul3A_4098 = arith.mulf %div3A_4090, %mul3A_4097 : f32
      %add3A_4099 = arith.addf %mul3A_4096, %mul3A_4098 : f32
      %mul3A_4100 = arith.mulf %div3A_4084, %add3A_4036 : f32
      %sub3A_4101 = arith.subf %add3A_3977, %mul3A_4100 : f32
      %mul3A_4102 = arith.mulf %div3A_4084, %add3A_4036 : f32
      %add3A_4103 = arith.addf %add3A_4040, %mul3A_4102 : f32
      %mul3A_4104 = arith.mulf %div3A_4090, %add3A_3983 : f32
      %mul3A_4105 = arith.mulf %mul3A_4091, %add3A_4046 : f32
      %sub3A_4106 = arith.subf %mul3A_4104, %mul3A_4105 : f32
      %mul3A_4107 = arith.mulf %mul3A_4091, %add3A_3983 : f32
      %mul3A_4108 = arith.mulf %div3A_4090, %add3A_4046 : f32
      %add3A_4109 = arith.addf %mul3A_4107, %mul3A_4108 : f32
      %mul3A_4110 = arith.mulf %div3A_4090, %add3A_3989 : f32
      %mul3A_4111 = arith.mulf %mul3A_4091, %add3A_4052 : f32
      %sub3A_4112 = arith.subf %mul3A_4110, %mul3A_4111 : f32
      %mul3A_4113 = arith.mulf %mul3A_4091, %add3A_3989 : f32
      %mul3A_4114 = arith.mulf %div3A_4090, %add3A_4052 : f32
      %add3A_4115 = arith.addf %mul3A_4113, %mul3A_4114 : f32
      %mul3A_4116 = arith.mulf %div3A_4090, %add3A_3995 : f32
      %mul3A_4117 = arith.mulf %mul3A_4091, %add3A_4058 : f32
      %sub3A_4118 = arith.subf %mul3A_4116, %mul3A_4117 : f32
      %mul3A_4119 = arith.mulf %mul3A_4091, %add3A_3995 : f32
      %mul3A_4120 = arith.mulf %div3A_4090, %add3A_4058 : f32
      %add3A_4121 = arith.addf %mul3A_4119, %mul3A_4120 : f32
      %abs3A_4122 = math.absf %sub3A_4095 : f32
      %gt3A_4123 = arith.constant 1.000000e-30 : f32
      %gt3A_4124 = arith.cmpf ogt, %abs3A_4122, %gt3A_4123 : f32
      %jit3A_4125 = arith.constant 1.000000e-30 : f32
      %select_n3A_4126 = arith.select %gt3A_4124, %sub3A_4095, %jit3A_4125 : f32
      %sub3A_4127 = arith.subf %sub3A_4101, %sub3A_4038 : f32
      %mul3A_4128 = arith.constant 2.000000e+00 : f32
      %mul3A_4129 = arith.mulf %mul3A_4128, %select_n3A_4126 : f32
      %div3A_4130 = arith.divf %sub3A_4127, %mul3A_4129 : f32
      %sign3A_4131 = arith.bitcast %div3A_4130 : f32 to i32
      %sign3A_4132 = arith.constant -2147483648 : i32
      %sign3A_4133 = arith.andi %sign3A_4131, %sign3A_4132 : i32
      %sign3A_4134 = arith.constant 1065353216 : i32
      %sign3A_4135 = arith.ori %sign3A_4134, %sign3A_4133 : i32
      %sign3A_4136 = arith.bitcast %sign3A_4135 : i32 to f32
      %sign3A_4137 = math.absf %div3A_4130 : f32
      %sign3A_4138 = arith.constant 0.000000e+00 : f32
      %sign3A_4139 = arith.cmpf ogt, %sign3A_4137, %sign3A_4138 : f32
      %sign3A_4140 = arith.select %sign3A_4139, %sign3A_4136, %div3A_4130 : f32
      %abs3A_4141 = math.absf %div3A_4130 : f32
      %mul3A_4142 = arith.mulf %div3A_4130, %div3A_4130 : f32
      %add3A_4143 = arith.constant 1.000000e+00 : f32
      %add3A_4144 = arith.addf %add3A_4143, %mul3A_4142 : f32
      %sqrt3A_4145 = math.sqrt %add3A_4144 : f32
      %add3A_4146 = arith.addf %abs3A_4141, %sqrt3A_4145 : f32
      %div3A_4147 = arith.divf %sign3A_4140, %add3A_4146 : f32
      %mul3A_4148 = arith.mulf %div3A_4147, %div3A_4147 : f32
      %add3A_4149 = arith.constant 1.000000e+00 : f32
      %add3A_4150 = arith.addf %add3A_4149, %mul3A_4148 : f32
      %sqrt3A_4151 = math.sqrt %add3A_4150 : f32
      %div3A_4152 = arith.constant 1.000000e+00 : f32
      %div3A_4153 = arith.divf %div3A_4152, %sqrt3A_4151 : f32
      %mul3A_4154 = arith.mulf %div3A_4147, %div3A_4153 : f32
      %mul3A_4155 = arith.mulf %div3A_4153, %add3A_4099 : f32
      %mul3A_4156 = arith.constant 0.000000e+00 : f32
      %mul3A_4157 = arith.mulf %mul3A_4154, %mul3A_4156 : f32
      %sub3A_4158 = arith.subf %mul3A_4155, %mul3A_4157 : f32
      %mul3A_4159 = arith.mulf %mul3A_4154, %add3A_4099 : f32
      %mul3A_4160 = arith.constant 0.000000e+00 : f32
      %mul3A_4161 = arith.mulf %div3A_4153, %mul3A_4160 : f32
      %add3A_4162 = arith.addf %mul3A_4159, %mul3A_4161 : f32
      %mul3A_4163 = arith.mulf %div3A_4147, %sub3A_4095 : f32
      %sub3A_4164 = arith.subf %sub3A_4038, %mul3A_4163 : f32
      %mul3A_4165 = arith.mulf %div3A_4147, %sub3A_4095 : f32
      %add3A_4166 = arith.addf %sub3A_4101, %mul3A_4165 : f32
      %mul3A_4167 = arith.mulf %div3A_4153, %sub3A_4043 : f32
      %mul3A_4168 = arith.mulf %mul3A_4154, %sub3A_4106 : f32
      %sub3A_4169 = arith.subf %mul3A_4167, %mul3A_4168 : f32
      %mul3A_4170 = arith.mulf %mul3A_4154, %sub3A_4043 : f32
      %mul3A_4171 = arith.mulf %div3A_4153, %sub3A_4106 : f32
      %add3A_4172 = arith.addf %mul3A_4170, %mul3A_4171 : f32
      %mul3A_4173 = arith.mulf %div3A_4153, %sub3A_4049 : f32
      %mul3A_4174 = arith.mulf %mul3A_4154, %sub3A_4112 : f32
      %sub3A_4175 = arith.subf %mul3A_4173, %mul3A_4174 : f32
      %mul3A_4176 = arith.mulf %mul3A_4154, %sub3A_4049 : f32
      %mul3A_4177 = arith.mulf %div3A_4153, %sub3A_4112 : f32
      %add3A_4178 = arith.addf %mul3A_4176, %mul3A_4177 : f32
      %mul3A_4179 = arith.mulf %div3A_4153, %sub3A_4055 : f32
      %mul3A_4180 = arith.mulf %mul3A_4154, %sub3A_4118 : f32
      %sub3A_4181 = arith.subf %mul3A_4179, %mul3A_4180 : f32
      %mul3A_4182 = arith.mulf %mul3A_4154, %sub3A_4055 : f32
      %mul3A_4183 = arith.mulf %div3A_4153, %sub3A_4118 : f32
      %add3A_4184 = arith.addf %mul3A_4182, %mul3A_4183 : f32
      %abs3A_4185 = math.absf %sub3A_4158 : f32
      %gt3A_4186 = arith.constant 1.000000e-30 : f32
      %gt3A_4187 = arith.cmpf ogt, %abs3A_4185, %gt3A_4186 : f32
      %jit3A_4188 = arith.constant 1.000000e-30 : f32
      %select_n3A_4189 = arith.select %gt3A_4187, %sub3A_4158, %jit3A_4188 : f32
      %sub3A_4190 = arith.subf %add3A_4103, %sub3A_4164 : f32
      %mul3A_4191 = arith.constant 2.000000e+00 : f32
      %mul3A_4192 = arith.mulf %mul3A_4191, %select_n3A_4189 : f32
      %div3A_4193 = arith.divf %sub3A_4190, %mul3A_4192 : f32
      %sign3A_4194 = arith.bitcast %div3A_4193 : f32 to i32
      %sign3A_4195 = arith.constant -2147483648 : i32
      %sign3A_4196 = arith.andi %sign3A_4194, %sign3A_4195 : i32
      %sign3A_4197 = arith.constant 1065353216 : i32
      %sign3A_4198 = arith.ori %sign3A_4197, %sign3A_4196 : i32
      %sign3A_4199 = arith.bitcast %sign3A_4198 : i32 to f32
      %sign3A_4200 = math.absf %div3A_4193 : f32
      %sign3A_4201 = arith.constant 0.000000e+00 : f32
      %sign3A_4202 = arith.cmpf ogt, %sign3A_4200, %sign3A_4201 : f32
      %sign3A_4203 = arith.select %sign3A_4202, %sign3A_4199, %div3A_4193 : f32
      %abs3A_4204 = math.absf %div3A_4193 : f32
      %mul3A_4205 = arith.mulf %div3A_4193, %div3A_4193 : f32
      %add3A_4206 = arith.constant 1.000000e+00 : f32
      %add3A_4207 = arith.addf %add3A_4206, %mul3A_4205 : f32
      %sqrt3A_4208 = math.sqrt %add3A_4207 : f32
      %add3A_4209 = arith.addf %abs3A_4204, %sqrt3A_4208 : f32
      %div3A_4210 = arith.divf %sign3A_4203, %add3A_4209 : f32
      %mul3A_4211 = arith.mulf %div3A_4210, %div3A_4210 : f32
      %add3A_4212 = arith.constant 1.000000e+00 : f32
      %add3A_4213 = arith.addf %add3A_4212, %mul3A_4211 : f32
      %sqrt3A_4214 = math.sqrt %add3A_4213 : f32
      %div3A_4215 = arith.constant 1.000000e+00 : f32
      %div3A_4216 = arith.divf %div3A_4215, %sqrt3A_4214 : f32
      %mul3A_4217 = arith.mulf %div3A_4210, %div3A_4216 : f32
      %mul3A_4218 = arith.constant 0.000000e+00 : f32
      %mul3A_4219 = arith.mulf %div3A_4216, %mul3A_4218 : f32
      %mul3A_4220 = arith.mulf %mul3A_4217, %add3A_4162 : f32
      %sub3A_4221 = arith.subf %mul3A_4219, %mul3A_4220 : f32
      %mul3A_4222 = arith.constant 0.000000e+00 : f32
      %mul3A_4223 = arith.mulf %mul3A_4217, %mul3A_4222 : f32
      %mul3A_4224 = arith.mulf %div3A_4216, %add3A_4162 : f32
      %add3A_4225 = arith.addf %mul3A_4223, %mul3A_4224 : f32
      %mul3A_4226 = arith.mulf %div3A_4210, %sub3A_4158 : f32
      %sub3A_4227 = arith.subf %sub3A_4164, %mul3A_4226 : f32
      %mul3A_4228 = arith.mulf %div3A_4210, %sub3A_4158 : f32
      %add3A_4229 = arith.addf %add3A_4103, %mul3A_4228 : f32
      %mul3A_4230 = arith.mulf %div3A_4216, %sub3A_4169 : f32
      %mul3A_4231 = arith.mulf %mul3A_4217, %add3A_4109 : f32
      %sub3A_4232 = arith.subf %mul3A_4230, %mul3A_4231 : f32
      %mul3A_4233 = arith.mulf %mul3A_4217, %sub3A_4169 : f32
      %mul3A_4234 = arith.mulf %div3A_4216, %add3A_4109 : f32
      %add3A_4235 = arith.addf %mul3A_4233, %mul3A_4234 : f32
      %mul3A_4236 = arith.mulf %div3A_4216, %sub3A_4175 : f32
      %mul3A_4237 = arith.mulf %mul3A_4217, %add3A_4115 : f32
      %sub3A_4238 = arith.subf %mul3A_4236, %mul3A_4237 : f32
      %mul3A_4239 = arith.mulf %mul3A_4217, %sub3A_4175 : f32
      %mul3A_4240 = arith.mulf %div3A_4216, %add3A_4115 : f32
      %add3A_4241 = arith.addf %mul3A_4239, %mul3A_4240 : f32
      %mul3A_4242 = arith.mulf %div3A_4216, %sub3A_4181 : f32
      %mul3A_4243 = arith.mulf %mul3A_4217, %add3A_4121 : f32
      %sub3A_4244 = arith.subf %mul3A_4242, %mul3A_4243 : f32
      %mul3A_4245 = arith.mulf %mul3A_4217, %sub3A_4181 : f32
      %mul3A_4246 = arith.mulf %div3A_4216, %add3A_4121 : f32
      %add3A_4247 = arith.addf %mul3A_4245, %mul3A_4246 : f32
      %abs3A_4248 = math.absf %add3A_4225 : f32
      %gt3A_4249 = arith.constant 1.000000e-30 : f32
      %gt3A_4250 = arith.cmpf ogt, %abs3A_4248, %gt3A_4249 : f32
      %jit3A_4251 = arith.constant 1.000000e-30 : f32
      %select_n3A_4252 = arith.select %gt3A_4250, %add3A_4225, %jit3A_4251 : f32
      %sub3A_4253 = arith.subf %add3A_4229, %add3A_4166 : f32
      %mul3A_4254 = arith.constant 2.000000e+00 : f32
      %mul3A_4255 = arith.mulf %mul3A_4254, %select_n3A_4252 : f32
      %div3A_4256 = arith.divf %sub3A_4253, %mul3A_4255 : f32
      %sign3A_4257 = arith.bitcast %div3A_4256 : f32 to i32
      %sign3A_4258 = arith.constant -2147483648 : i32
      %sign3A_4259 = arith.andi %sign3A_4257, %sign3A_4258 : i32
      %sign3A_4260 = arith.constant 1065353216 : i32
      %sign3A_4261 = arith.ori %sign3A_4260, %sign3A_4259 : i32
      %sign3A_4262 = arith.bitcast %sign3A_4261 : i32 to f32
      %sign3A_4263 = math.absf %div3A_4256 : f32
      %sign3A_4264 = arith.constant 0.000000e+00 : f32
      %sign3A_4265 = arith.cmpf ogt, %sign3A_4263, %sign3A_4264 : f32
      %sign3A_4266 = arith.select %sign3A_4265, %sign3A_4262, %div3A_4256 : f32
      %abs3A_4267 = math.absf %div3A_4256 : f32
      %mul3A_4268 = arith.mulf %div3A_4256, %div3A_4256 : f32
      %add3A_4269 = arith.constant 1.000000e+00 : f32
      %add3A_4270 = arith.addf %add3A_4269, %mul3A_4268 : f32
      %sqrt3A_4271 = math.sqrt %add3A_4270 : f32
      %add3A_4272 = arith.addf %abs3A_4267, %sqrt3A_4271 : f32
      %div3A_4273 = arith.divf %sign3A_4266, %add3A_4272 : f32
      %mul3A_4274 = arith.mulf %div3A_4273, %div3A_4273 : f32
      %add3A_4275 = arith.constant 1.000000e+00 : f32
      %add3A_4276 = arith.addf %add3A_4275, %mul3A_4274 : f32
      %sqrt3A_4277 = math.sqrt %add3A_4276 : f32
      %div3A_4278 = arith.constant 1.000000e+00 : f32
      %div3A_4279 = arith.divf %div3A_4278, %sqrt3A_4277 : f32
      %mul3A_4280 = arith.mulf %div3A_4273, %div3A_4279 : f32
      %mul3A_4281 = arith.mulf %div3A_4279, %sub3A_4221 : f32
      %mul3A_4282 = arith.constant 0.000000e+00 : f32
      %mul3A_4283 = arith.mulf %mul3A_4280, %mul3A_4282 : f32
      %sub3A_4284 = arith.subf %mul3A_4281, %mul3A_4283 : f32
      %mul3A_4285 = arith.mulf %mul3A_4280, %sub3A_4221 : f32
      %mul3A_4286 = arith.constant 0.000000e+00 : f32
      %mul3A_4287 = arith.mulf %div3A_4279, %mul3A_4286 : f32
      %add3A_4288 = arith.addf %mul3A_4285, %mul3A_4287 : f32
      %mul3A_4289 = arith.mulf %div3A_4273, %add3A_4225 : f32
      %sub3A_4290 = arith.subf %add3A_4166, %mul3A_4289 : f32
      %mul3A_4291 = arith.mulf %div3A_4273, %add3A_4225 : f32
      %add3A_4292 = arith.addf %add3A_4229, %mul3A_4291 : f32
      %mul3A_4293 = arith.mulf %div3A_4279, %add3A_4172 : f32
      %mul3A_4294 = arith.mulf %mul3A_4280, %add3A_4235 : f32
      %sub3A_4295 = arith.subf %mul3A_4293, %mul3A_4294 : f32
      %mul3A_4296 = arith.mulf %mul3A_4280, %add3A_4172 : f32
      %mul3A_4297 = arith.mulf %div3A_4279, %add3A_4235 : f32
      %add3A_4298 = arith.addf %mul3A_4296, %mul3A_4297 : f32
      %mul3A_4299 = arith.mulf %div3A_4279, %add3A_4178 : f32
      %mul3A_4300 = arith.mulf %mul3A_4280, %add3A_4241 : f32
      %sub3A_4301 = arith.subf %mul3A_4299, %mul3A_4300 : f32
      %mul3A_4302 = arith.mulf %mul3A_4280, %add3A_4178 : f32
      %mul3A_4303 = arith.mulf %div3A_4279, %add3A_4241 : f32
      %add3A_4304 = arith.addf %mul3A_4302, %mul3A_4303 : f32
      %mul3A_4305 = arith.mulf %div3A_4279, %add3A_4184 : f32
      %mul3A_4306 = arith.mulf %mul3A_4280, %add3A_4247 : f32
      %sub3A_4307 = arith.subf %mul3A_4305, %mul3A_4306 : f32
      %mul3A_4308 = arith.mulf %mul3A_4280, %add3A_4184 : f32
      %mul3A_4309 = arith.mulf %div3A_4279, %add3A_4247 : f32
      %add3A_4310 = arith.addf %mul3A_4308, %mul3A_4309 : f32
      %abs3A_4311 = math.absf %sub3A_4284 : f32
      %gt3A_4312 = arith.constant 1.000000e-30 : f32
      %gt3A_4313 = arith.cmpf ogt, %abs3A_4311, %gt3A_4312 : f32
      %jit3A_4314 = arith.constant 1.000000e-30 : f32
      %select_n3A_4315 = arith.select %gt3A_4313, %sub3A_4284, %jit3A_4314 : f32
      %sub3A_4316 = arith.subf %sub3A_4290, %sub3A_4227 : f32
      %mul3A_4317 = arith.constant 2.000000e+00 : f32
      %mul3A_4318 = arith.mulf %mul3A_4317, %select_n3A_4315 : f32
      %div3A_4319 = arith.divf %sub3A_4316, %mul3A_4318 : f32
      %sign3A_4320 = arith.bitcast %div3A_4319 : f32 to i32
      %sign3A_4321 = arith.constant -2147483648 : i32
      %sign3A_4322 = arith.andi %sign3A_4320, %sign3A_4321 : i32
      %sign3A_4323 = arith.constant 1065353216 : i32
      %sign3A_4324 = arith.ori %sign3A_4323, %sign3A_4322 : i32
      %sign3A_4325 = arith.bitcast %sign3A_4324 : i32 to f32
      %sign3A_4326 = math.absf %div3A_4319 : f32
      %sign3A_4327 = arith.constant 0.000000e+00 : f32
      %sign3A_4328 = arith.cmpf ogt, %sign3A_4326, %sign3A_4327 : f32
      %sign3A_4329 = arith.select %sign3A_4328, %sign3A_4325, %div3A_4319 : f32
      %abs3A_4330 = math.absf %div3A_4319 : f32
      %mul3A_4331 = arith.mulf %div3A_4319, %div3A_4319 : f32
      %add3A_4332 = arith.constant 1.000000e+00 : f32
      %add3A_4333 = arith.addf %add3A_4332, %mul3A_4331 : f32
      %sqrt3A_4334 = math.sqrt %add3A_4333 : f32
      %add3A_4335 = arith.addf %abs3A_4330, %sqrt3A_4334 : f32
      %div3A_4336 = arith.divf %sign3A_4329, %add3A_4335 : f32
      %mul3A_4337 = arith.mulf %div3A_4336, %div3A_4336 : f32
      %add3A_4338 = arith.constant 1.000000e+00 : f32
      %add3A_4339 = arith.addf %add3A_4338, %mul3A_4337 : f32
      %sqrt3A_4340 = math.sqrt %add3A_4339 : f32
      %div3A_4341 = arith.constant 1.000000e+00 : f32
      %div3A_4342 = arith.divf %div3A_4341, %sqrt3A_4340 : f32
      %mul3A_4343 = arith.mulf %div3A_4336, %div3A_4342 : f32
      %mul3A_4344 = arith.mulf %div3A_4342, %add3A_4288 : f32
      %mul3A_4345 = arith.constant 0.000000e+00 : f32
      %mul3A_4346 = arith.mulf %mul3A_4343, %mul3A_4345 : f32
      %sub3A_4347 = arith.subf %mul3A_4344, %mul3A_4346 : f32
      %mul3A_4348 = arith.mulf %mul3A_4343, %add3A_4288 : f32
      %mul3A_4349 = arith.constant 0.000000e+00 : f32
      %mul3A_4350 = arith.mulf %div3A_4342, %mul3A_4349 : f32
      %add3A_4351 = arith.addf %mul3A_4348, %mul3A_4350 : f32
      %mul3A_4352 = arith.mulf %div3A_4336, %sub3A_4284 : f32
      %sub3A_4353 = arith.subf %sub3A_4227, %mul3A_4352 : f32
      %mul3A_4354 = arith.mulf %div3A_4336, %sub3A_4284 : f32
      %add3A_4355 = arith.addf %sub3A_4290, %mul3A_4354 : f32
      %mul3A_4356 = arith.mulf %div3A_4342, %sub3A_4232 : f32
      %mul3A_4357 = arith.mulf %mul3A_4343, %sub3A_4295 : f32
      %sub3A_4358 = arith.subf %mul3A_4356, %mul3A_4357 : f32
      %mul3A_4359 = arith.mulf %mul3A_4343, %sub3A_4232 : f32
      %mul3A_4360 = arith.mulf %div3A_4342, %sub3A_4295 : f32
      %add3A_4361 = arith.addf %mul3A_4359, %mul3A_4360 : f32
      %mul3A_4362 = arith.mulf %div3A_4342, %sub3A_4238 : f32
      %mul3A_4363 = arith.mulf %mul3A_4343, %sub3A_4301 : f32
      %sub3A_4364 = arith.subf %mul3A_4362, %mul3A_4363 : f32
      %mul3A_4365 = arith.mulf %mul3A_4343, %sub3A_4238 : f32
      %mul3A_4366 = arith.mulf %div3A_4342, %sub3A_4301 : f32
      %add3A_4367 = arith.addf %mul3A_4365, %mul3A_4366 : f32
      %mul3A_4368 = arith.mulf %div3A_4342, %sub3A_4244 : f32
      %mul3A_4369 = arith.mulf %mul3A_4343, %sub3A_4307 : f32
      %sub3A_4370 = arith.subf %mul3A_4368, %mul3A_4369 : f32
      %mul3A_4371 = arith.mulf %mul3A_4343, %sub3A_4244 : f32
      %mul3A_4372 = arith.mulf %div3A_4342, %sub3A_4307 : f32
      %add3A_4373 = arith.addf %mul3A_4371, %mul3A_4372 : f32
      %abs3A_4374 = math.absf %sub3A_4347 : f32
      %gt3A_4375 = arith.constant 1.000000e-30 : f32
      %gt3A_4376 = arith.cmpf ogt, %abs3A_4374, %gt3A_4375 : f32
      %jit3A_4377 = arith.constant 1.000000e-30 : f32
      %select_n3A_4378 = arith.select %gt3A_4376, %sub3A_4347, %jit3A_4377 : f32
      %sub3A_4379 = arith.subf %add3A_4292, %sub3A_4353 : f32
      %mul3A_4380 = arith.constant 2.000000e+00 : f32
      %mul3A_4381 = arith.mulf %mul3A_4380, %select_n3A_4378 : f32
      %div3A_4382 = arith.divf %sub3A_4379, %mul3A_4381 : f32
      %sign3A_4383 = arith.bitcast %div3A_4382 : f32 to i32
      %sign3A_4384 = arith.constant -2147483648 : i32
      %sign3A_4385 = arith.andi %sign3A_4383, %sign3A_4384 : i32
      %sign3A_4386 = arith.constant 1065353216 : i32
      %sign3A_4387 = arith.ori %sign3A_4386, %sign3A_4385 : i32
      %sign3A_4388 = arith.bitcast %sign3A_4387 : i32 to f32
      %sign3A_4389 = math.absf %div3A_4382 : f32
      %sign3A_4390 = arith.constant 0.000000e+00 : f32
      %sign3A_4391 = arith.cmpf ogt, %sign3A_4389, %sign3A_4390 : f32
      %sign3A_4392 = arith.select %sign3A_4391, %sign3A_4388, %div3A_4382 : f32
      %abs3A_4393 = math.absf %div3A_4382 : f32
      %mul3A_4394 = arith.mulf %div3A_4382, %div3A_4382 : f32
      %add3A_4395 = arith.constant 1.000000e+00 : f32
      %add3A_4396 = arith.addf %add3A_4395, %mul3A_4394 : f32
      %sqrt3A_4397 = math.sqrt %add3A_4396 : f32
      %add3A_4398 = arith.addf %abs3A_4393, %sqrt3A_4397 : f32
      %div3A_4399 = arith.divf %sign3A_4392, %add3A_4398 : f32
      %mul3A_4400 = arith.mulf %div3A_4399, %div3A_4399 : f32
      %add3A_4401 = arith.constant 1.000000e+00 : f32
      %add3A_4402 = arith.addf %add3A_4401, %mul3A_4400 : f32
      %sqrt3A_4403 = math.sqrt %add3A_4402 : f32
      %div3A_4404 = arith.constant 1.000000e+00 : f32
      %div3A_4405 = arith.divf %div3A_4404, %sqrt3A_4403 : f32
      %mul3A_4406 = arith.mulf %div3A_4399, %div3A_4405 : f32
      %mul3A_4407 = arith.constant 0.000000e+00 : f32
      %mul3A_4408 = arith.mulf %div3A_4405, %mul3A_4407 : f32
      %mul3A_4409 = arith.mulf %mul3A_4406, %add3A_4351 : f32
      %sub3A_4410 = arith.subf %mul3A_4408, %mul3A_4409 : f32
      %mul3A_4411 = arith.constant 0.000000e+00 : f32
      %mul3A_4412 = arith.mulf %mul3A_4406, %mul3A_4411 : f32
      %mul3A_4413 = arith.mulf %div3A_4405, %add3A_4351 : f32
      %add3A_4414 = arith.addf %mul3A_4412, %mul3A_4413 : f32
      %mul3A_4415 = arith.mulf %div3A_4399, %sub3A_4347 : f32
      %sub3A_4416 = arith.subf %sub3A_4353, %mul3A_4415 : f32
      %mul3A_4417 = arith.mulf %div3A_4399, %sub3A_4347 : f32
      %add3A_4418 = arith.addf %add3A_4292, %mul3A_4417 : f32
      %mul3A_4419 = arith.mulf %div3A_4405, %sub3A_4358 : f32
      %mul3A_4420 = arith.mulf %mul3A_4406, %add3A_4298 : f32
      %sub3A_4421 = arith.subf %mul3A_4419, %mul3A_4420 : f32
      %mul3A_4422 = arith.mulf %mul3A_4406, %sub3A_4358 : f32
      %mul3A_4423 = arith.mulf %div3A_4405, %add3A_4298 : f32
      %add3A_4424 = arith.addf %mul3A_4422, %mul3A_4423 : f32
      %mul3A_4425 = arith.mulf %div3A_4405, %sub3A_4364 : f32
      %mul3A_4426 = arith.mulf %mul3A_4406, %add3A_4304 : f32
      %sub3A_4427 = arith.subf %mul3A_4425, %mul3A_4426 : f32
      %mul3A_4428 = arith.mulf %mul3A_4406, %sub3A_4364 : f32
      %mul3A_4429 = arith.mulf %div3A_4405, %add3A_4304 : f32
      %add3A_4430 = arith.addf %mul3A_4428, %mul3A_4429 : f32
      %mul3A_4431 = arith.mulf %div3A_4405, %sub3A_4370 : f32
      %mul3A_4432 = arith.mulf %mul3A_4406, %add3A_4310 : f32
      %sub3A_4433 = arith.subf %mul3A_4431, %mul3A_4432 : f32
      %mul3A_4434 = arith.mulf %mul3A_4406, %sub3A_4370 : f32
      %mul3A_4435 = arith.mulf %div3A_4405, %add3A_4310 : f32
      %add3A_4436 = arith.addf %mul3A_4434, %mul3A_4435 : f32
      %abs3A_4437 = math.absf %add3A_4414 : f32
      %gt3A_4438 = arith.constant 1.000000e-30 : f32
      %gt3A_4439 = arith.cmpf ogt, %abs3A_4437, %gt3A_4438 : f32
      %jit3A_4440 = arith.constant 1.000000e-30 : f32
      %select_n3A_4441 = arith.select %gt3A_4439, %add3A_4414, %jit3A_4440 : f32
      %sub3A_4442 = arith.subf %add3A_4418, %add3A_4355 : f32
      %mul3A_4443 = arith.constant 2.000000e+00 : f32
      %mul3A_4444 = arith.mulf %mul3A_4443, %select_n3A_4441 : f32
      %div3A_4445 = arith.divf %sub3A_4442, %mul3A_4444 : f32
      %sign3A_4446 = arith.bitcast %div3A_4445 : f32 to i32
      %sign3A_4447 = arith.constant -2147483648 : i32
      %sign3A_4448 = arith.andi %sign3A_4446, %sign3A_4447 : i32
      %sign3A_4449 = arith.constant 1065353216 : i32
      %sign3A_4450 = arith.ori %sign3A_4449, %sign3A_4448 : i32
      %sign3A_4451 = arith.bitcast %sign3A_4450 : i32 to f32
      %sign3A_4452 = math.absf %div3A_4445 : f32
      %sign3A_4453 = arith.constant 0.000000e+00 : f32
      %sign3A_4454 = arith.cmpf ogt, %sign3A_4452, %sign3A_4453 : f32
      %sign3A_4455 = arith.select %sign3A_4454, %sign3A_4451, %div3A_4445 : f32
      %abs3A_4456 = math.absf %div3A_4445 : f32
      %mul3A_4457 = arith.mulf %div3A_4445, %div3A_4445 : f32
      %add3A_4458 = arith.constant 1.000000e+00 : f32
      %add3A_4459 = arith.addf %add3A_4458, %mul3A_4457 : f32
      %sqrt3A_4460 = math.sqrt %add3A_4459 : f32
      %add3A_4461 = arith.addf %abs3A_4456, %sqrt3A_4460 : f32
      %div3A_4462 = arith.divf %sign3A_4455, %add3A_4461 : f32
      %mul3A_4463 = arith.mulf %div3A_4462, %div3A_4462 : f32
      %add3A_4464 = arith.constant 1.000000e+00 : f32
      %add3A_4465 = arith.addf %add3A_4464, %mul3A_4463 : f32
      %sqrt3A_4466 = math.sqrt %add3A_4465 : f32
      %div3A_4467 = arith.constant 1.000000e+00 : f32
      %div3A_4468 = arith.divf %div3A_4467, %sqrt3A_4466 : f32
      %mul3A_4469 = arith.mulf %div3A_4462, %div3A_4468 : f32
      %mul3A_4470 = arith.mulf %div3A_4468, %sub3A_4410 : f32
      %mul3A_4471 = arith.constant 0.000000e+00 : f32
      %mul3A_4472 = arith.mulf %mul3A_4469, %mul3A_4471 : f32
      %sub3A_4473 = arith.subf %mul3A_4470, %mul3A_4472 : f32
      %mul3A_4474 = arith.mulf %mul3A_4469, %sub3A_4410 : f32
      %mul3A_4475 = arith.constant 0.000000e+00 : f32
      %mul3A_4476 = arith.mulf %div3A_4468, %mul3A_4475 : f32
      %add3A_4477 = arith.addf %mul3A_4474, %mul3A_4476 : f32
      %mul3A_4478 = arith.mulf %div3A_4462, %add3A_4414 : f32
      %sub3A_4479 = arith.subf %add3A_4355, %mul3A_4478 : f32
      %mul3A_4480 = arith.mulf %div3A_4462, %add3A_4414 : f32
      %add3A_4481 = arith.addf %add3A_4418, %mul3A_4480 : f32
      %mul3A_4482 = arith.mulf %div3A_4468, %add3A_4361 : f32
      %mul3A_4483 = arith.mulf %mul3A_4469, %add3A_4424 : f32
      %sub3A_4484 = arith.subf %mul3A_4482, %mul3A_4483 : f32
      %mul3A_4485 = arith.mulf %mul3A_4469, %add3A_4361 : f32
      %mul3A_4486 = arith.mulf %div3A_4468, %add3A_4424 : f32
      %add3A_4487 = arith.addf %mul3A_4485, %mul3A_4486 : f32
      %mul3A_4488 = arith.mulf %div3A_4468, %add3A_4367 : f32
      %mul3A_4489 = arith.mulf %mul3A_4469, %add3A_4430 : f32
      %sub3A_4490 = arith.subf %mul3A_4488, %mul3A_4489 : f32
      %mul3A_4491 = arith.mulf %mul3A_4469, %add3A_4367 : f32
      %mul3A_4492 = arith.mulf %div3A_4468, %add3A_4430 : f32
      %add3A_4493 = arith.addf %mul3A_4491, %mul3A_4492 : f32
      %mul3A_4494 = arith.mulf %div3A_4468, %add3A_4373 : f32
      %mul3A_4495 = arith.mulf %mul3A_4469, %add3A_4436 : f32
      %sub3A_4496 = arith.subf %mul3A_4494, %mul3A_4495 : f32
      %mul3A_4497 = arith.mulf %mul3A_4469, %add3A_4373 : f32
      %mul3A_4498 = arith.mulf %div3A_4468, %add3A_4436 : f32
      %add3A_4499 = arith.addf %mul3A_4497, %mul3A_4498 : f32
      %abs3A_4500 = math.absf %sub3A_4473 : f32
      %gt3A_4501 = arith.constant 1.000000e-30 : f32
      %gt3A_4502 = arith.cmpf ogt, %abs3A_4500, %gt3A_4501 : f32
      %jit3A_4503 = arith.constant 1.000000e-30 : f32
      %select_n3A_4504 = arith.select %gt3A_4502, %sub3A_4473, %jit3A_4503 : f32
      %sub3A_4505 = arith.subf %sub3A_4479, %sub3A_4416 : f32
      %mul3A_4506 = arith.constant 2.000000e+00 : f32
      %mul3A_4507 = arith.mulf %mul3A_4506, %select_n3A_4504 : f32
      %div3A_4508 = arith.divf %sub3A_4505, %mul3A_4507 : f32
      %sign3A_4509 = arith.bitcast %div3A_4508 : f32 to i32
      %sign3A_4510 = arith.constant -2147483648 : i32
      %sign3A_4511 = arith.andi %sign3A_4509, %sign3A_4510 : i32
      %sign3A_4512 = arith.constant 1065353216 : i32
      %sign3A_4513 = arith.ori %sign3A_4512, %sign3A_4511 : i32
      %sign3A_4514 = arith.bitcast %sign3A_4513 : i32 to f32
      %sign3A_4515 = math.absf %div3A_4508 : f32
      %sign3A_4516 = arith.constant 0.000000e+00 : f32
      %sign3A_4517 = arith.cmpf ogt, %sign3A_4515, %sign3A_4516 : f32
      %sign3A_4518 = arith.select %sign3A_4517, %sign3A_4514, %div3A_4508 : f32
      %abs3A_4519 = math.absf %div3A_4508 : f32
      %mul3A_4520 = arith.mulf %div3A_4508, %div3A_4508 : f32
      %add3A_4521 = arith.constant 1.000000e+00 : f32
      %add3A_4522 = arith.addf %add3A_4521, %mul3A_4520 : f32
      %sqrt3A_4523 = math.sqrt %add3A_4522 : f32
      %add3A_4524 = arith.addf %abs3A_4519, %sqrt3A_4523 : f32
      %div3A_4525 = arith.divf %sign3A_4518, %add3A_4524 : f32
      %mul3A_4526 = arith.mulf %div3A_4525, %div3A_4525 : f32
      %add3A_4527 = arith.constant 1.000000e+00 : f32
      %add3A_4528 = arith.addf %add3A_4527, %mul3A_4526 : f32
      %sqrt3A_4529 = math.sqrt %add3A_4528 : f32
      %div3A_4530 = arith.constant 1.000000e+00 : f32
      %div3A_4531 = arith.divf %div3A_4530, %sqrt3A_4529 : f32
      %mul3A_4532 = arith.mulf %div3A_4525, %div3A_4531 : f32
      %mul3A_4533 = arith.mulf %div3A_4531, %add3A_4477 : f32
      %mul3A_4534 = arith.constant 0.000000e+00 : f32
      %mul3A_4535 = arith.mulf %mul3A_4532, %mul3A_4534 : f32
      %sub3A_4536 = arith.subf %mul3A_4533, %mul3A_4535 : f32
      %mul3A_4537 = arith.mulf %mul3A_4532, %add3A_4477 : f32
      %mul3A_4538 = arith.constant 0.000000e+00 : f32
      %mul3A_4539 = arith.mulf %div3A_4531, %mul3A_4538 : f32
      %add3A_4540 = arith.addf %mul3A_4537, %mul3A_4539 : f32
      %mul3A_4541 = arith.mulf %div3A_4525, %sub3A_4473 : f32
      %sub3A_4542 = arith.subf %sub3A_4416, %mul3A_4541 : f32
      %mul3A_4543 = arith.mulf %div3A_4525, %sub3A_4473 : f32
      %add3A_4544 = arith.addf %sub3A_4479, %mul3A_4543 : f32
      %mul3A_4545 = arith.mulf %div3A_4531, %sub3A_4421 : f32
      %mul3A_4546 = arith.mulf %mul3A_4532, %sub3A_4484 : f32
      %sub3A_4547 = arith.subf %mul3A_4545, %mul3A_4546 : f32
      %mul3A_4548 = arith.mulf %mul3A_4532, %sub3A_4421 : f32
      %mul3A_4549 = arith.mulf %div3A_4531, %sub3A_4484 : f32
      %add3A_4550 = arith.addf %mul3A_4548, %mul3A_4549 : f32
      %mul3A_4551 = arith.mulf %div3A_4531, %sub3A_4427 : f32
      %mul3A_4552 = arith.mulf %mul3A_4532, %sub3A_4490 : f32
      %sub3A_4553 = arith.subf %mul3A_4551, %mul3A_4552 : f32
      %mul3A_4554 = arith.mulf %mul3A_4532, %sub3A_4427 : f32
      %mul3A_4555 = arith.mulf %div3A_4531, %sub3A_4490 : f32
      %add3A_4556 = arith.addf %mul3A_4554, %mul3A_4555 : f32
      %mul3A_4557 = arith.mulf %div3A_4531, %sub3A_4433 : f32
      %mul3A_4558 = arith.mulf %mul3A_4532, %sub3A_4496 : f32
      %sub3A_4559 = arith.subf %mul3A_4557, %mul3A_4558 : f32
      %mul3A_4560 = arith.mulf %mul3A_4532, %sub3A_4433 : f32
      %mul3A_4561 = arith.mulf %div3A_4531, %sub3A_4496 : f32
      %add3A_4562 = arith.addf %mul3A_4560, %mul3A_4561 : f32
      %abs3A_4563 = math.absf %sub3A_4536 : f32
      %gt3A_4564 = arith.constant 1.000000e-30 : f32
      %gt3A_4565 = arith.cmpf ogt, %abs3A_4563, %gt3A_4564 : f32
      %jit3A_4566 = arith.constant 1.000000e-30 : f32
      %select_n3A_4567 = arith.select %gt3A_4565, %sub3A_4536, %jit3A_4566 : f32
      %sub3A_4568 = arith.subf %add3A_4481, %sub3A_4542 : f32
      %mul3A_4569 = arith.constant 2.000000e+00 : f32
      %mul3A_4570 = arith.mulf %mul3A_4569, %select_n3A_4567 : f32
      %div3A_4571 = arith.divf %sub3A_4568, %mul3A_4570 : f32
      %sign3A_4572 = arith.bitcast %div3A_4571 : f32 to i32
      %sign3A_4573 = arith.constant -2147483648 : i32
      %sign3A_4574 = arith.andi %sign3A_4572, %sign3A_4573 : i32
      %sign3A_4575 = arith.constant 1065353216 : i32
      %sign3A_4576 = arith.ori %sign3A_4575, %sign3A_4574 : i32
      %sign3A_4577 = arith.bitcast %sign3A_4576 : i32 to f32
      %sign3A_4578 = math.absf %div3A_4571 : f32
      %sign3A_4579 = arith.constant 0.000000e+00 : f32
      %sign3A_4580 = arith.cmpf ogt, %sign3A_4578, %sign3A_4579 : f32
      %sign3A_4581 = arith.select %sign3A_4580, %sign3A_4577, %div3A_4571 : f32
      %abs3A_4582 = math.absf %div3A_4571 : f32
      %mul3A_4583 = arith.mulf %div3A_4571, %div3A_4571 : f32
      %add3A_4584 = arith.constant 1.000000e+00 : f32
      %add3A_4585 = arith.addf %add3A_4584, %mul3A_4583 : f32
      %sqrt3A_4586 = math.sqrt %add3A_4585 : f32
      %add3A_4587 = arith.addf %abs3A_4582, %sqrt3A_4586 : f32
      %div3A_4588 = arith.divf %sign3A_4581, %add3A_4587 : f32
      %mul3A_4589 = arith.mulf %div3A_4588, %div3A_4588 : f32
      %add3A_4590 = arith.constant 1.000000e+00 : f32
      %add3A_4591 = arith.addf %add3A_4590, %mul3A_4589 : f32
      %sqrt3A_4592 = math.sqrt %add3A_4591 : f32
      %div3A_4593 = arith.constant 1.000000e+00 : f32
      %div3A_4594 = arith.divf %div3A_4593, %sqrt3A_4592 : f32
      %mul3A_4595 = arith.mulf %div3A_4588, %div3A_4594 : f32
      %mul3A_4596 = arith.constant 0.000000e+00 : f32
      %mul3A_4597 = arith.mulf %div3A_4594, %mul3A_4596 : f32
      %mul3A_4598 = arith.mulf %mul3A_4595, %add3A_4540 : f32
      %sub3A_4599 = arith.subf %mul3A_4597, %mul3A_4598 : f32
      %mul3A_4600 = arith.constant 0.000000e+00 : f32
      %mul3A_4601 = arith.mulf %mul3A_4595, %mul3A_4600 : f32
      %mul3A_4602 = arith.mulf %div3A_4594, %add3A_4540 : f32
      %add3A_4603 = arith.addf %mul3A_4601, %mul3A_4602 : f32
      %mul3A_4604 = arith.mulf %div3A_4588, %sub3A_4536 : f32
      %sub3A_4605 = arith.subf %sub3A_4542, %mul3A_4604 : f32
      %mul3A_4606 = arith.mulf %div3A_4588, %sub3A_4536 : f32
      %add3A_4607 = arith.addf %add3A_4481, %mul3A_4606 : f32
      %mul3A_4608 = arith.mulf %div3A_4594, %sub3A_4547 : f32
      %mul3A_4609 = arith.mulf %mul3A_4595, %add3A_4487 : f32
      %sub3A_4610 = arith.subf %mul3A_4608, %mul3A_4609 : f32
      %mul3A_4611 = arith.mulf %mul3A_4595, %sub3A_4547 : f32
      %mul3A_4612 = arith.mulf %div3A_4594, %add3A_4487 : f32
      %add3A_4613 = arith.addf %mul3A_4611, %mul3A_4612 : f32
      %mul3A_4614 = arith.mulf %div3A_4594, %sub3A_4553 : f32
      %mul3A_4615 = arith.mulf %mul3A_4595, %add3A_4493 : f32
      %sub3A_4616 = arith.subf %mul3A_4614, %mul3A_4615 : f32
      %mul3A_4617 = arith.mulf %mul3A_4595, %sub3A_4553 : f32
      %mul3A_4618 = arith.mulf %div3A_4594, %add3A_4493 : f32
      %add3A_4619 = arith.addf %mul3A_4617, %mul3A_4618 : f32
      %mul3A_4620 = arith.mulf %div3A_4594, %sub3A_4559 : f32
      %mul3A_4621 = arith.mulf %mul3A_4595, %add3A_4499 : f32
      %sub3A_4622 = arith.subf %mul3A_4620, %mul3A_4621 : f32
      %mul3A_4623 = arith.mulf %mul3A_4595, %sub3A_4559 : f32
      %mul3A_4624 = arith.mulf %div3A_4594, %add3A_4499 : f32
      %add3A_4625 = arith.addf %mul3A_4623, %mul3A_4624 : f32
      %abs3A_4626 = math.absf %add3A_4603 : f32
      %gt3A_4627 = arith.constant 1.000000e-30 : f32
      %gt3A_4628 = arith.cmpf ogt, %abs3A_4626, %gt3A_4627 : f32
      %jit3A_4629 = arith.constant 1.000000e-30 : f32
      %select_n3A_4630 = arith.select %gt3A_4628, %add3A_4603, %jit3A_4629 : f32
      %sub3A_4631 = arith.subf %add3A_4607, %add3A_4544 : f32
      %mul3A_4632 = arith.constant 2.000000e+00 : f32
      %mul3A_4633 = arith.mulf %mul3A_4632, %select_n3A_4630 : f32
      %div3A_4634 = arith.divf %sub3A_4631, %mul3A_4633 : f32
      %sign3A_4635 = arith.bitcast %div3A_4634 : f32 to i32
      %sign3A_4636 = arith.constant -2147483648 : i32
      %sign3A_4637 = arith.andi %sign3A_4635, %sign3A_4636 : i32
      %sign3A_4638 = arith.constant 1065353216 : i32
      %sign3A_4639 = arith.ori %sign3A_4638, %sign3A_4637 : i32
      %sign3A_4640 = arith.bitcast %sign3A_4639 : i32 to f32
      %sign3A_4641 = math.absf %div3A_4634 : f32
      %sign3A_4642 = arith.constant 0.000000e+00 : f32
      %sign3A_4643 = arith.cmpf ogt, %sign3A_4641, %sign3A_4642 : f32
      %sign3A_4644 = arith.select %sign3A_4643, %sign3A_4640, %div3A_4634 : f32
      %abs3A_4645 = math.absf %div3A_4634 : f32
      %mul3A_4646 = arith.mulf %div3A_4634, %div3A_4634 : f32
      %add3A_4647 = arith.constant 1.000000e+00 : f32
      %add3A_4648 = arith.addf %add3A_4647, %mul3A_4646 : f32
      %sqrt3A_4649 = math.sqrt %add3A_4648 : f32
      %add3A_4650 = arith.addf %abs3A_4645, %sqrt3A_4649 : f32
      %div3A_4651 = arith.divf %sign3A_4644, %add3A_4650 : f32
      %mul3A_4652 = arith.mulf %div3A_4651, %div3A_4651 : f32
      %add3A_4653 = arith.constant 1.000000e+00 : f32
      %add3A_4654 = arith.addf %add3A_4653, %mul3A_4652 : f32
      %sqrt3A_4655 = math.sqrt %add3A_4654 : f32
      %div3A_4656 = arith.constant 1.000000e+00 : f32
      %div3A_4657 = arith.divf %div3A_4656, %sqrt3A_4655 : f32
      %mul3A_4658 = arith.mulf %div3A_4651, %div3A_4657 : f32
      %mul3A_4659 = arith.mulf %div3A_4657, %sub3A_4599 : f32
      %mul3A_4660 = arith.constant 0.000000e+00 : f32
      %mul3A_4661 = arith.mulf %mul3A_4658, %mul3A_4660 : f32
      %sub3A_4662 = arith.subf %mul3A_4659, %mul3A_4661 : f32
      %mul3A_4663 = arith.mulf %mul3A_4658, %sub3A_4599 : f32
      %mul3A_4664 = arith.constant 0.000000e+00 : f32
      %mul3A_4665 = arith.mulf %div3A_4657, %mul3A_4664 : f32
      %add3A_4666 = arith.addf %mul3A_4663, %mul3A_4665 : f32
      %mul3A_4667 = arith.mulf %div3A_4651, %add3A_4603 : f32
      %sub3A_4668 = arith.subf %add3A_4544, %mul3A_4667 : f32
      %mul3A_4669 = arith.mulf %div3A_4651, %add3A_4603 : f32
      %add3A_4670 = arith.addf %add3A_4607, %mul3A_4669 : f32
      %mul3A_4671 = arith.mulf %div3A_4657, %add3A_4550 : f32
      %mul3A_4672 = arith.mulf %mul3A_4658, %add3A_4613 : f32
      %sub3A_4673 = arith.subf %mul3A_4671, %mul3A_4672 : f32
      %mul3A_4674 = arith.mulf %mul3A_4658, %add3A_4550 : f32
      %mul3A_4675 = arith.mulf %div3A_4657, %add3A_4613 : f32
      %add3A_4676 = arith.addf %mul3A_4674, %mul3A_4675 : f32
      %mul3A_4677 = arith.mulf %div3A_4657, %add3A_4556 : f32
      %mul3A_4678 = arith.mulf %mul3A_4658, %add3A_4619 : f32
      %sub3A_4679 = arith.subf %mul3A_4677, %mul3A_4678 : f32
      %mul3A_4680 = arith.mulf %mul3A_4658, %add3A_4556 : f32
      %mul3A_4681 = arith.mulf %div3A_4657, %add3A_4619 : f32
      %add3A_4682 = arith.addf %mul3A_4680, %mul3A_4681 : f32
      %mul3A_4683 = arith.mulf %div3A_4657, %add3A_4562 : f32
      %mul3A_4684 = arith.mulf %mul3A_4658, %add3A_4625 : f32
      %sub3A_4685 = arith.subf %mul3A_4683, %mul3A_4684 : f32
      %mul3A_4686 = arith.mulf %mul3A_4658, %add3A_4562 : f32
      %mul3A_4687 = arith.mulf %div3A_4657, %add3A_4625 : f32
      %add3A_4688 = arith.addf %mul3A_4686, %mul3A_4687 : f32
      %abs3A_4689 = math.absf %sub3A_4662 : f32
      %gt3A_4690 = arith.constant 1.000000e-30 : f32
      %gt3A_4691 = arith.cmpf ogt, %abs3A_4689, %gt3A_4690 : f32
      %jit3A_4692 = arith.constant 1.000000e-30 : f32
      %select_n3A_4693 = arith.select %gt3A_4691, %sub3A_4662, %jit3A_4692 : f32
      %sub3A_4694 = arith.subf %sub3A_4668, %sub3A_4605 : f32
      %mul3A_4695 = arith.constant 2.000000e+00 : f32
      %mul3A_4696 = arith.mulf %mul3A_4695, %select_n3A_4693 : f32
      %div3A_4697 = arith.divf %sub3A_4694, %mul3A_4696 : f32
      %sign3A_4698 = arith.bitcast %div3A_4697 : f32 to i32
      %sign3A_4699 = arith.constant -2147483648 : i32
      %sign3A_4700 = arith.andi %sign3A_4698, %sign3A_4699 : i32
      %sign3A_4701 = arith.constant 1065353216 : i32
      %sign3A_4702 = arith.ori %sign3A_4701, %sign3A_4700 : i32
      %sign3A_4703 = arith.bitcast %sign3A_4702 : i32 to f32
      %sign3A_4704 = math.absf %div3A_4697 : f32
      %sign3A_4705 = arith.constant 0.000000e+00 : f32
      %sign3A_4706 = arith.cmpf ogt, %sign3A_4704, %sign3A_4705 : f32
      %sign3A_4707 = arith.select %sign3A_4706, %sign3A_4703, %div3A_4697 : f32
      %abs3A_4708 = math.absf %div3A_4697 : f32
      %mul3A_4709 = arith.mulf %div3A_4697, %div3A_4697 : f32
      %add3A_4710 = arith.constant 1.000000e+00 : f32
      %add3A_4711 = arith.addf %add3A_4710, %mul3A_4709 : f32
      %sqrt3A_4712 = math.sqrt %add3A_4711 : f32
      %add3A_4713 = arith.addf %abs3A_4708, %sqrt3A_4712 : f32
      %div3A_4714 = arith.divf %sign3A_4707, %add3A_4713 : f32
      %mul3A_4715 = arith.mulf %div3A_4714, %div3A_4714 : f32
      %add3A_4716 = arith.constant 1.000000e+00 : f32
      %add3A_4717 = arith.addf %add3A_4716, %mul3A_4715 : f32
      %sqrt3A_4718 = math.sqrt %add3A_4717 : f32
      %div3A_4719 = arith.constant 1.000000e+00 : f32
      %div3A_4720 = arith.divf %div3A_4719, %sqrt3A_4718 : f32
      %mul3A_4721 = arith.mulf %div3A_4714, %div3A_4720 : f32
      %mul3A_4722 = arith.mulf %div3A_4720, %add3A_4666 : f32
      %mul3A_4723 = arith.constant 0.000000e+00 : f32
      %mul3A_4724 = arith.mulf %mul3A_4721, %mul3A_4723 : f32
      %sub3A_4725 = arith.subf %mul3A_4722, %mul3A_4724 : f32
      %mul3A_4726 = arith.mulf %mul3A_4721, %add3A_4666 : f32
      %mul3A_4727 = arith.constant 0.000000e+00 : f32
      %mul3A_4728 = arith.mulf %div3A_4720, %mul3A_4727 : f32
      %add3A_4729 = arith.addf %mul3A_4726, %mul3A_4728 : f32
      %mul3A_4730 = arith.mulf %div3A_4714, %sub3A_4662 : f32
      %sub3A_4731 = arith.subf %sub3A_4605, %mul3A_4730 : f32
      %mul3A_4732 = arith.mulf %div3A_4714, %sub3A_4662 : f32
      %add3A_4733 = arith.addf %sub3A_4668, %mul3A_4732 : f32
      %mul3A_4734 = arith.mulf %div3A_4720, %sub3A_4610 : f32
      %mul3A_4735 = arith.mulf %mul3A_4721, %sub3A_4673 : f32
      %sub3A_4736 = arith.subf %mul3A_4734, %mul3A_4735 : f32
      %mul3A_4737 = arith.mulf %mul3A_4721, %sub3A_4610 : f32
      %mul3A_4738 = arith.mulf %div3A_4720, %sub3A_4673 : f32
      %add3A_4739 = arith.addf %mul3A_4737, %mul3A_4738 : f32
      %mul3A_4740 = arith.mulf %div3A_4720, %sub3A_4616 : f32
      %mul3A_4741 = arith.mulf %mul3A_4721, %sub3A_4679 : f32
      %sub3A_4742 = arith.subf %mul3A_4740, %mul3A_4741 : f32
      %mul3A_4743 = arith.mulf %mul3A_4721, %sub3A_4616 : f32
      %mul3A_4744 = arith.mulf %div3A_4720, %sub3A_4679 : f32
      %add3A_4745 = arith.addf %mul3A_4743, %mul3A_4744 : f32
      %mul3A_4746 = arith.mulf %div3A_4720, %sub3A_4622 : f32
      %mul3A_4747 = arith.mulf %mul3A_4721, %sub3A_4685 : f32
      %sub3A_4748 = arith.subf %mul3A_4746, %mul3A_4747 : f32
      %mul3A_4749 = arith.mulf %mul3A_4721, %sub3A_4622 : f32
      %mul3A_4750 = arith.mulf %div3A_4720, %sub3A_4685 : f32
      %add3A_4751 = arith.addf %mul3A_4749, %mul3A_4750 : f32
      %abs3A_4752 = math.absf %sub3A_4725 : f32
      %gt3A_4753 = arith.constant 1.000000e-30 : f32
      %gt3A_4754 = arith.cmpf ogt, %abs3A_4752, %gt3A_4753 : f32
      %jit3A_4755 = arith.constant 1.000000e-30 : f32
      %select_n3A_4756 = arith.select %gt3A_4754, %sub3A_4725, %jit3A_4755 : f32
      %sub3A_4757 = arith.subf %add3A_4670, %sub3A_4731 : f32
      %mul3A_4758 = arith.constant 2.000000e+00 : f32
      %mul3A_4759 = arith.mulf %mul3A_4758, %select_n3A_4756 : f32
      %div3A_4760 = arith.divf %sub3A_4757, %mul3A_4759 : f32
      %sign3A_4761 = arith.bitcast %div3A_4760 : f32 to i32
      %sign3A_4762 = arith.constant -2147483648 : i32
      %sign3A_4763 = arith.andi %sign3A_4761, %sign3A_4762 : i32
      %sign3A_4764 = arith.constant 1065353216 : i32
      %sign3A_4765 = arith.ori %sign3A_4764, %sign3A_4763 : i32
      %sign3A_4766 = arith.bitcast %sign3A_4765 : i32 to f32
      %sign3A_4767 = math.absf %div3A_4760 : f32
      %sign3A_4768 = arith.constant 0.000000e+00 : f32
      %sign3A_4769 = arith.cmpf ogt, %sign3A_4767, %sign3A_4768 : f32
      %sign3A_4770 = arith.select %sign3A_4769, %sign3A_4766, %div3A_4760 : f32
      %abs3A_4771 = math.absf %div3A_4760 : f32
      %mul3A_4772 = arith.mulf %div3A_4760, %div3A_4760 : f32
      %add3A_4773 = arith.constant 1.000000e+00 : f32
      %add3A_4774 = arith.addf %add3A_4773, %mul3A_4772 : f32
      %sqrt3A_4775 = math.sqrt %add3A_4774 : f32
      %add3A_4776 = arith.addf %abs3A_4771, %sqrt3A_4775 : f32
      %div3A_4777 = arith.divf %sign3A_4770, %add3A_4776 : f32
      %mul3A_4778 = arith.mulf %div3A_4777, %div3A_4777 : f32
      %add3A_4779 = arith.constant 1.000000e+00 : f32
      %add3A_4780 = arith.addf %add3A_4779, %mul3A_4778 : f32
      %sqrt3A_4781 = math.sqrt %add3A_4780 : f32
      %div3A_4782 = arith.constant 1.000000e+00 : f32
      %div3A_4783 = arith.divf %div3A_4782, %sqrt3A_4781 : f32
      %mul3A_4784 = arith.mulf %div3A_4777, %div3A_4783 : f32
      %mul3A_4785 = arith.constant 0.000000e+00 : f32
      %mul3A_4786 = arith.mulf %mul3A_4784, %mul3A_4785 : f32
      %mul3A_4787 = arith.mulf %div3A_4783, %add3A_4729 : f32
      %add3A_4788 = arith.addf %mul3A_4786, %mul3A_4787 : f32
      %mul3A_4789 = arith.mulf %div3A_4777, %sub3A_4725 : f32
      %sub3A_4790 = arith.subf %sub3A_4731, %mul3A_4789 : f32
      %mul3A_4791 = arith.mulf %div3A_4777, %sub3A_4725 : f32
      %add3A_4792 = arith.addf %add3A_4670, %mul3A_4791 : f32
      %mul3A_4793 = arith.mulf %div3A_4783, %sub3A_4736 : f32
      %mul3A_4794 = arith.mulf %mul3A_4784, %add3A_4676 : f32
      %sub3A_4795 = arith.subf %mul3A_4793, %mul3A_4794 : f32
      %mul3A_4796 = arith.mulf %mul3A_4784, %sub3A_4736 : f32
      %mul3A_4797 = arith.mulf %div3A_4783, %add3A_4676 : f32
      %add3A_4798 = arith.addf %mul3A_4796, %mul3A_4797 : f32
      %mul3A_4799 = arith.mulf %div3A_4783, %sub3A_4742 : f32
      %mul3A_4800 = arith.mulf %mul3A_4784, %add3A_4682 : f32
      %sub3A_4801 = arith.subf %mul3A_4799, %mul3A_4800 : f32
      %mul3A_4802 = arith.mulf %mul3A_4784, %sub3A_4742 : f32
      %mul3A_4803 = arith.mulf %div3A_4783, %add3A_4682 : f32
      %add3A_4804 = arith.addf %mul3A_4802, %mul3A_4803 : f32
      %mul3A_4805 = arith.mulf %div3A_4783, %sub3A_4748 : f32
      %mul3A_4806 = arith.mulf %mul3A_4784, %add3A_4688 : f32
      %sub3A_4807 = arith.subf %mul3A_4805, %mul3A_4806 : f32
      %mul3A_4808 = arith.mulf %mul3A_4784, %sub3A_4748 : f32
      %mul3A_4809 = arith.mulf %div3A_4783, %add3A_4688 : f32
      %add3A_4810 = arith.addf %mul3A_4808, %mul3A_4809 : f32
      %abs3A_4811 = math.absf %add3A_4788 : f32
      %gt3A_4812 = arith.constant 1.000000e-30 : f32
      %gt3A_4813 = arith.cmpf ogt, %abs3A_4811, %gt3A_4812 : f32
      %jit3A_4814 = arith.constant 1.000000e-30 : f32
      %select_n3A_4815 = arith.select %gt3A_4813, %add3A_4788, %jit3A_4814 : f32
      %sub3A_4816 = arith.subf %add3A_4792, %add3A_4733 : f32
      %mul3A_4817 = arith.constant 2.000000e+00 : f32
      %mul3A_4818 = arith.mulf %mul3A_4817, %select_n3A_4815 : f32
      %div3A_4819 = arith.divf %sub3A_4816, %mul3A_4818 : f32
      %sign3A_4820 = arith.bitcast %div3A_4819 : f32 to i32
      %sign3A_4821 = arith.constant -2147483648 : i32
      %sign3A_4822 = arith.andi %sign3A_4820, %sign3A_4821 : i32
      %sign3A_4823 = arith.constant 1065353216 : i32
      %sign3A_4824 = arith.ori %sign3A_4823, %sign3A_4822 : i32
      %sign3A_4825 = arith.bitcast %sign3A_4824 : i32 to f32
      %sign3A_4826 = math.absf %div3A_4819 : f32
      %sign3A_4827 = arith.constant 0.000000e+00 : f32
      %sign3A_4828 = arith.cmpf ogt, %sign3A_4826, %sign3A_4827 : f32
      %sign3A_4829 = arith.select %sign3A_4828, %sign3A_4825, %div3A_4819 : f32
      %abs3A_4830 = math.absf %div3A_4819 : f32
      %mul3A_4831 = arith.mulf %div3A_4819, %div3A_4819 : f32
      %add3A_4832 = arith.constant 1.000000e+00 : f32
      %add3A_4833 = arith.addf %add3A_4832, %mul3A_4831 : f32
      %sqrt3A_4834 = math.sqrt %add3A_4833 : f32
      %add3A_4835 = arith.addf %abs3A_4830, %sqrt3A_4834 : f32
      %div3A_4836 = arith.divf %sign3A_4829, %add3A_4835 : f32
      %mul3A_4837 = arith.mulf %div3A_4836, %div3A_4836 : f32
      %add3A_4838 = arith.constant 1.000000e+00 : f32
      %add3A_4839 = arith.addf %add3A_4838, %mul3A_4837 : f32
      %sqrt3A_4840 = math.sqrt %add3A_4839 : f32
      %div3A_4841 = arith.constant 1.000000e+00 : f32
      %div3A_4842 = arith.divf %div3A_4841, %sqrt3A_4840 : f32
      %mul3A_4843 = arith.mulf %div3A_4836, %div3A_4842 : f32
      %mul3A_4844 = arith.mulf %div3A_4836, %add3A_4788 : f32
      %sub3A_4845 = arith.subf %add3A_4733, %mul3A_4844 : f32
      %mul3A_4846 = arith.mulf %div3A_4836, %add3A_4788 : f32
      %add3A_4847 = arith.addf %add3A_4792, %mul3A_4846 : f32
      %mul3A_4848 = arith.mulf %div3A_4842, %add3A_4739 : f32
      %mul3A_4849 = arith.mulf %mul3A_4843, %add3A_4798 : f32
      %sub3A_4850 = arith.subf %mul3A_4848, %mul3A_4849 : f32
      %mul3A_4851 = arith.mulf %mul3A_4843, %add3A_4739 : f32
      %mul3A_4852 = arith.mulf %div3A_4842, %add3A_4798 : f32
      %add3A_4853 = arith.addf %mul3A_4851, %mul3A_4852 : f32
      %mul3A_4854 = arith.mulf %div3A_4842, %add3A_4745 : f32
      %mul3A_4855 = arith.mulf %mul3A_4843, %add3A_4804 : f32
      %sub3A_4856 = arith.subf %mul3A_4854, %mul3A_4855 : f32
      %mul3A_4857 = arith.mulf %mul3A_4843, %add3A_4745 : f32
      %mul3A_4858 = arith.mulf %div3A_4842, %add3A_4804 : f32
      %add3A_4859 = arith.addf %mul3A_4857, %mul3A_4858 : f32
      %mul3A_4860 = arith.mulf %div3A_4842, %add3A_4751 : f32
      %mul3A_4861 = arith.mulf %mul3A_4843, %add3A_4810 : f32
      %sub3A_4862 = arith.subf %mul3A_4860, %mul3A_4861 : f32
      %mul3A_4863 = arith.mulf %mul3A_4843, %add3A_4751 : f32
      %mul3A_4864 = arith.mulf %div3A_4842, %add3A_4810 : f32
      %add3A_4865 = arith.addf %mul3A_4863, %mul3A_4864 : f32
      %max3A_4866 = arith.constant 0.000000e+00 : f32
      %max3A_4867 = arith.maximumf %sub3A_4790, %max3A_4866 : f32
      %max3A_4868 = arith.constant 0.000000e+00 : f32
      %max3A_4869 = arith.maximumf %sub3A_4845, %max3A_4868 : f32
      %max3A_4870 = arith.constant 0.000000e+00 : f32
      %max3A_4871 = arith.maximumf %add3A_4847, %max3A_4870 : f32
      %sqrt3A_4872 = math.sqrt %max3A_4867 : f32
      %add3A_4873 = arith.constant 1.000000e-30 : f32
      %add3A_4874 = arith.addf %max3A_4867, %add3A_4873 : f32
      %div3A_4875 = arith.divf %sqrt3A_4872, %add3A_4874 : f32
      %sqrt3A_4876 = math.sqrt %max3A_4869 : f32
      %add3A_4877 = arith.constant 1.000000e-30 : f32
      %add3A_4878 = arith.addf %max3A_4869, %add3A_4877 : f32
      %div3A_4879 = arith.divf %sqrt3A_4876, %add3A_4878 : f32
      %sqrt3A_4880 = math.sqrt %max3A_4871 : f32
      %add3A_4881 = arith.constant 1.000000e-30 : f32
      %add3A_4882 = arith.addf %max3A_4871, %add3A_4881 : f32
      %div3A_4883 = arith.divf %sqrt3A_4880, %add3A_4882 : f32
      %mul3A_4884 = arith.mulf %reduce_sum3A_3628, %sub3A_4795 : f32
      %mul3A_4885 = arith.mulf %reduce_sum3A_3634, %sub3A_4801 : f32
      %add3A_4886 = arith.addf %mul3A_4884, %mul3A_4885 : f32
      %mul3A_4887 = arith.mulf %reduce_sum3A_3640, %sub3A_4807 : f32
      %add3A_4888 = arith.addf %add3A_4886, %mul3A_4887 : f32
      %mul3A_4889 = arith.mulf %add3A_4888, %div3A_4875 : f32
      %mul3A_4890 = arith.mulf %reduce_sum3A_3628, %sub3A_4850 : f32
      %mul3A_4891 = arith.mulf %reduce_sum3A_3634, %sub3A_4856 : f32
      %add3A_4892 = arith.addf %mul3A_4890, %mul3A_4891 : f32
      %mul3A_4893 = arith.mulf %reduce_sum3A_3640, %sub3A_4862 : f32
      %add3A_4894 = arith.addf %add3A_4892, %mul3A_4893 : f32
      %mul3A_4895 = arith.mulf %add3A_4894, %div3A_4879 : f32
      %mul3A_4896 = arith.mulf %reduce_sum3A_3628, %add3A_4853 : f32
      %mul3A_4897 = arith.mulf %reduce_sum3A_3634, %add3A_4859 : f32
      %add3A_4898 = arith.addf %mul3A_4896, %mul3A_4897 : f32
      %mul3A_4899 = arith.mulf %reduce_sum3A_3640, %add3A_4865 : f32
      %add3A_4900 = arith.addf %add3A_4898, %mul3A_4899 : f32
      %mul3A_4901 = arith.mulf %add3A_4900, %div3A_4883 : f32
      %mul3A_4902 = arith.mulf %reduce_sum3A_3646, %sub3A_4795 : f32
      %mul3A_4903 = arith.mulf %reduce_sum3A_3652, %sub3A_4801 : f32
      %add3A_4904 = arith.addf %mul3A_4902, %mul3A_4903 : f32
      %mul3A_4905 = arith.mulf %reduce_sum3A_3658, %sub3A_4807 : f32
      %add3A_4906 = arith.addf %add3A_4904, %mul3A_4905 : f32
      %mul3A_4907 = arith.mulf %add3A_4906, %div3A_4875 : f32
      %mul3A_4908 = arith.mulf %reduce_sum3A_3646, %sub3A_4850 : f32
      %mul3A_4909 = arith.mulf %reduce_sum3A_3652, %sub3A_4856 : f32
      %add3A_4910 = arith.addf %mul3A_4908, %mul3A_4909 : f32
      %mul3A_4911 = arith.mulf %reduce_sum3A_3658, %sub3A_4862 : f32
      %add3A_4912 = arith.addf %add3A_4910, %mul3A_4911 : f32
      %mul3A_4913 = arith.mulf %add3A_4912, %div3A_4879 : f32
      %mul3A_4914 = arith.mulf %reduce_sum3A_3646, %add3A_4853 : f32
      %mul3A_4915 = arith.mulf %reduce_sum3A_3652, %add3A_4859 : f32
      %add3A_4916 = arith.addf %mul3A_4914, %mul3A_4915 : f32
      %mul3A_4917 = arith.mulf %reduce_sum3A_3658, %add3A_4865 : f32
      %add3A_4918 = arith.addf %add3A_4916, %mul3A_4917 : f32
      %mul3A_4919 = arith.mulf %add3A_4918, %div3A_4883 : f32
      %mul3A_4920 = arith.mulf %reduce_sum3A_3664, %sub3A_4795 : f32
      %mul3A_4921 = arith.mulf %reduce_sum3A_3670, %sub3A_4801 : f32
      %add3A_4922 = arith.addf %mul3A_4920, %mul3A_4921 : f32
      %mul3A_4923 = arith.mulf %reduce_sum3A_3676, %sub3A_4807 : f32
      %add3A_4924 = arith.addf %add3A_4922, %mul3A_4923 : f32
      %mul3A_4925 = arith.mulf %add3A_4924, %div3A_4875 : f32
      %mul3A_4926 = arith.mulf %reduce_sum3A_3664, %sub3A_4850 : f32
      %mul3A_4927 = arith.mulf %reduce_sum3A_3670, %sub3A_4856 : f32
      %add3A_4928 = arith.addf %mul3A_4926, %mul3A_4927 : f32
      %mul3A_4929 = arith.mulf %reduce_sum3A_3676, %sub3A_4862 : f32
      %add3A_4930 = arith.addf %add3A_4928, %mul3A_4929 : f32
      %mul3A_4931 = arith.mulf %add3A_4930, %div3A_4879 : f32
      %mul3A_4932 = arith.mulf %reduce_sum3A_3664, %add3A_4853 : f32
      %mul3A_4933 = arith.mulf %reduce_sum3A_3670, %add3A_4859 : f32
      %add3A_4934 = arith.addf %mul3A_4932, %mul3A_4933 : f32
      %mul3A_4935 = arith.mulf %reduce_sum3A_3676, %add3A_4865 : f32
      %add3A_4936 = arith.addf %add3A_4934, %mul3A_4935 : f32
      %mul3A_4937 = arith.mulf %add3A_4936, %div3A_4883 : f32
      %le3A_4938 = arith.cmpf ole, %max3A_4867, %max3A_4869 : f32
      %le3A_4939 = arith.cmpf ole, %max3A_4867, %max3A_4871 : f32
      %select_n3A_4940 = arith.select %le3A_4939, %sub3A_4795, %add3A_4853 : f32
      %le3A_4941 = arith.cmpf ole, %max3A_4869, %max3A_4871 : f32
      %select_n3A_4942 = arith.select %le3A_4941, %sub3A_4850, %add3A_4853 : f32
      %select_n3A_4943 = arith.select %le3A_4938, %select_n3A_4940, %select_n3A_4942 : f32
      %le3A_4944 = arith.cmpf ole, %max3A_4867, %max3A_4869 : f32
      %le3A_4945 = arith.cmpf ole, %max3A_4867, %max3A_4871 : f32
      %select_n3A_4946 = arith.select %le3A_4945, %sub3A_4801, %add3A_4859 : f32
      %le3A_4947 = arith.cmpf ole, %max3A_4869, %max3A_4871 : f32
      %select_n3A_4948 = arith.select %le3A_4947, %sub3A_4856, %add3A_4859 : f32
      %select_n3A_4949 = arith.select %le3A_4944, %select_n3A_4946, %select_n3A_4948 : f32
      %le3A_4950 = arith.cmpf ole, %max3A_4867, %max3A_4869 : f32
      %le3A_4951 = arith.cmpf ole, %max3A_4867, %max3A_4871 : f32
      %select_n3A_4952 = arith.select %le3A_4951, %sub3A_4807, %add3A_4865 : f32
      %le3A_4953 = arith.cmpf ole, %max3A_4869, %max3A_4871 : f32
      %select_n3A_4954 = arith.select %le3A_4953, %sub3A_4862, %add3A_4865 : f32
      %select_n3A_4955 = arith.select %le3A_4950, %select_n3A_4952, %select_n3A_4954 : f32
      %le3A_4956 = arith.cmpf ole, %max3A_4867, %max3A_4869 : f32
      %le3A_4957 = arith.cmpf ole, %max3A_4867, %max3A_4871 : f32
      %select_n3A_4958 = arith.select %le3A_4957, %mul3A_4889, %mul3A_4901 : f32
      %le3A_4959 = arith.cmpf ole, %max3A_4869, %max3A_4871 : f32
      %select_n3A_4960 = arith.select %le3A_4959, %mul3A_4895, %mul3A_4901 : f32
      %select_n3A_4961 = arith.select %le3A_4956, %select_n3A_4958, %select_n3A_4960 : f32
      %le3A_4962 = arith.cmpf ole, %max3A_4867, %max3A_4869 : f32
      %le3A_4963 = arith.cmpf ole, %max3A_4867, %max3A_4871 : f32
      %select_n3A_4964 = arith.select %le3A_4963, %mul3A_4907, %mul3A_4919 : f32
      %le3A_4965 = arith.cmpf ole, %max3A_4869, %max3A_4871 : f32
      %select_n3A_4966 = arith.select %le3A_4965, %mul3A_4913, %mul3A_4919 : f32
      %select_n3A_4967 = arith.select %le3A_4962, %select_n3A_4964, %select_n3A_4966 : f32
      %le3A_4968 = arith.cmpf ole, %max3A_4867, %max3A_4869 : f32
      %le3A_4969 = arith.cmpf ole, %max3A_4867, %max3A_4871 : f32
      %select_n3A_4970 = arith.select %le3A_4969, %mul3A_4925, %mul3A_4937 : f32
      %le3A_4971 = arith.cmpf ole, %max3A_4869, %max3A_4871 : f32
      %select_n3A_4972 = arith.select %le3A_4971, %mul3A_4931, %mul3A_4937 : f32
      %select_n3A_4973 = arith.select %le3A_4968, %select_n3A_4970, %select_n3A_4972 : f32
      %mul3A_4974 = arith.mulf %sub3A_4795, %mul3A_4889 : f32
      %mul3A_4975 = arith.mulf %sub3A_4850, %mul3A_4895 : f32
      %add3A_4976 = arith.addf %mul3A_4974, %mul3A_4975 : f32
      %mul3A_4977 = arith.mulf %add3A_4853, %mul3A_4901 : f32
      %add3A_4978 = arith.addf %add3A_4976, %mul3A_4977 : f32
      %sub3A_4979 = arith.constant 1.000000e+00 : f32
      %sub3A_4980 = arith.subf %sub3A_4979, %select_n3A_3697 : f32
      %mul3A_4981 = arith.mulf %sub3A_4980, %select_n3A_4943 : f32
      %mul3A_4982 = arith.mulf %mul3A_4981, %select_n3A_4961 : f32
      %sub3A_4983 = arith.subf %add3A_4978, %mul3A_4982 : f32
      %mul3A_4984 = arith.mulf %sub3A_4795, %mul3A_4907 : f32
      %mul3A_4985 = arith.mulf %sub3A_4850, %mul3A_4913 : f32
      %add3A_4986 = arith.addf %mul3A_4984, %mul3A_4985 : f32
      %mul3A_4987 = arith.mulf %add3A_4853, %mul3A_4919 : f32
      %add3A_4988 = arith.addf %add3A_4986, %mul3A_4987 : f32
      %sub3A_4989 = arith.constant 1.000000e+00 : f32
      %sub3A_4990 = arith.subf %sub3A_4989, %select_n3A_3697 : f32
      %mul3A_4991 = arith.mulf %sub3A_4990, %select_n3A_4943 : f32
      %mul3A_4992 = arith.mulf %mul3A_4991, %select_n3A_4967 : f32
      %sub3A_4993 = arith.subf %add3A_4988, %mul3A_4992 : f32
      %mul3A_4994 = arith.mulf %sub3A_4795, %mul3A_4925 : f32
      %mul3A_4995 = arith.mulf %sub3A_4850, %mul3A_4931 : f32
      %add3A_4996 = arith.addf %mul3A_4994, %mul3A_4995 : f32
      %mul3A_4997 = arith.mulf %add3A_4853, %mul3A_4937 : f32
      %add3A_4998 = arith.addf %add3A_4996, %mul3A_4997 : f32
      %sub3A_4999 = arith.constant 1.000000e+00 : f32
      %sub3A_5000 = arith.subf %sub3A_4999, %select_n3A_3697 : f32
      %mul3A_5001 = arith.mulf %sub3A_5000, %select_n3A_4943 : f32
      %mul3A_5002 = arith.mulf %mul3A_5001, %select_n3A_4973 : f32
      %sub3A_5003 = arith.subf %add3A_4998, %mul3A_5002 : f32
      %mul3A_5004 = arith.mulf %sub3A_4801, %mul3A_4889 : f32
      %mul3A_5005 = arith.mulf %sub3A_4856, %mul3A_4895 : f32
      %add3A_5006 = arith.addf %mul3A_5004, %mul3A_5005 : f32
      %mul3A_5007 = arith.mulf %add3A_4859, %mul3A_4901 : f32
      %add3A_5008 = arith.addf %add3A_5006, %mul3A_5007 : f32
      %sub3A_5009 = arith.constant 1.000000e+00 : f32
      %sub3A_5010 = arith.subf %sub3A_5009, %select_n3A_3697 : f32
      %mul3A_5011 = arith.mulf %sub3A_5010, %select_n3A_4949 : f32
      %mul3A_5012 = arith.mulf %mul3A_5011, %select_n3A_4961 : f32
      %sub3A_5013 = arith.subf %add3A_5008, %mul3A_5012 : f32
      %mul3A_5014 = arith.mulf %sub3A_4801, %mul3A_4907 : f32
      %mul3A_5015 = arith.mulf %sub3A_4856, %mul3A_4913 : f32
      %add3A_5016 = arith.addf %mul3A_5014, %mul3A_5015 : f32
      %mul3A_5017 = arith.mulf %add3A_4859, %mul3A_4919 : f32
      %add3A_5018 = arith.addf %add3A_5016, %mul3A_5017 : f32
      %sub3A_5019 = arith.constant 1.000000e+00 : f32
      %sub3A_5020 = arith.subf %sub3A_5019, %select_n3A_3697 : f32
      %mul3A_5021 = arith.mulf %sub3A_5020, %select_n3A_4949 : f32
      %mul3A_5022 = arith.mulf %mul3A_5021, %select_n3A_4967 : f32
      %sub3A_5023 = arith.subf %add3A_5018, %mul3A_5022 : f32
      %mul3A_5024 = arith.mulf %sub3A_4801, %mul3A_4925 : f32
      %mul3A_5025 = arith.mulf %sub3A_4856, %mul3A_4931 : f32
      %add3A_5026 = arith.addf %mul3A_5024, %mul3A_5025 : f32
      %mul3A_5027 = arith.mulf %add3A_4859, %mul3A_4937 : f32
      %add3A_5028 = arith.addf %add3A_5026, %mul3A_5027 : f32
      %sub3A_5029 = arith.constant 1.000000e+00 : f32
      %sub3A_5030 = arith.subf %sub3A_5029, %select_n3A_3697 : f32
      %mul3A_5031 = arith.mulf %sub3A_5030, %select_n3A_4949 : f32
      %mul3A_5032 = arith.mulf %mul3A_5031, %select_n3A_4973 : f32
      %sub3A_5033 = arith.subf %add3A_5028, %mul3A_5032 : f32
      %mul3A_5034 = arith.mulf %sub3A_4807, %mul3A_4889 : f32
      %mul3A_5035 = arith.mulf %sub3A_4862, %mul3A_4895 : f32
      %add3A_5036 = arith.addf %mul3A_5034, %mul3A_5035 : f32
      %mul3A_5037 = arith.mulf %add3A_4865, %mul3A_4901 : f32
      %add3A_5038 = arith.addf %add3A_5036, %mul3A_5037 : f32
      %sub3A_5039 = arith.constant 1.000000e+00 : f32
      %sub3A_5040 = arith.subf %sub3A_5039, %select_n3A_3697 : f32
      %mul3A_5041 = arith.mulf %sub3A_5040, %select_n3A_4955 : f32
      %mul3A_5042 = arith.mulf %mul3A_5041, %select_n3A_4961 : f32
      %sub3A_5043 = arith.subf %add3A_5038, %mul3A_5042 : f32
      %mul3A_5044 = arith.mulf %sub3A_4807, %mul3A_4907 : f32
      %mul3A_5045 = arith.mulf %sub3A_4862, %mul3A_4913 : f32
      %add3A_5046 = arith.addf %mul3A_5044, %mul3A_5045 : f32
      %mul3A_5047 = arith.mulf %add3A_4865, %mul3A_4919 : f32
      %add3A_5048 = arith.addf %add3A_5046, %mul3A_5047 : f32
      %sub3A_5049 = arith.constant 1.000000e+00 : f32
      %sub3A_5050 = arith.subf %sub3A_5049, %select_n3A_3697 : f32
      %mul3A_5051 = arith.mulf %sub3A_5050, %select_n3A_4955 : f32
      %mul3A_5052 = arith.mulf %mul3A_5051, %select_n3A_4967 : f32
      %sub3A_5053 = arith.subf %add3A_5048, %mul3A_5052 : f32
      %mul3A_5054 = arith.mulf %sub3A_4807, %mul3A_4925 : f32
      %mul3A_5055 = arith.mulf %sub3A_4862, %mul3A_4931 : f32
      %add3A_5056 = arith.addf %mul3A_5054, %mul3A_5055 : f32
      %mul3A_5057 = arith.mulf %add3A_4865, %mul3A_4937 : f32
      %add3A_5058 = arith.addf %add3A_5056, %mul3A_5057 : f32
      %sub3A_5059 = arith.constant 1.000000e+00 : f32
      %sub3A_5060 = arith.subf %sub3A_5059, %select_n3A_3697 : f32
      %mul3A_5061 = arith.mulf %sub3A_5060, %select_n3A_4955 : f32
      %mul3A_5062 = arith.mulf %mul3A_5061, %select_n3A_4973 : f32
      %sub3A_5063 = arith.subf %add3A_5058, %mul3A_5062 : f32
      %mul3A_5064 = arith.mulf %sub3A_4983, %div3A_3568 : f32
      %mul3A_5065 = arith.mulf %sub3A_4993, %div3A_3572 : f32
      %add3A_5066 = arith.addf %mul3A_5064, %mul3A_5065 : f32
      %mul3A_5067 = arith.mulf %sub3A_5003, %div3A_3576 : f32
      %add3A_5068 = arith.addf %add3A_5066, %mul3A_5067 : f32
      %sub3A_5069 = arith.subf %div3A_3580, %add3A_5068 : f32
      %sub3A_5070 = arith.constant 1.000000e+00 : f32
      %sub3A_5071 = arith.subf %sub3A_4983, %sub3A_5070 : f32
      %mul3A_5072 = arith.mulf %sub3A_5071, %select_n3A_3556 : f32
      %swap3A_5073 = arith.constant 2 : index
      %swap3A_5074 = arith.constant 0 : index
      %swap3A_5075 = memref.load %arg8[%swap3A_5073, %swap3A_5074] : memref<3x16xf32, #tpu.memory_space<smem>>
      memref.store %mul3A_5072, %arg8[%swap3A_5073, %swap3A_5074] : memref<3x16xf32, #tpu.memory_space<smem>>
      %sub3A_5076 = arith.constant 0.000000e+00 : f32
      %sub3A_5077 = arith.subf %sub3A_4993, %sub3A_5076 : f32
      %mul3A_5078 = arith.mulf %sub3A_5077, %select_n3A_3556 : f32
      %swap3A_5079 = arith.constant 2 : index
      %swap3A_5080 = arith.constant 1 : index
      %swap3A_5081 = memref.load %arg8[%swap3A_5079, %swap3A_5080] : memref<3x16xf32, #tpu.memory_space<smem>>
      memref.store %mul3A_5078, %arg8[%swap3A_5079, %swap3A_5080] : memref<3x16xf32, #tpu.memory_space<smem>>
      %sub3A_5082 = arith.constant 0.000000e+00 : f32
      %sub3A_5083 = arith.subf %sub3A_5003, %sub3A_5082 : f32
      %mul3A_5084 = arith.mulf %sub3A_5083, %select_n3A_3556 : f32
      %swap3A_5085 = arith.constant 2 : index
      %swap3A_5086 = arith.constant 2 : index
      %swap3A_5087 = memref.load %arg8[%swap3A_5085, %swap3A_5086] : memref<3x16xf32, #tpu.memory_space<smem>>
      memref.store %mul3A_5084, %arg8[%swap3A_5085, %swap3A_5086] : memref<3x16xf32, #tpu.memory_space<smem>>
      %mul3A_5088 = arith.mulf %sub3A_5069, %select_n3A_3556 : f32
      %swap3A_5089 = arith.constant 2 : index
      %swap3A_5090 = arith.constant 3 : index
      %swap3A_5091 = memref.load %arg8[%swap3A_5089, %swap3A_5090] : memref<3x16xf32, #tpu.memory_space<smem>>
      memref.store %mul3A_5088, %arg8[%swap3A_5089, %swap3A_5090] : memref<3x16xf32, #tpu.memory_space<smem>>
      %mul3A_5092 = arith.mulf %sub3A_5013, %div3A_3568 : f32
      %mul3A_5093 = arith.mulf %sub3A_5023, %div3A_3572 : f32
      %add3A_5094 = arith.addf %mul3A_5092, %mul3A_5093 : f32
      %mul3A_5095 = arith.mulf %sub3A_5033, %div3A_3576 : f32
      %add3A_5096 = arith.addf %add3A_5094, %mul3A_5095 : f32
      %sub3A_5097 = arith.subf %div3A_3584, %add3A_5096 : f32
      %sub3A_5098 = arith.constant 0.000000e+00 : f32
      %sub3A_5099 = arith.subf %sub3A_5013, %sub3A_5098 : f32
      %mul3A_5100 = arith.mulf %sub3A_5099, %select_n3A_3556 : f32
      %swap3A_5101 = arith.constant 2 : index
      %swap3A_5102 = arith.constant 4 : index
      %swap3A_5103 = memref.load %arg8[%swap3A_5101, %swap3A_5102] : memref<3x16xf32, #tpu.memory_space<smem>>
      memref.store %mul3A_5100, %arg8[%swap3A_5101, %swap3A_5102] : memref<3x16xf32, #tpu.memory_space<smem>>
      %sub3A_5104 = arith.constant 1.000000e+00 : f32
      %sub3A_5105 = arith.subf %sub3A_5023, %sub3A_5104 : f32
      %mul3A_5106 = arith.mulf %sub3A_5105, %select_n3A_3556 : f32
      %swap3A_5107 = arith.constant 2 : index
      %swap3A_5108 = arith.constant 5 : index
      %swap3A_5109 = memref.load %arg8[%swap3A_5107, %swap3A_5108] : memref<3x16xf32, #tpu.memory_space<smem>>
      memref.store %mul3A_5106, %arg8[%swap3A_5107, %swap3A_5108] : memref<3x16xf32, #tpu.memory_space<smem>>
      %sub3A_5110 = arith.constant 0.000000e+00 : f32
      %sub3A_5111 = arith.subf %sub3A_5033, %sub3A_5110 : f32
      %mul3A_5112 = arith.mulf %sub3A_5111, %select_n3A_3556 : f32
      %swap3A_5113 = arith.constant 2 : index
      %swap3A_5114 = arith.constant 6 : index
      %swap3A_5115 = memref.load %arg8[%swap3A_5113, %swap3A_5114] : memref<3x16xf32, #tpu.memory_space<smem>>
      memref.store %mul3A_5112, %arg8[%swap3A_5113, %swap3A_5114] : memref<3x16xf32, #tpu.memory_space<smem>>
      %mul3A_5116 = arith.mulf %sub3A_5097, %select_n3A_3556 : f32
      %swap3A_5117 = arith.constant 2 : index
      %swap3A_5118 = arith.constant 7 : index
      %swap3A_5119 = memref.load %arg8[%swap3A_5117, %swap3A_5118] : memref<3x16xf32, #tpu.memory_space<smem>>
      memref.store %mul3A_5116, %arg8[%swap3A_5117, %swap3A_5118] : memref<3x16xf32, #tpu.memory_space<smem>>
      %mul3A_5120 = arith.mulf %sub3A_5043, %div3A_3568 : f32
      %mul3A_5121 = arith.mulf %sub3A_5053, %div3A_3572 : f32
      %add3A_5122 = arith.addf %mul3A_5120, %mul3A_5121 : f32
      %mul3A_5123 = arith.mulf %sub3A_5063, %div3A_3576 : f32
      %add3A_5124 = arith.addf %add3A_5122, %mul3A_5123 : f32
      %sub3A_5125 = arith.subf %div3A_3588, %add3A_5124 : f32
      %sub3A_5126 = arith.constant 0.000000e+00 : f32
      %sub3A_5127 = arith.subf %sub3A_5043, %sub3A_5126 : f32
      %mul3A_5128 = arith.mulf %sub3A_5127, %select_n3A_3556 : f32
      %swap3A_5129 = arith.constant 2 : index
      %swap3A_5130 = arith.constant 8 : index
      %swap3A_5131 = memref.load %arg8[%swap3A_5129, %swap3A_5130] : memref<3x16xf32, #tpu.memory_space<smem>>
      memref.store %mul3A_5128, %arg8[%swap3A_5129, %swap3A_5130] : memref<3x16xf32, #tpu.memory_space<smem>>
      %sub3A_5132 = arith.constant 0.000000e+00 : f32
      %sub3A_5133 = arith.subf %sub3A_5053, %sub3A_5132 : f32
      %mul3A_5134 = arith.mulf %sub3A_5133, %select_n3A_3556 : f32
      %swap3A_5135 = arith.constant 2 : index
      %swap3A_5136 = arith.constant 9 : index
      %swap3A_5137 = memref.load %arg8[%swap3A_5135, %swap3A_5136] : memref<3x16xf32, #tpu.memory_space<smem>>
      memref.store %mul3A_5134, %arg8[%swap3A_5135, %swap3A_5136] : memref<3x16xf32, #tpu.memory_space<smem>>
      %sub3A_5138 = arith.constant 1.000000e+00 : f32
      %sub3A_5139 = arith.subf %sub3A_5063, %sub3A_5138 : f32
      %mul3A_5140 = arith.mulf %sub3A_5139, %select_n3A_3556 : f32
      %swap3A_5141 = arith.constant 2 : index
      %swap3A_5142 = arith.constant 10 : index
      %swap3A_5143 = memref.load %arg8[%swap3A_5141, %swap3A_5142] : memref<3x16xf32, #tpu.memory_space<smem>>
      memref.store %mul3A_5140, %arg8[%swap3A_5141, %swap3A_5142] : memref<3x16xf32, #tpu.memory_space<smem>>
      %mul3A_5144 = arith.mulf %sub3A_5125, %select_n3A_3556 : f32
      %swap3A_5145 = arith.constant 2 : index
      %swap3A_5146 = arith.constant 11 : index
      %swap3A_5147 = memref.load %arg8[%swap3A_5145, %swap3A_5146] : memref<3x16xf32, #tpu.memory_space<smem>>
      memref.store %mul3A_5144, %arg8[%swap3A_5145, %swap3A_5146] : memref<3x16xf32, #tpu.memory_space<smem>>
      %swap3A_5148 = arith.constant 2 : index
      %swap3A_5149 = arith.constant 12 : index
      %swap3A_5150 = memref.load %arg8[%swap3A_5148, %swap3A_5149] : memref<3x16xf32, #tpu.memory_space<smem>>
      memref.store %select_n3A_3556, %arg8[%swap3A_5148, %swap3A_5149] : memref<3x16xf32, #tpu.memory_space<smem>>
    } else {
    }
    %iota3A = tpu.iota {dimensions = array<i32: 0>} : vector<1024x1xi32>
    %and3A = arith.constant 127 : i32
    %and3A_2 = vector.broadcast %and3A : i32 to vector<1024x1xi32>
    %and3A_3 = arith.andi %iota3A, %and3A_2 : vector<1024x1xi32>
    %convert_element_type3A_4 = arith.sitofp %and3A_3 : vector<1024x1xi32> to vector<1024x1xf32>
    %shift_right_logical3A = arith.constant 7 : i32
    %shift_right_logical3A_5 = vector.broadcast %shift_right_logical3A : i32 to vector<1024x1xi32>
    %shift_right_logical3A_6 = arith.shrui %iota3A, %shift_right_logical3A_5 : vector<1024x1xi32>
    %mul3A = arith.constant 8 : i32
    %mul3A_7 = arith.muli %arg0, %mul3A : i32
    %add3A = vector.broadcast %mul3A_7 : i32 to vector<1024x1xi32>
    %add3A_8 = arith.addi %shift_right_logical3A_6, %add3A : vector<1024x1xi32>
    %convert_element_type3A_9 = arith.sitofp %add3A_8 : vector<1024x1xi32> to vector<1024x1xf32>
    %iota3A_10 = tpu.iota {dimensions = array<i32: 1>} : vector<1x128xi32>
    %convert_element_type3A_11 = arith.sitofp %iota3A_10 : vector<1x128xi32> to vector<1x128xf32>
    %get3A = arith.constant 0 : index
    %get3A_12 = arith.constant 0 : index
    %get3A_13 = vector.load %arg1[%get3A, %get3A_12] : memref<1024x128xi8, #tpu.memory_space<vmem>>, vector<1024x128xi8>
    %convert_element_type3A_14 = arith.extsi %get3A_13 : vector<1024x128xi8> to vector<1024x128xi32>
    %broadcast_in_dim3A = arith.constant 0.000000e+00 : f32
    %broadcast_in_dim3A_15 = vector.broadcast %broadcast_in_dim3A : f32 to vector<1024x128xf32>
    %broadcast_in_dim3A_16 = arith.constant 0.000000e+00 : f32
    %broadcast_in_dim3A_17 = vector.broadcast %broadcast_in_dim3A_16 : f32 to vector<1024x128xf32>
    %broadcast_in_dim3A_18 = arith.constant 0.000000e+00 : f32
    %broadcast_in_dim3A_19 = vector.broadcast %broadcast_in_dim3A_18 : f32 to vector<1024x128xf32>
    %broadcast_in_dim3A_20 = arith.constant 0.000000e+00 : f32
    %broadcast_in_dim3A_21 = vector.broadcast %broadcast_in_dim3A_20 : f32 to vector<1024x128xf32>
    %shift_right_logical3A_22 = arith.constant 0 : i32
    %shift_right_logical3A_23 = vector.broadcast %shift_right_logical3A_22 : i32 to vector<1024x128xi32>
    %shift_right_logical3A_24 = arith.shrui %convert_element_type3A_14, %shift_right_logical3A_23 : vector<1024x128xi32>
    %and3A_25 = arith.constant 1 : i32
    %and3A_26 = vector.broadcast %and3A_25 : i32 to vector<1024x128xi32>
    %and3A_27 = arith.andi %shift_right_logical3A_24, %and3A_26 : vector<1024x128xi32>
    %convert_element_type3A_28 = arith.sitofp %and3A_27 : vector<1024x128xi32> to vector<1024x128xf32>
    %get3A_29 = arith.constant 0 : index
    %get3A_30 = arith.constant 12 : index
    %get3A_31 = memref.load %arg8[%get3A_29, %get3A_30] : memref<3x16xf32, #tpu.memory_space<smem>>
    %mul3A_32 = vector.broadcast %get3A_31 : f32 to vector<1024x128xf32>
    %mul3A_33 = arith.mulf %convert_element_type3A_28, %mul3A_32 : vector<1024x128xf32>
    %add3A_34 = arith.addf %broadcast_in_dim3A_15, %mul3A_33 : vector<1024x128xf32>
    %get3A_35 = arith.constant 0 : index
    %get3A_36 = arith.constant 0 : index
    %get3A_37 = memref.load %arg8[%get3A_35, %get3A_36] : memref<3x16xf32, #tpu.memory_space<smem>>
    %mul3A_38 = vector.broadcast %get3A_37 : f32 to vector<1024x1xf32>
    %mul3A_39 = arith.mulf %mul3A_38, %convert_element_type3A_9 : vector<1024x1xf32>
    %get3A_40 = arith.constant 0 : index
    %get3A_41 = arith.constant 1 : index
    %get3A_42 = memref.load %arg8[%get3A_40, %get3A_41] : memref<3x16xf32, #tpu.memory_space<smem>>
    %mul3A_43 = vector.broadcast %get3A_42 : f32 to vector<1024x1xf32>
    %mul3A_44 = arith.mulf %mul3A_43, %convert_element_type3A_4 : vector<1024x1xf32>
    %add3A_45 = arith.addf %mul3A_39, %mul3A_44 : vector<1024x1xf32>
    %get3A_46 = arith.constant 0 : index
    %get3A_47 = arith.constant 3 : index
    %get3A_48 = memref.load %arg8[%get3A_46, %get3A_47] : memref<3x16xf32, #tpu.memory_space<smem>>
    %add3A_49 = vector.broadcast %get3A_48 : f32 to vector<1024x1xf32>
    %add3A_50 = arith.addf %add3A_45, %add3A_49 : vector<1024x1xf32>
    %get3A_51 = arith.constant 0 : index
    %get3A_52 = arith.constant 2 : index
    %get3A_53 = memref.load %arg8[%get3A_51, %get3A_52] : memref<3x16xf32, #tpu.memory_space<smem>>
    %mul3A_54 = vector.broadcast %get3A_53 : f32 to vector<1x128xf32>
    %mul3A_55 = arith.mulf %mul3A_54, %convert_element_type3A_11 : vector<1x128xf32>
    %add3A_56 = vector.broadcast %add3A_50 : vector<1024x1xf32> to vector<1024x128xf32>
    %add3A_57 = vector.broadcast %mul3A_55 : vector<1x128xf32> to vector<1024x128xf32>
    %add3A_58 = arith.addf %add3A_56, %add3A_57 : vector<1024x128xf32>
    %mul3A_59 = arith.mulf %convert_element_type3A_28, %add3A_58 : vector<1024x128xf32>
    %add3A_60 = arith.addf %broadcast_in_dim3A_17, %mul3A_59 : vector<1024x128xf32>
    %get3A_61 = arith.constant 0 : index
    %get3A_62 = arith.constant 4 : index
    %get3A_63 = memref.load %arg8[%get3A_61, %get3A_62] : memref<3x16xf32, #tpu.memory_space<smem>>
    %mul3A_64 = vector.broadcast %get3A_63 : f32 to vector<1024x1xf32>
    %mul3A_65 = arith.mulf %mul3A_64, %convert_element_type3A_9 : vector<1024x1xf32>
    %get3A_66 = arith.constant 0 : index
    %get3A_67 = arith.constant 5 : index
    %get3A_68 = memref.load %arg8[%get3A_66, %get3A_67] : memref<3x16xf32, #tpu.memory_space<smem>>
    %mul3A_69 = vector.broadcast %get3A_68 : f32 to vector<1024x1xf32>
    %mul3A_70 = arith.mulf %mul3A_69, %convert_element_type3A_4 : vector<1024x1xf32>
    %add3A_71 = arith.addf %mul3A_65, %mul3A_70 : vector<1024x1xf32>
    %get3A_72 = arith.constant 0 : index
    %get3A_73 = arith.constant 7 : index
    %get3A_74 = memref.load %arg8[%get3A_72, %get3A_73] : memref<3x16xf32, #tpu.memory_space<smem>>
    %add3A_75 = vector.broadcast %get3A_74 : f32 to vector<1024x1xf32>
    %add3A_76 = arith.addf %add3A_71, %add3A_75 : vector<1024x1xf32>
    %get3A_77 = arith.constant 0 : index
    %get3A_78 = arith.constant 6 : index
    %get3A_79 = memref.load %arg8[%get3A_77, %get3A_78] : memref<3x16xf32, #tpu.memory_space<smem>>
    %mul3A_80 = vector.broadcast %get3A_79 : f32 to vector<1x128xf32>
    %mul3A_81 = arith.mulf %mul3A_80, %convert_element_type3A_11 : vector<1x128xf32>
    %add3A_82 = vector.broadcast %add3A_76 : vector<1024x1xf32> to vector<1024x128xf32>
    %add3A_83 = vector.broadcast %mul3A_81 : vector<1x128xf32> to vector<1024x128xf32>
    %add3A_84 = arith.addf %add3A_82, %add3A_83 : vector<1024x128xf32>
    %mul3A_85 = arith.mulf %convert_element_type3A_28, %add3A_84 : vector<1024x128xf32>
    %add3A_86 = arith.addf %broadcast_in_dim3A_19, %mul3A_85 : vector<1024x128xf32>
    %get3A_87 = arith.constant 0 : index
    %get3A_88 = arith.constant 8 : index
    %get3A_89 = memref.load %arg8[%get3A_87, %get3A_88] : memref<3x16xf32, #tpu.memory_space<smem>>
    %mul3A_90 = vector.broadcast %get3A_89 : f32 to vector<1024x1xf32>
    %mul3A_91 = arith.mulf %mul3A_90, %convert_element_type3A_9 : vector<1024x1xf32>
    %get3A_92 = arith.constant 0 : index
    %get3A_93 = arith.constant 9 : index
    %get3A_94 = memref.load %arg8[%get3A_92, %get3A_93] : memref<3x16xf32, #tpu.memory_space<smem>>
    %mul3A_95 = vector.broadcast %get3A_94 : f32 to vector<1024x1xf32>
    %mul3A_96 = arith.mulf %mul3A_95, %convert_element_type3A_4 : vector<1024x1xf32>
    %add3A_97 = arith.addf %mul3A_91, %mul3A_96 : vector<1024x1xf32>
    %get3A_98 = arith.constant 0 : index
    %get3A_99 = arith.constant 11 : index
    %get3A_100 = memref.load %arg8[%get3A_98, %get3A_99] : memref<3x16xf32, #tpu.memory_space<smem>>
    %add3A_101 = vector.broadcast %get3A_100 : f32 to vector<1024x1xf32>
    %add3A_102 = arith.addf %add3A_97, %add3A_101 : vector<1024x1xf32>
    %get3A_103 = arith.constant 0 : index
    %get3A_104 = arith.constant 10 : index
    %get3A_105 = memref.load %arg8[%get3A_103, %get3A_104] : memref<3x16xf32, #tpu.memory_space<smem>>
    %mul3A_106 = vector.broadcast %get3A_105 : f32 to vector<1x128xf32>
    %mul3A_107 = arith.mulf %mul3A_106, %convert_element_type3A_11 : vector<1x128xf32>
    %add3A_108 = vector.broadcast %add3A_102 : vector<1024x1xf32> to vector<1024x128xf32>
    %add3A_109 = vector.broadcast %mul3A_107 : vector<1x128xf32> to vector<1024x128xf32>
    %add3A_110 = arith.addf %add3A_108, %add3A_109 : vector<1024x128xf32>
    %mul3A_111 = arith.mulf %convert_element_type3A_28, %add3A_110 : vector<1024x128xf32>
    %add3A_112 = arith.addf %broadcast_in_dim3A_21, %mul3A_111 : vector<1024x128xf32>
    %shift_right_logical3A_113 = arith.constant 1 : i32
    %shift_right_logical3A_114 = vector.broadcast %shift_right_logical3A_113 : i32 to vector<1024x128xi32>
    %shift_right_logical3A_115 = arith.shrui %convert_element_type3A_14, %shift_right_logical3A_114 : vector<1024x128xi32>
    %and3A_116 = arith.constant 1 : i32
    %and3A_117 = vector.broadcast %and3A_116 : i32 to vector<1024x128xi32>
    %and3A_118 = arith.andi %shift_right_logical3A_115, %and3A_117 : vector<1024x128xi32>
    %convert_element_type3A_119 = arith.sitofp %and3A_118 : vector<1024x128xi32> to vector<1024x128xf32>
    %get3A_120 = arith.constant 1 : index
    %get3A_121 = arith.constant 12 : index
    %get3A_122 = memref.load %arg8[%get3A_120, %get3A_121] : memref<3x16xf32, #tpu.memory_space<smem>>
    %mul3A_123 = vector.broadcast %get3A_122 : f32 to vector<1024x128xf32>
    %mul3A_124 = arith.mulf %convert_element_type3A_119, %mul3A_123 : vector<1024x128xf32>
    %add3A_125 = arith.addf %add3A_34, %mul3A_124 : vector<1024x128xf32>
    %get3A_126 = arith.constant 1 : index
    %get3A_127 = arith.constant 0 : index
    %get3A_128 = memref.load %arg8[%get3A_126, %get3A_127] : memref<3x16xf32, #tpu.memory_space<smem>>
    %mul3A_129 = vector.broadcast %get3A_128 : f32 to vector<1024x1xf32>
    %mul3A_130 = arith.mulf %mul3A_129, %convert_element_type3A_9 : vector<1024x1xf32>
    %get3A_131 = arith.constant 1 : index
    %get3A_132 = arith.constant 1 : index
    %get3A_133 = memref.load %arg8[%get3A_131, %get3A_132] : memref<3x16xf32, #tpu.memory_space<smem>>
    %mul3A_134 = vector.broadcast %get3A_133 : f32 to vector<1024x1xf32>
    %mul3A_135 = arith.mulf %mul3A_134, %convert_element_type3A_4 : vector<1024x1xf32>
    %add3A_136 = arith.addf %mul3A_130, %mul3A_135 : vector<1024x1xf32>
    %get3A_137 = arith.constant 1 : index
    %get3A_138 = arith.constant 3 : index
    %get3A_139 = memref.load %arg8[%get3A_137, %get3A_138] : memref<3x16xf32, #tpu.memory_space<smem>>
    %add3A_140 = vector.broadcast %get3A_139 : f32 to vector<1024x1xf32>
    %add3A_141 = arith.addf %add3A_136, %add3A_140 : vector<1024x1xf32>
    %get3A_142 = arith.constant 1 : index
    %get3A_143 = arith.constant 2 : index
    %get3A_144 = memref.load %arg8[%get3A_142, %get3A_143] : memref<3x16xf32, #tpu.memory_space<smem>>
    %mul3A_145 = vector.broadcast %get3A_144 : f32 to vector<1x128xf32>
    %mul3A_146 = arith.mulf %mul3A_145, %convert_element_type3A_11 : vector<1x128xf32>
    %add3A_147 = vector.broadcast %add3A_141 : vector<1024x1xf32> to vector<1024x128xf32>
    %add3A_148 = vector.broadcast %mul3A_146 : vector<1x128xf32> to vector<1024x128xf32>
    %add3A_149 = arith.addf %add3A_147, %add3A_148 : vector<1024x128xf32>
    %mul3A_150 = arith.mulf %convert_element_type3A_119, %add3A_149 : vector<1024x128xf32>
    %add3A_151 = arith.addf %add3A_60, %mul3A_150 : vector<1024x128xf32>
    %get3A_152 = arith.constant 1 : index
    %get3A_153 = arith.constant 4 : index
    %get3A_154 = memref.load %arg8[%get3A_152, %get3A_153] : memref<3x16xf32, #tpu.memory_space<smem>>
    %mul3A_155 = vector.broadcast %get3A_154 : f32 to vector<1024x1xf32>
    %mul3A_156 = arith.mulf %mul3A_155, %convert_element_type3A_9 : vector<1024x1xf32>
    %get3A_157 = arith.constant 1 : index
    %get3A_158 = arith.constant 5 : index
    %get3A_159 = memref.load %arg8[%get3A_157, %get3A_158] : memref<3x16xf32, #tpu.memory_space<smem>>
    %mul3A_160 = vector.broadcast %get3A_159 : f32 to vector<1024x1xf32>
    %mul3A_161 = arith.mulf %mul3A_160, %convert_element_type3A_4 : vector<1024x1xf32>
    %add3A_162 = arith.addf %mul3A_156, %mul3A_161 : vector<1024x1xf32>
    %get3A_163 = arith.constant 1 : index
    %get3A_164 = arith.constant 7 : index
    %get3A_165 = memref.load %arg8[%get3A_163, %get3A_164] : memref<3x16xf32, #tpu.memory_space<smem>>
    %add3A_166 = vector.broadcast %get3A_165 : f32 to vector<1024x1xf32>
    %add3A_167 = arith.addf %add3A_162, %add3A_166 : vector<1024x1xf32>
    %get3A_168 = arith.constant 1 : index
    %get3A_169 = arith.constant 6 : index
    %get3A_170 = memref.load %arg8[%get3A_168, %get3A_169] : memref<3x16xf32, #tpu.memory_space<smem>>
    %mul3A_171 = vector.broadcast %get3A_170 : f32 to vector<1x128xf32>
    %mul3A_172 = arith.mulf %mul3A_171, %convert_element_type3A_11 : vector<1x128xf32>
    %add3A_173 = vector.broadcast %add3A_167 : vector<1024x1xf32> to vector<1024x128xf32>
    %add3A_174 = vector.broadcast %mul3A_172 : vector<1x128xf32> to vector<1024x128xf32>
    %add3A_175 = arith.addf %add3A_173, %add3A_174 : vector<1024x128xf32>
    %mul3A_176 = arith.mulf %convert_element_type3A_119, %add3A_175 : vector<1024x128xf32>
    %add3A_177 = arith.addf %add3A_86, %mul3A_176 : vector<1024x128xf32>
    %get3A_178 = arith.constant 1 : index
    %get3A_179 = arith.constant 8 : index
    %get3A_180 = memref.load %arg8[%get3A_178, %get3A_179] : memref<3x16xf32, #tpu.memory_space<smem>>
    %mul3A_181 = vector.broadcast %get3A_180 : f32 to vector<1024x1xf32>
    %mul3A_182 = arith.mulf %mul3A_181, %convert_element_type3A_9 : vector<1024x1xf32>
    %get3A_183 = arith.constant 1 : index
    %get3A_184 = arith.constant 9 : index
    %get3A_185 = memref.load %arg8[%get3A_183, %get3A_184] : memref<3x16xf32, #tpu.memory_space<smem>>
    %mul3A_186 = vector.broadcast %get3A_185 : f32 to vector<1024x1xf32>
    %mul3A_187 = arith.mulf %mul3A_186, %convert_element_type3A_4 : vector<1024x1xf32>
    %add3A_188 = arith.addf %mul3A_182, %mul3A_187 : vector<1024x1xf32>
    %get3A_189 = arith.constant 1 : index
    %get3A_190 = arith.constant 11 : index
    %get3A_191 = memref.load %arg8[%get3A_189, %get3A_190] : memref<3x16xf32, #tpu.memory_space<smem>>
    %add3A_192 = vector.broadcast %get3A_191 : f32 to vector<1024x1xf32>
    %add3A_193 = arith.addf %add3A_188, %add3A_192 : vector<1024x1xf32>
    %get3A_194 = arith.constant 1 : index
    %get3A_195 = arith.constant 10 : index
    %get3A_196 = memref.load %arg8[%get3A_194, %get3A_195] : memref<3x16xf32, #tpu.memory_space<smem>>
    %mul3A_197 = vector.broadcast %get3A_196 : f32 to vector<1x128xf32>
    %mul3A_198 = arith.mulf %mul3A_197, %convert_element_type3A_11 : vector<1x128xf32>
    %add3A_199 = vector.broadcast %add3A_193 : vector<1024x1xf32> to vector<1024x128xf32>
    %add3A_200 = vector.broadcast %mul3A_198 : vector<1x128xf32> to vector<1024x128xf32>
    %add3A_201 = arith.addf %add3A_199, %add3A_200 : vector<1024x128xf32>
    %mul3A_202 = arith.mulf %convert_element_type3A_119, %add3A_201 : vector<1024x128xf32>
    %add3A_203 = arith.addf %add3A_112, %mul3A_202 : vector<1024x128xf32>
    %shift_right_logical3A_204 = arith.constant 2 : i32
    %shift_right_logical3A_205 = vector.broadcast %shift_right_logical3A_204 : i32 to vector<1024x128xi32>
    %shift_right_logical3A_206 = arith.shrui %convert_element_type3A_14, %shift_right_logical3A_205 : vector<1024x128xi32>
    %and3A_207 = arith.constant 1 : i32
    %and3A_208 = vector.broadcast %and3A_207 : i32 to vector<1024x128xi32>
    %and3A_209 = arith.andi %shift_right_logical3A_206, %and3A_208 : vector<1024x128xi32>
    %convert_element_type3A_210 = arith.sitofp %and3A_209 : vector<1024x128xi32> to vector<1024x128xf32>
    %get3A_211 = arith.constant 2 : index
    %get3A_212 = arith.constant 12 : index
    %get3A_213 = memref.load %arg8[%get3A_211, %get3A_212] : memref<3x16xf32, #tpu.memory_space<smem>>
    %mul3A_214 = vector.broadcast %get3A_213 : f32 to vector<1024x128xf32>
    %mul3A_215 = arith.mulf %convert_element_type3A_210, %mul3A_214 : vector<1024x128xf32>
    %add3A_216 = arith.addf %add3A_125, %mul3A_215 : vector<1024x128xf32>
    %get3A_217 = arith.constant 2 : index
    %get3A_218 = arith.constant 0 : index
    %get3A_219 = memref.load %arg8[%get3A_217, %get3A_218] : memref<3x16xf32, #tpu.memory_space<smem>>
    %mul3A_220 = vector.broadcast %get3A_219 : f32 to vector<1024x1xf32>
    %mul3A_221 = arith.mulf %mul3A_220, %convert_element_type3A_9 : vector<1024x1xf32>
    %get3A_222 = arith.constant 2 : index
    %get3A_223 = arith.constant 1 : index
    %get3A_224 = memref.load %arg8[%get3A_222, %get3A_223] : memref<3x16xf32, #tpu.memory_space<smem>>
    %mul3A_225 = vector.broadcast %get3A_224 : f32 to vector<1024x1xf32>
    %mul3A_226 = arith.mulf %mul3A_225, %convert_element_type3A_4 : vector<1024x1xf32>
    %add3A_227 = arith.addf %mul3A_221, %mul3A_226 : vector<1024x1xf32>
    %get3A_228 = arith.constant 2 : index
    %get3A_229 = arith.constant 3 : index
    %get3A_230 = memref.load %arg8[%get3A_228, %get3A_229] : memref<3x16xf32, #tpu.memory_space<smem>>
    %add3A_231 = vector.broadcast %get3A_230 : f32 to vector<1024x1xf32>
    %add3A_232 = arith.addf %add3A_227, %add3A_231 : vector<1024x1xf32>
    %get3A_233 = arith.constant 2 : index
    %get3A_234 = arith.constant 2 : index
    %get3A_235 = memref.load %arg8[%get3A_233, %get3A_234] : memref<3x16xf32, #tpu.memory_space<smem>>
    %mul3A_236 = vector.broadcast %get3A_235 : f32 to vector<1x128xf32>
    %mul3A_237 = arith.mulf %mul3A_236, %convert_element_type3A_11 : vector<1x128xf32>
    %add3A_238 = vector.broadcast %add3A_232 : vector<1024x1xf32> to vector<1024x128xf32>
    %add3A_239 = vector.broadcast %mul3A_237 : vector<1x128xf32> to vector<1024x128xf32>
    %add3A_240 = arith.addf %add3A_238, %add3A_239 : vector<1024x128xf32>
    %mul3A_241 = arith.mulf %convert_element_type3A_210, %add3A_240 : vector<1024x128xf32>
    %add3A_242 = arith.addf %add3A_151, %mul3A_241 : vector<1024x128xf32>
    %get3A_243 = arith.constant 2 : index
    %get3A_244 = arith.constant 4 : index
    %get3A_245 = memref.load %arg8[%get3A_243, %get3A_244] : memref<3x16xf32, #tpu.memory_space<smem>>
    %mul3A_246 = vector.broadcast %get3A_245 : f32 to vector<1024x1xf32>
    %mul3A_247 = arith.mulf %mul3A_246, %convert_element_type3A_9 : vector<1024x1xf32>
    %get3A_248 = arith.constant 2 : index
    %get3A_249 = arith.constant 5 : index
    %get3A_250 = memref.load %arg8[%get3A_248, %get3A_249] : memref<3x16xf32, #tpu.memory_space<smem>>
    %mul3A_251 = vector.broadcast %get3A_250 : f32 to vector<1024x1xf32>
    %mul3A_252 = arith.mulf %mul3A_251, %convert_element_type3A_4 : vector<1024x1xf32>
    %add3A_253 = arith.addf %mul3A_247, %mul3A_252 : vector<1024x1xf32>
    %get3A_254 = arith.constant 2 : index
    %get3A_255 = arith.constant 7 : index
    %get3A_256 = memref.load %arg8[%get3A_254, %get3A_255] : memref<3x16xf32, #tpu.memory_space<smem>>
    %add3A_257 = vector.broadcast %get3A_256 : f32 to vector<1024x1xf32>
    %add3A_258 = arith.addf %add3A_253, %add3A_257 : vector<1024x1xf32>
    %get3A_259 = arith.constant 2 : index
    %get3A_260 = arith.constant 6 : index
    %get3A_261 = memref.load %arg8[%get3A_259, %get3A_260] : memref<3x16xf32, #tpu.memory_space<smem>>
    %mul3A_262 = vector.broadcast %get3A_261 : f32 to vector<1x128xf32>
    %mul3A_263 = arith.mulf %mul3A_262, %convert_element_type3A_11 : vector<1x128xf32>
    %add3A_264 = vector.broadcast %add3A_258 : vector<1024x1xf32> to vector<1024x128xf32>
    %add3A_265 = vector.broadcast %mul3A_263 : vector<1x128xf32> to vector<1024x128xf32>
    %add3A_266 = arith.addf %add3A_264, %add3A_265 : vector<1024x128xf32>
    %mul3A_267 = arith.mulf %convert_element_type3A_210, %add3A_266 : vector<1024x128xf32>
    %add3A_268 = arith.addf %add3A_177, %mul3A_267 : vector<1024x128xf32>
    %get3A_269 = arith.constant 2 : index
    %get3A_270 = arith.constant 8 : index
    %get3A_271 = memref.load %arg8[%get3A_269, %get3A_270] : memref<3x16xf32, #tpu.memory_space<smem>>
    %mul3A_272 = vector.broadcast %get3A_271 : f32 to vector<1024x1xf32>
    %mul3A_273 = arith.mulf %mul3A_272, %convert_element_type3A_9 : vector<1024x1xf32>
    %get3A_274 = arith.constant 2 : index
    %get3A_275 = arith.constant 9 : index
    %get3A_276 = memref.load %arg8[%get3A_274, %get3A_275] : memref<3x16xf32, #tpu.memory_space<smem>>
    %mul3A_277 = vector.broadcast %get3A_276 : f32 to vector<1024x1xf32>
    %mul3A_278 = arith.mulf %mul3A_277, %convert_element_type3A_4 : vector<1024x1xf32>
    %add3A_279 = arith.addf %mul3A_273, %mul3A_278 : vector<1024x1xf32>
    %get3A_280 = arith.constant 2 : index
    %get3A_281 = arith.constant 11 : index
    %get3A_282 = memref.load %arg8[%get3A_280, %get3A_281] : memref<3x16xf32, #tpu.memory_space<smem>>
    %add3A_283 = vector.broadcast %get3A_282 : f32 to vector<1024x1xf32>
    %add3A_284 = arith.addf %add3A_279, %add3A_283 : vector<1024x1xf32>
    %get3A_285 = arith.constant 2 : index
    %get3A_286 = arith.constant 10 : index
    %get3A_287 = memref.load %arg8[%get3A_285, %get3A_286] : memref<3x16xf32, #tpu.memory_space<smem>>
    %mul3A_288 = vector.broadcast %get3A_287 : f32 to vector<1x128xf32>
    %mul3A_289 = arith.mulf %mul3A_288, %convert_element_type3A_11 : vector<1x128xf32>
    %add3A_290 = vector.broadcast %add3A_284 : vector<1024x1xf32> to vector<1024x128xf32>
    %add3A_291 = vector.broadcast %mul3A_289 : vector<1x128xf32> to vector<1024x128xf32>
    %add3A_292 = arith.addf %add3A_290, %add3A_291 : vector<1024x128xf32>
    %mul3A_293 = arith.mulf %convert_element_type3A_210, %add3A_292 : vector<1024x128xf32>
    %add3A_294 = arith.addf %add3A_203, %mul3A_293 : vector<1024x128xf32>
    %broadcast_in_dim3A_295 = arith.constant 0.000000e+00 : f32
    %broadcast_in_dim3A_296 = vector.broadcast %broadcast_in_dim3A_295 : f32 to vector<1024x128xf32>
    %get3A_297 = arith.constant 0 : index
    %get3A_298 = arith.constant 0 : index
    %get3A_299 = arith.constant 0 : index
    %get3A_300 = vector.load %arg2[%get3A_297, %get3A_298, %get3A_299] : memref<3x1024x128xf32, #tpu.memory_space<vmem>>, vector<1x1024x128xf32>
    %get3A_301 = vector.shape_cast %get3A_300 : vector<1x1024x128xf32> to vector<1024x128xf32>
    %mul3A_302 = arith.mulf %add3A_216, %get3A_301 : vector<1024x128xf32>
    %sub3A = arith.subf %add3A_242, %mul3A_302 : vector<1024x128xf32>
    %mul3A_303 = arith.mulf %sub3A, %sub3A : vector<1024x128xf32>
    %add3A_304 = arith.addf %broadcast_in_dim3A_296, %mul3A_303 : vector<1024x128xf32>
    %get3A_305 = arith.constant 1 : index
    %get3A_306 = arith.constant 0 : index
    %get3A_307 = arith.constant 0 : index
    %get3A_308 = vector.load %arg2[%get3A_305, %get3A_306, %get3A_307] : memref<3x1024x128xf32, #tpu.memory_space<vmem>>, vector<1x1024x128xf32>
    %get3A_309 = vector.shape_cast %get3A_308 : vector<1x1024x128xf32> to vector<1024x128xf32>
    %mul3A_310 = arith.mulf %add3A_216, %get3A_309 : vector<1024x128xf32>
    %sub3A_311 = arith.subf %add3A_268, %mul3A_310 : vector<1024x128xf32>
    %mul3A_312 = arith.mulf %sub3A_311, %sub3A_311 : vector<1024x128xf32>
    %add3A_313 = arith.addf %add3A_304, %mul3A_312 : vector<1024x128xf32>
    %get3A_314 = arith.constant 2 : index
    %get3A_315 = arith.constant 0 : index
    %get3A_316 = arith.constant 0 : index
    %get3A_317 = vector.load %arg2[%get3A_314, %get3A_315, %get3A_316] : memref<3x1024x128xf32, #tpu.memory_space<vmem>>, vector<1x1024x128xf32>
    %get3A_318 = vector.shape_cast %get3A_317 : vector<1x1024x128xf32> to vector<1024x128xf32>
    %mul3A_319 = arith.mulf %add3A_216, %get3A_318 : vector<1024x128xf32>
    %sub3A_320 = arith.subf %add3A_294, %mul3A_319 : vector<1024x128xf32>
    %mul3A_321 = arith.mulf %sub3A_320, %sub3A_320 : vector<1024x128xf32>
    %add3A_322 = arith.addf %add3A_313, %mul3A_321 : vector<1024x128xf32>
    %get3A_323 = arith.constant 0 : index
    %get3A_324 = arith.constant 0 : index
    %get3A_325 = memref.load %arg7[%get3A_323, %get3A_324] : memref<1x1xf32, #tpu.memory_space<smem>>
    %sqrt3A = math.sqrt %add3A_322 : vector<1024x128xf32>
    %reduce_sum3A = vector.shape_cast %sqrt3A : vector<1024x128xf32> to vector<1x1024x128xf32>
    %reduce_sum3A_326 = arith.constant dense<0.000000e+00> : vector<1xf32>
    %reduce_sum3A_327 = vector.multi_reduction <add>, %reduce_sum3A, %reduce_sum3A_326 [1, 2] : vector<1x1024x128xf32> to vector<1xf32>
    %reduce_sum3A_328 = vector.shape_cast %reduce_sum3A_327 : vector<1xf32> to vector<1x1x1xf32>
    %reduce_sum3A_329 = vector.extract %reduce_sum3A_328[0, 0, 0] : f32 from vector<1x1x1xf32>
    %add3A_330 = arith.addf %get3A_325, %reduce_sum3A_329 : f32
    %swap3A = arith.constant 0 : index
    %swap3A_331 = arith.constant 0 : index
    %swap3A_332 = memref.load %arg7[%swap3A, %swap3A_331] : memref<1x1xf32, #tpu.memory_space<smem>>
    memref.store %add3A_330, %arg7[%swap3A, %swap3A_331] : memref<1x1xf32, #tpu.memory_space<smem>>
    return
  }
  func.func @transform_0(%arg0: i32) -> (i32, i32) {
    %c0_i32 = arith.constant 0 : i32
    %c0_i32_0 = arith.constant 0 : i32
    return %arg0, %c0_i32 : i32, i32
  }
  func.func @transform_1(%arg0: i32) -> (i32, i32, i32) {
    %c0_i32 = arith.constant 0 : i32
    %c0_i32_0 = arith.constant 0 : i32
    %c0_i32_1 = arith.constant 0 : i32
    return %c0_i32, %arg0, %c0_i32_0 : i32, i32, i32
  }
  func.func @transform_2(%arg0: i32) -> (i32, i32) {
    %c0_i32 = arith.constant 0 : i32
    %c0_i32_0 = arith.constant 0 : i32
    %c0_i32_1 = arith.constant 0 : i32
    return %c0_i32, %c0_i32_0 : i32, i32
  }
  func.func @transform_3(%arg0: i32) -> i32 {
    %c0_i32 = arith.constant 0 : i32
    %c0_i32_0 = arith.constant 0 : i32
    return %c0_i32 : i32
  }
  func.func @transform_4(%arg0: i32) -> i32 {
    %c0_i32 = arith.constant 0 : i32
    %c0_i32_0 = arith.constant 0 : i32
    return %c0_i32 : i32
  }
  func.func @transform_5(%arg0: i32) -> i32 {
    %c0_i32 = arith.constant 0 : i32
    %c0_i32_0 = arith.constant 0 : i32
    return %c0_i32 : i32
  }
  func.func @transform_6(%arg0: i32) -> (i32, i32) {
    %c0_i32 = arith.constant 0 : i32
    %c0_i32_0 = arith.constant 0 : i32
    %c0_i32_1 = arith.constant 0 : i32
    return %c0_i32, %c0_i32_0 : i32, i32
  }
}

</mosaic_0001>

<sc_bundles>
// kernel: kernel.5.cloned.1.call-start
scs
__scs_entry_jumppad:
0x0: {  	(pc) =	sbr.rel $0x88, $3  }
0x1: {  	(tag) =	ssettag $0x0;
	lr =	simm.s32 $0x1  }
0x2: {  	[smem:$0x3F9E] =	sst lr;
	_ =	strace $0xD0000000  }
0x3: {  	_ = 	snop  }
0x4: {  	_ = 	snop  }
0x5: {  	_ = 	snop  }
0x6: {  	_ = 	snop  }
0x7: {  	_ = 	snop  }
__scs_overlays_trampoline_lowered:
0x8: {  	[smem:$0x3FAD] =	sst s0  }
0x9: {  	[smem:$0x3FAE] =	sst s1  }
0xa: {  	[smem:$0x3FAF] =	sst s2  }
0xb: {  	[smem:$0x3FB0] =	sst s3  }
0xc: {  	[smem:$0x3FB1] =	sst s4  }
0xd: {  	[smem:$0x3FB2] =	sst s5  }
0xe: {  	[smem:$0x3FB3] =	sst s6  }
0xf: {  	[smem:$0x3FB4] =	sst s7  }
0x10: {  	[smem:$0x3FB5] =	sst s8  }
0x11: {  	[smem:$0x3FB6] =	sst s9;
	s0 =	simm.s32 @!p0 $0x0  }
0x12: {  	s1 =	sld [smem:$0x3F9C];
	s0 =	simm.s32 @p0 $0x1  }
0x13: {  	[smem:$0x3FB7] =	sst s0;
	s0 =	simm.s32 @!p1 $0x0  }
0x14: {  	s2 =	sld [smem:$0x3F9B];
	s0 =	simm.s32 @p1 $0x1  }
0x15: {  	[smem:$0x3FB8] =	sst s0;
	s0 =	simm.s32 @!p2 $0x0  }
0x16: {  	s3 =	sld [smem:$0x3FDB];
	s0 =	simm.s32 @p2 $0x1  }
0x17: {  	s4 =	simm.s32 $0x1BF5;
	[smem:$0x3FBA] =	sst s0  }
0x18: {  	s0 =	sld [smem:$0x3F9D];
	_ =	swait.ge [sflag:s4], $0x0  }
0x19: {  	s7 =	sld [smem:$0x3F9E]  }
0x1a: {  	s8 =	sadd.s32 $0xFFFFE003, lr  }
0x1b: {  	s9 =	sadd.s32 $0xFFFFFEF7, lr;
	s5 =	simm.s32 $0xFFFFFFFF;
	p2 =	slt.u32 s8, $0xFFFFF086  }
0x1c: {  	p1 =	slt.u32 s9, $0xF7A;
	s5 =	simm.s32 @!p2 $0x0  }
0x1d: {  	s5 =	simm.s32 @p1 $0x1;
	p0 =	seq.s32 s7, s2  }
0x1e: {  	s7 =	smul.u32 @!p0 $0xF7A, s2;
	p2 =	seq.s32 @!p0 s5, $0x0  }
0x1f: {  	s9 =	smul.u32 $0xF7A, s1;
	s8 =	simm.s32 @!p0 $0x1BF5;
	p2 =	por !p2, p0  }
0x20: {  	[sflag:s8] =	ssyncset.s32 @!p0 $0xFFFFF086;
	s6 =	sadd.s32 @!p0 s3, s7;
	s7 =	simm.s32 @!p0 $0x108  }
0x21: {  	s3 =	sadd.s32 s3, s9;
	s6 =	sadd.s32 @!p0 $0x88, s6;
	s7 =	simm.s32 @p2 $0x1082  }
0x22: {  	[simem:s7], [sflag:s8] =	dma.local @!p0 [hbm:s6], $0xF7A  }
0x23: {  	s9 =	sor.u32 $0xD0000000, s2;
	s6 =	simm.s32 $0x108;
	_ =	swait.ge @!p0 [sflag:s8], $0x0  }
0x24: {  	s3 =	sadd.s32 $0x88, s3;
	s6 =	simm.s32 @!p1 $0x1082;
	[sflag:s4] =	ssyncset.s32 $0xFFFFF086  }
0x25: {  	[simem:s6], [sflag:s4] =	dma.local [hbm:s3], $0xF7A  }
0x26: {  	[smem:$0x3F9E] =	sst s1;
	(tag) =	ssettag s2;
	_ =	strace s9  }
0x27: {  	s1 =	sld [smem:$0x3FAE]  }
0x28: {  	s2 =	sld [smem:$0x3FAF]  }
0x29: {  	s4 =	sld [smem:$0x3FB1]  }
0x2a: {  	p0 =	seq.s32 s5, $0x0;
	s5 =	sld [smem:$0x3FB2]  }
0x2b: {  	s6 =	sld [smem:$0x3FB3]  }
0x2c: {  	s7 =	sld [smem:$0x3FB4]  }
0x2d: {  	s3 =	simm.s32 $0x108;
	s8 =	sld [smem:$0x3FB5]  }
0x2e: {  	s3 =	simm.s32 @!p0 $0x1082;
	s9 =	sld [smem:$0x3FB6]  }
0x2f: {  	lr =	sadd.s32 s0, s3;
	s0 =	sld [smem:$0x3FAD]  }
0x30: {  	s3 =	sld [smem:$0x3FB0]  }
0x31: {  	[smem:$0x3FB9] =	sst s10  }
0x32: {  	s10 =	sld [smem:$0x3FB7];
	_ =	sdelay $0x3  }
0x33: {  	p0 =	seq.s32 s10, $0x1;
	s10 =	sld [smem:$0x3FB9];
	_ =	sdelay $0x3  }
0x34: {  	[smem:$0x3FB9] =	sst s10  }
0x35: {  	s10 =	sld [smem:$0x3FB8];
	_ =	sdelay $0x3  }
0x36: {  	p1 =	seq.s32 s10, $0x1;
	s10 =	sld [smem:$0x3FB9];
	_ =	sdelay $0x3  }
0x37: {  	[smem:$0x3FB9] =	sst s10  }
0x38: {  	s10 =	sld [smem:$0x3FBA]  }
0x39: {  	_ = 	snop;
	(pc) =	sbr.ind lr, $3  }
0x3a: {  	_ = 	snop  }
0x3b: {  	_ = 	snop  }
0x3c: {  	p2 =	seq.s32 s10, $0x1;
	s10 =	sld [smem:$0x3FB9]  }
0x3d: {  	_ =	shalt  }
0x3e: {  	_ =	shalt  }
0x3f: {  	_ =	shalt  }
0x40: {  	_ =	shalt  }
0x41: {  	_ =	shalt  }
0x42: {  	_ =	shalt  }
0x43: {  	_ =	shalt  }
0x44: {  	_ =	shalt  }
0x45: {  	_ =	shalt  }
0x46: {  	_ =	shalt  }
0x47: {  	_ =	shalt  }
0x48: {  	_ =	shalt  }
0x49: {  	_ =	shalt  }
0x4a: {  	_ =	shalt  }
0x4b: {  	_ =	shalt  }
0x4c: {  	_ =	shalt  }
0x4d: {  	_ =	shalt  }
0x4e: {  	_ =	shalt  }
0x4f: {  	_ =	shalt  }
0x50: {  	_ =	shalt  }
0x51: {  	_ =	shalt  }
0x52: {  	_ =	shalt  }
0x53: {  	_ =	shalt  }
0x54: {  	_ =	shalt  }
0x55: {  	_ =	shalt  }
0x56: {  	_ =	shalt  }
0x57: {  	_ =	shalt  }
0x58: {  	_ =	shalt  }
0x59: {  	_ =	shalt  }
0x5a: {  	_ =	shalt  }
0x5b: {  	_ =	shalt  }
0x5c: {  	_ =	shalt  }
0x5d: {  	_ =	shalt  }
0x5e: {  	_ =	shalt  }
0x5f: {  	_ =	shalt  }
0x60: {  	_ =	shalt  }
0x61: {  	_ =	shalt  }
0x62: {  	_ =	shalt  }
0x63: {  	_ =	shalt  }
0x64: {  	_ =	shalt  }
0x65: {  	_ =	shalt  }
0x66: {  	_ =	shalt  }
0x67: {  	_ =	shalt  }
0x68: {  	_ =	shalt  }
0x69: {  	_ =	shalt  }
0x6a: {  	_ =	shalt  }
0x6b: {  	_ =	shalt  }
0x6c: {  	_ =	shalt  }
0x6d: {  	_ =	shalt  }
0x6e: {  	_ =	shalt  }
0x6f: {  	_ =	shalt  }
0x70: {  	_ =	shalt  }
0x71: {  	_ =	shalt  }
0x72: {  	_ =	shalt  }
0x73: {  	_ =	shalt  }
0x74: {  	_ =	shalt  }
0x75: {  	_ =	shalt  }
0x76: {  	_ =	shalt  }
0x77: {  	_ =	shalt  }
0x78: {  	_ =	shalt  }
0x79: {  	_ =	shalt  }
0x7a: {  	_ =	shalt  }
0x7b: {  	_ =	shalt  }
0x7c: {  	_ =	shalt  }
0x7d: {  	_ =	shalt  }
0x7e: {  	_ =	shalt  }
0x7f: {  	_ =	shalt  }
0x80: {  	_ =	shalt  }
0x81: {  	_ =	shalt  }
0x82: {  	_ =	shalt  }
0x83: {  	_ =	shalt  }
0x84: {  	_ =	shalt  }
0x85: {  	_ =	shalt  }
0x86: {  	_ =	shalt  }
0x87: {  	_ =	shalt  }
.Lfunc_end0:
.L_simem_size_0:
called_computation_lowered:
.L_overlay_start_0:
0x88: {  	s2 =	sld [smem:$0x3FD9]  }
0x89: {  	s3 =	sld [smem:$0x3FFE];
	_ =	sdelay $0x1  }
0x8a: {  	s1 =	srdreg.scid  }
0x8b: {  	s0 =	sand.u32 $0x1, s1  }
0x8c: {  	s17 =	sshll.u32 s0, $0xA;
	s2 =	sadd.s32 s3, s2  }
0x8d: {  	s2 =	sadd.s32 s2, s17  }
0x8e: {  	[smem:$0x3FC5] =	sst s2  }
0x8f: {  	_ = 	snop  }
0x90: {  	s2 =	sld [smem:$0x3FC9]  }
0x91: {  	s18 =	sld [smem:$0x3FC7]  }
0x92: {  	s4 =	sld [smem:$0x3FD0];
	(tm) =	ssettm $0x1  }
0x93: {  	s5 =	sld [smem:$0x3FFB];
	_ =	sdelay $0x3  }
0x94: {  	_ =	strace s5  }
0x95: {  	s5 =	sld [smem:$0x3FFC];
	_ =	sdelay $0x3  }
0x96: {  	_ =	strace s5  }
0x97: {  	s5 =	sld [smem:$0x3FFD];
	_ =	sdelay $0x3  }
0x98: {  	_ =	strace s5  }
0x99: {  	_ =	strace $0x8FFFFFFF  }
0x9a: {  	s19 =	sld [smem:$0x3FDB];
	_ =	sdelay $0x1  }
0x9b: {  	s6 =	simm.s32 $_scs_section_size  }
0x9c: {  	s7 =	simm.s32 $_size__tile_overlayer_lowered;
	s8 =	simm.s32 $_tile_overlayer_lowered  }
0x9d: {  	s22 =	simm.s32 $0x1BFF;
	s21 =	sshll.u32 s8, $0x1;
	s5 =	sadd.s32 s6, s19  }
0x9e: {  	s9 =	simm.s32 $0x0;
	s20 =	sshll.u32 s7, $0x1;
	s7 =	sadd.s32 s21, s5  }
0x9f: {  	[timem:s9], [sflag:s22] =	dma.local [hbm:s7], s20  }
0xa0: {  	_ =	swait.ge [sflag:s22], s20  }
0xa1: {  	s6 =	ssub.s32 $0x0, s20;
	[sflag:s22] =	ssyncset.done $0x0  }
0xa2: {  	[sflag:s22] =	ssyncadd.s32 s6;
	_ =	sdelay $0x1  }
0xa3: {  	s23 =	simm.s32 $0x1B8B  }
0xa4: {  	_ =	swait.ge [sflag:s23], $0x1  }
0xa5: {  	[sflag:s23] =	ssyncset.done $0x0  }
0xa6: {  	s25 =	simm.s32 $0x1B8E;
	s24 =	sld [smem:$0x3FFE];
	[sflag:s23] =	ssyncadd.s32 $0xFFFFFFFF  }
0xa7: {  	s26 =	simm.s32 $execute0_lowered;
	[smem:$0x3FD2] =	sst s25  }
0xa8: {  	s7 =	sshll.u32 s26, $0x1;
	_ =	strace $0x80000046;
	[dreg:$0x1] =	wrdreg $0xFFFFFFFF  }
0xa9: {  	s28 =	simm.s32 $_size_execute0_lowered;
	s5 =	sadd.s32 s5, s7;
	[dreg:$0x0] =	wrdreg $0x0  }
0xaa: {  	s7 =	sshll.u32 s28, $0x1;
	[dreg:$0x2] =	wrdreg s5  }
0xab: {  	[dreg:$0x3] =	wrdreg s7  }
0xac: {  	[dreg:$0x4] =	wrdreg $0xC0  }
0xad: {  	_ =	task [dreg:s9], $0x5FFFF  }
0xae: {  	[dreg:$0x1] =	wrdreg $0xFFFFFFFF  }
0xaf: {  	[dreg:$0x0] =	wrdreg $0x60  }
0xb0: {  	[dreg:$0x2] =	wrdreg s24  }
0xb1: {  	[dreg:$0x3] =	wrdreg s4  }
0xb2: {  	[dreg:$0x4] =	wrdreg s2  }
0xb3: {  	[dreg:$0x5] =	wrdreg s18  }
0xb4: {  	[dreg:$0x6] =	wrdreg $0x9  }
0xb5: {  	_ =	task.clear_ibuf [dreg:s9], $0x7FFFF;
	_ =	strace $0x90000046  }
0xb6: {  	s29 =	simm.s32 $0x9;
	_ =	strace $0x80000048  }
0xb7: {  	_ =	swait.ge [sflag:s29], $0x1  }
0xb8: {  	[sflag:s29] =	ssyncadd.s32 $0xFFFFFFFF  }
0xb9: {  	_ =	strace $0x90000048  }
0xba: {  	_ =	sfence  }
0xbb: {  	s30 =	sld [smem:$0x0];
	_ =	sdelay $0x2  }
0xbc: {  	s31 =	sshll.u32 s1, $0xD;
	s1 =	sshrl.u32 s1, $0x2  }
0xbd: {  	s3 =	sand.u32 $0x4000, s31;
	s1 =	sadd.s32 s1, s30  }
0xbe: {  	s0 =	sor.u32 s3, s0;
	s1 =	sshll.u32 s1, $0x11  }
0xbf: {  	s0 =	sor.u32 s1, s0  }
0xc0: {  	s0 =	sadd.s32 $0x8F2B, s0  }
0xc1: {  	[sflag:s0] =	ssyncadd.remote.s32 $0x1  }
0xc2: {  	_ =	sfence.sel $0xFFFF  }
0xc3: {  	[dreg:$0x0] =	wrdreg $0xFFFFFFFF;
	(pc) =	sbr.abs _section_cstart, $3  }
0xc4: {  	[dreg:$0x1] =	wrdreg $0xFFFFFFFF  }
0xc5: {  	_ =	task.clear_ibuf [dreg:s9], $0x2FFFF;
	_ =	strace $0x9FFFFFFF  }
0xc6: {  	(tm) =	ssettm $0x7FFFFFFF  }
0xc7: {  	_ =	shalt  }
tec
execute0_lowered:
.L_overlay_start_1:
0x0: {  	(tag) =	ssettag $0x1  }
0x1: {  	s1 =	srdreg.scid;
	s0 =	stileid.u32  }
0x2: {  	s10 =	sand.u32 $0x1, s1;
	s7 =	sshll.u32 s0, $0x1  }
0x3: {  	s11 =	sor.u32 s10, s7  }
0x4: {  	s5 =	rddreg [dreg:$0x0];
	p0 =	sgt.u32 s11, $0x2  }
.Ltmp0:
0x5: {  	s6 =	rddreg [dreg:$0x1];
	(pc) =	sbr.rel @p0 .LBB2_9-.Ltmp0, $4  }
0x6: {  	s2 =	rddreg [dreg:$0x2]  }
0x7: {  	s3 =	rddreg [dreg:$0x3];
	s4 =	simm.s32 $0x0  }
0x8: {  	[smem:$0x7FF] =	sst s4  }
0x9: {  	s1 =	rddreg [dreg:$0x4];
	_ =	strace $0x80000047  }
0xa: {  	s12 =	sadd.s32 $0x1600, s5;
	s7 =	sshll.u32 s11, $0x3;
	s8 =	sshll.u32 s11, $0x1  }
0xb: {  	s13 =	sadd.s32 $0x2200, s5;
	s28 =	sshll.u32 s11, $0xD;
	s14 =	smul.u32 $0x30, s11  }
0xc: {  	s15 =	smul.u32 $0x6, s11;
	s29 =	ssub.s32 $0x2, s10;
	s16 =	sshll.u32 s11, $0xA  }
0xd: {  	s17 =	simm.s32 $0x10;
	s18 =	simm.s32 $0x2100;
	s19 =	simm.s32 $0x2180  }
0xe: {  	s20 =	simm.s32 $0x1;
	s21 =	simm.s32 $0x3200;
	s23 =	simm.s32 $0x3180  }
0xf: {  	s24 =	simm.s32 $0x0;
	s7 =	sadd.s32 s7, s5;
	s9 =	sadd.s32 s8, s5  }
0x10: {  	s6 =	sadd.s32 s6, s8;
	s22 =	sadd.s32 $0x2000, s28;
	s30 =	sshrl.u32 s29, $0x1  }
0x11: {  	s12 =	sadd.s32 s12, s16;
	s16 =	simm.s32 $0x2080;
	s5 =	sadd.s32 $0x1400, s7  }
0x12: {  	s7 =	sadd.s32 $0x2400, s9;
	s8 =	sadd.s32 $0x2600, s9;
	s14 =	sshrl.u32 s14, $0x3  }
0x13: {  	v1 =	vlaneseq.u32;
	s9 =	sadd.s32 s13, s15;
	s31 =	ssub.s32 s29, s30;
	s15 =	simm.s32 $0x2000  }
0x14: {  	v1 =	vmul.u32 $0x80, v1;
	v0 =	vmov s22;
	s22 =	simm.s32 $0x2980;
	s13 =	sadd.s32 s13, s14;
	s14 =	simm.s32 $0x2  }
0x15: {  	v2 =	vimm.s32 $0x0;
	s10 =	sadd.s32 $0x2, s13;
	s11 =	sadd.s32 $0x4, s13;
	s13 =	smax.u32 s31, $0x1  }
.LBB2_2:
0x16: {  	s25 =	simm.s32 $0x0  }
0x17: {  	[tilespmem:s25], [sflag:$0x2] =	stream.linear.gather [hbm4b:s12+s25], $0x2000, $0x38;
	[tilespmem:$0x3280] =	vst v63  }
0x18: {  	_ =	swait.ge [sflag:s14], $0x2000  }
0x19: {  	[sflag:s14] =	ssyncset.done $0x0  }
0x1a: {  	[sflag:s14] =	ssyncadd.s32 $0xFFFFE000  }
0x1b: {  	[tilespmem:s15], [sflag:$0x2] =	stream.linear.gather [hbm4b:s5+s25], $0x40, $0x38;
	[tilespmem:$0x3280] =	vst v63  }
0x1c: {  	_ =	swait.ge [sflag:s14], $0x40  }
0x1d: {  	[sflag:s14] =	ssyncset.done $0x0  }
0x1e: {  	v3 =	vmov s25;
	[sflag:s14] =	ssyncadd.s32 $0xFFFFFFC0  }
0x1f: {  	[tilespmem:s16], [sflag:$0x2] =	stream.linear.gather [hbm4b:s6+s25], $0x10, $0x38;
	[tilespmem:$0x3280] =	vst v63  }
0x20: {  	_ =	swait.ge [sflag:s14], $0x10  }
0x21: {  	[sflag:s14] =	ssyncset.done $0x0  }
0x22: {  	s26 =	simm.s32 $0x1;
	[sflag:s14] =	ssyncadd.s32 $0xFFFFFFF0  }
0x23: {  	v5 =	vmov s26;
	v4 =	vld.idx.msk [tilespmem:v3+s15+$0x0], $0xffff  }
0x24: {  	v3 =	vld [tilespmem:$0x2080];
	_ =	sdelay $0x2  }
0x25: {  	v7 =	vimm.s32 $0x0  }
0x26: {  	s28 =	simm.s32 $0x2;
	v6 =	vimm.s32 $0x0;
	v8 =	vld.idx.msk [tilespmem:v5+s15+$0x0], $0xffff;
	v5 =	vimm.s32 $0x0;
	v4 =	vadd.s32 v2, v4  }
.LBB2_3:
0x27: {  	v9 =	vmov s28;
	p0 =	sne.s32 s28, $0x3F;
	vm0 =	vge.s32 v4, v3;
	vm1 =	vlt.s32 v5, v3;
	s29 =	smov.u32 s28;
	s28 =	sadd.s32 $0x1, s28  }
.Ltmp1:
0x28: {  	vm0 =	vmand vm1, vm0;
	(pc) =	sbr.rel @p0 .LBB2_3-.Ltmp1, $2  }
0x29: {  	v7 =	vsel vm0, s25, v7;
	v6 =	vsel vm0, v5, v6;
	v5 =	vmov v4;
	s25 =	smov.u32 s26;
	s26 =	smov.u32 s29;
	_ =	sdelay $0x2  }
0x2a: {  	v4 =	vadd.s32 v4, v8;
	v8 =	vld.idx.msk [tilespmem:v9+s15+$0x0], $0xffff  }
0x2b: {  	_ =	sdelay $0x3  }
0x2c: {  	vm0 =	vge.s32 v4, v3;
	vm1 =	vlt.s32 v5, v3;
	v8 =	vadd.s32 v4, v8  }
0x2d: {  	vm2 =	vlt.s32 v4, v3;
	vm0 =	vmand vm1, vm0;
	vm15 =	vge.s32 v8, v3  }
0x2e: {  	v7 =	vsel vm0, s25, v7;
	vm1 =	vmand vm2, vm15  }
0x2f: {  	v7 =	vsel vm1, s26, v7  }
0x30: {  	s30 =	simm.s32 $0x0;
	v10 =	vshll.u32 v7, $0x7  }
0x31: {  	v8 =	vadd.s32 s30, v10;
	_ =	sdelay $0x3  }
0x32: {  	s31 =	simm.s32 $0x1  }
0x33: {  	v9 =	vadd.s32 s31, v10;
	v7 =	vld.idx.msk [tilespmem:v8+s4+$0x0], $0xffff;
	_ =	sdelay $0x2  }
0x34: {  	v5 =	vsel vm0, v5, v6  }
0x35: {  	v5 =	vsel vm1, v4, v5  }
0x36: {  	s25 =	simm.s32 $0x2;
	v4 =	vimm.s32 $0x0;
	v11 =	vld.idx.msk [tilespmem:v9+s4+$0x0], $0xffff;
	v6 =	vadd.s32 v5, v7;
	v7 =	vimm.s32 $0x0  }
.LBB2_5:
0x37: {  	v12 =	vadd.s32 s25, v10;
	p0 =	sne.s32 s25, $0x7F;
	s25 =	sadd.s32 $0x1, s25;
	vm0 =	vge.s32 v6, v3;
	vm1 =	vlt.s32 v5, v3  }
.Ltmp2:
0x38: {  	vm0 =	vmand vm1, vm0;
	(pc) =	sbr.rel @p0 .LBB2_5-.Ltmp2, $2  }
0x39: {  	v4 =	vsel vm0, v8, v4;
	v7 =	vsel vm0, v5, v7;
	v8 =	vmovc v9;
	v9 =	vmovc v12;
	v5 =	vmov v6;
	_ =	sdelay $0x2  }
0x3a: {  	v6 =	vadd.s32 v6, v11;
	v11 =	vld.idx.msk [tilespmem:v12+s4+$0x0], $0xffff  }
0x3b: {  	_ =	sdelay $0x3  }
0x3c: {  	vm0 =	vge.s32 v6, v3;
	vm1 =	vlt.s32 v5, v3;
	v10 =	vadd.s32 v6, v11  }
0x3d: {  	vm2 =	vlt.s32 v6, v3;
	vm0 =	vmand vm1, vm0;
	vm1 =	vge.s32 v10, v3  }
0x3e: {  	v4 =	vsel vm0, v8, v4;
	vm1 =	vmand vm2, vm1  }
0x3f: {  	v4 =	vsel vm1, v9, v4  }
0x40: {  	s25 =	simm.s32 $0x0;
	v8 =	vadd.s32 v0, v4  }
0x41: {  	[tilespmem:$0x2100] =	vst v8;
	v8 =	vor.u32 s25, v1  }
0x42: {  	[tilespmem:s19], [sflag:$0x1] =	stream.indirect.gather [hbm4b:s2+s17], $0x80, s18, s17, $0xb8;
	[tilespmem:$0x3280] =	vst v63  }
0x43: {  	_ =	swait.ge [sflag:s20], $0x800  }
0x44: {  	[sflag:s20] =	ssyncset.done $0x0  }
0x45: {  	s26 =	simm.s32 $0x1;
	[sflag:s20] =	ssyncadd.s32 $0xFFFFF800  }
0x46: {  	v63 =	vor.u32 s26, v1;
	v8 =	vld.idx.msk [tilespmem:v8+s19+$0x0], $0xffff;
	_ =	sdelay $0x2  }
0x47: {  	v5 =	vsel vm0, v5, v7  }
0x48: {  	v5 =	vsel vm1, v6, v5;
	v6 =	vimm.s32 $0x0  }
0x49: {  	s28 =	simm.s32 $0x2;
	v3 =	vsub.s32 v3, v5;
	v5 =	vimm.s32 $0x0;
	v7 =	vld.idx.msk [tilespmem:v63+s19+$0x0], $0xffff;
	vm0 =	vgt.f32 v8, $5.000000000e-01  }
.LBB2_7:
0x4a: {  	v8 =	vor.u32 s28, v1;
	p0 =	sne.s32 s28, $0x7F;
	v9 =	vsel vm0, $0x1, v2;
	s29 =	smov.u32 s28;
	s28 =	sadd.s32 $0x1, s28  }
.Ltmp3:
0x4b: {  	v6 =	vadd.s32 v9, v6;
	(pc) =	sbr.rel @p0 .LBB2_7-.Ltmp3, $4  }
0x4c: {  	vm1 =	veq.s32 v6, v3  }
0x4d: {  	vm0 =	vmand vm0, vm1  }
0x4e: {  	v5 =	vsel vm0, s25, v5;
	s25 =	smov.u32 s26;
	s26 =	smov.u32 s29  }
0x4f: {  	vm0 =	vgt.f32 v7, $5.000000000e-01;
	v7 =	vld.idx.msk [tilespmem:v8+s19+$0x0], $0xffff  }
0x50: {  	_ =	sdelay $0x3  }
0x51: {  	v8 =	vsel vm0, $0x1, v2;
	vm1 =	vgt.f32 v7, $5.000000000e-01  }
0x52: {  	[tilespmem:$0x3200] =	vst v4;
	v6 =	vadd.s32 v8, v6;
	v7 =	vsel vm1, $0x1, v2  }
0x53: {  	[hbm4b:s7+s4] =	stream.linear.scatter [tilespmem:s21], [sflag:$0x2], $0x10, $0x38;
	vm2 =	veq.s32 v6, v3;
	v7 =	vadd.s32 v7, v6;
	[tilespmem:$0x3280] =	vst v63  }
0x54: {  	_ =	swait.ge [sflag:s14], $0x10;
	vm13 =	vmand vm0, vm2;
	vm14 =	veq.s32 v7, v3  }
0x55: {  	[sflag:s14] =	ssyncset.done $0x0;
	v3 =	vsel vm13, s25, v5;
	vm15 =	vmand vm1, vm14  }
0x56: {  	[sflag:s14] =	ssyncadd.s32 $0xFFFFFFF0;
	v3 =	vsel vm15, s26, v3  }
0x57: {  	[tilespmem:$0x3200] =	vst v3  }
0x58: {  	[hbm4b:s8+s4] =	stream.linear.scatter [tilespmem:s21], [sflag:$0x2], $0x10, $0x38;
	[tilespmem:$0x3280] =	vst v63  }
0x59: {  	_ =	swait.ge [sflag:s14], $0x10  }
0x5a: {  	[sflag:s14] =	ssyncset.done $0x0  }
0x5b: {  	[sflag:s14] =	ssyncadd.s32 $0xFFFFFFF0  }
0x5c: {  	v3 =	vadd.s32 v1, v3;
	[tilespmem:$0x2100] =	vst v4  }
0x5d: {  	[tilespmem:s22], [sflag:$0x1] =	stream.indirect.gather [hbm4b:s3+s17], $0x80, s18, s17, $0xb8;
	[tilespmem:$0x3280] =	vst v63  }
0x5e: {  	_ =	swait.ge [sflag:s20], $0x800  }
0x5f: {  	[sflag:s20] =	ssyncset.done $0x0  }
0x60: {  	[sflag:s20] =	ssyncadd.s32 $0xFFFFF800  }
0x61: {  	v60 =	vld.idx.msk [tilespmem:v3+s22+$0x0], $0xffff;
	_ =	sdelay $0x4  }
0x62: {  	[tilespmem:$0x3180] =	vst v60  }
0x63: {  	[hbm4b:s9+s4] =	stream.linear.scatter [tilespmem:s23], [sflag:$0x2], $0x10, $0x38;
	[tilespmem:$0x3280] =	vst v63  }
0x64: {  	_ =	swait.ge [sflag:s14], $0x10  }
0x65: {  	[sflag:s14] =	ssyncset.done $0x0  }
0x66: {  	v61 =	vadd.s32 $0x2000, v4;
	[sflag:s14] =	ssyncadd.s32 $0xFFFFFFF0  }
0x67: {  	[tilespmem:$0x2100] =	vst v61  }
0x68: {  	[tilespmem:s22], [sflag:$0x1] =	stream.indirect.gather [hbm4b:s3+s17], $0x80, s18, s17, $0xb8;
	[tilespmem:$0x3280] =	vst v63  }
0x69: {  	_ =	swait.ge [sflag:s20], $0x800  }
0x6a: {  	[sflag:s20] =	ssyncset.done $0x0  }
0x6b: {  	[sflag:s20] =	ssyncadd.s32 $0xFFFFF800  }
0x6c: {  	v62 =	vld.idx.msk [tilespmem:v3+s22+$0x0], $0xffff;
	_ =	sdelay $0x4  }
0x6d: {  	[tilespmem:$0x3180] =	vst v62  }
0x6e: {  	[hbm4b:s10+s4] =	stream.linear.scatter [tilespmem:s23], [sflag:$0x2], $0x10, $0x38;
	[tilespmem:$0x3280] =	vst v63  }
0x6f: {  	_ =	swait.ge [sflag:s14], $0x10  }
0x70: {  	[sflag:s14] =	ssyncset.done $0x0  }
0x71: {  	v63 =	vadd.s32 $0x4000, v4;
	[sflag:s14] =	ssyncadd.s32 $0xFFFFFFF0  }
0x72: {  	[tilespmem:$0x2100] =	vst v63  }
0x73: {  	[tilespmem:s22], [sflag:$0x1] =	stream.indirect.gather [hbm4b:s3+s17], $0x80, s18, s17, $0xb8;
	[tilespmem:$0x3280] =	vst v63  }
0x74: {  	_ =	swait.ge [sflag:s20], $0x800  }
0x75: {  	[sflag:s20] =	ssyncset.done $0x0  }
0x76: {  	[sflag:s20] =	ssyncadd.s32 $0xFFFFF800  }
0x77: {  	v3 =	vld.idx.msk [tilespmem:v3+s22+$0x0], $0xffff;
	_ =	sdelay $0x2  }
0x78: {  	s24 =	sadd.s32 $0x1, s24  }
0x79: {  	p0 =	sne.s32 s24, s13  }
.Ltmp4:
0x7a: {  	[tilespmem:$0x3180] =	vst v3;
	(pc) =	sbr.rel @p0 .LBB2_2-.Ltmp4, $4  }
0x7b: {  	[hbm4b:s11+s4] =	stream.linear.scatter [tilespmem:s23], [sflag:$0x2], $0x10, $0x38;
	[tilespmem:$0x3280] =	vst v63  }
0x7c: {  	_ =	swait.ge [sflag:s14], $0x10  }
0x7d: {  	[sflag:s14] =	ssyncset.done $0x0  }
0x7e: {  	[sflag:s14] =	ssyncadd.s32 $0xFFFFFFF0  }
.LBB2_9:
0x7f: {  	_ =	sfence.sel $0x180000  }
0x80: {  	[bflag:$0x0] =	sbarrier.arrive $0xFFFF  }
0x81: {  	p0 =	sne.s32 s0, $0x0;
	_ =	strace $0x90000047  }
0x82: {  	s0 =	sadd.s32 @!p0 $0x100000, s1;
	[bflag:$0x2] =	sbarrier.arrive $0xFFFF  }
0x83: {  	[sflag:s0] =	ssyncadd.tile.s32 @!p0 $0x1;
	_ =	shalt  }
.Lfunc_end2:
_tile_overlayer_lowered:
.L_overlay_start_2:
0x84: {  	(tag) =	ssettag $0x2  }
0x85: {  	s0 =	rddreg [dreg:$0x0];
	s2 =	stileid.u32  }
0x86: {  	s1 =	rddreg [dreg:$0x1];
	p0 =	sne.s32 s2, $0x0  }
0x87: {  	s3 =	rddreg [dreg:$0x2];
	[bflag:$0x3] =	sbarrier.arrive $0xFFFF;
	s2 =	simm.s32 @!p0 $0x1C02  }
0x88: {  	[timem:s3], [sflag:s2] =	dma.local @!p0 [hbm:s0], s1  }
0x89: {  	s0 =	simm.s32 @!p0 $0x2  }
0x8a: {  	_ =	swait.ge @!p0 [sflag:s0], s1  }
0x8b: {  	s1 =	ssub.s32 @!p0 $0x0, s1;
	[sflag:s0] =	ssyncset.done @!p0 $0x0  }
0x8c: {  	[sflag:s0] =	ssyncadd.s32 @!p0 s1  }
0x8d: {  	[bflag:$0x3] =	sbarrier.arrive $0xFFFF  }
0x8e: {  	_ =	shalt  }

</sc_bundles>
